<compile_context>
chip_gen: v7x
topology: tpu7x:2x2x1
jax: 0.10.2.dev20260603
libtpu: 0.0.44.dev20260713+nightly
codegen_flags: <defaults>
</compile_context>

<pallas_src>
import jax
import jax.numpy as jnp
from jax import lax
from jax.experimental import pallas as pl
from jax.experimental.pallas import tpu as pltpu
from jax.experimental.pallas import tpu_sc as plsc

_N = 512
_H = 128
_P = 128
_G = 4
_GG = _G * _G
_NW = 32
_APW = _N // _NW
_L = 16
_NC = _N // _L
_HC = _H // _L
_CAP = _N + 2 * _L
_TRASH = _CAP


def _pool_body(posx_hbm, posy_hbm, posx1_hbm, posy1_hbm, hid_hbm, out_hbm,
               posx_v, posy_v, posx1_v, posy1_v, hid_v, sl_v, sl2_v, offs_v,
               fl_v, acc_v):
    cid = lax.axis_index("c")
    sid = lax.axis_index("s")
    wid = sid * 2 + cid

    pltpu.sync_copy(posx_hbm, posx_v)
    pltpu.sync_copy(posy_hbm, posy_v)
    pltpu.sync_copy(posx1_hbm, posx1_v)
    pltpu.sync_copy(posy1_hbm, posy1_v)
    pltpu.sync_copy(hid_hbm, hid_v.at[pl.ds(0, _N)])

    for hc in range(_HC):
        hid_v[_N, pl.ds(hc * _L, _L)] = jnp.full((_L,), -3e38, jnp.float32)

    lanes = lax.iota(jnp.int32, _L)

    def per_agent(a, _):
        i = wid * _APW + a
        iv = jnp.full((_L,), i, jnp.int32)
        pxi = plsc.load_gather(posx1_v, [iv])
        pyi = plsc.load_gather(posy1_v, [iv])

        def chunk(jc, m):
            px = posx_v[jc, :]
            py = posy_v[jc, :]
            relx = px - pxi
            rely = py - pyi
            inb = (jnp.abs(relx) <= 1.0) & (jnp.abs(rely) <= 1.0)
            jv = jc * _L + lanes
            valid = inb & (jv != i)
            gx = jnp.clip((relx + 1.0) * 2.0, 0.0, _G - 1.0).astype(jnp.int32)
            gy = jnp.clip((rely + 1.0) * 2.0, 0.0, _G - 1.0).astype(jnp.int32)
            val = (gx * _G + gy) * _N + jv
            vi = valid.astype(jnp.int32)
            offs = m + plsc.cumsum(vi) - 1
            plsc.store_scatter(sl_v, [offs], val, mask=valid)
            return offs[_L - 1] + 1

        nv = lax.fori_loop(0, _NC, chunk, jnp.int32(0))
        nkc = (nv + _L - 1) >> 4

        plsc.store_scatter(sl_v, [nv + lanes],
                           jnp.full((_L,), _GG * _N, jnp.int32))

        offs_v[pl.ds(0, _L)] = jnp.zeros((_L,), jnp.int32)
        offs_v[pl.ds(_L, _L)] = jnp.full((_L,), _TRASH, jnp.int32)

        def cchunk(kc, _):
            valv = sl_v[pl.ds(kc * _L, _L)]
            cv = valv >> 9
            occ, lastm = plsc.scan_count(cv)
            base = plsc.load_gather(offs_v, [cv])
            plsc.store_scatter(offs_v, [cv], base + occ, mask=lastm)
            return 0

        lax.fori_loop(0, nkc, cchunk, 0)

        cntv = offs_v[pl.ds(0, _L)]
        cs = plsc.cumsum(cntv)
        offs_v[pl.ds(0, _L)] = cs - cntv
        offs_v[pl.ds(_L, _L)] = jnp.full((_L,), _TRASH, jnp.int32)

        def flinit(kc, _):
            fl_v[pl.ds(kc * _L, _L)] = jnp.full((_L,), _GG, jnp.int32)
            return 0

        lax.fori_loop(0, nkc, flinit, 0)
        plsc.store_scatter(fl_v, [cs - 1], lanes, mask=cntv > 0)

        def schunk(kc, _):
            valv = sl_v[pl.ds(kc * _L, _L)]
            cv = valv >> 9
            jv = valv & (_N - 1)
            occ, lastm = plsc.scan_count(cv)
            base = plsc.load_gather(offs_v, [cv])
            plsc.store_scatter(sl2_v, [base + occ - 1], jv)
            plsc.store_scatter(offs_v, [cv], base + occ, mask=lastm)
            return 0

        lax.fori_loop(0, nkc, schunk, 0)

        plsc.store_scatter(sl2_v, [nv + lanes], jnp.full((_L,), _N, jnp.int32))

        p = a & 3

        def initr(r, _):
            for hc in range(_HC):
                acc_v[p * _GG + r, pl.ds(hc * _L, _L)] = jnp.zeros(
                    (_L,), jnp.float32)
            return 0

        lax.fori_loop(0, _GG, initr, 0)

        neg = jnp.full((_L,), -3e38, jnp.float32)

        def walk(kc, regs):
            jv16 = sl2_v[pl.ds(kc * _L, _L)]
            flv = fl_v[pl.ds(kc * _L, _L)]
            nregs = list(regs)
            for l in range(_L):
                j = jv16[l]
                for hc in range(_HC):
                    nregs[hc] = jnp.maximum(
                        nregs[hc], hid_v[j, pl.ds(hc * _L, _L)])
                fc = flv[l]
                row = jnp.where(fc < _GG, p * _GG + fc, 4 * _GG)
                for hc in range(_HC):
                    acc_v[row, pl.ds(hc * _L, _L)] = nregs[hc]
                fm = jnp.full((_L,), fc < _GG)
                for hc in range(_HC):
                    nregs[hc] = jnp.where(fm, neg, nregs[hc])
            return tuple(nregs)

        init = tuple(neg for _ in range(_HC))
        lax.fori_loop(0, nkc, walk, init)

        @pl.when(p == 3)
        def _():
            pltpu.sync_copy(acc_v.at[pl.ds(0, 4 * _GG)],
                            out_hbm.at[pl.ds((i - 3) * _GG, 4 * _GG)])

        return 0

    lax.fori_loop(0, _APW, per_agent, 0)


def _mm_body(g_ref, w_ref, b_ref, o_ref):
    o_ref[...] = jnp.maximum(
        jnp.dot(g_ref[...], w_ref[...], preferred_element_type=jnp.float32)
        + b_ref[...],
        0.0,
    )


def kernel(pos, hidden, W, b):
    posx = pos[:, 0].reshape(_NC, _L)
    posy = pos[:, 1].reshape(_NC, _L)

    grid = pl.kernel(
        _pool_body,
        out_type=jax.ShapeDtypeStruct((_N * _GG, _H), jnp.float32),
        mesh=plsc.VectorSubcoreMesh(core_axis_name="c", subcore_axis_name="s"),
        scratch_types=[
            pltpu.VMEM((_NC, _L), jnp.float32),
            pltpu.VMEM((_NC, _L), jnp.float32),
            pltpu.VMEM((_N,), jnp.float32),
            pltpu.VMEM((_N,), jnp.float32),
            pltpu.VMEM((_N + 1, _H), jnp.float32),
            pltpu.VMEM((_N + _L,), jnp.int32),
            pltpu.VMEM((_CAP + _N + _L,), jnp.int32),
            pltpu.VMEM((2 * _L,), jnp.int32),
            pltpu.VMEM((_CAP,), jnp.int32),
            pltpu.VMEM((4 * _GG + 1, _H), jnp.float32),
        ],
        compiler_params=pltpu.CompilerParams(needs_layout_passes=False),
    )(posx, posy, posx.reshape(_N), posy.reshape(_N), hidden)

    return pl.pallas_call(
        _mm_body,
        out_shape=jax.ShapeDtypeStruct((_N, _P), jnp.float32),
    )(grid.reshape(_N, _GG * _H), W, b.reshape(1, _P))

# --- scband reference (transcript-rebuilt; emitter-appended) ---
"""Pipeline reference for scband-social-pooling-90477781057850 (READ-ONLY COPY).

The authoritative reference and input builder live on the scoring server;
editing this copy changes nothing except your own understanding.
"""

import jax, jax.numpy as jnp
import numpy as np

G = 4
NB = 2.0


def setup_inputs(seed: int = 0) -> dict:
    key = jax.random.key(seed)
    k1, k2, k3, k4 = jax.random.split(key, 4)
    N, H, P = 512, 128, 128
    pos = jax.random.normal(k1, (N, 2), dtype=jnp.float32)
    hidden = jax.random.normal(k2, (N, H), dtype=jnp.float32)
    W = jax.random.normal(k3, (G * G * H, P), dtype=jnp.float32) * 0.02
    b = jnp.zeros((P,), dtype=jnp.float32)
    return {"pos": pos, "hidden": hidden, "W": W, "b": b}


def reference(pos, hidden, W, b):
    N, H = hidden.shape
    cell = NB / G
    finite_pos = jnp.isfinite(pos).all(axis=1)
    finite_hid = jnp.isfinite(hidden).all(axis=1)
    rel = pos[None, :, :] - pos[:, None, :]  # [N, N, 2], rel[i, j] = pos[j] - pos[i]
    inside = (jnp.abs(rel) <= NB / 2.0).all(axis=-1)
    valid = inside & finite_pos[:, None] & finite_pos[None, :] & finite_hid[None, :]
    valid = valid & jnp.isfinite(rel).all(axis=-1)
    valid = valid & (~jnp.eye(N, dtype=bool))
    gx = jnp.clip(jnp.floor((rel[..., 0] + NB / 2.0) / cell).astype(jnp.int32), 0, G - 1)
    gy = jnp.clip(jnp.floor((rel[..., 1] + NB / 2.0) / cell).astype(jnp.int32), 0, G - 1)
    i_idx = jnp.arange(N)[:, None]
    seg = i_idx * (G * G) + gx * G + gy  # [N, N]
    seg = jnp.where(valid, seg, N * G * G)  # dummy segment for invalid pairs
    seg_flat = seg.reshape(-1)
    j_idx = jnp.broadcast_to(jnp.arange(N)[None, :], (N, N)).reshape(-1)
    data = jnp.take(hidden, j_idx, axis=0)  # [N*N, H] gather
    pooled = jax.ops.segment_max(data, seg_flat, num_segments=N * G * G + 1)
    counts = jax.ops.segment_sum(jnp.ones_like(seg_flat, dtype=jnp.float32), seg_flat, num_segments=N * G * G + 1)
    pooled = jnp.where(counts[:, None] > 0, pooled, 0.0)[: N * G * G]
    grid_flat = pooled.reshape(N, G * G * H)
    return jax.nn.relu(grid_flat @ W + b)

if __name__ == "__main__":
    import jax
    _d = setup_inputs()
    print(jax.jit(kernel)(*tuple(_d.values())))

</pallas_src>

<mosaic_0001>
#map = affine_map<(d0, d1) -> (0, 0)>
#map1 = affine_map<(d0, d1) -> (0)>
module attributes {stable_mosaic.version = 14 : i64} {
  func.func @_pool_body(%arg0: i32, %arg1: i32, %arg2: memref<32x16xf32, #tpu.memory_space<hbm>>, %arg3: memref<32x16xf32, #tpu.memory_space<hbm>>, %arg4: memref<512xf32, #tpu.memory_space<hbm>>, %arg5: memref<512xf32, #tpu.memory_space<hbm>>, %arg6: memref<512x128xf32, #tpu.memory_space<hbm>>, %arg7: memref<8192x128xf32, #tpu.memory_space<hbm>>, %arg8: memref<32x16xf32, #tpu.memory_space<vmem>>, %arg9: memref<32x16xf32, #tpu.memory_space<vmem>>, %arg10: memref<512xf32, #tpu.memory_space<vmem>>, %arg11: memref<512xf32, #tpu.memory_space<vmem>>, %arg12: memref<513x128xf32, #tpu.memory_space<vmem>>, %arg13: memref<528xi32, #tpu.memory_space<vmem>>, %arg14: memref<1072xi32, #tpu.memory_space<vmem>>, %arg15: memref<32xi32, #tpu.memory_space<vmem>>, %arg16: memref<544xi32, #tpu.memory_space<vmem>>, %arg17: memref<65x128xf32, #tpu.memory_space<vmem>>) attributes {dimension_semantics = [#tpu.dimension_semantics<core_parallel>, #tpu.dimension_semantics<subcore_parallel>], iteration_bounds = array<i64: 2, 16>, scalar_prefetch = 0 : i64, scratch_operands = 10 : i64, tpu.core_type = #tpu.core_type<sc_vector_subcore>, window_params = [{transform_indices = #map}, {transform_indices = #map}, {transform_indices = #map1}, {transform_indices = #map1}, {transform_indices = #map}, {transform_indices = #map}]} {
    %mul3A = arith.constant 2 : i32
    %mul3A_0 = arith.muli %arg1, %mul3A : i32
    %add3A = arith.addi %mul3A_0, %arg0 : i32
    "tpu.region"() ({
      %run_scoped3A = tpu.sem_alloc : memref<!tpu.dma_semaphore, #tpu.memory_space<semaphore_mem>>
      tpu.enqueue_dma source(%arg2 : memref<32x16xf32, #tpu.memory_space<hbm>>) target(%arg8 : memref<32x16xf32, #tpu.memory_space<vmem>>) target_semaphore(%run_scoped3A : memref<!tpu.dma_semaphore, #tpu.memory_space<semaphore_mem>>)
      tpu.wait_dma2 semaphore(%run_scoped3A : memref<!tpu.dma_semaphore, #tpu.memory_space<semaphore_mem>>) src(%arg2 : memref<32x16xf32, #tpu.memory_space<hbm>>) dst(%arg8 : memref<32x16xf32, #tpu.memory_space<vmem>>)
      tpu.yield
    }) : () -> ()
    "tpu.region"() ({
      %run_scoped3A = tpu.sem_alloc : memref<!tpu.dma_semaphore, #tpu.memory_space<semaphore_mem>>
      tpu.enqueue_dma source(%arg3 : memref<32x16xf32, #tpu.memory_space<hbm>>) target(%arg9 : memref<32x16xf32, #tpu.memory_space<vmem>>) target_semaphore(%run_scoped3A : memref<!tpu.dma_semaphore, #tpu.memory_space<semaphore_mem>>)
      tpu.wait_dma2 semaphore(%run_scoped3A : memref<!tpu.dma_semaphore, #tpu.memory_space<semaphore_mem>>) src(%arg3 : memref<32x16xf32, #tpu.memory_space<hbm>>) dst(%arg9 : memref<32x16xf32, #tpu.memory_space<vmem>>)
      tpu.yield
    }) : () -> ()
    "tpu.region"() ({
      %run_scoped3A = tpu.sem_alloc : memref<!tpu.dma_semaphore, #tpu.memory_space<semaphore_mem>>
      tpu.enqueue_dma source(%arg4 : memref<512xf32, #tpu.memory_space<hbm>>) target(%arg10 : memref<512xf32, #tpu.memory_space<vmem>>) target_semaphore(%run_scoped3A : memref<!tpu.dma_semaphore, #tpu.memory_space<semaphore_mem>>)
      tpu.wait_dma2 semaphore(%run_scoped3A : memref<!tpu.dma_semaphore, #tpu.memory_space<semaphore_mem>>) src(%arg4 : memref<512xf32, #tpu.memory_space<hbm>>) dst(%arg10 : memref<512xf32, #tpu.memory_space<vmem>>)
      tpu.yield
    }) : () -> ()
    "tpu.region"() ({
      %run_scoped3A = tpu.sem_alloc : memref<!tpu.dma_semaphore, #tpu.memory_space<semaphore_mem>>
      tpu.enqueue_dma source(%arg5 : memref<512xf32, #tpu.memory_space<hbm>>) target(%arg11 : memref<512xf32, #tpu.memory_space<vmem>>) target_semaphore(%run_scoped3A : memref<!tpu.dma_semaphore, #tpu.memory_space<semaphore_mem>>)
      tpu.wait_dma2 semaphore(%run_scoped3A : memref<!tpu.dma_semaphore, #tpu.memory_space<semaphore_mem>>) src(%arg5 : memref<512xf32, #tpu.memory_space<hbm>>) dst(%arg11 : memref<512xf32, #tpu.memory_space<vmem>>)
      tpu.yield
    }) : () -> ()
    "tpu.region"() ({
      %run_scoped3A = tpu.sem_alloc : memref<!tpu.dma_semaphore, #tpu.memory_space<semaphore_mem>>
      %dma_start3A = arith.constant 0 : i32
      %dma_start3A_53 = arith.constant 0 : i32
      %dma_start3A_54 = tpu.memref_slice %arg12[%dma_start3A, %dma_start3A_53] : memref<513x128xf32, #tpu.memory_space<vmem>> -> memref<512x128xf32, #tpu.memory_space<vmem>>
      %dma_start3A_55 = arith.constant 0 : i32
      %dma_start3A_56 = arith.constant 0 : i32
      %dma_start3A_57 = tpu.memref_slice %arg12[%dma_start3A_55, %dma_start3A_56] : memref<513x128xf32, #tpu.memory_space<vmem>> -> memref<512x128xf32, #tpu.memory_space<vmem>>
      tpu.enqueue_dma source(%arg6 : memref<512x128xf32, #tpu.memory_space<hbm>>) target(%dma_start3A_57 : memref<512x128xf32, #tpu.memory_space<vmem>>) target_semaphore(%run_scoped3A : memref<!tpu.dma_semaphore, #tpu.memory_space<semaphore_mem>>)
      %dma_wait3A = arith.constant 0 : i32
      %dma_wait3A_58 = arith.constant 0 : i32
      %dma_wait3A_59 = tpu.memref_slice %arg12[%dma_wait3A, %dma_wait3A_58] : memref<513x128xf32, #tpu.memory_space<vmem>> -> memref<512x128xf32, #tpu.memory_space<vmem>>
      %dma_wait3A_60 = arith.constant 0 : i32
      %dma_wait3A_61 = arith.constant 0 : i32
      %dma_wait3A_62 = tpu.memref_slice %arg12[%dma_wait3A_60, %dma_wait3A_61] : memref<513x128xf32, #tpu.memory_space<vmem>> -> memref<512x128xf32, #tpu.memory_space<vmem>>
      tpu.wait_dma2 semaphore(%run_scoped3A : memref<!tpu.dma_semaphore, #tpu.memory_space<semaphore_mem>>) src(%arg6 : memref<512x128xf32, #tpu.memory_space<hbm>>) dst(%dma_wait3A_62 : memref<512x128xf32, #tpu.memory_space<vmem>>)
      tpu.yield
    }) : () -> ()
    %broadcast_in_dim3A = arith.constant -3.000000e+38 : f32
    %broadcast_in_dim3A_1 = vector.broadcast %broadcast_in_dim3A : f32 to vector<16xf32>
    %swap3A = arith.constant 512 : i32
    %swap3A_2 = arith.index_cast %swap3A : i32 to index
    %swap3A_3 = arith.constant 0 : index
    %swap3A_4 = tpu.vector_load %arg12[%swap3A_2, %swap3A_3] {strides = array<i32>} : memref<513x128xf32, #tpu.memory_space<vmem>>, vector<16xf32>,
    tpu.vector_store %arg12[%swap3A_2, %swap3A_3], %broadcast_in_dim3A_1 {strides = array<i32>} : memref<513x128xf32, #tpu.memory_space<vmem>>, vector<16xf32>,
    %broadcast_in_dim3A_5 = arith.constant -3.000000e+38 : f32
    %broadcast_in_dim3A_6 = vector.broadcast %broadcast_in_dim3A_5 : f32 to vector<16xf32>
    %swap3A_7 = arith.constant 512 : i32
    %swap3A_8 = arith.index_cast %swap3A_7 : i32 to index
    %swap3A_9 = arith.constant 16 : index
    %swap3A_10 = tpu.vector_load %arg12[%swap3A_8, %swap3A_9] {strides = array<i32>} : memref<513x128xf32, #tpu.memory_space<vmem>>, vector<16xf32>,
    tpu.vector_store %arg12[%swap3A_8, %swap3A_9], %broadcast_in_dim3A_6 {strides = array<i32>} : memref<513x128xf32, #tpu.memory_space<vmem>>, vector<16xf32>,
    %broadcast_in_dim3A_11 = arith.constant -3.000000e+38 : f32
    %broadcast_in_dim3A_12 = vector.broadcast %broadcast_in_dim3A_11 : f32 to vector<16xf32>
    %swap3A_13 = arith.constant 512 : i32
    %swap3A_14 = arith.index_cast %swap3A_13 : i32 to index
    %swap3A_15 = arith.constant 32 : index
    %swap3A_16 = tpu.vector_load %arg12[%swap3A_14, %swap3A_15] {strides = array<i32>} : memref<513x128xf32, #tpu.memory_space<vmem>>, vector<16xf32>,
    tpu.vector_store %arg12[%swap3A_14, %swap3A_15], %broadcast_in_dim3A_12 {strides = array<i32>} : memref<513x128xf32, #tpu.memory_space<vmem>>, vector<16xf32>,
    %broadcast_in_dim3A_17 = arith.constant -3.000000e+38 : f32
    %broadcast_in_dim3A_18 = vector.broadcast %broadcast_in_dim3A_17 : f32 to vector<16xf32>
    %swap3A_19 = arith.constant 512 : i32
    %swap3A_20 = arith.index_cast %swap3A_19 : i32 to index
    %swap3A_21 = arith.constant 48 : index
    %swap3A_22 = tpu.vector_load %arg12[%swap3A_20, %swap3A_21] {strides = array<i32>} : memref<513x128xf32, #tpu.memory_space<vmem>>, vector<16xf32>,
    tpu.vector_store %arg12[%swap3A_20, %swap3A_21], %broadcast_in_dim3A_18 {strides = array<i32>} : memref<513x128xf32, #tpu.memory_space<vmem>>, vector<16xf32>,
    %broadcast_in_dim3A_23 = arith.constant -3.000000e+38 : f32
    %broadcast_in_dim3A_24 = vector.broadcast %broadcast_in_dim3A_23 : f32 to vector<16xf32>
    %swap3A_25 = arith.constant 512 : i32
    %swap3A_26 = arith.index_cast %swap3A_25 : i32 to index
    %swap3A_27 = arith.constant 64 : index
    %swap3A_28 = tpu.vector_load %arg12[%swap3A_26, %swap3A_27] {strides = array<i32>} : memref<513x128xf32, #tpu.memory_space<vmem>>, vector<16xf32>,
    tpu.vector_store %arg12[%swap3A_26, %swap3A_27], %broadcast_in_dim3A_24 {strides = array<i32>} : memref<513x128xf32, #tpu.memory_space<vmem>>, vector<16xf32>,
    %broadcast_in_dim3A_29 = arith.constant -3.000000e+38 : f32
    %broadcast_in_dim3A_30 = vector.broadcast %broadcast_in_dim3A_29 : f32 to vector<16xf32>
    %swap3A_31 = arith.constant 512 : i32
    %swap3A_32 = arith.index_cast %swap3A_31 : i32 to index
    %swap3A_33 = arith.constant 80 : index
    %swap3A_34 = tpu.vector_load %arg12[%swap3A_32, %swap3A_33] {strides = array<i32>} : memref<513x128xf32, #tpu.memory_space<vmem>>, vector<16xf32>,
    tpu.vector_store %arg12[%swap3A_32, %swap3A_33], %broadcast_in_dim3A_30 {strides = array<i32>} : memref<513x128xf32, #tpu.memory_space<vmem>>, vector<16xf32>,
    %broadcast_in_dim3A_35 = arith.constant -3.000000e+38 : f32
    %broadcast_in_dim3A_36 = vector.broadcast %broadcast_in_dim3A_35 : f32 to vector<16xf32>
    %swap3A_37 = arith.constant 512 : i32
    %swap3A_38 = arith.index_cast %swap3A_37 : i32 to index
    %swap3A_39 = arith.constant 96 : index
    %swap3A_40 = tpu.vector_load %arg12[%swap3A_38, %swap3A_39] {strides = array<i32>} : memref<513x128xf32, #tpu.memory_space<vmem>>, vector<16xf32>,
    tpu.vector_store %arg12[%swap3A_38, %swap3A_39], %broadcast_in_dim3A_36 {strides = array<i32>} : memref<513x128xf32, #tpu.memory_space<vmem>>, vector<16xf32>,
    %broadcast_in_dim3A_41 = arith.constant -3.000000e+38 : f32
    %broadcast_in_dim3A_42 = vector.broadcast %broadcast_in_dim3A_41 : f32 to vector<16xf32>
    %swap3A_43 = arith.constant 512 : i32
    %swap3A_44 = arith.index_cast %swap3A_43 : i32 to index
    %swap3A_45 = arith.constant 112 : index
    %swap3A_46 = tpu.vector_load %arg12[%swap3A_44, %swap3A_45] {strides = array<i32>} : memref<513x128xf32, #tpu.memory_space<vmem>>, vector<16xf32>,
    tpu.vector_store %arg12[%swap3A_44, %swap3A_45], %broadcast_in_dim3A_42 {strides = array<i32>} : memref<513x128xf32, #tpu.memory_space<vmem>>, vector<16xf32>,
    %iota3A = tpu.iota {dimensions = array<i32: 0>} : vector<16xi32>
    %scan3A = arith.constant 0 : i32
    %scan3A_47 = arith.constant 0 : i32
    %scan3A_48 = arith.constant 16 : i32
    %scan3A_49 = arith.addi %scan3A_47, %scan3A_48 : i32
    %scan3A_50 = arith.constant 1 : i32
    %scan3A_51 = scf.for %scan3A_53 = %scan3A_47 to %scan3A_49 step %scan3A_50 iter_args(%scan3A_54 = %scan3A) -> (i32)  : i32 {
      %mul3A_55 = arith.constant 16 : i32
      %mul3A_56 = arith.muli %add3A, %mul3A_55 : i32
      %add3A_57 = arith.addi %mul3A_56, %scan3A_53 : i32
      %broadcast_in_dim3A_58 = vector.broadcast %add3A_57 : i32 to vector<16xi32>
      %gather3A = tpu.vector_load_idx %arg10[%broadcast_in_dim3A_58] : memref<512xf32, #tpu.memory_space<vmem>>[vector<16xi32>], vector<16xf32>,
      %gather3A_59 = tpu.vector_load_idx %arg11[%broadcast_in_dim3A_58] : memref<512xf32, #tpu.memory_space<vmem>>[vector<16xi32>], vector<16xf32>,
      %scan3A_60 = arith.constant 0 : i32
      %scan3A_61 = arith.constant 0 : i32
      %scan3A_62 = arith.constant 32 : i32
      %scan3A_63 = arith.addi %scan3A_61, %scan3A_62 : i32
      %scan3A_64 = arith.constant 1 : i32
      %scan3A_65 = scf.for %scan3A_161 = %scan3A_61 to %scan3A_63 step %scan3A_64 iter_args(%scan3A_162 = %scan3A_60) -> (i32)  : i32 {
        %get3A_163 = arith.index_cast %scan3A_161 : i32 to index
        %get3A_164 = arith.constant 0 : index
        %get3A_165 = tpu.vector_load %arg8[%get3A_163, %get3A_164] {strides = array<i32>} : memref<32x16xf32, #tpu.memory_space<vmem>>, vector<16xf32>,
        %get3A_166 = arith.index_cast %scan3A_161 : i32 to index
        %get3A_167 = arith.constant 0 : index
        %get3A_168 = tpu.vector_load %arg9[%get3A_166, %get3A_167] {strides = array<i32>} : memref<32x16xf32, #tpu.memory_space<vmem>>, vector<16xf32>,
        %sub3A_169 = arith.subf %get3A_165, %gather3A : vector<16xf32>
        %sub3A_170 = arith.subf %get3A_168, %gather3A_59 : vector<16xf32>
        %abs3A = math.absf %sub3A_169 : vector<16xf32>
        %le3A = arith.constant 1.000000e+00 : f32
        %le3A_171 = vector.broadcast %le3A : f32 to vector<16xf32>
        %le3A_172 = arith.cmpf ole, %abs3A, %le3A_171 : vector<16xf32>
        %abs3A_173 = math.absf %sub3A_170 : vector<16xf32>
        %le3A_174 = arith.constant 1.000000e+00 : f32
        %le3A_175 = vector.broadcast %le3A_174 : f32 to vector<16xf32>
        %le3A_176 = arith.cmpf ole, %abs3A_173, %le3A_175 : vector<16xf32>
        %and3A_177 = arith.andi %le3A_172, %le3A_176 : vector<16xi1>
        %mul3A_178 = arith.constant 16 : i32
        %mul3A_179 = arith.muli %scan3A_161, %mul3A_178 : i32
        %add3A_180 = vector.broadcast %mul3A_179 : i32 to vector<16xi32>
        %add3A_181 = arith.addi %add3A_180, %iota3A : vector<16xi32>
        %ne3A = vector.broadcast %add3A_57 : i32 to vector<16xi32>
        %ne3A_182 = arith.cmpi ne, %add3A_181, %ne3A : vector<16xi32>
        %and3A_183 = arith.andi %and3A_177, %ne3A_182 : vector<16xi1>
        %add3A_184 = arith.constant 1.000000e+00 : f32
        %add3A_185 = vector.broadcast %add3A_184 : f32 to vector<16xf32>
        %add3A_186 = arith.addf %sub3A_169, %add3A_185 : vector<16xf32>
        %mul3A_187 = arith.constant 2.000000e+00 : f32
        %mul3A_188 = vector.broadcast %mul3A_187 : f32 to vector<16xf32>
        %mul3A_189 = arith.mulf %add3A_186, %mul3A_188 : vector<16xf32>
        %jit3A = arith.constant 0.000000e+00 : f32
        %jit3A_190 = arith.constant 3.000000e+00 : f32
        %max3A = vector.broadcast %jit3A : f32 to vector<16xf32>
        %max3A_191 = arith.maximumf %max3A, %mul3A_189 : vector<16xf32>
        %min3A = vector.broadcast %jit3A_190 : f32 to vector<16xf32>
        %min3A_192 = arith.minimumf %min3A, %max3A_191 : vector<16xf32>
        %convert_element_type3A_193 = arith.fptosi %min3A_192 : vector<16xf32> to vector<16xi32>
        %add3A_194 = arith.constant 1.000000e+00 : f32
        %add3A_195 = vector.broadcast %add3A_194 : f32 to vector<16xf32>
        %add3A_196 = arith.addf %sub3A_170, %add3A_195 : vector<16xf32>
        %mul3A_197 = arith.constant 2.000000e+00 : f32
        %mul3A_198 = vector.broadcast %mul3A_197 : f32 to vector<16xf32>
        %mul3A_199 = arith.mulf %add3A_196, %mul3A_198 : vector<16xf32>
        %jit3A_200 = arith.constant 0.000000e+00 : f32
        %jit3A_201 = arith.constant 3.000000e+00 : f32
        %max3A_202 = vector.broadcast %jit3A_200 : f32 to vector<16xf32>
        %max3A_203 = arith.maximumf %max3A_202, %mul3A_199 : vector<16xf32>
        %min3A_204 = vector.broadcast %jit3A_201 : f32 to vector<16xf32>
        %min3A_205 = arith.minimumf %min3A_204, %max3A_203 : vector<16xf32>
        %convert_element_type3A_206 = arith.fptosi %min3A_205 : vector<16xf32> to vector<16xi32>
        %mul3A_207 = arith.constant 4 : i32
        %mul3A_208 = vector.broadcast %mul3A_207 : i32 to vector<16xi32>
        %mul3A_209 = arith.muli %convert_element_type3A_193, %mul3A_208 : vector<16xi32>
        %add3A_210 = arith.addi %mul3A_209, %convert_element_type3A_206 : vector<16xi32>
        %mul3A_211 = arith.constant 512 : i32
        %mul3A_212 = vector.broadcast %mul3A_211 : i32 to vector<16xi32>
        %mul3A_213 = arith.muli %add3A_210, %mul3A_212 : vector<16xi32>
        %add3A_214 = arith.addi %mul3A_213, %add3A_181 : vector<16xi32>
        %convert_element_type3A_215 = arith.extui %and3A_183 : vector<16xi1> to vector<16xi32>
        %broadcast_in_dim3A_216 = arith.constant true
        %broadcast_in_dim3A_217 = vector.broadcast %broadcast_in_dim3A_216 : i1 to vector<16xi1>
        %masked_cumsum3A_218 = tpu.scan <sum>, %convert_element_type3A_215 masked %broadcast_in_dim3A_217 : vector<16xi32>, vector<16xi1> -> vector<16xi32>
        %add3A_219 = vector.broadcast %scan3A_162 : i32 to vector<16xi32>
        %add3A_220 = arith.addi %add3A_219, %masked_cumsum3A_218 : vector<16xi32>
        %sub3A_221 = arith.constant 1 : i32
        %sub3A_222 = vector.broadcast %sub3A_221 : i32 to vector<16xi32>
        %sub3A_223 = arith.subi %add3A_220, %sub3A_222 : vector<16xi32>
        tpu.vector_store_idx %arg13[%sub3A_223], %add3A_214 masked %and3A_183 : memref<528xi32, #tpu.memory_space<vmem>>[vector<16xi32>], vector<16xi32>, vector<16xi1>
        %slice3A = vector.extract_strided_slice %sub3A_223 {offsets = [15], sizes = [1], strides = [1]} : vector<16xi32> to vector<1xi32>
        %squeeze3A = vector.extract %slice3A[0] : i32 from vector<1xi32>
        %add3A_224 = arith.constant 1 : i32
        %add3A_225 = arith.addi %squeeze3A, %add3A_224 : i32
        scf.yield %add3A_225 : i32
      }
      %scan3A_66 = arith.constant 32 : i32
      %add3A_67 = arith.constant 16 : i32
      %add3A_68 = arith.addi %scan3A_65, %add3A_67 : i32
      %sub3A = arith.constant 1 : i32
      %sub3A_69 = arith.subi %add3A_68, %sub3A : i32
      %shift_right_arithmetic3A = arith.constant 4 : i32
      %shift_right_arithmetic3A_70 = arith.shrsi %sub3A_69, %shift_right_arithmetic3A : i32
      %add3A_71 = vector.broadcast %scan3A_65 : i32 to vector<16xi32>
      %add3A_72 = arith.addi %add3A_71, %iota3A : vector<16xi32>
      %broadcast_in_dim3A_73 = arith.constant 8192 : i32
      %broadcast_in_dim3A_74 = vector.broadcast %broadcast_in_dim3A_73 : i32 to vector<16xi32>
      tpu.vector_store_idx %arg13[%add3A_72], %broadcast_in_dim3A_74 : memref<528xi32, #tpu.memory_space<vmem>>[vector<16xi32>], vector<16xi32>,
      %broadcast_in_dim3A_75 = arith.constant 0 : i32
      %broadcast_in_dim3A_76 = vector.broadcast %broadcast_in_dim3A_75 : i32 to vector<16xi32>
      %swap3A_77 = arith.constant 0 : index
      %swap3A_78 = tpu.vector_load %arg15[%swap3A_77] {strides = array<i32>} : memref<32xi32, #tpu.memory_space<vmem>>, vector<16xi32>,
      tpu.vector_store %arg15[%swap3A_77], %broadcast_in_dim3A_76 {strides = array<i32>} : memref<32xi32, #tpu.memory_space<vmem>>, vector<16xi32>,
      %broadcast_in_dim3A_79 = arith.constant 544 : i32
      %broadcast_in_dim3A_80 = vector.broadcast %broadcast_in_dim3A_79 : i32 to vector<16xi32>
      %swap3A_81 = arith.constant 16 : index
      %swap3A_82 = tpu.vector_load %arg15[%swap3A_81] {strides = array<i32>} : memref<32xi32, #tpu.memory_space<vmem>>, vector<16xi32>,
      tpu.vector_store %arg15[%swap3A_81], %broadcast_in_dim3A_80 {strides = array<i32>} : memref<32xi32, #tpu.memory_space<vmem>>, vector<16xi32>,
      %while3A = arith.constant 0 : i32
      %while3A_83 = arith.constant 0 : i32
      %while3A_84 = arith.subi %shift_right_arithmetic3A_70, %while3A : i32
      %while3A_85 = arith.addi %while3A, %while3A_84 : i32
      %while3A_86 = arith.constant 1 : i32
      %while3A_87 = arith.divsi %while3A_84, %while3A_86 : i32
      %while3A_88 = arith.muli %while3A_87, %while3A_86 : i32
      %while3A_89 = arith.addi %while3A, %while3A_88 : i32
      %while3A_90 = arith.constant 1 : i32
      %while3A_91 = scf.for %while3A_161 = %while3A to %while3A_89 step %while3A_90 iter_args(%while3A_162 = %while3A_83) -> (i32)  : i32 {
        %mul3A_163 = arith.constant 16 : i32
        %mul3A_164 = arith.muli %while3A_161, %mul3A_163 : i32
        %get3A_165 = arith.index_cast %mul3A_164 : i32 to index
        %get3A_166 = tpu.vector_load %arg13[%get3A_165] {strides = array<i32>} : memref<528xi32, #tpu.memory_space<vmem>>, vector<16xi32>,
        %shift_right_arithmetic3A_167 = arith.constant 9 : i32
        %shift_right_arithmetic3A_168 = vector.broadcast %shift_right_arithmetic3A_167 : i32 to vector<16xi32>
        %shift_right_arithmetic3A_169 = arith.shrsi %get3A_166, %shift_right_arithmetic3A_168 : vector<16xi32>
        %broadcast_in_dim3A_170 = arith.constant true
        %broadcast_in_dim3A_171 = vector.broadcast %broadcast_in_dim3A_170 : i1 to vector<16xi1>
        %unique3A, %unique3A_172 = tpu.scan_count mask(%broadcast_in_dim3A_171 : vector<16xi1>) value(%shift_right_arithmetic3A_169 : vector<16xi32>) : vector<16xi1>, vector<16xi32>
        %gather3A_173 = tpu.vector_load_idx %arg15[%shift_right_arithmetic3A_169] : memref<32xi32, #tpu.memory_space<vmem>>[vector<16xi32>], vector<16xi32>,
        %add3A_174 = arith.addi %gather3A_173, %unique3A_172 : vector<16xi32>
        tpu.vector_store_idx %arg15[%shift_right_arithmetic3A_169], %add3A_174 masked %unique3A : memref<32xi32, #tpu.memory_space<vmem>>[vector<16xi32>], vector<16xi32>, vector<16xi1>
        %while3A_175 = arith.constant 0 : i32
        scf.yield %while3A_175 : i32
      }
      %while3A_92 = arith.constant 1 : i32
      %while3A_93 = scf.for %while3A_161 = %while3A_89 to %while3A_85 step %while3A_92 iter_args(%while3A_162 = %while3A_91) -> (i32)  : i32 {
        %mul3A_163 = arith.constant 16 : i32
        %mul3A_164 = arith.muli %while3A_161, %mul3A_163 : i32
        %get3A_165 = arith.index_cast %mul3A_164 : i32 to index
        %get3A_166 = tpu.vector_load %arg13[%get3A_165] {strides = array<i32>} : memref<528xi32, #tpu.memory_space<vmem>>, vector<16xi32>,
        %shift_right_arithmetic3A_167 = arith.constant 9 : i32
        %shift_right_arithmetic3A_168 = vector.broadcast %shift_right_arithmetic3A_167 : i32 to vector<16xi32>
        %shift_right_arithmetic3A_169 = arith.shrsi %get3A_166, %shift_right_arithmetic3A_168 : vector<16xi32>
        %broadcast_in_dim3A_170 = arith.constant true
        %broadcast_in_dim3A_171 = vector.broadcast %broadcast_in_dim3A_170 : i1 to vector<16xi1>
        %unique3A, %unique3A_172 = tpu.scan_count mask(%broadcast_in_dim3A_171 : vector<16xi1>) value(%shift_right_arithmetic3A_169 : vector<16xi32>) : vector<16xi1>, vector<16xi32>
        %gather3A_173 = tpu.vector_load_idx %arg15[%shift_right_arithmetic3A_169] : memref<32xi32, #tpu.memory_space<vmem>>[vector<16xi32>], vector<16xi32>,
        %add3A_174 = arith.addi %gather3A_173, %unique3A_172 : vector<16xi32>
        tpu.vector_store_idx %arg15[%shift_right_arithmetic3A_169], %add3A_174 masked %unique3A : memref<32xi32, #tpu.memory_space<vmem>>[vector<16xi32>], vector<16xi32>, vector<16xi1>
        %while3A_175 = arith.constant 0 : i32
        scf.yield %while3A_175 : i32
      }
      %get3A = arith.constant 0 : index
      %get3A_94 = tpu.vector_load %arg15[%get3A] {strides = array<i32>} : memref<32xi32, #tpu.memory_space<vmem>>, vector<16xi32>,
      %broadcast_in_dim3A_95 = arith.constant true
      %broadcast_in_dim3A_96 = vector.broadcast %broadcast_in_dim3A_95 : i1 to vector<16xi1>
      %masked_cumsum3A = tpu.scan <sum>, %get3A_94 masked %broadcast_in_dim3A_96 : vector<16xi32>, vector<16xi1> -> vector<16xi32>
      %sub3A_97 = arith.subi %masked_cumsum3A, %get3A_94 : vector<16xi32>
      %swap3A_98 = arith.constant 0 : index
      %swap3A_99 = tpu.vector_load %arg15[%swap3A_98] {strides = array<i32>} : memref<32xi32, #tpu.memory_space<vmem>>, vector<16xi32>,
      tpu.vector_store %arg15[%swap3A_98], %sub3A_97 {strides = array<i32>} : memref<32xi32, #tpu.memory_space<vmem>>, vector<16xi32>,
      %broadcast_in_dim3A_100 = arith.constant 544 : i32
      %broadcast_in_dim3A_101 = vector.broadcast %broadcast_in_dim3A_100 : i32 to vector<16xi32>
      %swap3A_102 = arith.constant 16 : index
      %swap3A_103 = tpu.vector_load %arg15[%swap3A_102] {strides = array<i32>} : memref<32xi32, #tpu.memory_space<vmem>>, vector<16xi32>,
      tpu.vector_store %arg15[%swap3A_102], %broadcast_in_dim3A_101 {strides = array<i32>} : memref<32xi32, #tpu.memory_space<vmem>>, vector<16xi32>,
      %while3A_104 = arith.constant 0 : i32
      %while3A_105 = arith.constant 0 : i32
      %while3A_106 = arith.subi %shift_right_arithmetic3A_70, %while3A_104 : i32
      %while3A_107 = arith.addi %while3A_104, %while3A_106 : i32
      %while3A_108 = arith.constant 1 : i32
      %while3A_109 = arith.divsi %while3A_106, %while3A_108 : i32
      %while3A_110 = arith.muli %while3A_109, %while3A_108 : i32
      %while3A_111 = arith.addi %while3A_104, %while3A_110 : i32
      %while3A_112 = arith.constant 1 : i32
      %while3A_113 = scf.for %while3A_161 = %while3A_104 to %while3A_111 step %while3A_112 iter_args(%while3A_162 = %while3A_105) -> (i32)  : i32 {
        %broadcast_in_dim3A_163 = arith.constant 16 : i32
        %broadcast_in_dim3A_164 = vector.broadcast %broadcast_in_dim3A_163 : i32 to vector<16xi32>
        %mul3A_165 = arith.constant 16 : i32
        %mul3A_166 = arith.muli %while3A_161, %mul3A_165 : i32
        %swap3A_167 = arith.index_cast %mul3A_166 : i32 to index
        %swap3A_168 = tpu.vector_load %arg16[%swap3A_167] {strides = array<i32>} : memref<544xi32, #tpu.memory_space<vmem>>, vector<16xi32>,
        tpu.vector_store %arg16[%swap3A_167], %broadcast_in_dim3A_164 {strides = array<i32>} : memref<544xi32, #tpu.memory_space<vmem>>, vector<16xi32>,
        %while3A_169 = arith.constant 0 : i32
        scf.yield %while3A_169 : i32
      }
      %while3A_114 = arith.constant 1 : i32
      %while3A_115 = scf.for %while3A_161 = %while3A_111 to %while3A_107 step %while3A_114 iter_args(%while3A_162 = %while3A_113) -> (i32)  : i32 {
        %broadcast_in_dim3A_163 = arith.constant 16 : i32
        %broadcast_in_dim3A_164 = vector.broadcast %broadcast_in_dim3A_163 : i32 to vector<16xi32>
        %mul3A_165 = arith.constant 16 : i32
        %mul3A_166 = arith.muli %while3A_161, %mul3A_165 : i32
        %swap3A_167 = arith.index_cast %mul3A_166 : i32 to index
        %swap3A_168 = tpu.vector_load %arg16[%swap3A_167] {strides = array<i32>} : memref<544xi32, #tpu.memory_space<vmem>>, vector<16xi32>,
        tpu.vector_store %arg16[%swap3A_167], %broadcast_in_dim3A_164 {strides = array<i32>} : memref<544xi32, #tpu.memory_space<vmem>>, vector<16xi32>,
        %while3A_169 = arith.constant 0 : i32
        scf.yield %while3A_169 : i32
      }
      %sub3A_116 = arith.constant 1 : i32
      %sub3A_117 = vector.broadcast %sub3A_116 : i32 to vector<16xi32>
      %sub3A_118 = arith.subi %masked_cumsum3A, %sub3A_117 : vector<16xi32>
      %gt3A = arith.constant 0 : i32
      %gt3A_119 = vector.broadcast %gt3A : i32 to vector<16xi32>
      %gt3A_120 = arith.cmpi sgt, %get3A_94, %gt3A_119 : vector<16xi32>
      tpu.vector_store_idx %arg16[%sub3A_118], %iota3A masked %gt3A_120 : memref<544xi32, #tpu.memory_space<vmem>>[vector<16xi32>], vector<16xi32>, vector<16xi1>
      %while3A_121 = arith.constant 0 : i32
      %while3A_122 = arith.constant 0 : i32
      %while3A_123 = arith.subi %shift_right_arithmetic3A_70, %while3A_121 : i32
      %while3A_124 = arith.addi %while3A_121, %while3A_123 : i32
      %while3A_125 = arith.constant 1 : i32
      %while3A_126 = arith.divsi %while3A_123, %while3A_125 : i32
      %while3A_127 = arith.muli %while3A_126, %while3A_125 : i32
      %while3A_128 = arith.addi %while3A_121, %while3A_127 : i32
      %while3A_129 = arith.constant 1 : i32
      %while3A_130 = scf.for %while3A_161 = %while3A_121 to %while3A_128 step %while3A_129 iter_args(%while3A_162 = %while3A_122) -> (i32)  : i32 {
        %mul3A_163 = arith.constant 16 : i32
        %mul3A_164 = arith.muli %while3A_161, %mul3A_163 : i32
        %get3A_165 = arith.index_cast %mul3A_164 : i32 to index
        %get3A_166 = tpu.vector_load %arg13[%get3A_165] {strides = array<i32>} : memref<528xi32, #tpu.memory_space<vmem>>, vector<16xi32>,
        %shift_right_arithmetic3A_167 = arith.constant 9 : i32
        %shift_right_arithmetic3A_168 = vector.broadcast %shift_right_arithmetic3A_167 : i32 to vector<16xi32>
        %shift_right_arithmetic3A_169 = arith.shrsi %get3A_166, %shift_right_arithmetic3A_168 : vector<16xi32>
        %and3A_170 = arith.constant 511 : i32
        %and3A_171 = vector.broadcast %and3A_170 : i32 to vector<16xi32>
        %and3A_172 = arith.andi %get3A_166, %and3A_171 : vector<16xi32>
        %broadcast_in_dim3A_173 = arith.constant true
        %broadcast_in_dim3A_174 = vector.broadcast %broadcast_in_dim3A_173 : i1 to vector<16xi1>
        %unique3A, %unique3A_175 = tpu.scan_count mask(%broadcast_in_dim3A_174 : vector<16xi1>) value(%shift_right_arithmetic3A_169 : vector<16xi32>) : vector<16xi1>, vector<16xi32>
        %gather3A_176 = tpu.vector_load_idx %arg15[%shift_right_arithmetic3A_169] : memref<32xi32, #tpu.memory_space<vmem>>[vector<16xi32>], vector<16xi32>,
        %add3A_177 = arith.addi %gather3A_176, %unique3A_175 : vector<16xi32>
        %sub3A_178 = arith.constant 1 : i32
        %sub3A_179 = vector.broadcast %sub3A_178 : i32 to vector<16xi32>
        %sub3A_180 = arith.subi %add3A_177, %sub3A_179 : vector<16xi32>
        tpu.vector_store_idx %arg14[%sub3A_180], %and3A_172 : memref<1072xi32, #tpu.memory_space<vmem>>[vector<16xi32>], vector<16xi32>,
        %add3A_181 = arith.addi %gather3A_176, %unique3A_175 : vector<16xi32>
        tpu.vector_store_idx %arg15[%shift_right_arithmetic3A_169], %add3A_181 masked %unique3A : memref<32xi32, #tpu.memory_space<vmem>>[vector<16xi32>], vector<16xi32>, vector<16xi1>
        %while3A_182 = arith.constant 0 : i32
        scf.yield %while3A_182 : i32
      }
      %while3A_131 = arith.constant 1 : i32
      %while3A_132 = scf.for %while3A_161 = %while3A_128 to %while3A_124 step %while3A_131 iter_args(%while3A_162 = %while3A_130) -> (i32)  : i32 {
        %mul3A_163 = arith.constant 16 : i32
        %mul3A_164 = arith.muli %while3A_161, %mul3A_163 : i32
        %get3A_165 = arith.index_cast %mul3A_164 : i32 to index
        %get3A_166 = tpu.vector_load %arg13[%get3A_165] {strides = array<i32>} : memref<528xi32, #tpu.memory_space<vmem>>, vector<16xi32>,
        %shift_right_arithmetic3A_167 = arith.constant 9 : i32
        %shift_right_arithmetic3A_168 = vector.broadcast %shift_right_arithmetic3A_167 : i32 to vector<16xi32>
        %shift_right_arithmetic3A_169 = arith.shrsi %get3A_166, %shift_right_arithmetic3A_168 : vector<16xi32>
        %and3A_170 = arith.constant 511 : i32
        %and3A_171 = vector.broadcast %and3A_170 : i32 to vector<16xi32>
        %and3A_172 = arith.andi %get3A_166, %and3A_171 : vector<16xi32>
        %broadcast_in_dim3A_173 = arith.constant true
        %broadcast_in_dim3A_174 = vector.broadcast %broadcast_in_dim3A_173 : i1 to vector<16xi1>
        %unique3A, %unique3A_175 = tpu.scan_count mask(%broadcast_in_dim3A_174 : vector<16xi1>) value(%shift_right_arithmetic3A_169 : vector<16xi32>) : vector<16xi1>, vector<16xi32>
        %gather3A_176 = tpu.vector_load_idx %arg15[%shift_right_arithmetic3A_169] : memref<32xi32, #tpu.memory_space<vmem>>[vector<16xi32>], vector<16xi32>,
        %add3A_177 = arith.addi %gather3A_176, %unique3A_175 : vector<16xi32>
        %sub3A_178 = arith.constant 1 : i32
        %sub3A_179 = vector.broadcast %sub3A_178 : i32 to vector<16xi32>
        %sub3A_180 = arith.subi %add3A_177, %sub3A_179 : vector<16xi32>
        tpu.vector_store_idx %arg14[%sub3A_180], %and3A_172 : memref<1072xi32, #tpu.memory_space<vmem>>[vector<16xi32>], vector<16xi32>,
        %add3A_181 = arith.addi %gather3A_176, %unique3A_175 : vector<16xi32>
        tpu.vector_store_idx %arg15[%shift_right_arithmetic3A_169], %add3A_181 masked %unique3A : memref<32xi32, #tpu.memory_space<vmem>>[vector<16xi32>], vector<16xi32>, vector<16xi1>
        %while3A_182 = arith.constant 0 : i32
        scf.yield %while3A_182 : i32
      }
      %add3A_133 = vector.broadcast %scan3A_65 : i32 to vector<16xi32>
      %add3A_134 = arith.addi %add3A_133, %iota3A : vector<16xi32>
      %broadcast_in_dim3A_135 = arith.constant 512 : i32
      %broadcast_in_dim3A_136 = vector.broadcast %broadcast_in_dim3A_135 : i32 to vector<16xi32>
      tpu.vector_store_idx %arg14[%add3A_134], %broadcast_in_dim3A_136 : memref<1072xi32, #tpu.memory_space<vmem>>[vector<16xi32>], vector<16xi32>,
      %and3A = arith.constant 3 : i32
      %and3A_137 = arith.andi %scan3A_53, %and3A : i32
      %scan3A_138 = arith.constant 0 : i32
      %scan3A_139 = arith.constant 0 : i32
      %scan3A_140 = arith.constant 16 : i32
      %scan3A_141 = arith.addi %scan3A_139, %scan3A_140 : i32
      %scan3A_142 = arith.constant 1 : i32
      %scan3A_143 = scf.for %scan3A_161 = %scan3A_139 to %scan3A_141 step %scan3A_142 iter_args(%scan3A_162 = %scan3A_138) -> (i32)  : i32 {
        %broadcast_in_dim3A_163 = arith.constant 0.000000e+00 : f32
        %broadcast_in_dim3A_164 = vector.broadcast %broadcast_in_dim3A_163 : f32 to vector<16xf32>
        %mul3A_165 = arith.constant 16 : i32
        %mul3A_166 = arith.muli %and3A_137, %mul3A_165 : i32
        %add3A_167 = arith.addi %mul3A_166, %scan3A_161 : i32
        %swap3A_168 = arith.index_cast %add3A_167 : i32 to index
        %swap3A_169 = arith.constant 0 : index
        %swap3A_170 = tpu.vector_load %arg17[%swap3A_168, %swap3A_169] {strides = array<i32>} : memref<65x128xf32, #tpu.memory_space<vmem>>, vector<16xf32>,
        tpu.vector_store %arg17[%swap3A_168, %swap3A_169], %broadcast_in_dim3A_164 {strides = array<i32>} : memref<65x128xf32, #tpu.memory_space<vmem>>, vector<16xf32>,
        %broadcast_in_dim3A_171 = arith.constant 0.000000e+00 : f32
        %broadcast_in_dim3A_172 = vector.broadcast %broadcast_in_dim3A_171 : f32 to vector<16xf32>
        %mul3A_173 = arith.constant 16 : i32
        %mul3A_174 = arith.muli %and3A_137, %mul3A_173 : i32
        %add3A_175 = arith.addi %mul3A_174, %scan3A_161 : i32
        %swap3A_176 = arith.index_cast %add3A_175 : i32 to index
        %swap3A_177 = arith.constant 16 : index
        %swap3A_178 = tpu.vector_load %arg17[%swap3A_176, %swap3A_177] {strides = array<i32>} : memref<65x128xf32, #tpu.memory_space<vmem>>, vector<16xf32>,
        tpu.vector_store %arg17[%swap3A_176, %swap3A_177], %broadcast_in_dim3A_172 {strides = array<i32>} : memref<65x128xf32, #tpu.memory_space<vmem>>, vector<16xf32>,
        %broadcast_in_dim3A_179 = arith.constant 0.000000e+00 : f32
        %broadcast_in_dim3A_180 = vector.broadcast %broadcast_in_dim3A_179 : f32 to vector<16xf32>
        %mul3A_181 = arith.constant 16 : i32
        %mul3A_182 = arith.muli %and3A_137, %mul3A_181 : i32
        %add3A_183 = arith.addi %mul3A_182, %scan3A_161 : i32
        %swap3A_184 = arith.index_cast %add3A_183 : i32 to index
        %swap3A_185 = arith.constant 32 : index
        %swap3A_186 = tpu.vector_load %arg17[%swap3A_184, %swap3A_185] {strides = array<i32>} : memref<65x128xf32, #tpu.memory_space<vmem>>, vector<16xf32>,
        tpu.vector_store %arg17[%swap3A_184, %swap3A_185], %broadcast_in_dim3A_180 {strides = array<i32>} : memref<65x128xf32, #tpu.memory_space<vmem>>, vector<16xf32>,
        %broadcast_in_dim3A_187 = arith.constant 0.000000e+00 : f32
        %broadcast_in_dim3A_188 = vector.broadcast %broadcast_in_dim3A_187 : f32 to vector<16xf32>
        %mul3A_189 = arith.constant 16 : i32
        %mul3A_190 = arith.muli %and3A_137, %mul3A_189 : i32
        %add3A_191 = arith.addi %mul3A_190, %scan3A_161 : i32
        %swap3A_192 = arith.index_cast %add3A_191 : i32 to index
        %swap3A_193 = arith.constant 48 : index
        %swap3A_194 = tpu.vector_load %arg17[%swap3A_192, %swap3A_193] {strides = array<i32>} : memref<65x128xf32, #tpu.memory_space<vmem>>, vector<16xf32>,
        tpu.vector_store %arg17[%swap3A_192, %swap3A_193], %broadcast_in_dim3A_188 {strides = array<i32>} : memref<65x128xf32, #tpu.memory_space<vmem>>, vector<16xf32>,
        %broadcast_in_dim3A_195 = arith.constant 0.000000e+00 : f32
        %broadcast_in_dim3A_196 = vector.broadcast %broadcast_in_dim3A_195 : f32 to vector<16xf32>
        %mul3A_197 = arith.constant 16 : i32
        %mul3A_198 = arith.muli %and3A_137, %mul3A_197 : i32
        %add3A_199 = arith.addi %mul3A_198, %scan3A_161 : i32
        %swap3A_200 = arith.index_cast %add3A_199 : i32 to index
        %swap3A_201 = arith.constant 64 : index
        %swap3A_202 = tpu.vector_load %arg17[%swap3A_200, %swap3A_201] {strides = array<i32>} : memref<65x128xf32, #tpu.memory_space<vmem>>, vector<16xf32>,
        tpu.vector_store %arg17[%swap3A_200, %swap3A_201], %broadcast_in_dim3A_196 {strides = array<i32>} : memref<65x128xf32, #tpu.memory_space<vmem>>, vector<16xf32>,
        %broadcast_in_dim3A_203 = arith.constant 0.000000e+00 : f32
        %broadcast_in_dim3A_204 = vector.broadcast %broadcast_in_dim3A_203 : f32 to vector<16xf32>
        %mul3A_205 = arith.constant 16 : i32
        %mul3A_206 = arith.muli %and3A_137, %mul3A_205 : i32
        %add3A_207 = arith.addi %mul3A_206, %scan3A_161 : i32
        %swap3A_208 = arith.index_cast %add3A_207 : i32 to index
        %swap3A_209 = arith.constant 80 : index
        %swap3A_210 = tpu.vector_load %arg17[%swap3A_208, %swap3A_209] {strides = array<i32>} : memref<65x128xf32, #tpu.memory_space<vmem>>, vector<16xf32>,
        tpu.vector_store %arg17[%swap3A_208, %swap3A_209], %broadcast_in_dim3A_204 {strides = array<i32>} : memref<65x128xf32, #tpu.memory_space<vmem>>, vector<16xf32>,
        %broadcast_in_dim3A_211 = arith.constant 0.000000e+00 : f32
        %broadcast_in_dim3A_212 = vector.broadcast %broadcast_in_dim3A_211 : f32 to vector<16xf32>
        %mul3A_213 = arith.constant 16 : i32
        %mul3A_214 = arith.muli %and3A_137, %mul3A_213 : i32
        %add3A_215 = arith.addi %mul3A_214, %scan3A_161 : i32
        %swap3A_216 = arith.index_cast %add3A_215 : i32 to index
        %swap3A_217 = arith.constant 96 : index
        %swap3A_218 = tpu.vector_load %arg17[%swap3A_216, %swap3A_217] {strides = array<i32>} : memref<65x128xf32, #tpu.memory_space<vmem>>, vector<16xf32>,
        tpu.vector_store %arg17[%swap3A_216, %swap3A_217], %broadcast_in_dim3A_212 {strides = array<i32>} : memref<65x128xf32, #tpu.memory_space<vmem>>, vector<16xf32>,
        %broadcast_in_dim3A_219 = arith.constant 0.000000e+00 : f32
        %broadcast_in_dim3A_220 = vector.broadcast %broadcast_in_dim3A_219 : f32 to vector<16xf32>
        %mul3A_221 = arith.constant 16 : i32
        %mul3A_222 = arith.muli %and3A_137, %mul3A_221 : i32
        %add3A_223 = arith.addi %mul3A_222, %scan3A_161 : i32
        %swap3A_224 = arith.index_cast %add3A_223 : i32 to index
        %swap3A_225 = arith.constant 112 : index
        %swap3A_226 = tpu.vector_load %arg17[%swap3A_224, %swap3A_225] {strides = array<i32>} : memref<65x128xf32, #tpu.memory_space<vmem>>, vector<16xf32>,
        tpu.vector_store %arg17[%swap3A_224, %swap3A_225], %broadcast_in_dim3A_220 {strides = array<i32>} : memref<65x128xf32, #tpu.memory_space<vmem>>, vector<16xf32>,
        %scan3A_227 = arith.constant 0 : i32
        scf.yield %scan3A_227 : i32
      }
      %scan3A_144 = arith.constant 16 : i32
      %broadcast_in_dim3A_145 = arith.constant -3.000000e+38 : f32
      %broadcast_in_dim3A_146 = vector.broadcast %broadcast_in_dim3A_145 : f32 to vector<16xf32>
      %while3A_147 = arith.constant 0 : i32
      %while3A_148 = arith.subi %shift_right_arithmetic3A_70, %while3A_147 : i32
      %while3A_149 = arith.addi %while3A_147, %while3A_148 : i32
      %while3A_150 = arith.constant 1 : i32
      %while3A_151 = arith.divsi %while3A_148, %while3A_150 : i32
      %while3A_152 = arith.muli %while3A_151, %while3A_150 : i32
      %while3A_153 = arith.addi %while3A_147, %while3A_152 : i32
      %while3A_154 = arith.constant 1 : i32
      %while3A_155:8 = scf.for %while3A_161 = %while3A_147 to %while3A_153 step %while3A_154 iter_args(%while3A_162 = %broadcast_in_dim3A_146, %while3A_163 = %broadcast_in_dim3A_146, %while3A_164 = %broadcast_in_dim3A_146, %while3A_165 = %broadcast_in_dim3A_146, %while3A_166 = %broadcast_in_dim3A_146, %while3A_167 = %broadcast_in_dim3A_146, %while3A_168 = %broadcast_in_dim3A_146, %while3A_169 = %broadcast_in_dim3A_146) -> (vector<16xf32>, vector<16xf32>, vector<16xf32>, vector<16xf32>, vector<16xf32>, vector<16xf32>, vector<16xf32>, vector<16xf32>)  : i32 {
        %mul3A_170 = arith.constant 16 : i32
        %mul3A_171 = arith.muli %while3A_161, %mul3A_170 : i32
        %get3A_172 = arith.index_cast %mul3A_171 : i32 to index
        %get3A_173 = tpu.vector_load %arg14[%get3A_172] {strides = array<i32>} : memref<1072xi32, #tpu.memory_space<vmem>>, vector<16xi32>,
        %mul3A_174 = arith.constant 16 : i32
        %mul3A_175 = arith.muli %while3A_161, %mul3A_174 : i32
        %get3A_176 = arith.index_cast %mul3A_175 : i32 to index
        %get3A_177 = tpu.vector_load %arg16[%get3A_176] {strides = array<i32>} : memref<544xi32, #tpu.memory_space<vmem>>, vector<16xi32>,
        %slice3A = vector.extract_strided_slice %get3A_173 {offsets = [0], sizes = [1], strides = [1]} : vector<16xi32> to vector<1xi32>
        %squeeze3A = vector.extract %slice3A[0] : i32 from vector<1xi32>
        %get3A_178 = arith.index_cast %squeeze3A : i32 to index
        %get3A_179 = arith.constant 0 : index
        %get3A_180 = tpu.vector_load %arg12[%get3A_178, %get3A_179] {strides = array<i32>} : memref<513x128xf32, #tpu.memory_space<vmem>>, vector<16xf32>,
        %max3A = arith.maximumf %while3A_162, %get3A_180 : vector<16xf32>
        %get3A_181 = arith.index_cast %squeeze3A : i32 to index
        %get3A_182 = arith.constant 16 : index
        %get3A_183 = tpu.vector_load %arg12[%get3A_181, %get3A_182] {strides = array<i32>} : memref<513x128xf32, #tpu.memory_space<vmem>>, vector<16xf32>,
        %max3A_184 = arith.maximumf %while3A_163, %get3A_183 : vector<16xf32>
        %get3A_185 = arith.index_cast %squeeze3A : i32 to index
        %get3A_186 = arith.constant 32 : index
        %get3A_187 = tpu.vector_load %arg12[%get3A_185, %get3A_186] {strides = array<i32>} : memref<513x128xf32, #tpu.memory_space<vmem>>, vector<16xf32>,
        %max3A_188 = arith.maximumf %while3A_164, %get3A_187 : vector<16xf32>
        %get3A_189 = arith.index_cast %squeeze3A : i32 to index
        %get3A_190 = arith.constant 48 : index
        %get3A_191 = tpu.vector_load %arg12[%get3A_189, %get3A_190] {strides = array<i32>} : memref<513x128xf32, #tpu.memory_space<vmem>>, vector<16xf32>,
        %max3A_192 = arith.maximumf %while3A_165, %get3A_191 : vector<16xf32>
        %get3A_193 = arith.index_cast %squeeze3A : i32 to index
        %get3A_194 = arith.constant 64 : index
        %get3A_195 = tpu.vector_load %arg12[%get3A_193, %get3A_194] {strides = array<i32>} : memref<513x128xf32, #tpu.memory_space<vmem>>, vector<16xf32>,
        %max3A_196 = arith.maximumf %while3A_166, %get3A_195 : vector<16xf32>
        %get3A_197 = arith.index_cast %squeeze3A : i32 to index
        %get3A_198 = arith.constant 80 : index
        %get3A_199 = tpu.vector_load %arg12[%get3A_197, %get3A_198] {strides = array<i32>} : memref<513x128xf32, #tpu.memory_space<vmem>>, vector<16xf32>,
        %max3A_200 = arith.maximumf %while3A_167, %get3A_199 : vector<16xf32>
        %get3A_201 = arith.index_cast %squeeze3A : i32 to index
        %get3A_202 = arith.constant 96 : index
        %get3A_203 = tpu.vector_load %arg12[%get3A_201, %get3A_202] {strides = array<i32>} : memref<513x128xf32, #tpu.memory_space<vmem>>, vector<16xf32>,
        %max3A_204 = arith.maximumf %while3A_168, %get3A_203 : vector<16xf32>
        %get3A_205 = arith.index_cast %squeeze3A : i32 to index
        %get3A_206 = arith.constant 112 : index
        %get3A_207 = tpu.vector_load %arg12[%get3A_205, %get3A_206] {strides = array<i32>} : memref<513x128xf32, #tpu.memory_space<vmem>>, vector<16xf32>,
        %max3A_208 = arith.maximumf %while3A_169, %get3A_207 : vector<16xf32>
        %slice3A_209 = vector.extract_strided_slice %get3A_177 {offsets = [0], sizes = [1], strides = [1]} : vector<16xi32> to vector<1xi32>
        %squeeze3A_210 = vector.extract %slice3A_209[0] : i32 from vector<1xi32>
        %lt3A = arith.constant 16 : i32
        %lt3A_211 = arith.cmpi slt, %squeeze3A_210, %lt3A : i32
        %mul3A_212 = arith.constant 16 : i32
        %mul3A_213 = arith.muli %and3A_137, %mul3A_212 : i32
        %add3A_214 = arith.addi %mul3A_213, %squeeze3A_210 : i32
        %jit3A = arith.constant 64 : i32
        %select_n3A = arith.select %lt3A_211, %add3A_214, %jit3A : i32
        %swap3A_215 = arith.index_cast %select_n3A : i32 to index
        %swap3A_216 = arith.constant 0 : index
        %swap3A_217 = tpu.vector_load %arg17[%swap3A_215, %swap3A_216] {strides = array<i32>} : memref<65x128xf32, #tpu.memory_space<vmem>>, vector<16xf32>,
        tpu.vector_store %arg17[%swap3A_215, %swap3A_216], %max3A {strides = array<i32>} : memref<65x128xf32, #tpu.memory_space<vmem>>, vector<16xf32>,
        %swap3A_218 = arith.index_cast %select_n3A : i32 to index
        %swap3A_219 = arith.constant 16 : index
        %swap3A_220 = tpu.vector_load %arg17[%swap3A_218, %swap3A_219] {strides = array<i32>} : memref<65x128xf32, #tpu.memory_space<vmem>>, vector<16xf32>,
        tpu.vector_store %arg17[%swap3A_218, %swap3A_219], %max3A_184 {strides = array<i32>} : memref<65x128xf32, #tpu.memory_space<vmem>>, vector<16xf32>,
        %swap3A_221 = arith.index_cast %select_n3A : i32 to index
        %swap3A_222 = arith.constant 32 : index
        %swap3A_223 = tpu.vector_load %arg17[%swap3A_221, %swap3A_222] {strides = array<i32>} : memref<65x128xf32, #tpu.memory_space<vmem>>, vector<16xf32>,
        tpu.vector_store %arg17[%swap3A_221, %swap3A_222], %max3A_188 {strides = array<i32>} : memref<65x128xf32, #tpu.memory_space<vmem>>, vector<16xf32>,
        %swap3A_224 = arith.index_cast %select_n3A : i32 to index
        %swap3A_225 = arith.constant 48 : index
        %swap3A_226 = tpu.vector_load %arg17[%swap3A_224, %swap3A_225] {strides = array<i32>} : memref<65x128xf32, #tpu.memory_space<vmem>>, vector<16xf32>,
        tpu.vector_store %arg17[%swap3A_224, %swap3A_225], %max3A_192 {strides = array<i32>} : memref<65x128xf32, #tpu.memory_space<vmem>>, vector<16xf32>,
        %swap3A_227 = arith.index_cast %select_n3A : i32 to index
        %swap3A_228 = arith.constant 64 : index
        %swap3A_229 = tpu.vector_load %arg17[%swap3A_227, %swap3A_228] {strides = array<i32>} : memref<65x128xf32, #tpu.memory_space<vmem>>, vector<16xf32>,
        tpu.vector_store %arg17[%swap3A_227, %swap3A_228], %max3A_196 {strides = array<i32>} : memref<65x128xf32, #tpu.memory_space<vmem>>, vector<16xf32>,
        %swap3A_230 = arith.index_cast %select_n3A : i32 to index
        %swap3A_231 = arith.constant 80 : index
        %swap3A_232 = tpu.vector_load %arg17[%swap3A_230, %swap3A_231] {strides = array<i32>} : memref<65x128xf32, #tpu.memory_space<vmem>>, vector<16xf32>,
        tpu.vector_store %arg17[%swap3A_230, %swap3A_231], %max3A_200 {strides = array<i32>} : memref<65x128xf32, #tpu.memory_space<vmem>>, vector<16xf32>,
        %swap3A_233 = arith.index_cast %select_n3A : i32 to index
        %swap3A_234 = arith.constant 96 : index
        %swap3A_235 = tpu.vector_load %arg17[%swap3A_233, %swap3A_234] {strides = array<i32>} : memref<65x128xf32, #tpu.memory_space<vmem>>, vector<16xf32>,
        tpu.vector_store %arg17[%swap3A_233, %swap3A_234], %max3A_204 {strides = array<i32>} : memref<65x128xf32, #tpu.memory_space<vmem>>, vector<16xf32>,
        %swap3A_236 = arith.index_cast %select_n3A : i32 to index
        %swap3A_237 = arith.constant 112 : index
        %swap3A_238 = tpu.vector_load %arg17[%swap3A_236, %swap3A_237] {strides = array<i32>} : memref<65x128xf32, #tpu.memory_space<vmem>>, vector<16xf32>,
        tpu.vector_store %arg17[%swap3A_236, %swap3A_237], %max3A_208 {strides = array<i32>} : memref<65x128xf32, #tpu.memory_space<vmem>>, vector<16xf32>,
        %lt3A_239 = arith.constant 16 : i32
        %lt3A_240 = arith.cmpi slt, %squeeze3A_210, %lt3A_239 : i32
        %broadcast_in_dim3A_241 = vector.broadcast %lt3A_240 : i1 to vector<16xi1>
        %select_n3A_242 = arith.select %broadcast_in_dim3A_241, %broadcast_in_dim3A_146, %max3A : vector<16xi1>, vector<16xf32>
        %select_n3A_243 = arith.select %broadcast_in_dim3A_241, %broadcast_in_dim3A_146, %max3A_184 : vector<16xi1>, vector<16xf32>
        %select_n3A_244 = arith.select %broadcast_in_dim3A_241, %broadcast_in_dim3A_146, %max3A_188 : vector<16xi1>, vector<16xf32>
        %select_n3A_245 = arith.select %broadcast_in_dim3A_241, %broadcast_in_dim3A_146, %max3A_192 : vector<16xi1>, vector<16xf32>
        %select_n3A_246 = arith.select %broadcast_in_dim3A_241, %broadcast_in_dim3A_146, %max3A_196 : vector<16xi1>, vector<16xf32>
        %select_n3A_247 = arith.select %broadcast_in_dim3A_241, %broadcast_in_dim3A_146, %max3A_200 : vector<16xi1>, vector<16xf32>
        %select_n3A_248 = arith.select %broadcast_in_dim3A_241, %broadcast_in_dim3A_146, %max3A_204 : vector<16xi1>, vector<16xf32>
        %select_n3A_249 = arith.select %broadcast_in_dim3A_241, %broadcast_in_dim3A_146, %max3A_208 : vector<16xi1>, vector<16xf32>
        %slice3A_250 = vector.extract_strided_slice %get3A_173 {offsets = [1], sizes = [1], strides = [1]} : vector<16xi32> to vector<1xi32>
        %squeeze3A_251 = vector.extract %slice3A_250[0] : i32 from vector<1xi32>
        %get3A_252 = arith.index_cast %squeeze3A_251 : i32 to index
        %get3A_253 = arith.constant 0 : index
        %get3A_254 = tpu.vector_load %arg12[%get3A_252, %get3A_253] {strides = array<i32>} : memref<513x128xf32, #tpu.memory_space<vmem>>, vector<16xf32>,
        %max3A_255 = arith.maximumf %select_n3A_242, %get3A_254 : vector<16xf32>
        %get3A_256 = arith.index_cast %squeeze3A_251 : i32 to index
        %get3A_257 = arith.constant 16 : index
        %get3A_258 = tpu.vector_load %arg12[%get3A_256, %get3A_257] {strides = array<i32>} : memref<513x128xf32, #tpu.memory_space<vmem>>, vector<16xf32>,
        %max3A_259 = arith.maximumf %select_n3A_243, %get3A_258 : vector<16xf32>
        %get3A_260 = arith.index_cast %squeeze3A_251 : i32 to index
        %get3A_261 = arith.constant 32 : index
        %get3A_262 = tpu.vector_load %arg12[%get3A_260, %get3A_261] {strides = array<i32>} : memref<513x128xf32, #tpu.memory_space<vmem>>, vector<16xf32>,
        %max3A_263 = arith.maximumf %select_n3A_244, %get3A_262 : vector<16xf32>
        %get3A_264 = arith.index_cast %squeeze3A_251 : i32 to index
        %get3A_265 = arith.constant 48 : index
        %get3A_266 = tpu.vector_load %arg12[%get3A_264, %get3A_265] {strides = array<i32>} : memref<513x128xf32, #tpu.memory_space<vmem>>, vector<16xf32>,
        %max3A_267 = arith.maximumf %select_n3A_245, %get3A_266 : vector<16xf32>
        %get3A_268 = arith.index_cast %squeeze3A_251 : i32 to index
        %get3A_269 = arith.constant 64 : index
        %get3A_270 = tpu.vector_load %arg12[%get3A_268, %get3A_269] {strides = array<i32>} : memref<513x128xf32, #tpu.memory_space<vmem>>, vector<16xf32>,
        %max3A_271 = arith.maximumf %select_n3A_246, %get3A_270 : vector<16xf32>
        %get3A_272 = arith.index_cast %squeeze3A_251 : i32 to index
        %get3A_273 = arith.constant 80 : index
        %get3A_274 = tpu.vector_load %arg12[%get3A_272, %get3A_273] {strides = array<i32>} : memref<513x128xf32, #tpu.memory_space<vmem>>, vector<16xf32>,
        %max3A_275 = arith.maximumf %select_n3A_247, %get3A_274 : vector<16xf32>
        %get3A_276 = arith.index_cast %squeeze3A_251 : i32 to index
        %get3A_277 = arith.constant 96 : index
        %get3A_278 = tpu.vector_load %arg12[%get3A_276, %get3A_277] {strides = array<i32>} : memref<513x128xf32, #tpu.memory_space<vmem>>, vector<16xf32>,
        %max3A_279 = arith.maximumf %select_n3A_248, %get3A_278 : vector<16xf32>
        %get3A_280 = arith.index_cast %squeeze3A_251 : i32 to index
        %get3A_281 = arith.constant 112 : index
        %get3A_282 = tpu.vector_load %arg12[%get3A_280, %get3A_281] {strides = array<i32>} : memref<513x128xf32, #tpu.memory_space<vmem>>, vector<16xf32>,
        %max3A_283 = arith.maximumf %select_n3A_249, %get3A_282 : vector<16xf32>
        %slice3A_284 = vector.extract_strided_slice %get3A_177 {offsets = [1], sizes = [1], strides = [1]} : vector<16xi32> to vector<1xi32>
        %squeeze3A_285 = vector.extract %slice3A_284[0] : i32 from vector<1xi32>
        %lt3A_286 = arith.constant 16 : i32
        %lt3A_287 = arith.cmpi slt, %squeeze3A_285, %lt3A_286 : i32
        %mul3A_288 = arith.constant 16 : i32
        %mul3A_289 = arith.muli %and3A_137, %mul3A_288 : i32
        %add3A_290 = arith.addi %mul3A_289, %squeeze3A_285 : i32
        %jit3A_291 = arith.constant 64 : i32
        %select_n3A_292 = arith.select %lt3A_287, %add3A_290, %jit3A_291 : i32
        %swap3A_293 = arith.index_cast %select_n3A_292 : i32 to index
        %swap3A_294 = arith.constant 0 : index
        %swap3A_295 = tpu.vector_load %arg17[%swap3A_293, %swap3A_294] {strides = array<i32>} : memref<65x128xf32, #tpu.memory_space<vmem>>, vector<16xf32>,
        tpu.vector_store %arg17[%swap3A_293, %swap3A_294], %max3A_255 {strides = array<i32>} : memref<65x128xf32, #tpu.memory_space<vmem>>, vector<16xf32>,
        %swap3A_296 = arith.index_cast %select_n3A_292 : i32 to index
        %swap3A_297 = arith.constant 16 : index
        %swap3A_298 = tpu.vector_load %arg17[%swap3A_296, %swap3A_297] {strides = array<i32>} : memref<65x128xf32, #tpu.memory_space<vmem>>, vector<16xf32>,
        tpu.vector_store %arg17[%swap3A_296, %swap3A_297], %max3A_259 {strides = array<i32>} : memref<65x128xf32, #tpu.memory_space<vmem>>, vector<16xf32>,
        %swap3A_299 = arith.index_cast %select_n3A_292 : i32 to index
        %swap3A_300 = arith.constant 32 : index
        %swap3A_301 = tpu.vector_load %arg17[%swap3A_299, %swap3A_300] {strides = array<i32>} : memref<65x128xf32, #tpu.memory_space<vmem>>, vector<16xf32>,
        tpu.vector_store %arg17[%swap3A_299, %swap3A_300], %max3A_263 {strides = array<i32>} : memref<65x128xf32, #tpu.memory_space<vmem>>, vector<16xf32>,
        %swap3A_302 = arith.index_cast %select_n3A_292 : i32 to index
        %swap3A_303 = arith.constant 48 : index
        %swap3A_304 = tpu.vector_load %arg17[%swap3A_302, %swap3A_303] {strides = array<i32>} : memref<65x128xf32, #tpu.memory_space<vmem>>, vector<16xf32>,
        tpu.vector_store %arg17[%swap3A_302, %swap3A_303], %max3A_267 {strides = array<i32>} : memref<65x128xf32, #tpu.memory_space<vmem>>, vector<16xf32>,
        %swap3A_305 = arith.index_cast %select_n3A_292 : i32 to index
        %swap3A_306 = arith.constant 64 : index
        %swap3A_307 = tpu.vector_load %arg17[%swap3A_305, %swap3A_306] {strides = array<i32>} : memref<65x128xf32, #tpu.memory_space<vmem>>, vector<16xf32>,
        tpu.vector_store %arg17[%swap3A_305, %swap3A_306], %max3A_271 {strides = array<i32>} : memref<65x128xf32, #tpu.memory_space<vmem>>, vector<16xf32>,
        %swap3A_308 = arith.index_cast %select_n3A_292 : i32 to index
        %swap3A_309 = arith.constant 80 : index
        %swap3A_310 = tpu.vector_load %arg17[%swap3A_308, %swap3A_309] {strides = array<i32>} : memref<65x128xf32, #tpu.memory_space<vmem>>, vector<16xf32>,
        tpu.vector_store %arg17[%swap3A_308, %swap3A_309], %max3A_275 {strides = array<i32>} : memref<65x128xf32, #tpu.memory_space<vmem>>, vector<16xf32>,
        %swap3A_311 = arith.index_cast %select_n3A_292 : i32 to index
        %swap3A_312 = arith.constant 96 : index
        %swap3A_313 = tpu.vector_load %arg17[%swap3A_311, %swap3A_312] {strides = array<i32>} : memref<65x128xf32, #tpu.memory_space<vmem>>, vector<16xf32>,
        tpu.vector_store %arg17[%swap3A_311, %swap3A_312], %max3A_279 {strides = array<i32>} : memref<65x128xf32, #tpu.memory_space<vmem>>, vector<16xf32>,
        %swap3A_314 = arith.index_cast %select_n3A_292 : i32 to index
        %swap3A_315 = arith.constant 112 : index
        %swap3A_316 = tpu.vector_load %arg17[%swap3A_314, %swap3A_315] {strides = array<i32>} : memref<65x128xf32, #tpu.memory_space<vmem>>, vector<16xf32>,
        tpu.vector_store %arg17[%swap3A_314, %swap3A_315], %max3A_283 {strides = array<i32>} : memref<65x128xf32, #tpu.memory_space<vmem>>, vector<16xf32>,
        %lt3A_317 = arith.constant 16 : i32
        %lt3A_318 = arith.cmpi slt, %squeeze3A_285, %lt3A_317 : i32
        %broadcast_in_dim3A_319 = vector.broadcast %lt3A_318 : i1 to vector<16xi1>
        %select_n3A_320 = arith.select %broadcast_in_dim3A_319, %broadcast_in_dim3A_146, %max3A_255 : vector<16xi1>, vector<16xf32>
        %select_n3A_321 = arith.select %broadcast_in_dim3A_319, %broadcast_in_dim3A_146, %max3A_259 : vector<16xi1>, vector<16xf32>
        %select_n3A_322 = arith.select %broadcast_in_dim3A_319, %broadcast_in_dim3A_146, %max3A_263 : vector<16xi1>, vector<16xf32>
        %select_n3A_323 = arith.select %broadcast_in_dim3A_319, %broadcast_in_dim3A_146, %max3A_267 : vector<16xi1>, vector<16xf32>
        %select_n3A_324 = arith.select %broadcast_in_dim3A_319, %broadcast_in_dim3A_146, %max3A_271 : vector<16xi1>, vector<16xf32>
        %select_n3A_325 = arith.select %broadcast_in_dim3A_319, %broadcast_in_dim3A_146, %max3A_275 : vector<16xi1>, vector<16xf32>
        %select_n3A_326 = arith.select %broadcast_in_dim3A_319, %broadcast_in_dim3A_146, %max3A_279 : vector<16xi1>, vector<16xf32>
        %select_n3A_327 = arith.select %broadcast_in_dim3A_319, %broadcast_in_dim3A_146, %max3A_283 : vector<16xi1>, vector<16xf32>
        %slice3A_328 = vector.extract_strided_slice %get3A_173 {offsets = [2], sizes = [1], strides = [1]} : vector<16xi32> to vector<1xi32>
        %squeeze3A_329 = vector.extract %slice3A_328[0] : i32 from vector<1xi32>
        %get3A_330 = arith.index_cast %squeeze3A_329 : i32 to index
        %get3A_331 = arith.constant 0 : index
        %get3A_332 = tpu.vector_load %arg12[%get3A_330, %get3A_331] {strides = array<i32>} : memref<513x128xf32, #tpu.memory_space<vmem>>, vector<16xf32>,
        %max3A_333 = arith.maximumf %select_n3A_320, %get3A_332 : vector<16xf32>
        %get3A_334 = arith.index_cast %squeeze3A_329 : i32 to index
        %get3A_335 = arith.constant 16 : index
        %get3A_336 = tpu.vector_load %arg12[%get3A_334, %get3A_335] {strides = array<i32>} : memref<513x128xf32, #tpu.memory_space<vmem>>, vector<16xf32>,
        %max3A_337 = arith.maximumf %select_n3A_321, %get3A_336 : vector<16xf32>
        %get3A_338 = arith.index_cast %squeeze3A_329 : i32 to index
        %get3A_339 = arith.constant 32 : index
        %get3A_340 = tpu.vector_load %arg12[%get3A_338, %get3A_339] {strides = array<i32>} : memref<513x128xf32, #tpu.memory_space<vmem>>, vector<16xf32>,
        %max3A_341 = arith.maximumf %select_n3A_322, %get3A_340 : vector<16xf32>
        %get3A_342 = arith.index_cast %squeeze3A_329 : i32 to index
        %get3A_343 = arith.constant 48 : index
        %get3A_344 = tpu.vector_load %arg12[%get3A_342, %get3A_343] {strides = array<i32>} : memref<513x128xf32, #tpu.memory_space<vmem>>, vector<16xf32>,
        %max3A_345 = arith.maximumf %select_n3A_323, %get3A_344 : vector<16xf32>
        %get3A_346 = arith.index_cast %squeeze3A_329 : i32 to index
        %get3A_347 = arith.constant 64 : index
        %get3A_348 = tpu.vector_load %arg12[%get3A_346, %get3A_347] {strides = array<i32>} : memref<513x128xf32, #tpu.memory_space<vmem>>, vector<16xf32>,
        %max3A_349 = arith.maximumf %select_n3A_324, %get3A_348 : vector<16xf32>
        %get3A_350 = arith.index_cast %squeeze3A_329 : i32 to index
        %get3A_351 = arith.constant 80 : index
        %get3A_352 = tpu.vector_load %arg12[%get3A_350, %get3A_351] {strides = array<i32>} : memref<513x128xf32, #tpu.memory_space<vmem>>, vector<16xf32>,
        %max3A_353 = arith.maximumf %select_n3A_325, %get3A_352 : vector<16xf32>
        %get3A_354 = arith.index_cast %squeeze3A_329 : i32 to index
        %get3A_355 = arith.constant 96 : index
        %get3A_356 = tpu.vector_load %arg12[%get3A_354, %get3A_355] {strides = array<i32>} : memref<513x128xf32, #tpu.memory_space<vmem>>, vector<16xf32>,
        %max3A_357 = arith.maximumf %select_n3A_326, %get3A_356 : vector<16xf32>
        %get3A_358 = arith.index_cast %squeeze3A_329 : i32 to index
        %get3A_359 = arith.constant 112 : index
        %get3A_360 = tpu.vector_load %arg12[%get3A_358, %get3A_359] {strides = array<i32>} : memref<513x128xf32, #tpu.memory_space<vmem>>, vector<16xf32>,
        %max3A_361 = arith.maximumf %select_n3A_327, %get3A_360 : vector<16xf32>
        %slice3A_362 = vector.extract_strided_slice %get3A_177 {offsets = [2], sizes = [1], strides = [1]} : vector<16xi32> to vector<1xi32>
        %squeeze3A_363 = vector.extract %slice3A_362[0] : i32 from vector<1xi32>
        %lt3A_364 = arith.constant 16 : i32
        %lt3A_365 = arith.cmpi slt, %squeeze3A_363, %lt3A_364 : i32
        %mul3A_366 = arith.constant 16 : i32
        %mul3A_367 = arith.muli %and3A_137, %mul3A_366 : i32
        %add3A_368 = arith.addi %mul3A_367, %squeeze3A_363 : i32
        %jit3A_369 = arith.constant 64 : i32
        %select_n3A_370 = arith.select %lt3A_365, %add3A_368, %jit3A_369 : i32
        %swap3A_371 = arith.index_cast %select_n3A_370 : i32 to index
        %swap3A_372 = arith.constant 0 : index
        %swap3A_373 = tpu.vector_load %arg17[%swap3A_371, %swap3A_372] {strides = array<i32>} : memref<65x128xf32, #tpu.memory_space<vmem>>, vector<16xf32>,
        tpu.vector_store %arg17[%swap3A_371, %swap3A_372], %max3A_333 {strides = array<i32>} : memref<65x128xf32, #tpu.memory_space<vmem>>, vector<16xf32>,
        %swap3A_374 = arith.index_cast %select_n3A_370 : i32 to index
        %swap3A_375 = arith.constant 16 : index
        %swap3A_376 = tpu.vector_load %arg17[%swap3A_374, %swap3A_375] {strides = array<i32>} : memref<65x128xf32, #tpu.memory_space<vmem>>, vector<16xf32>,
        tpu.vector_store %arg17[%swap3A_374, %swap3A_375], %max3A_337 {strides = array<i32>} : memref<65x128xf32, #tpu.memory_space<vmem>>, vector<16xf32>,
        %swap3A_377 = arith.index_cast %select_n3A_370 : i32 to index
        %swap3A_378 = arith.constant 32 : index
        %swap3A_379 = tpu.vector_load %arg17[%swap3A_377, %swap3A_378] {strides = array<i32>} : memref<65x128xf32, #tpu.memory_space<vmem>>, vector<16xf32>,
        tpu.vector_store %arg17[%swap3A_377, %swap3A_378], %max3A_341 {strides = array<i32>} : memref<65x128xf32, #tpu.memory_space<vmem>>, vector<16xf32>,
        %swap3A_380 = arith.index_cast %select_n3A_370 : i32 to index
        %swap3A_381 = arith.constant 48 : index
        %swap3A_382 = tpu.vector_load %arg17[%swap3A_380, %swap3A_381] {strides = array<i32>} : memref<65x128xf32, #tpu.memory_space<vmem>>, vector<16xf32>,
        tpu.vector_store %arg17[%swap3A_380, %swap3A_381], %max3A_345 {strides = array<i32>} : memref<65x128xf32, #tpu.memory_space<vmem>>, vector<16xf32>,
        %swap3A_383 = arith.index_cast %select_n3A_370 : i32 to index
        %swap3A_384 = arith.constant 64 : index
        %swap3A_385 = tpu.vector_load %arg17[%swap3A_383, %swap3A_384] {strides = array<i32>} : memref<65x128xf32, #tpu.memory_space<vmem>>, vector<16xf32>,
        tpu.vector_store %arg17[%swap3A_383, %swap3A_384], %max3A_349 {strides = array<i32>} : memref<65x128xf32, #tpu.memory_space<vmem>>, vector<16xf32>,
        %swap3A_386 = arith.index_cast %select_n3A_370 : i32 to index
        %swap3A_387 = arith.constant 80 : index
        %swap3A_388 = tpu.vector_load %arg17[%swap3A_386, %swap3A_387] {strides = array<i32>} : memref<65x128xf32, #tpu.memory_space<vmem>>, vector<16xf32>,
        tpu.vector_store %arg17[%swap3A_386, %swap3A_387], %max3A_353 {strides = array<i32>} : memref<65x128xf32, #tpu.memory_space<vmem>>, vector<16xf32>,
        %swap3A_389 = arith.index_cast %select_n3A_370 : i32 to index
        %swap3A_390 = arith.constant 96 : index
        %swap3A_391 = tpu.vector_load %arg17[%swap3A_389, %swap3A_390] {strides = array<i32>} : memref<65x128xf32, #tpu.memory_space<vmem>>, vector<16xf32>,
        tpu.vector_store %arg17[%swap3A_389, %swap3A_390], %max3A_357 {strides = array<i32>} : memref<65x128xf32, #tpu.memory_space<vmem>>, vector<16xf32>,
        %swap3A_392 = arith.index_cast %select_n3A_370 : i32 to index
        %swap3A_393 = arith.constant 112 : index
        %swap3A_394 = tpu.vector_load %arg17[%swap3A_392, %swap3A_393] {strides = array<i32>} : memref<65x128xf32, #tpu.memory_space<vmem>>, vector<16xf32>,
        tpu.vector_store %arg17[%swap3A_392, %swap3A_393], %max3A_361 {strides = array<i32>} : memref<65x128xf32, #tpu.memory_space<vmem>>, vector<16xf32>,
        %lt3A_395 = arith.constant 16 : i32
        %lt3A_396 = arith.cmpi slt, %squeeze3A_363, %lt3A_395 : i32
        %broadcast_in_dim3A_397 = vector.broadcast %lt3A_396 : i1 to vector<16xi1>
        %select_n3A_398 = arith.select %broadcast_in_dim3A_397, %broadcast_in_dim3A_146, %max3A_333 : vector<16xi1>, vector<16xf32>
        %select_n3A_399 = arith.select %broadcast_in_dim3A_397, %broadcast_in_dim3A_146, %max3A_337 : vector<16xi1>, vector<16xf32>
        %select_n3A_400 = arith.select %broadcast_in_dim3A_397, %broadcast_in_dim3A_146, %max3A_341 : vector<16xi1>, vector<16xf32>
        %select_n3A_401 = arith.select %broadcast_in_dim3A_397, %broadcast_in_dim3A_146, %max3A_345 : vector<16xi1>, vector<16xf32>
        %select_n3A_402 = arith.select %broadcast_in_dim3A_397, %broadcast_in_dim3A_146, %max3A_349 : vector<16xi1>, vector<16xf32>
        %select_n3A_403 = arith.select %broadcast_in_dim3A_397, %broadcast_in_dim3A_146, %max3A_353 : vector<16xi1>, vector<16xf32>
        %select_n3A_404 = arith.select %broadcast_in_dim3A_397, %broadcast_in_dim3A_146, %max3A_357 : vector<16xi1>, vector<16xf32>
        %select_n3A_405 = arith.select %broadcast_in_dim3A_397, %broadcast_in_dim3A_146, %max3A_361 : vector<16xi1>, vector<16xf32>
        %slice3A_406 = vector.extract_strided_slice %get3A_173 {offsets = [3], sizes = [1], strides = [1]} : vector<16xi32> to vector<1xi32>
        %squeeze3A_407 = vector.extract %slice3A_406[0] : i32 from vector<1xi32>
        %get3A_408 = arith.index_cast %squeeze3A_407 : i32 to index
        %get3A_409 = arith.constant 0 : index
        %get3A_410 = tpu.vector_load %arg12[%get3A_408, %get3A_409] {strides = array<i32>} : memref<513x128xf32, #tpu.memory_space<vmem>>, vector<16xf32>,
        %max3A_411 = arith.maximumf %select_n3A_398, %get3A_410 : vector<16xf32>
        %get3A_412 = arith.index_cast %squeeze3A_407 : i32 to index
        %get3A_413 = arith.constant 16 : index
        %get3A_414 = tpu.vector_load %arg12[%get3A_412, %get3A_413] {strides = array<i32>} : memref<513x128xf32, #tpu.memory_space<vmem>>, vector<16xf32>,
        %max3A_415 = arith.maximumf %select_n3A_399, %get3A_414 : vector<16xf32>
        %get3A_416 = arith.index_cast %squeeze3A_407 : i32 to index
        %get3A_417 = arith.constant 32 : index
        %get3A_418 = tpu.vector_load %arg12[%get3A_416, %get3A_417] {strides = array<i32>} : memref<513x128xf32, #tpu.memory_space<vmem>>, vector<16xf32>,
        %max3A_419 = arith.maximumf %select_n3A_400, %get3A_418 : vector<16xf32>
        %get3A_420 = arith.index_cast %squeeze3A_407 : i32 to index
        %get3A_421 = arith.constant 48 : index
        %get3A_422 = tpu.vector_load %arg12[%get3A_420, %get3A_421] {strides = array<i32>} : memref<513x128xf32, #tpu.memory_space<vmem>>, vector<16xf32>,
        %max3A_423 = arith.maximumf %select_n3A_401, %get3A_422 : vector<16xf32>
        %get3A_424 = arith.index_cast %squeeze3A_407 : i32 to index
        %get3A_425 = arith.constant 64 : index
        %get3A_426 = tpu.vector_load %arg12[%get3A_424, %get3A_425] {strides = array<i32>} : memref<513x128xf32, #tpu.memory_space<vmem>>, vector<16xf32>,
        %max3A_427 = arith.maximumf %select_n3A_402, %get3A_426 : vector<16xf32>
        %get3A_428 = arith.index_cast %squeeze3A_407 : i32 to index
        %get3A_429 = arith.constant 80 : index
        %get3A_430 = tpu.vector_load %arg12[%get3A_428, %get3A_429] {strides = array<i32>} : memref<513x128xf32, #tpu.memory_space<vmem>>, vector<16xf32>,
        %max3A_431 = arith.maximumf %select_n3A_403, %get3A_430 : vector<16xf32>
        %get3A_432 = arith.index_cast %squeeze3A_407 : i32 to index
        %get3A_433 = arith.constant 96 : index
        %get3A_434 = tpu.vector_load %arg12[%get3A_432, %get3A_433] {strides = array<i32>} : memref<513x128xf32, #tpu.memory_space<vmem>>, vector<16xf32>,
        %max3A_435 = arith.maximumf %select_n3A_404, %get3A_434 : vector<16xf32>
        %get3A_436 = arith.index_cast %squeeze3A_407 : i32 to index
        %get3A_437 = arith.constant 112 : index
        %get3A_438 = tpu.vector_load %arg12[%get3A_436, %get3A_437] {strides = array<i32>} : memref<513x128xf32, #tpu.memory_space<vmem>>, vector<16xf32>,
        %max3A_439 = arith.maximumf %select_n3A_405, %get3A_438 : vector<16xf32>
        %slice3A_440 = vector.extract_strided_slice %get3A_177 {offsets = [3], sizes = [1], strides = [1]} : vector<16xi32> to vector<1xi32>
        %squeeze3A_441 = vector.extract %slice3A_440[0] : i32 from vector<1xi32>
        %lt3A_442 = arith.constant 16 : i32
        %lt3A_443 = arith.cmpi slt, %squeeze3A_441, %lt3A_442 : i32
        %mul3A_444 = arith.constant 16 : i32
        %mul3A_445 = arith.muli %and3A_137, %mul3A_444 : i32
        %add3A_446 = arith.addi %mul3A_445, %squeeze3A_441 : i32
        %jit3A_447 = arith.constant 64 : i32
        %select_n3A_448 = arith.select %lt3A_443, %add3A_446, %jit3A_447 : i32
        %swap3A_449 = arith.index_cast %select_n3A_448 : i32 to index
        %swap3A_450 = arith.constant 0 : index
        %swap3A_451 = tpu.vector_load %arg17[%swap3A_449, %swap3A_450] {strides = array<i32>} : memref<65x128xf32, #tpu.memory_space<vmem>>, vector<16xf32>,
        tpu.vector_store %arg17[%swap3A_449, %swap3A_450], %max3A_411 {strides = array<i32>} : memref<65x128xf32, #tpu.memory_space<vmem>>, vector<16xf32>,
        %swap3A_452 = arith.index_cast %select_n3A_448 : i32 to index
        %swap3A_453 = arith.constant 16 : index
        %swap3A_454 = tpu.vector_load %arg17[%swap3A_452, %swap3A_453] {strides = array<i32>} : memref<65x128xf32, #tpu.memory_space<vmem>>, vector<16xf32>,
        tpu.vector_store %arg17[%swap3A_452, %swap3A_453], %max3A_415 {strides = array<i32>} : memref<65x128xf32, #tpu.memory_space<vmem>>, vector<16xf32>,
        %swap3A_455 = arith.index_cast %select_n3A_448 : i32 to index
        %swap3A_456 = arith.constant 32 : index
        %swap3A_457 = tpu.vector_load %arg17[%swap3A_455, %swap3A_456] {strides = array<i32>} : memref<65x128xf32, #tpu.memory_space<vmem>>, vector<16xf32>,
        tpu.vector_store %arg17[%swap3A_455, %swap3A_456], %max3A_419 {strides = array<i32>} : memref<65x128xf32, #tpu.memory_space<vmem>>, vector<16xf32>,
        %swap3A_458 = arith.index_cast %select_n3A_448 : i32 to index
        %swap3A_459 = arith.constant 48 : index
        %swap3A_460 = tpu.vector_load %arg17[%swap3A_458, %swap3A_459] {strides = array<i32>} : memref<65x128xf32, #tpu.memory_space<vmem>>, vector<16xf32>,
        tpu.vector_store %arg17[%swap3A_458, %swap3A_459], %max3A_423 {strides = array<i32>} : memref<65x128xf32, #tpu.memory_space<vmem>>, vector<16xf32>,
        %swap3A_461 = arith.index_cast %select_n3A_448 : i32 to index
        %swap3A_462 = arith.constant 64 : index
        %swap3A_463 = tpu.vector_load %arg17[%swap3A_461, %swap3A_462] {strides = array<i32>} : memref<65x128xf32, #tpu.memory_space<vmem>>, vector<16xf32>,
        tpu.vector_store %arg17[%swap3A_461, %swap3A_462], %max3A_427 {strides = array<i32>} : memref<65x128xf32, #tpu.memory_space<vmem>>, vector<16xf32>,
        %swap3A_464 = arith.index_cast %select_n3A_448 : i32 to index
        %swap3A_465 = arith.constant 80 : index
        %swap3A_466 = tpu.vector_load %arg17[%swap3A_464, %swap3A_465] {strides = array<i32>} : memref<65x128xf32, #tpu.memory_space<vmem>>, vector<16xf32>,
        tpu.vector_store %arg17[%swap3A_464, %swap3A_465], %max3A_431 {strides = array<i32>} : memref<65x128xf32, #tpu.memory_space<vmem>>, vector<16xf32>,
        %swap3A_467 = arith.index_cast %select_n3A_448 : i32 to index
        %swap3A_468 = arith.constant 96 : index
        %swap3A_469 = tpu.vector_load %arg17[%swap3A_467, %swap3A_468] {strides = array<i32>} : memref<65x128xf32, #tpu.memory_space<vmem>>, vector<16xf32>,
        tpu.vector_store %arg17[%swap3A_467, %swap3A_468], %max3A_435 {strides = array<i32>} : memref<65x128xf32, #tpu.memory_space<vmem>>, vector<16xf32>,
        %swap3A_470 = arith.index_cast %select_n3A_448 : i32 to index
        %swap3A_471 = arith.constant 112 : index
        %swap3A_472 = tpu.vector_load %arg17[%swap3A_470, %swap3A_471] {strides = array<i32>} : memref<65x128xf32, #tpu.memory_space<vmem>>, vector<16xf32>,
        tpu.vector_store %arg17[%swap3A_470, %swap3A_471], %max3A_439 {strides = array<i32>} : memref<65x128xf32, #tpu.memory_space<vmem>>, vector<16xf32>,
        %lt3A_473 = arith.constant 16 : i32
        %lt3A_474 = arith.cmpi slt, %squeeze3A_441, %lt3A_473 : i32
        %broadcast_in_dim3A_475 = vector.broadcast %lt3A_474 : i1 to vector<16xi1>
        %select_n3A_476 = arith.select %broadcast_in_dim3A_475, %broadcast_in_dim3A_146, %max3A_411 : vector<16xi1>, vector<16xf32>
        %select_n3A_477 = arith.select %broadcast_in_dim3A_475, %broadcast_in_dim3A_146, %max3A_415 : vector<16xi1>, vector<16xf32>
        %select_n3A_478 = arith.select %broadcast_in_dim3A_475, %broadcast_in_dim3A_146, %max3A_419 : vector<16xi1>, vector<16xf32>
        %select_n3A_479 = arith.select %broadcast_in_dim3A_475, %broadcast_in_dim3A_146, %max3A_423 : vector<16xi1>, vector<16xf32>
        %select_n3A_480 = arith.select %broadcast_in_dim3A_475, %broadcast_in_dim3A_146, %max3A_427 : vector<16xi1>, vector<16xf32>
        %select_n3A_481 = arith.select %broadcast_in_dim3A_475, %broadcast_in_dim3A_146, %max3A_431 : vector<16xi1>, vector<16xf32>
        %select_n3A_482 = arith.select %broadcast_in_dim3A_475, %broadcast_in_dim3A_146, %max3A_435 : vector<16xi1>, vector<16xf32>
        %select_n3A_483 = arith.select %broadcast_in_dim3A_475, %broadcast_in_dim3A_146, %max3A_439 : vector<16xi1>, vector<16xf32>
        %slice3A_484 = vector.extract_strided_slice %get3A_173 {offsets = [4], sizes = [1], strides = [1]} : vector<16xi32> to vector<1xi32>
        %squeeze3A_485 = vector.extract %slice3A_484[0] : i32 from vector<1xi32>
        %get3A_486 = arith.index_cast %squeeze3A_485 : i32 to index
        %get3A_487 = arith.constant 0 : index
        %get3A_488 = tpu.vector_load %arg12[%get3A_486, %get3A_487] {strides = array<i32>} : memref<513x128xf32, #tpu.memory_space<vmem>>, vector<16xf32>,
        %max3A_489 = arith.maximumf %select_n3A_476, %get3A_488 : vector<16xf32>
        %get3A_490 = arith.index_cast %squeeze3A_485 : i32 to index
        %get3A_491 = arith.constant 16 : index
        %get3A_492 = tpu.vector_load %arg12[%get3A_490, %get3A_491] {strides = array<i32>} : memref<513x128xf32, #tpu.memory_space<vmem>>, vector<16xf32>,
        %max3A_493 = arith.maximumf %select_n3A_477, %get3A_492 : vector<16xf32>
        %get3A_494 = arith.index_cast %squeeze3A_485 : i32 to index
        %get3A_495 = arith.constant 32 : index
        %get3A_496 = tpu.vector_load %arg12[%get3A_494, %get3A_495] {strides = array<i32>} : memref<513x128xf32, #tpu.memory_space<vmem>>, vector<16xf32>,
        %max3A_497 = arith.maximumf %select_n3A_478, %get3A_496 : vector<16xf32>
        %get3A_498 = arith.index_cast %squeeze3A_485 : i32 to index
        %get3A_499 = arith.constant 48 : index
        %get3A_500 = tpu.vector_load %arg12[%get3A_498, %get3A_499] {strides = array<i32>} : memref<513x128xf32, #tpu.memory_space<vmem>>, vector<16xf32>,
        %max3A_501 = arith.maximumf %select_n3A_479, %get3A_500 : vector<16xf32>
        %get3A_502 = arith.index_cast %squeeze3A_485 : i32 to index
        %get3A_503 = arith.constant 64 : index
        %get3A_504 = tpu.vector_load %arg12[%get3A_502, %get3A_503] {strides = array<i32>} : memref<513x128xf32, #tpu.memory_space<vmem>>, vector<16xf32>,
        %max3A_505 = arith.maximumf %select_n3A_480, %get3A_504 : vector<16xf32>
        %get3A_506 = arith.index_cast %squeeze3A_485 : i32 to index
        %get3A_507 = arith.constant 80 : index
        %get3A_508 = tpu.vector_load %arg12[%get3A_506, %get3A_507] {strides = array<i32>} : memref<513x128xf32, #tpu.memory_space<vmem>>, vector<16xf32>,
        %max3A_509 = arith.maximumf %select_n3A_481, %get3A_508 : vector<16xf32>
        %get3A_510 = arith.index_cast %squeeze3A_485 : i32 to index
        %get3A_511 = arith.constant 96 : index
        %get3A_512 = tpu.vector_load %arg12[%get3A_510, %get3A_511] {strides = array<i32>} : memref<513x128xf32, #tpu.memory_space<vmem>>, vector<16xf32>,
        %max3A_513 = arith.maximumf %select_n3A_482, %get3A_512 : vector<16xf32>
        %get3A_514 = arith.index_cast %squeeze3A_485 : i32 to index
        %get3A_515 = arith.constant 112 : index
        %get3A_516 = tpu.vector_load %arg12[%get3A_514, %get3A_515] {strides = array<i32>} : memref<513x128xf32, #tpu.memory_space<vmem>>, vector<16xf32>,
        %max3A_517 = arith.maximumf %select_n3A_483, %get3A_516 : vector<16xf32>
        %slice3A_518 = vector.extract_strided_slice %get3A_177 {offsets = [4], sizes = [1], strides = [1]} : vector<16xi32> to vector<1xi32>
        %squeeze3A_519 = vector.extract %slice3A_518[0] : i32 from vector<1xi32>
        %lt3A_520 = arith.constant 16 : i32
        %lt3A_521 = arith.cmpi slt, %squeeze3A_519, %lt3A_520 : i32
        %mul3A_522 = arith.constant 16 : i32
        %mul3A_523 = arith.muli %and3A_137, %mul3A_522 : i32
        %add3A_524 = arith.addi %mul3A_523, %squeeze3A_519 : i32
        %jit3A_525 = arith.constant 64 : i32
        %select_n3A_526 = arith.select %lt3A_521, %add3A_524, %jit3A_525 : i32
        %swap3A_527 = arith.index_cast %select_n3A_526 : i32 to index
        %swap3A_528 = arith.constant 0 : index
        %swap3A_529 = tpu.vector_load %arg17[%swap3A_527, %swap3A_528] {strides = array<i32>} : memref<65x128xf32, #tpu.memory_space<vmem>>, vector<16xf32>,
        tpu.vector_store %arg17[%swap3A_527, %swap3A_528], %max3A_489 {strides = array<i32>} : memref<65x128xf32, #tpu.memory_space<vmem>>, vector<16xf32>,
        %swap3A_530 = arith.index_cast %select_n3A_526 : i32 to index
        %swap3A_531 = arith.constant 16 : index
        %swap3A_532 = tpu.vector_load %arg17[%swap3A_530, %swap3A_531] {strides = array<i32>} : memref<65x128xf32, #tpu.memory_space<vmem>>, vector<16xf32>,
        tpu.vector_store %arg17[%swap3A_530, %swap3A_531], %max3A_493 {strides = array<i32>} : memref<65x128xf32, #tpu.memory_space<vmem>>, vector<16xf32>,
        %swap3A_533 = arith.index_cast %select_n3A_526 : i32 to index
        %swap3A_534 = arith.constant 32 : index
        %swap3A_535 = tpu.vector_load %arg17[%swap3A_533, %swap3A_534] {strides = array<i32>} : memref<65x128xf32, #tpu.memory_space<vmem>>, vector<16xf32>,
        tpu.vector_store %arg17[%swap3A_533, %swap3A_534], %max3A_497 {strides = array<i32>} : memref<65x128xf32, #tpu.memory_space<vmem>>, vector<16xf32>,
        %swap3A_536 = arith.index_cast %select_n3A_526 : i32 to index
        %swap3A_537 = arith.constant 48 : index
        %swap3A_538 = tpu.vector_load %arg17[%swap3A_536, %swap3A_537] {strides = array<i32>} : memref<65x128xf32, #tpu.memory_space<vmem>>, vector<16xf32>,
        tpu.vector_store %arg17[%swap3A_536, %swap3A_537], %max3A_501 {strides = array<i32>} : memref<65x128xf32, #tpu.memory_space<vmem>>, vector<16xf32>,
        %swap3A_539 = arith.index_cast %select_n3A_526 : i32 to index
        %swap3A_540 = arith.constant 64 : index
        %swap3A_541 = tpu.vector_load %arg17[%swap3A_539, %swap3A_540] {strides = array<i32>} : memref<65x128xf32, #tpu.memory_space<vmem>>, vector<16xf32>,
        tpu.vector_store %arg17[%swap3A_539, %swap3A_540], %max3A_505 {strides = array<i32>} : memref<65x128xf32, #tpu.memory_space<vmem>>, vector<16xf32>,
        %swap3A_542 = arith.index_cast %select_n3A_526 : i32 to index
        %swap3A_543 = arith.constant 80 : index
        %swap3A_544 = tpu.vector_load %arg17[%swap3A_542, %swap3A_543] {strides = array<i32>} : memref<65x128xf32, #tpu.memory_space<vmem>>, vector<16xf32>,
        tpu.vector_store %arg17[%swap3A_542, %swap3A_543], %max3A_509 {strides = array<i32>} : memref<65x128xf32, #tpu.memory_space<vmem>>, vector<16xf32>,
        %swap3A_545 = arith.index_cast %select_n3A_526 : i32 to index
        %swap3A_546 = arith.constant 96 : index
        %swap3A_547 = tpu.vector_load %arg17[%swap3A_545, %swap3A_546] {strides = array<i32>} : memref<65x128xf32, #tpu.memory_space<vmem>>, vector<16xf32>,
        tpu.vector_store %arg17[%swap3A_545, %swap3A_546], %max3A_513 {strides = array<i32>} : memref<65x128xf32, #tpu.memory_space<vmem>>, vector<16xf32>,
        %swap3A_548 = arith.index_cast %select_n3A_526 : i32 to index
        %swap3A_549 = arith.constant 112 : index
        %swap3A_550 = tpu.vector_load %arg17[%swap3A_548, %swap3A_549] {strides = array<i32>} : memref<65x128xf32, #tpu.memory_space<vmem>>, vector<16xf32>,
        tpu.vector_store %arg17[%swap3A_548, %swap3A_549], %max3A_517 {strides = array<i32>} : memref<65x128xf32, #tpu.memory_space<vmem>>, vector<16xf32>,
        %lt3A_551 = arith.constant 16 : i32
        %lt3A_552 = arith.cmpi slt, %squeeze3A_519, %lt3A_551 : i32
        %broadcast_in_dim3A_553 = vector.broadcast %lt3A_552 : i1 to vector<16xi1>
        %select_n3A_554 = arith.select %broadcast_in_dim3A_553, %broadcast_in_dim3A_146, %max3A_489 : vector<16xi1>, vector<16xf32>
        %select_n3A_555 = arith.select %broadcast_in_dim3A_553, %broadcast_in_dim3A_146, %max3A_493 : vector<16xi1>, vector<16xf32>
        %select_n3A_556 = arith.select %broadcast_in_dim3A_553, %broadcast_in_dim3A_146, %max3A_497 : vector<16xi1>, vector<16xf32>
        %select_n3A_557 = arith.select %broadcast_in_dim3A_553, %broadcast_in_dim3A_146, %max3A_501 : vector<16xi1>, vector<16xf32>
        %select_n3A_558 = arith.select %broadcast_in_dim3A_553, %broadcast_in_dim3A_146, %max3A_505 : vector<16xi1>, vector<16xf32>
        %select_n3A_559 = arith.select %broadcast_in_dim3A_553, %broadcast_in_dim3A_146, %max3A_509 : vector<16xi1>, vector<16xf32>
        %select_n3A_560 = arith.select %broadcast_in_dim3A_553, %broadcast_in_dim3A_146, %max3A_513 : vector<16xi1>, vector<16xf32>
        %select_n3A_561 = arith.select %broadcast_in_dim3A_553, %broadcast_in_dim3A_146, %max3A_517 : vector<16xi1>, vector<16xf32>
        %slice3A_562 = vector.extract_strided_slice %get3A_173 {offsets = [5], sizes = [1], strides = [1]} : vector<16xi32> to vector<1xi32>
        %squeeze3A_563 = vector.extract %slice3A_562[0] : i32 from vector<1xi32>
        %get3A_564 = arith.index_cast %squeeze3A_563 : i32 to index
        %get3A_565 = arith.constant 0 : index
        %get3A_566 = tpu.vector_load %arg12[%get3A_564, %get3A_565] {strides = array<i32>} : memref<513x128xf32, #tpu.memory_space<vmem>>, vector<16xf32>,
        %max3A_567 = arith.maximumf %select_n3A_554, %get3A_566 : vector<16xf32>
        %get3A_568 = arith.index_cast %squeeze3A_563 : i32 to index
        %get3A_569 = arith.constant 16 : index
        %get3A_570 = tpu.vector_load %arg12[%get3A_568, %get3A_569] {strides = array<i32>} : memref<513x128xf32, #tpu.memory_space<vmem>>, vector<16xf32>,
        %max3A_571 = arith.maximumf %select_n3A_555, %get3A_570 : vector<16xf32>
        %get3A_572 = arith.index_cast %squeeze3A_563 : i32 to index
        %get3A_573 = arith.constant 32 : index
        %get3A_574 = tpu.vector_load %arg12[%get3A_572, %get3A_573] {strides = array<i32>} : memref<513x128xf32, #tpu.memory_space<vmem>>, vector<16xf32>,
        %max3A_575 = arith.maximumf %select_n3A_556, %get3A_574 : vector<16xf32>
        %get3A_576 = arith.index_cast %squeeze3A_563 : i32 to index
        %get3A_577 = arith.constant 48 : index
        %get3A_578 = tpu.vector_load %arg12[%get3A_576, %get3A_577] {strides = array<i32>} : memref<513x128xf32, #tpu.memory_space<vmem>>, vector<16xf32>,
        %max3A_579 = arith.maximumf %select_n3A_557, %get3A_578 : vector<16xf32>
        %get3A_580 = arith.index_cast %squeeze3A_563 : i32 to index
        %get3A_581 = arith.constant 64 : index
        %get3A_582 = tpu.vector_load %arg12[%get3A_580, %get3A_581] {strides = array<i32>} : memref<513x128xf32, #tpu.memory_space<vmem>>, vector<16xf32>,
        %max3A_583 = arith.maximumf %select_n3A_558, %get3A_582 : vector<16xf32>
        %get3A_584 = arith.index_cast %squeeze3A_563 : i32 to index
        %get3A_585 = arith.constant 80 : index
        %get3A_586 = tpu.vector_load %arg12[%get3A_584, %get3A_585] {strides = array<i32>} : memref<513x128xf32, #tpu.memory_space<vmem>>, vector<16xf32>,
        %max3A_587 = arith.maximumf %select_n3A_559, %get3A_586 : vector<16xf32>
        %get3A_588 = arith.index_cast %squeeze3A_563 : i32 to index
        %get3A_589 = arith.constant 96 : index
        %get3A_590 = tpu.vector_load %arg12[%get3A_588, %get3A_589] {strides = array<i32>} : memref<513x128xf32, #tpu.memory_space<vmem>>, vector<16xf32>,
        %max3A_591 = arith.maximumf %select_n3A_560, %get3A_590 : vector<16xf32>
        %get3A_592 = arith.index_cast %squeeze3A_563 : i32 to index
        %get3A_593 = arith.constant 112 : index
        %get3A_594 = tpu.vector_load %arg12[%get3A_592, %get3A_593] {strides = array<i32>} : memref<513x128xf32, #tpu.memory_space<vmem>>, vector<16xf32>,
        %max3A_595 = arith.maximumf %select_n3A_561, %get3A_594 : vector<16xf32>
        %slice3A_596 = vector.extract_strided_slice %get3A_177 {offsets = [5], sizes = [1], strides = [1]} : vector<16xi32> to vector<1xi32>
        %squeeze3A_597 = vector.extract %slice3A_596[0] : i32 from vector<1xi32>
        %lt3A_598 = arith.constant 16 : i32
        %lt3A_599 = arith.cmpi slt, %squeeze3A_597, %lt3A_598 : i32
        %mul3A_600 = arith.constant 16 : i32
        %mul3A_601 = arith.muli %and3A_137, %mul3A_600 : i32
        %add3A_602 = arith.addi %mul3A_601, %squeeze3A_597 : i32
        %jit3A_603 = arith.constant 64 : i32
        %select_n3A_604 = arith.select %lt3A_599, %add3A_602, %jit3A_603 : i32
        %swap3A_605 = arith.index_cast %select_n3A_604 : i32 to index
        %swap3A_606 = arith.constant 0 : index
        %swap3A_607 = tpu.vector_load %arg17[%swap3A_605, %swap3A_606] {strides = array<i32>} : memref<65x128xf32, #tpu.memory_space<vmem>>, vector<16xf32>,
        tpu.vector_store %arg17[%swap3A_605, %swap3A_606], %max3A_567 {strides = array<i32>} : memref<65x128xf32, #tpu.memory_space<vmem>>, vector<16xf32>,
        %swap3A_608 = arith.index_cast %select_n3A_604 : i32 to index
        %swap3A_609 = arith.constant 16 : index
        %swap3A_610 = tpu.vector_load %arg17[%swap3A_608, %swap3A_609] {strides = array<i32>} : memref<65x128xf32, #tpu.memory_space<vmem>>, vector<16xf32>,
        tpu.vector_store %arg17[%swap3A_608, %swap3A_609], %max3A_571 {strides = array<i32>} : memref<65x128xf32, #tpu.memory_space<vmem>>, vector<16xf32>,
        %swap3A_611 = arith.index_cast %select_n3A_604 : i32 to index
        %swap3A_612 = arith.constant 32 : index
        %swap3A_613 = tpu.vector_load %arg17[%swap3A_611, %swap3A_612] {strides = array<i32>} : memref<65x128xf32, #tpu.memory_space<vmem>>, vector<16xf32>,
        tpu.vector_store %arg17[%swap3A_611, %swap3A_612], %max3A_575 {strides = array<i32>} : memref<65x128xf32, #tpu.memory_space<vmem>>, vector<16xf32>,
        %swap3A_614 = arith.index_cast %select_n3A_604 : i32 to index
        %swap3A_615 = arith.constant 48 : index
        %swap3A_616 = tpu.vector_load %arg17[%swap3A_614, %swap3A_615] {strides = array<i32>} : memref<65x128xf32, #tpu.memory_space<vmem>>, vector<16xf32>,
        tpu.vector_store %arg17[%swap3A_614, %swap3A_615], %max3A_579 {strides = array<i32>} : memref<65x128xf32, #tpu.memory_space<vmem>>, vector<16xf32>,
        %swap3A_617 = arith.index_cast %select_n3A_604 : i32 to index
        %swap3A_618 = arith.constant 64 : index
        %swap3A_619 = tpu.vector_load %arg17[%swap3A_617, %swap3A_618] {strides = array<i32>} : memref<65x128xf32, #tpu.memory_space<vmem>>, vector<16xf32>,
        tpu.vector_store %arg17[%swap3A_617, %swap3A_618], %max3A_583 {strides = array<i32>} : memref<65x128xf32, #tpu.memory_space<vmem>>, vector<16xf32>,
        %swap3A_620 = arith.index_cast %select_n3A_604 : i32 to index
        %swap3A_621 = arith.constant 80 : index
        %swap3A_622 = tpu.vector_load %arg17[%swap3A_620, %swap3A_621] {strides = array<i32>} : memref<65x128xf32, #tpu.memory_space<vmem>>, vector<16xf32>,
        tpu.vector_store %arg17[%swap3A_620, %swap3A_621], %max3A_587 {strides = array<i32>} : memref<65x128xf32, #tpu.memory_space<vmem>>, vector<16xf32>,
        %swap3A_623 = arith.index_cast %select_n3A_604 : i32 to index
        %swap3A_624 = arith.constant 96 : index
        %swap3A_625 = tpu.vector_load %arg17[%swap3A_623, %swap3A_624] {strides = array<i32>} : memref<65x128xf32, #tpu.memory_space<vmem>>, vector<16xf32>,
        tpu.vector_store %arg17[%swap3A_623, %swap3A_624], %max3A_591 {strides = array<i32>} : memref<65x128xf32, #tpu.memory_space<vmem>>, vector<16xf32>,
        %swap3A_626 = arith.index_cast %select_n3A_604 : i32 to index
        %swap3A_627 = arith.constant 112 : index
        %swap3A_628 = tpu.vector_load %arg17[%swap3A_626, %swap3A_627] {strides = array<i32>} : memref<65x128xf32, #tpu.memory_space<vmem>>, vector<16xf32>,
        tpu.vector_store %arg17[%swap3A_626, %swap3A_627], %max3A_595 {strides = array<i32>} : memref<65x128xf32, #tpu.memory_space<vmem>>, vector<16xf32>,
        %lt3A_629 = arith.constant 16 : i32
        %lt3A_630 = arith.cmpi slt, %squeeze3A_597, %lt3A_629 : i32
        %broadcast_in_dim3A_631 = vector.broadcast %lt3A_630 : i1 to vector<16xi1>
        %select_n3A_632 = arith.select %broadcast_in_dim3A_631, %broadcast_in_dim3A_146, %max3A_567 : vector<16xi1>, vector<16xf32>
        %select_n3A_633 = arith.select %broadcast_in_dim3A_631, %broadcast_in_dim3A_146, %max3A_571 : vector<16xi1>, vector<16xf32>
        %select_n3A_634 = arith.select %broadcast_in_dim3A_631, %broadcast_in_dim3A_146, %max3A_575 : vector<16xi1>, vector<16xf32>
        %select_n3A_635 = arith.select %broadcast_in_dim3A_631, %broadcast_in_dim3A_146, %max3A_579 : vector<16xi1>, vector<16xf32>
        %select_n3A_636 = arith.select %broadcast_in_dim3A_631, %broadcast_in_dim3A_146, %max3A_583 : vector<16xi1>, vector<16xf32>
        %select_n3A_637 = arith.select %broadcast_in_dim3A_631, %broadcast_in_dim3A_146, %max3A_587 : vector<16xi1>, vector<16xf32>
        %select_n3A_638 = arith.select %broadcast_in_dim3A_631, %broadcast_in_dim3A_146, %max3A_591 : vector<16xi1>, vector<16xf32>
        %select_n3A_639 = arith.select %broadcast_in_dim3A_631, %broadcast_in_dim3A_146, %max3A_595 : vector<16xi1>, vector<16xf32>
        %slice3A_640 = vector.extract_strided_slice %get3A_173 {offsets = [6], sizes = [1], strides = [1]} : vector<16xi32> to vector<1xi32>
        %squeeze3A_641 = vector.extract %slice3A_640[0] : i32 from vector<1xi32>
        %get3A_642 = arith.index_cast %squeeze3A_641 : i32 to index
        %get3A_643 = arith.constant 0 : index
        %get3A_644 = tpu.vector_load %arg12[%get3A_642, %get3A_643] {strides = array<i32>} : memref<513x128xf32, #tpu.memory_space<vmem>>, vector<16xf32>,
        %max3A_645 = arith.maximumf %select_n3A_632, %get3A_644 : vector<16xf32>
        %get3A_646 = arith.index_cast %squeeze3A_641 : i32 to index
        %get3A_647 = arith.constant 16 : index
        %get3A_648 = tpu.vector_load %arg12[%get3A_646, %get3A_647] {strides = array<i32>} : memref<513x128xf32, #tpu.memory_space<vmem>>, vector<16xf32>,
        %max3A_649 = arith.maximumf %select_n3A_633, %get3A_648 : vector<16xf32>
        %get3A_650 = arith.index_cast %squeeze3A_641 : i32 to index
        %get3A_651 = arith.constant 32 : index
        %get3A_652 = tpu.vector_load %arg12[%get3A_650, %get3A_651] {strides = array<i32>} : memref<513x128xf32, #tpu.memory_space<vmem>>, vector<16xf32>,
        %max3A_653 = arith.maximumf %select_n3A_634, %get3A_652 : vector<16xf32>
        %get3A_654 = arith.index_cast %squeeze3A_641 : i32 to index
        %get3A_655 = arith.constant 48 : index
        %get3A_656 = tpu.vector_load %arg12[%get3A_654, %get3A_655] {strides = array<i32>} : memref<513x128xf32, #tpu.memory_space<vmem>>, vector<16xf32>,
        %max3A_657 = arith.maximumf %select_n3A_635, %get3A_656 : vector<16xf32>
        %get3A_658 = arith.index_cast %squeeze3A_641 : i32 to index
        %get3A_659 = arith.constant 64 : index
        %get3A_660 = tpu.vector_load %arg12[%get3A_658, %get3A_659] {strides = array<i32>} : memref<513x128xf32, #tpu.memory_space<vmem>>, vector<16xf32>,
        %max3A_661 = arith.maximumf %select_n3A_636, %get3A_660 : vector<16xf32>
        %get3A_662 = arith.index_cast %squeeze3A_641 : i32 to index
        %get3A_663 = arith.constant 80 : index
        %get3A_664 = tpu.vector_load %arg12[%get3A_662, %get3A_663] {strides = array<i32>} : memref<513x128xf32, #tpu.memory_space<vmem>>, vector<16xf32>,
        %max3A_665 = arith.maximumf %select_n3A_637, %get3A_664 : vector<16xf32>
        %get3A_666 = arith.index_cast %squeeze3A_641 : i32 to index
        %get3A_667 = arith.constant 96 : index
        %get3A_668 = tpu.vector_load %arg12[%get3A_666, %get3A_667] {strides = array<i32>} : memref<513x128xf32, #tpu.memory_space<vmem>>, vector<16xf32>,
        %max3A_669 = arith.maximumf %select_n3A_638, %get3A_668 : vector<16xf32>
        %get3A_670 = arith.index_cast %squeeze3A_641 : i32 to index
        %get3A_671 = arith.constant 112 : index
        %get3A_672 = tpu.vector_load %arg12[%get3A_670, %get3A_671] {strides = array<i32>} : memref<513x128xf32, #tpu.memory_space<vmem>>, vector<16xf32>,
        %max3A_673 = arith.maximumf %select_n3A_639, %get3A_672 : vector<16xf32>
        %slice3A_674 = vector.extract_strided_slice %get3A_177 {offsets = [6], sizes = [1], strides = [1]} : vector<16xi32> to vector<1xi32>
        %squeeze3A_675 = vector.extract %slice3A_674[0] : i32 from vector<1xi32>
        %lt3A_676 = arith.constant 16 : i32
        %lt3A_677 = arith.cmpi slt, %squeeze3A_675, %lt3A_676 : i32
        %mul3A_678 = arith.constant 16 : i32
        %mul3A_679 = arith.muli %and3A_137, %mul3A_678 : i32
        %add3A_680 = arith.addi %mul3A_679, %squeeze3A_675 : i32
        %jit3A_681 = arith.constant 64 : i32
        %select_n3A_682 = arith.select %lt3A_677, %add3A_680, %jit3A_681 : i32
        %swap3A_683 = arith.index_cast %select_n3A_682 : i32 to index
        %swap3A_684 = arith.constant 0 : index
        %swap3A_685 = tpu.vector_load %arg17[%swap3A_683, %swap3A_684] {strides = array<i32>} : memref<65x128xf32, #tpu.memory_space<vmem>>, vector<16xf32>,
        tpu.vector_store %arg17[%swap3A_683, %swap3A_684], %max3A_645 {strides = array<i32>} : memref<65x128xf32, #tpu.memory_space<vmem>>, vector<16xf32>,
        %swap3A_686 = arith.index_cast %select_n3A_682 : i32 to index
        %swap3A_687 = arith.constant 16 : index
        %swap3A_688 = tpu.vector_load %arg17[%swap3A_686, %swap3A_687] {strides = array<i32>} : memref<65x128xf32, #tpu.memory_space<vmem>>, vector<16xf32>,
        tpu.vector_store %arg17[%swap3A_686, %swap3A_687], %max3A_649 {strides = array<i32>} : memref<65x128xf32, #tpu.memory_space<vmem>>, vector<16xf32>,
        %swap3A_689 = arith.index_cast %select_n3A_682 : i32 to index
        %swap3A_690 = arith.constant 32 : index
        %swap3A_691 = tpu.vector_load %arg17[%swap3A_689, %swap3A_690] {strides = array<i32>} : memref<65x128xf32, #tpu.memory_space<vmem>>, vector<16xf32>,
        tpu.vector_store %arg17[%swap3A_689, %swap3A_690], %max3A_653 {strides = array<i32>} : memref<65x128xf32, #tpu.memory_space<vmem>>, vector<16xf32>,
        %swap3A_692 = arith.index_cast %select_n3A_682 : i32 to index
        %swap3A_693 = arith.constant 48 : index
        %swap3A_694 = tpu.vector_load %arg17[%swap3A_692, %swap3A_693] {strides = array<i32>} : memref<65x128xf32, #tpu.memory_space<vmem>>, vector<16xf32>,
        tpu.vector_store %arg17[%swap3A_692, %swap3A_693], %max3A_657 {strides = array<i32>} : memref<65x128xf32, #tpu.memory_space<vmem>>, vector<16xf32>,
        %swap3A_695 = arith.index_cast %select_n3A_682 : i32 to index
        %swap3A_696 = arith.constant 64 : index
        %swap3A_697 = tpu.vector_load %arg17[%swap3A_695, %swap3A_696] {strides = array<i32>} : memref<65x128xf32, #tpu.memory_space<vmem>>, vector<16xf32>,
        tpu.vector_store %arg17[%swap3A_695, %swap3A_696], %max3A_661 {strides = array<i32>} : memref<65x128xf32, #tpu.memory_space<vmem>>, vector<16xf32>,
        %swap3A_698 = arith.index_cast %select_n3A_682 : i32 to index
        %swap3A_699 = arith.constant 80 : index
        %swap3A_700 = tpu.vector_load %arg17[%swap3A_698, %swap3A_699] {strides = array<i32>} : memref<65x128xf32, #tpu.memory_space<vmem>>, vector<16xf32>,
        tpu.vector_store %arg17[%swap3A_698, %swap3A_699], %max3A_665 {strides = array<i32>} : memref<65x128xf32, #tpu.memory_space<vmem>>, vector<16xf32>,
        %swap3A_701 = arith.index_cast %select_n3A_682 : i32 to index
        %swap3A_702 = arith.constant 96 : index
        %swap3A_703 = tpu.vector_load %arg17[%swap3A_701, %swap3A_702] {strides = array<i32>} : memref<65x128xf32, #tpu.memory_space<vmem>>, vector<16xf32>,
        tpu.vector_store %arg17[%swap3A_701, %swap3A_702], %max3A_669 {strides = array<i32>} : memref<65x128xf32, #tpu.memory_space<vmem>>, vector<16xf32>,
        %swap3A_704 = arith.index_cast %select_n3A_682 : i32 to index
        %swap3A_705 = arith.constant 112 : index
        %swap3A_706 = tpu.vector_load %arg17[%swap3A_704, %swap3A_705] {strides = array<i32>} : memref<65x128xf32, #tpu.memory_space<vmem>>, vector<16xf32>,
        tpu.vector_store %arg17[%swap3A_704, %swap3A_705], %max3A_673 {strides = array<i32>} : memref<65x128xf32, #tpu.memory_space<vmem>>, vector<16xf32>,
        %lt3A_707 = arith.constant 16 : i32
        %lt3A_708 = arith.cmpi slt, %squeeze3A_675, %lt3A_707 : i32
        %broadcast_in_dim3A_709 = vector.broadcast %lt3A_708 : i1 to vector<16xi1>
        %select_n3A_710 = arith.select %broadcast_in_dim3A_709, %broadcast_in_dim3A_146, %max3A_645 : vector<16xi1>, vector<16xf32>
        %select_n3A_711 = arith.select %broadcast_in_dim3A_709, %broadcast_in_dim3A_146, %max3A_649 : vector<16xi1>, vector<16xf32>
        %select_n3A_712 = arith.select %broadcast_in_dim3A_709, %broadcast_in_dim3A_146, %max3A_653 : vector<16xi1>, vector<16xf32>
        %select_n3A_713 = arith.select %broadcast_in_dim3A_709, %broadcast_in_dim3A_146, %max3A_657 : vector<16xi1>, vector<16xf32>
        %select_n3A_714 = arith.select %broadcast_in_dim3A_709, %broadcast_in_dim3A_146, %max3A_661 : vector<16xi1>, vector<16xf32>
        %select_n3A_715 = arith.select %broadcast_in_dim3A_709, %broadcast_in_dim3A_146, %max3A_665 : vector<16xi1>, vector<16xf32>
        %select_n3A_716 = arith.select %broadcast_in_dim3A_709, %broadcast_in_dim3A_146, %max3A_669 : vector<16xi1>, vector<16xf32>
        %select_n3A_717 = arith.select %broadcast_in_dim3A_709, %broadcast_in_dim3A_146, %max3A_673 : vector<16xi1>, vector<16xf32>
        %slice3A_718 = vector.extract_strided_slice %get3A_173 {offsets = [7], sizes = [1], strides = [1]} : vector<16xi32> to vector<1xi32>
        %squeeze3A_719 = vector.extract %slice3A_718[0] : i32 from vector<1xi32>
        %get3A_720 = arith.index_cast %squeeze3A_719 : i32 to index
        %get3A_721 = arith.constant 0 : index
        %get3A_722 = tpu.vector_load %arg12[%get3A_720, %get3A_721] {strides = array<i32>} : memref<513x128xf32, #tpu.memory_space<vmem>>, vector<16xf32>,
        %max3A_723 = arith.maximumf %select_n3A_710, %get3A_722 : vector<16xf32>
        %get3A_724 = arith.index_cast %squeeze3A_719 : i32 to index
        %get3A_725 = arith.constant 16 : index
        %get3A_726 = tpu.vector_load %arg12[%get3A_724, %get3A_725] {strides = array<i32>} : memref<513x128xf32, #tpu.memory_space<vmem>>, vector<16xf32>,
        %max3A_727 = arith.maximumf %select_n3A_711, %get3A_726 : vector<16xf32>
        %get3A_728 = arith.index_cast %squeeze3A_719 : i32 to index
        %get3A_729 = arith.constant 32 : index
        %get3A_730 = tpu.vector_load %arg12[%get3A_728, %get3A_729] {strides = array<i32>} : memref<513x128xf32, #tpu.memory_space<vmem>>, vector<16xf32>,
        %max3A_731 = arith.maximumf %select_n3A_712, %get3A_730 : vector<16xf32>
        %get3A_732 = arith.index_cast %squeeze3A_719 : i32 to index
        %get3A_733 = arith.constant 48 : index
        %get3A_734 = tpu.vector_load %arg12[%get3A_732, %get3A_733] {strides = array<i32>} : memref<513x128xf32, #tpu.memory_space<vmem>>, vector<16xf32>,
        %max3A_735 = arith.maximumf %select_n3A_713, %get3A_734 : vector<16xf32>
        %get3A_736 = arith.index_cast %squeeze3A_719 : i32 to index
        %get3A_737 = arith.constant 64 : index
        %get3A_738 = tpu.vector_load %arg12[%get3A_736, %get3A_737] {strides = array<i32>} : memref<513x128xf32, #tpu.memory_space<vmem>>, vector<16xf32>,
        %max3A_739 = arith.maximumf %select_n3A_714, %get3A_738 : vector<16xf32>
        %get3A_740 = arith.index_cast %squeeze3A_719 : i32 to index
        %get3A_741 = arith.constant 80 : index
        %get3A_742 = tpu.vector_load %arg12[%get3A_740, %get3A_741] {strides = array<i32>} : memref<513x128xf32, #tpu.memory_space<vmem>>, vector<16xf32>,
        %max3A_743 = arith.maximumf %select_n3A_715, %get3A_742 : vector<16xf32>
        %get3A_744 = arith.index_cast %squeeze3A_719 : i32 to index
        %get3A_745 = arith.constant 96 : index
        %get3A_746 = tpu.vector_load %arg12[%get3A_744, %get3A_745] {strides = array<i32>} : memref<513x128xf32, #tpu.memory_space<vmem>>, vector<16xf32>,
        %max3A_747 = arith.maximumf %select_n3A_716, %get3A_746 : vector<16xf32>
        %get3A_748 = arith.index_cast %squeeze3A_719 : i32 to index
        %get3A_749 = arith.constant 112 : index
        %get3A_750 = tpu.vector_load %arg12[%get3A_748, %get3A_749] {strides = array<i32>} : memref<513x128xf32, #tpu.memory_space<vmem>>, vector<16xf32>,
        %max3A_751 = arith.maximumf %select_n3A_717, %get3A_750 : vector<16xf32>
        %slice3A_752 = vector.extract_strided_slice %get3A_177 {offsets = [7], sizes = [1], strides = [1]} : vector<16xi32> to vector<1xi32>
        %squeeze3A_753 = vector.extract %slice3A_752[0] : i32 from vector<1xi32>
        %lt3A_754 = arith.constant 16 : i32
        %lt3A_755 = arith.cmpi slt, %squeeze3A_753, %lt3A_754 : i32
        %mul3A_756 = arith.constant 16 : i32
        %mul3A_757 = arith.muli %and3A_137, %mul3A_756 : i32
        %add3A_758 = arith.addi %mul3A_757, %squeeze3A_753 : i32
        %jit3A_759 = arith.constant 64 : i32
        %select_n3A_760 = arith.select %lt3A_755, %add3A_758, %jit3A_759 : i32
        %swap3A_761 = arith.index_cast %select_n3A_760 : i32 to index
        %swap3A_762 = arith.constant 0 : index
        %swap3A_763 = tpu.vector_load %arg17[%swap3A_761, %swap3A_762] {strides = array<i32>} : memref<65x128xf32, #tpu.memory_space<vmem>>, vector<16xf32>,
        tpu.vector_store %arg17[%swap3A_761, %swap3A_762], %max3A_723 {strides = array<i32>} : memref<65x128xf32, #tpu.memory_space<vmem>>, vector<16xf32>,
        %swap3A_764 = arith.index_cast %select_n3A_760 : i32 to index
        %swap3A_765 = arith.constant 16 : index
        %swap3A_766 = tpu.vector_load %arg17[%swap3A_764, %swap3A_765] {strides = array<i32>} : memref<65x128xf32, #tpu.memory_space<vmem>>, vector<16xf32>,
        tpu.vector_store %arg17[%swap3A_764, %swap3A_765], %max3A_727 {strides = array<i32>} : memref<65x128xf32, #tpu.memory_space<vmem>>, vector<16xf32>,
        %swap3A_767 = arith.index_cast %select_n3A_760 : i32 to index
        %swap3A_768 = arith.constant 32 : index
        %swap3A_769 = tpu.vector_load %arg17[%swap3A_767, %swap3A_768] {strides = array<i32>} : memref<65x128xf32, #tpu.memory_space<vmem>>, vector<16xf32>,
        tpu.vector_store %arg17[%swap3A_767, %swap3A_768], %max3A_731 {strides = array<i32>} : memref<65x128xf32, #tpu.memory_space<vmem>>, vector<16xf32>,
        %swap3A_770 = arith.index_cast %select_n3A_760 : i32 to index
        %swap3A_771 = arith.constant 48 : index
        %swap3A_772 = tpu.vector_load %arg17[%swap3A_770, %swap3A_771] {strides = array<i32>} : memref<65x128xf32, #tpu.memory_space<vmem>>, vector<16xf32>,
        tpu.vector_store %arg17[%swap3A_770, %swap3A_771], %max3A_735 {strides = array<i32>} : memref<65x128xf32, #tpu.memory_space<vmem>>, vector<16xf32>,
        %swap3A_773 = arith.index_cast %select_n3A_760 : i32 to index
        %swap3A_774 = arith.constant 64 : index
        %swap3A_775 = tpu.vector_load %arg17[%swap3A_773, %swap3A_774] {strides = array<i32>} : memref<65x128xf32, #tpu.memory_space<vmem>>, vector<16xf32>,
        tpu.vector_store %arg17[%swap3A_773, %swap3A_774], %max3A_739 {strides = array<i32>} : memref<65x128xf32, #tpu.memory_space<vmem>>, vector<16xf32>,
        %swap3A_776 = arith.index_cast %select_n3A_760 : i32 to index
        %swap3A_777 = arith.constant 80 : index
        %swap3A_778 = tpu.vector_load %arg17[%swap3A_776, %swap3A_777] {strides = array<i32>} : memref<65x128xf32, #tpu.memory_space<vmem>>, vector<16xf32>,
        tpu.vector_store %arg17[%swap3A_776, %swap3A_777], %max3A_743 {strides = array<i32>} : memref<65x128xf32, #tpu.memory_space<vmem>>, vector<16xf32>,
        %swap3A_779 = arith.index_cast %select_n3A_760 : i32 to index
        %swap3A_780 = arith.constant 96 : index
        %swap3A_781 = tpu.vector_load %arg17[%swap3A_779, %swap3A_780] {strides = array<i32>} : memref<65x128xf32, #tpu.memory_space<vmem>>, vector<16xf32>,
        tpu.vector_store %arg17[%swap3A_779, %swap3A_780], %max3A_747 {strides = array<i32>} : memref<65x128xf32, #tpu.memory_space<vmem>>, vector<16xf32>,
        %swap3A_782 = arith.index_cast %select_n3A_760 : i32 to index
        %swap3A_783 = arith.constant 112 : index
        %swap3A_784 = tpu.vector_load %arg17[%swap3A_782, %swap3A_783] {strides = array<i32>} : memref<65x128xf32, #tpu.memory_space<vmem>>, vector<16xf32>,
        tpu.vector_store %arg17[%swap3A_782, %swap3A_783], %max3A_751 {strides = array<i32>} : memref<65x128xf32, #tpu.memory_space<vmem>>, vector<16xf32>,
        %lt3A_785 = arith.constant 16 : i32
        %lt3A_786 = arith.cmpi slt, %squeeze3A_753, %lt3A_785 : i32
        %broadcast_in_dim3A_787 = vector.broadcast %lt3A_786 : i1 to vector<16xi1>
        %select_n3A_788 = arith.select %broadcast_in_dim3A_787, %broadcast_in_dim3A_146, %max3A_723 : vector<16xi1>, vector<16xf32>
        %select_n3A_789 = arith.select %broadcast_in_dim3A_787, %broadcast_in_dim3A_146, %max3A_727 : vector<16xi1>, vector<16xf32>
        %select_n3A_790 = arith.select %broadcast_in_dim3A_787, %broadcast_in_dim3A_146, %max3A_731 : vector<16xi1>, vector<16xf32>
        %select_n3A_791 = arith.select %broadcast_in_dim3A_787, %broadcast_in_dim3A_146, %max3A_735 : vector<16xi1>, vector<16xf32>
        %select_n3A_792 = arith.select %broadcast_in_dim3A_787, %broadcast_in_dim3A_146, %max3A_739 : vector<16xi1>, vector<16xf32>
        %select_n3A_793 = arith.select %broadcast_in_dim3A_787, %broadcast_in_dim3A_146, %max3A_743 : vector<16xi1>, vector<16xf32>
        %select_n3A_794 = arith.select %broadcast_in_dim3A_787, %broadcast_in_dim3A_146, %max3A_747 : vector<16xi1>, vector<16xf32>
        %select_n3A_795 = arith.select %broadcast_in_dim3A_787, %broadcast_in_dim3A_146, %max3A_751 : vector<16xi1>, vector<16xf32>
        %slice3A_796 = vector.extract_strided_slice %get3A_173 {offsets = [8], sizes = [1], strides = [1]} : vector<16xi32> to vector<1xi32>
        %squeeze3A_797 = vector.extract %slice3A_796[0] : i32 from vector<1xi32>
        %get3A_798 = arith.index_cast %squeeze3A_797 : i32 to index
        %get3A_799 = arith.constant 0 : index
        %get3A_800 = tpu.vector_load %arg12[%get3A_798, %get3A_799] {strides = array<i32>} : memref<513x128xf32, #tpu.memory_space<vmem>>, vector<16xf32>,
        %max3A_801 = arith.maximumf %select_n3A_788, %get3A_800 : vector<16xf32>
        %get3A_802 = arith.index_cast %squeeze3A_797 : i32 to index
        %get3A_803 = arith.constant 16 : index
        %get3A_804 = tpu.vector_load %arg12[%get3A_802, %get3A_803] {strides = array<i32>} : memref<513x128xf32, #tpu.memory_space<vmem>>, vector<16xf32>,
        %max3A_805 = arith.maximumf %select_n3A_789, %get3A_804 : vector<16xf32>
        %get3A_806 = arith.index_cast %squeeze3A_797 : i32 to index
        %get3A_807 = arith.constant 32 : index
        %get3A_808 = tpu.vector_load %arg12[%get3A_806, %get3A_807] {strides = array<i32>} : memref<513x128xf32, #tpu.memory_space<vmem>>, vector<16xf32>,
        %max3A_809 = arith.maximumf %select_n3A_790, %get3A_808 : vector<16xf32>
        %get3A_810 = arith.index_cast %squeeze3A_797 : i32 to index
        %get3A_811 = arith.constant 48 : index
        %get3A_812 = tpu.vector_load %arg12[%get3A_810, %get3A_811] {strides = array<i32>} : memref<513x128xf32, #tpu.memory_space<vmem>>, vector<16xf32>,
        %max3A_813 = arith.maximumf %select_n3A_791, %get3A_812 : vector<16xf32>
        %get3A_814 = arith.index_cast %squeeze3A_797 : i32 to index
        %get3A_815 = arith.constant 64 : index
        %get3A_816 = tpu.vector_load %arg12[%get3A_814, %get3A_815] {strides = array<i32>} : memref<513x128xf32, #tpu.memory_space<vmem>>, vector<16xf32>,
        %max3A_817 = arith.maximumf %select_n3A_792, %get3A_816 : vector<16xf32>
        %get3A_818 = arith.index_cast %squeeze3A_797 : i32 to index
        %get3A_819 = arith.constant 80 : index
        %get3A_820 = tpu.vector_load %arg12[%get3A_818, %get3A_819] {strides = array<i32>} : memref<513x128xf32, #tpu.memory_space<vmem>>, vector<16xf32>,
        %max3A_821 = arith.maximumf %select_n3A_793, %get3A_820 : vector<16xf32>
        %get3A_822 = arith.index_cast %squeeze3A_797 : i32 to index
        %get3A_823 = arith.constant 96 : index
        %get3A_824 = tpu.vector_load %arg12[%get3A_822, %get3A_823] {strides = array<i32>} : memref<513x128xf32, #tpu.memory_space<vmem>>, vector<16xf32>,
        %max3A_825 = arith.maximumf %select_n3A_794, %get3A_824 : vector<16xf32>
        %get3A_826 = arith.index_cast %squeeze3A_797 : i32 to index
        %get3A_827 = arith.constant 112 : index
        %get3A_828 = tpu.vector_load %arg12[%get3A_826, %get3A_827] {strides = array<i32>} : memref<513x128xf32, #tpu.memory_space<vmem>>, vector<16xf32>,
        %max3A_829 = arith.maximumf %select_n3A_795, %get3A_828 : vector<16xf32>
        %slice3A_830 = vector.extract_strided_slice %get3A_177 {offsets = [8], sizes = [1], strides = [1]} : vector<16xi32> to vector<1xi32>
        %squeeze3A_831 = vector.extract %slice3A_830[0] : i32 from vector<1xi32>
        %lt3A_832 = arith.constant 16 : i32
        %lt3A_833 = arith.cmpi slt, %squeeze3A_831, %lt3A_832 : i32
        %mul3A_834 = arith.constant 16 : i32
        %mul3A_835 = arith.muli %and3A_137, %mul3A_834 : i32
        %add3A_836 = arith.addi %mul3A_835, %squeeze3A_831 : i32
        %jit3A_837 = arith.constant 64 : i32
        %select_n3A_838 = arith.select %lt3A_833, %add3A_836, %jit3A_837 : i32
        %swap3A_839 = arith.index_cast %select_n3A_838 : i32 to index
        %swap3A_840 = arith.constant 0 : index
        %swap3A_841 = tpu.vector_load %arg17[%swap3A_839, %swap3A_840] {strides = array<i32>} : memref<65x128xf32, #tpu.memory_space<vmem>>, vector<16xf32>,
        tpu.vector_store %arg17[%swap3A_839, %swap3A_840], %max3A_801 {strides = array<i32>} : memref<65x128xf32, #tpu.memory_space<vmem>>, vector<16xf32>,
        %swap3A_842 = arith.index_cast %select_n3A_838 : i32 to index
        %swap3A_843 = arith.constant 16 : index
        %swap3A_844 = tpu.vector_load %arg17[%swap3A_842, %swap3A_843] {strides = array<i32>} : memref<65x128xf32, #tpu.memory_space<vmem>>, vector<16xf32>,
        tpu.vector_store %arg17[%swap3A_842, %swap3A_843], %max3A_805 {strides = array<i32>} : memref<65x128xf32, #tpu.memory_space<vmem>>, vector<16xf32>,
        %swap3A_845 = arith.index_cast %select_n3A_838 : i32 to index
        %swap3A_846 = arith.constant 32 : index
        %swap3A_847 = tpu.vector_load %arg17[%swap3A_845, %swap3A_846] {strides = array<i32>} : memref<65x128xf32, #tpu.memory_space<vmem>>, vector<16xf32>,
        tpu.vector_store %arg17[%swap3A_845, %swap3A_846], %max3A_809 {strides = array<i32>} : memref<65x128xf32, #tpu.memory_space<vmem>>, vector<16xf32>,
        %swap3A_848 = arith.index_cast %select_n3A_838 : i32 to index
        %swap3A_849 = arith.constant 48 : index
        %swap3A_850 = tpu.vector_load %arg17[%swap3A_848, %swap3A_849] {strides = array<i32>} : memref<65x128xf32, #tpu.memory_space<vmem>>, vector<16xf32>,
        tpu.vector_store %arg17[%swap3A_848, %swap3A_849], %max3A_813 {strides = array<i32>} : memref<65x128xf32, #tpu.memory_space<vmem>>, vector<16xf32>,
        %swap3A_851 = arith.index_cast %select_n3A_838 : i32 to index
        %swap3A_852 = arith.constant 64 : index
        %swap3A_853 = tpu.vector_load %arg17[%swap3A_851, %swap3A_852] {strides = array<i32>} : memref<65x128xf32, #tpu.memory_space<vmem>>, vector<16xf32>,
        tpu.vector_store %arg17[%swap3A_851, %swap3A_852], %max3A_817 {strides = array<i32>} : memref<65x128xf32, #tpu.memory_space<vmem>>, vector<16xf32>,
        %swap3A_854 = arith.index_cast %select_n3A_838 : i32 to index
        %swap3A_855 = arith.constant 80 : index
        %swap3A_856 = tpu.vector_load %arg17[%swap3A_854, %swap3A_855] {strides = array<i32>} : memref<65x128xf32, #tpu.memory_space<vmem>>, vector<16xf32>,
        tpu.vector_store %arg17[%swap3A_854, %swap3A_855], %max3A_821 {strides = array<i32>} : memref<65x128xf32, #tpu.memory_space<vmem>>, vector<16xf32>,
        %swap3A_857 = arith.index_cast %select_n3A_838 : i32 to index
        %swap3A_858 = arith.constant 96 : index
        %swap3A_859 = tpu.vector_load %arg17[%swap3A_857, %swap3A_858] {strides = array<i32>} : memref<65x128xf32, #tpu.memory_space<vmem>>, vector<16xf32>,
        tpu.vector_store %arg17[%swap3A_857, %swap3A_858], %max3A_825 {strides = array<i32>} : memref<65x128xf32, #tpu.memory_space<vmem>>, vector<16xf32>,
        %swap3A_860 = arith.index_cast %select_n3A_838 : i32 to index
        %swap3A_861 = arith.constant 112 : index
        %swap3A_862 = tpu.vector_load %arg17[%swap3A_860, %swap3A_861] {strides = array<i32>} : memref<65x128xf32, #tpu.memory_space<vmem>>, vector<16xf32>,
        tpu.vector_store %arg17[%swap3A_860, %swap3A_861], %max3A_829 {strides = array<i32>} : memref<65x128xf32, #tpu.memory_space<vmem>>, vector<16xf32>,
        %lt3A_863 = arith.constant 16 : i32
        %lt3A_864 = arith.cmpi slt, %squeeze3A_831, %lt3A_863 : i32
        %broadcast_in_dim3A_865 = vector.broadcast %lt3A_864 : i1 to vector<16xi1>
        %select_n3A_866 = arith.select %broadcast_in_dim3A_865, %broadcast_in_dim3A_146, %max3A_801 : vector<16xi1>, vector<16xf32>
        %select_n3A_867 = arith.select %broadcast_in_dim3A_865, %broadcast_in_dim3A_146, %max3A_805 : vector<16xi1>, vector<16xf32>
        %select_n3A_868 = arith.select %broadcast_in_dim3A_865, %broadcast_in_dim3A_146, %max3A_809 : vector<16xi1>, vector<16xf32>
        %select_n3A_869 = arith.select %broadcast_in_dim3A_865, %broadcast_in_dim3A_146, %max3A_813 : vector<16xi1>, vector<16xf32>
        %select_n3A_870 = arith.select %broadcast_in_dim3A_865, %broadcast_in_dim3A_146, %max3A_817 : vector<16xi1>, vector<16xf32>
        %select_n3A_871 = arith.select %broadcast_in_dim3A_865, %broadcast_in_dim3A_146, %max3A_821 : vector<16xi1>, vector<16xf32>
        %select_n3A_872 = arith.select %broadcast_in_dim3A_865, %broadcast_in_dim3A_146, %max3A_825 : vector<16xi1>, vector<16xf32>
        %select_n3A_873 = arith.select %broadcast_in_dim3A_865, %broadcast_in_dim3A_146, %max3A_829 : vector<16xi1>, vector<16xf32>
        %slice3A_874 = vector.extract_strided_slice %get3A_173 {offsets = [9], sizes = [1], strides = [1]} : vector<16xi32> to vector<1xi32>
        %squeeze3A_875 = vector.extract %slice3A_874[0] : i32 from vector<1xi32>
        %get3A_876 = arith.index_cast %squeeze3A_875 : i32 to index
        %get3A_877 = arith.constant 0 : index
        %get3A_878 = tpu.vector_load %arg12[%get3A_876, %get3A_877] {strides = array<i32>} : memref<513x128xf32, #tpu.memory_space<vmem>>, vector<16xf32>,
        %max3A_879 = arith.maximumf %select_n3A_866, %get3A_878 : vector<16xf32>
        %get3A_880 = arith.index_cast %squeeze3A_875 : i32 to index
        %get3A_881 = arith.constant 16 : index
        %get3A_882 = tpu.vector_load %arg12[%get3A_880, %get3A_881] {strides = array<i32>} : memref<513x128xf32, #tpu.memory_space<vmem>>, vector<16xf32>,
        %max3A_883 = arith.maximumf %select_n3A_867, %get3A_882 : vector<16xf32>
        %get3A_884 = arith.index_cast %squeeze3A_875 : i32 to index
        %get3A_885 = arith.constant 32 : index
        %get3A_886 = tpu.vector_load %arg12[%get3A_884, %get3A_885] {strides = array<i32>} : memref<513x128xf32, #tpu.memory_space<vmem>>, vector<16xf32>,
        %max3A_887 = arith.maximumf %select_n3A_868, %get3A_886 : vector<16xf32>
        %get3A_888 = arith.index_cast %squeeze3A_875 : i32 to index
        %get3A_889 = arith.constant 48 : index
        %get3A_890 = tpu.vector_load %arg12[%get3A_888, %get3A_889] {strides = array<i32>} : memref<513x128xf32, #tpu.memory_space<vmem>>, vector<16xf32>,
        %max3A_891 = arith.maximumf %select_n3A_869, %get3A_890 : vector<16xf32>
        %get3A_892 = arith.index_cast %squeeze3A_875 : i32 to index
        %get3A_893 = arith.constant 64 : index
        %get3A_894 = tpu.vector_load %arg12[%get3A_892, %get3A_893] {strides = array<i32>} : memref<513x128xf32, #tpu.memory_space<vmem>>, vector<16xf32>,
        %max3A_895 = arith.maximumf %select_n3A_870, %get3A_894 : vector<16xf32>
        %get3A_896 = arith.index_cast %squeeze3A_875 : i32 to index
        %get3A_897 = arith.constant 80 : index
        %get3A_898 = tpu.vector_load %arg12[%get3A_896, %get3A_897] {strides = array<i32>} : memref<513x128xf32, #tpu.memory_space<vmem>>, vector<16xf32>,
        %max3A_899 = arith.maximumf %select_n3A_871, %get3A_898 : vector<16xf32>
        %get3A_900 = arith.index_cast %squeeze3A_875 : i32 to index
        %get3A_901 = arith.constant 96 : index
        %get3A_902 = tpu.vector_load %arg12[%get3A_900, %get3A_901] {strides = array<i32>} : memref<513x128xf32, #tpu.memory_space<vmem>>, vector<16xf32>,
        %max3A_903 = arith.maximumf %select_n3A_872, %get3A_902 : vector<16xf32>
        %get3A_904 = arith.index_cast %squeeze3A_875 : i32 to index
        %get3A_905 = arith.constant 112 : index
        %get3A_906 = tpu.vector_load %arg12[%get3A_904, %get3A_905] {strides = array<i32>} : memref<513x128xf32, #tpu.memory_space<vmem>>, vector<16xf32>,
        %max3A_907 = arith.maximumf %select_n3A_873, %get3A_906 : vector<16xf32>
        %slice3A_908 = vector.extract_strided_slice %get3A_177 {offsets = [9], sizes = [1], strides = [1]} : vector<16xi32> to vector<1xi32>
        %squeeze3A_909 = vector.extract %slice3A_908[0] : i32 from vector<1xi32>
        %lt3A_910 = arith.constant 16 : i32
        %lt3A_911 = arith.cmpi slt, %squeeze3A_909, %lt3A_910 : i32
        %mul3A_912 = arith.constant 16 : i32
        %mul3A_913 = arith.muli %and3A_137, %mul3A_912 : i32
        %add3A_914 = arith.addi %mul3A_913, %squeeze3A_909 : i32
        %jit3A_915 = arith.constant 64 : i32
        %select_n3A_916 = arith.select %lt3A_911, %add3A_914, %jit3A_915 : i32
        %swap3A_917 = arith.index_cast %select_n3A_916 : i32 to index
        %swap3A_918 = arith.constant 0 : index
        %swap3A_919 = tpu.vector_load %arg17[%swap3A_917, %swap3A_918] {strides = array<i32>} : memref<65x128xf32, #tpu.memory_space<vmem>>, vector<16xf32>,
        tpu.vector_store %arg17[%swap3A_917, %swap3A_918], %max3A_879 {strides = array<i32>} : memref<65x128xf32, #tpu.memory_space<vmem>>, vector<16xf32>,
        %swap3A_920 = arith.index_cast %select_n3A_916 : i32 to index
        %swap3A_921 = arith.constant 16 : index
        %swap3A_922 = tpu.vector_load %arg17[%swap3A_920, %swap3A_921] {strides = array<i32>} : memref<65x128xf32, #tpu.memory_space<vmem>>, vector<16xf32>,
        tpu.vector_store %arg17[%swap3A_920, %swap3A_921], %max3A_883 {strides = array<i32>} : memref<65x128xf32, #tpu.memory_space<vmem>>, vector<16xf32>,
        %swap3A_923 = arith.index_cast %select_n3A_916 : i32 to index
        %swap3A_924 = arith.constant 32 : index
        %swap3A_925 = tpu.vector_load %arg17[%swap3A_923, %swap3A_924] {strides = array<i32>} : memref<65x128xf32, #tpu.memory_space<vmem>>, vector<16xf32>,
        tpu.vector_store %arg17[%swap3A_923, %swap3A_924], %max3A_887 {strides = array<i32>} : memref<65x128xf32, #tpu.memory_space<vmem>>, vector<16xf32>,
        %swap3A_926 = arith.index_cast %select_n3A_916 : i32 to index
        %swap3A_927 = arith.constant 48 : index
        %swap3A_928 = tpu.vector_load %arg17[%swap3A_926, %swap3A_927] {strides = array<i32>} : memref<65x128xf32, #tpu.memory_space<vmem>>, vector<16xf32>,
        tpu.vector_store %arg17[%swap3A_926, %swap3A_927], %max3A_891 {strides = array<i32>} : memref<65x128xf32, #tpu.memory_space<vmem>>, vector<16xf32>,
        %swap3A_929 = arith.index_cast %select_n3A_916 : i32 to index
        %swap3A_930 = arith.constant 64 : index
        %swap3A_931 = tpu.vector_load %arg17[%swap3A_929, %swap3A_930] {strides = array<i32>} : memref<65x128xf32, #tpu.memory_space<vmem>>, vector<16xf32>,
        tpu.vector_store %arg17[%swap3A_929, %swap3A_930], %max3A_895 {strides = array<i32>} : memref<65x128xf32, #tpu.memory_space<vmem>>, vector<16xf32>,
        %swap3A_932 = arith.index_cast %select_n3A_916 : i32 to index
        %swap3A_933 = arith.constant 80 : index
        %swap3A_934 = tpu.vector_load %arg17[%swap3A_932, %swap3A_933] {strides = array<i32>} : memref<65x128xf32, #tpu.memory_space<vmem>>, vector<16xf32>,
        tpu.vector_store %arg17[%swap3A_932, %swap3A_933], %max3A_899 {strides = array<i32>} : memref<65x128xf32, #tpu.memory_space<vmem>>, vector<16xf32>,
        %swap3A_935 = arith.index_cast %select_n3A_916 : i32 to index
        %swap3A_936 = arith.constant 96 : index
        %swap3A_937 = tpu.vector_load %arg17[%swap3A_935, %swap3A_936] {strides = array<i32>} : memref<65x128xf32, #tpu.memory_space<vmem>>, vector<16xf32>,
        tpu.vector_store %arg17[%swap3A_935, %swap3A_936], %max3A_903 {strides = array<i32>} : memref<65x128xf32, #tpu.memory_space<vmem>>, vector<16xf32>,
        %swap3A_938 = arith.index_cast %select_n3A_916 : i32 to index
        %swap3A_939 = arith.constant 112 : index
        %swap3A_940 = tpu.vector_load %arg17[%swap3A_938, %swap3A_939] {strides = array<i32>} : memref<65x128xf32, #tpu.memory_space<vmem>>, vector<16xf32>,
        tpu.vector_store %arg17[%swap3A_938, %swap3A_939], %max3A_907 {strides = array<i32>} : memref<65x128xf32, #tpu.memory_space<vmem>>, vector<16xf32>,
        %lt3A_941 = arith.constant 16 : i32
        %lt3A_942 = arith.cmpi slt, %squeeze3A_909, %lt3A_941 : i32
        %broadcast_in_dim3A_943 = vector.broadcast %lt3A_942 : i1 to vector<16xi1>
        %select_n3A_944 = arith.select %broadcast_in_dim3A_943, %broadcast_in_dim3A_146, %max3A_879 : vector<16xi1>, vector<16xf32>
        %select_n3A_945 = arith.select %broadcast_in_dim3A_943, %broadcast_in_dim3A_146, %max3A_883 : vector<16xi1>, vector<16xf32>
        %select_n3A_946 = arith.select %broadcast_in_dim3A_943, %broadcast_in_dim3A_146, %max3A_887 : vector<16xi1>, vector<16xf32>
        %select_n3A_947 = arith.select %broadcast_in_dim3A_943, %broadcast_in_dim3A_146, %max3A_891 : vector<16xi1>, vector<16xf32>
        %select_n3A_948 = arith.select %broadcast_in_dim3A_943, %broadcast_in_dim3A_146, %max3A_895 : vector<16xi1>, vector<16xf32>
        %select_n3A_949 = arith.select %broadcast_in_dim3A_943, %broadcast_in_dim3A_146, %max3A_899 : vector<16xi1>, vector<16xf32>
        %select_n3A_950 = arith.select %broadcast_in_dim3A_943, %broadcast_in_dim3A_146, %max3A_903 : vector<16xi1>, vector<16xf32>
        %select_n3A_951 = arith.select %broadcast_in_dim3A_943, %broadcast_in_dim3A_146, %max3A_907 : vector<16xi1>, vector<16xf32>
        %slice3A_952 = vector.extract_strided_slice %get3A_173 {offsets = [10], sizes = [1], strides = [1]} : vector<16xi32> to vector<1xi32>
        %squeeze3A_953 = vector.extract %slice3A_952[0] : i32 from vector<1xi32>
        %get3A_954 = arith.index_cast %squeeze3A_953 : i32 to index
        %get3A_955 = arith.constant 0 : index
        %get3A_956 = tpu.vector_load %arg12[%get3A_954, %get3A_955] {strides = array<i32>} : memref<513x128xf32, #tpu.memory_space<vmem>>, vector<16xf32>,
        %max3A_957 = arith.maximumf %select_n3A_944, %get3A_956 : vector<16xf32>
        %get3A_958 = arith.index_cast %squeeze3A_953 : i32 to index
        %get3A_959 = arith.constant 16 : index
        %get3A_960 = tpu.vector_load %arg12[%get3A_958, %get3A_959] {strides = array<i32>} : memref<513x128xf32, #tpu.memory_space<vmem>>, vector<16xf32>,
        %max3A_961 = arith.maximumf %select_n3A_945, %get3A_960 : vector<16xf32>
        %get3A_962 = arith.index_cast %squeeze3A_953 : i32 to index
        %get3A_963 = arith.constant 32 : index
        %get3A_964 = tpu.vector_load %arg12[%get3A_962, %get3A_963] {strides = array<i32>} : memref<513x128xf32, #tpu.memory_space<vmem>>, vector<16xf32>,
        %max3A_965 = arith.maximumf %select_n3A_946, %get3A_964 : vector<16xf32>
        %get3A_966 = arith.index_cast %squeeze3A_953 : i32 to index
        %get3A_967 = arith.constant 48 : index
        %get3A_968 = tpu.vector_load %arg12[%get3A_966, %get3A_967] {strides = array<i32>} : memref<513x128xf32, #tpu.memory_space<vmem>>, vector<16xf32>,
        %max3A_969 = arith.maximumf %select_n3A_947, %get3A_968 : vector<16xf32>
        %get3A_970 = arith.index_cast %squeeze3A_953 : i32 to index
        %get3A_971 = arith.constant 64 : index
        %get3A_972 = tpu.vector_load %arg12[%get3A_970, %get3A_971] {strides = array<i32>} : memref<513x128xf32, #tpu.memory_space<vmem>>, vector<16xf32>,
        %max3A_973 = arith.maximumf %select_n3A_948, %get3A_972 : vector<16xf32>
        %get3A_974 = arith.index_cast %squeeze3A_953 : i32 to index
        %get3A_975 = arith.constant 80 : index
        %get3A_976 = tpu.vector_load %arg12[%get3A_974, %get3A_975] {strides = array<i32>} : memref<513x128xf32, #tpu.memory_space<vmem>>, vector<16xf32>,
        %max3A_977 = arith.maximumf %select_n3A_949, %get3A_976 : vector<16xf32>
        %get3A_978 = arith.index_cast %squeeze3A_953 : i32 to index
        %get3A_979 = arith.constant 96 : index
        %get3A_980 = tpu.vector_load %arg12[%get3A_978, %get3A_979] {strides = array<i32>} : memref<513x128xf32, #tpu.memory_space<vmem>>, vector<16xf32>,
        %max3A_981 = arith.maximumf %select_n3A_950, %get3A_980 : vector<16xf32>
        %get3A_982 = arith.index_cast %squeeze3A_953 : i32 to index
        %get3A_983 = arith.constant 112 : index
        %get3A_984 = tpu.vector_load %arg12[%get3A_982, %get3A_983] {strides = array<i32>} : memref<513x128xf32, #tpu.memory_space<vmem>>, vector<16xf32>,
        %max3A_985 = arith.maximumf %select_n3A_951, %get3A_984 : vector<16xf32>
        %slice3A_986 = vector.extract_strided_slice %get3A_177 {offsets = [10], sizes = [1], strides = [1]} : vector<16xi32> to vector<1xi32>
        %squeeze3A_987 = vector.extract %slice3A_986[0] : i32 from vector<1xi32>
        %lt3A_988 = arith.constant 16 : i32
        %lt3A_989 = arith.cmpi slt, %squeeze3A_987, %lt3A_988 : i32
        %mul3A_990 = arith.constant 16 : i32
        %mul3A_991 = arith.muli %and3A_137, %mul3A_990 : i32
        %add3A_992 = arith.addi %mul3A_991, %squeeze3A_987 : i32
        %jit3A_993 = arith.constant 64 : i32
        %select_n3A_994 = arith.select %lt3A_989, %add3A_992, %jit3A_993 : i32
        %swap3A_995 = arith.index_cast %select_n3A_994 : i32 to index
        %swap3A_996 = arith.constant 0 : index
        %swap3A_997 = tpu.vector_load %arg17[%swap3A_995, %swap3A_996] {strides = array<i32>} : memref<65x128xf32, #tpu.memory_space<vmem>>, vector<16xf32>,
        tpu.vector_store %arg17[%swap3A_995, %swap3A_996], %max3A_957 {strides = array<i32>} : memref<65x128xf32, #tpu.memory_space<vmem>>, vector<16xf32>,
        %swap3A_998 = arith.index_cast %select_n3A_994 : i32 to index
        %swap3A_999 = arith.constant 16 : index
        %swap3A_1000 = tpu.vector_load %arg17[%swap3A_998, %swap3A_999] {strides = array<i32>} : memref<65x128xf32, #tpu.memory_space<vmem>>, vector<16xf32>,
        tpu.vector_store %arg17[%swap3A_998, %swap3A_999], %max3A_961 {strides = array<i32>} : memref<65x128xf32, #tpu.memory_space<vmem>>, vector<16xf32>,
        %swap3A_1001 = arith.index_cast %select_n3A_994 : i32 to index
        %swap3A_1002 = arith.constant 32 : index
        %swap3A_1003 = tpu.vector_load %arg17[%swap3A_1001, %swap3A_1002] {strides = array<i32>} : memref<65x128xf32, #tpu.memory_space<vmem>>, vector<16xf32>,
        tpu.vector_store %arg17[%swap3A_1001, %swap3A_1002], %max3A_965 {strides = array<i32>} : memref<65x128xf32, #tpu.memory_space<vmem>>, vector<16xf32>,
        %swap3A_1004 = arith.index_cast %select_n3A_994 : i32 to index
        %swap3A_1005 = arith.constant 48 : index
        %swap3A_1006 = tpu.vector_load %arg17[%swap3A_1004, %swap3A_1005] {strides = array<i32>} : memref<65x128xf32, #tpu.memory_space<vmem>>, vector<16xf32>,
        tpu.vector_store %arg17[%swap3A_1004, %swap3A_1005], %max3A_969 {strides = array<i32>} : memref<65x128xf32, #tpu.memory_space<vmem>>, vector<16xf32>,
        %swap3A_1007 = arith.index_cast %select_n3A_994 : i32 to index
        %swap3A_1008 = arith.constant 64 : index
        %swap3A_1009 = tpu.vector_load %arg17[%swap3A_1007, %swap3A_1008] {strides = array<i32>} : memref<65x128xf32, #tpu.memory_space<vmem>>, vector<16xf32>,
        tpu.vector_store %arg17[%swap3A_1007, %swap3A_1008], %max3A_973 {strides = array<i32>} : memref<65x128xf32, #tpu.memory_space<vmem>>, vector<16xf32>,
        %swap3A_1010 = arith.index_cast %select_n3A_994 : i32 to index
        %swap3A_1011 = arith.constant 80 : index
        %swap3A_1012 = tpu.vector_load %arg17[%swap3A_1010, %swap3A_1011] {strides = array<i32>} : memref<65x128xf32, #tpu.memory_space<vmem>>, vector<16xf32>,
        tpu.vector_store %arg17[%swap3A_1010, %swap3A_1011], %max3A_977 {strides = array<i32>} : memref<65x128xf32, #tpu.memory_space<vmem>>, vector<16xf32>,
        %swap3A_1013 = arith.index_cast %select_n3A_994 : i32 to index
        %swap3A_1014 = arith.constant 96 : index
        %swap3A_1015 = tpu.vector_load %arg17[%swap3A_1013, %swap3A_1014] {strides = array<i32>} : memref<65x128xf32, #tpu.memory_space<vmem>>, vector<16xf32>,
        tpu.vector_store %arg17[%swap3A_1013, %swap3A_1014], %max3A_981 {strides = array<i32>} : memref<65x128xf32, #tpu.memory_space<vmem>>, vector<16xf32>,
        %swap3A_1016 = arith.index_cast %select_n3A_994 : i32 to index
        %swap3A_1017 = arith.constant 112 : index
        %swap3A_1018 = tpu.vector_load %arg17[%swap3A_1016, %swap3A_1017] {strides = array<i32>} : memref<65x128xf32, #tpu.memory_space<vmem>>, vector<16xf32>,
        tpu.vector_store %arg17[%swap3A_1016, %swap3A_1017], %max3A_985 {strides = array<i32>} : memref<65x128xf32, #tpu.memory_space<vmem>>, vector<16xf32>,
        %lt3A_1019 = arith.constant 16 : i32
        %lt3A_1020 = arith.cmpi slt, %squeeze3A_987, %lt3A_1019 : i32
        %broadcast_in_dim3A_1021 = vector.broadcast %lt3A_1020 : i1 to vector<16xi1>
        %select_n3A_1022 = arith.select %broadcast_in_dim3A_1021, %broadcast_in_dim3A_146, %max3A_957 : vector<16xi1>, vector<16xf32>
        %select_n3A_1023 = arith.select %broadcast_in_dim3A_1021, %broadcast_in_dim3A_146, %max3A_961 : vector<16xi1>, vector<16xf32>
        %select_n3A_1024 = arith.select %broadcast_in_dim3A_1021, %broadcast_in_dim3A_146, %max3A_965 : vector<16xi1>, vector<16xf32>
        %select_n3A_1025 = arith.select %broadcast_in_dim3A_1021, %broadcast_in_dim3A_146, %max3A_969 : vector<16xi1>, vector<16xf32>
        %select_n3A_1026 = arith.select %broadcast_in_dim3A_1021, %broadcast_in_dim3A_146, %max3A_973 : vector<16xi1>, vector<16xf32>
        %select_n3A_1027 = arith.select %broadcast_in_dim3A_1021, %broadcast_in_dim3A_146, %max3A_977 : vector<16xi1>, vector<16xf32>
        %select_n3A_1028 = arith.select %broadcast_in_dim3A_1021, %broadcast_in_dim3A_146, %max3A_981 : vector<16xi1>, vector<16xf32>
        %select_n3A_1029 = arith.select %broadcast_in_dim3A_1021, %broadcast_in_dim3A_146, %max3A_985 : vector<16xi1>, vector<16xf32>
        %slice3A_1030 = vector.extract_strided_slice %get3A_173 {offsets = [11], sizes = [1], strides = [1]} : vector<16xi32> to vector<1xi32>
        %squeeze3A_1031 = vector.extract %slice3A_1030[0] : i32 from vector<1xi32>
        %get3A_1032 = arith.index_cast %squeeze3A_1031 : i32 to index
        %get3A_1033 = arith.constant 0 : index
        %get3A_1034 = tpu.vector_load %arg12[%get3A_1032, %get3A_1033] {strides = array<i32>} : memref<513x128xf32, #tpu.memory_space<vmem>>, vector<16xf32>,
        %max3A_1035 = arith.maximumf %select_n3A_1022, %get3A_1034 : vector<16xf32>
        %get3A_1036 = arith.index_cast %squeeze3A_1031 : i32 to index
        %get3A_1037 = arith.constant 16 : index
        %get3A_1038 = tpu.vector_load %arg12[%get3A_1036, %get3A_1037] {strides = array<i32>} : memref<513x128xf32, #tpu.memory_space<vmem>>, vector<16xf32>,
        %max3A_1039 = arith.maximumf %select_n3A_1023, %get3A_1038 : vector<16xf32>
        %get3A_1040 = arith.index_cast %squeeze3A_1031 : i32 to index
        %get3A_1041 = arith.constant 32 : index
        %get3A_1042 = tpu.vector_load %arg12[%get3A_1040, %get3A_1041] {strides = array<i32>} : memref<513x128xf32, #tpu.memory_space<vmem>>, vector<16xf32>,
        %max3A_1043 = arith.maximumf %select_n3A_1024, %get3A_1042 : vector<16xf32>
        %get3A_1044 = arith.index_cast %squeeze3A_1031 : i32 to index
        %get3A_1045 = arith.constant 48 : index
        %get3A_1046 = tpu.vector_load %arg12[%get3A_1044, %get3A_1045] {strides = array<i32>} : memref<513x128xf32, #tpu.memory_space<vmem>>, vector<16xf32>,
        %max3A_1047 = arith.maximumf %select_n3A_1025, %get3A_1046 : vector<16xf32>
        %get3A_1048 = arith.index_cast %squeeze3A_1031 : i32 to index
        %get3A_1049 = arith.constant 64 : index
        %get3A_1050 = tpu.vector_load %arg12[%get3A_1048, %get3A_1049] {strides = array<i32>} : memref<513x128xf32, #tpu.memory_space<vmem>>, vector<16xf32>,
        %max3A_1051 = arith.maximumf %select_n3A_1026, %get3A_1050 : vector<16xf32>
        %get3A_1052 = arith.index_cast %squeeze3A_1031 : i32 to index
        %get3A_1053 = arith.constant 80 : index
        %get3A_1054 = tpu.vector_load %arg12[%get3A_1052, %get3A_1053] {strides = array<i32>} : memref<513x128xf32, #tpu.memory_space<vmem>>, vector<16xf32>,
        %max3A_1055 = arith.maximumf %select_n3A_1027, %get3A_1054 : vector<16xf32>
        %get3A_1056 = arith.index_cast %squeeze3A_1031 : i32 to index
        %get3A_1057 = arith.constant 96 : index
        %get3A_1058 = tpu.vector_load %arg12[%get3A_1056, %get3A_1057] {strides = array<i32>} : memref<513x128xf32, #tpu.memory_space<vmem>>, vector<16xf32>,
        %max3A_1059 = arith.maximumf %select_n3A_1028, %get3A_1058 : vector<16xf32>
        %get3A_1060 = arith.index_cast %squeeze3A_1031 : i32 to index
        %get3A_1061 = arith.constant 112 : index
        %get3A_1062 = tpu.vector_load %arg12[%get3A_1060, %get3A_1061] {strides = array<i32>} : memref<513x128xf32, #tpu.memory_space<vmem>>, vector<16xf32>,
        %max3A_1063 = arith.maximumf %select_n3A_1029, %get3A_1062 : vector<16xf32>
        %slice3A_1064 = vector.extract_strided_slice %get3A_177 {offsets = [11], sizes = [1], strides = [1]} : vector<16xi32> to vector<1xi32>
        %squeeze3A_1065 = vector.extract %slice3A_1064[0] : i32 from vector<1xi32>
        %lt3A_1066 = arith.constant 16 : i32
        %lt3A_1067 = arith.cmpi slt, %squeeze3A_1065, %lt3A_1066 : i32
        %mul3A_1068 = arith.constant 16 : i32
        %mul3A_1069 = arith.muli %and3A_137, %mul3A_1068 : i32
        %add3A_1070 = arith.addi %mul3A_1069, %squeeze3A_1065 : i32
        %jit3A_1071 = arith.constant 64 : i32
        %select_n3A_1072 = arith.select %lt3A_1067, %add3A_1070, %jit3A_1071 : i32
        %swap3A_1073 = arith.index_cast %select_n3A_1072 : i32 to index
        %swap3A_1074 = arith.constant 0 : index
        %swap3A_1075 = tpu.vector_load %arg17[%swap3A_1073, %swap3A_1074] {strides = array<i32>} : memref<65x128xf32, #tpu.memory_space<vmem>>, vector<16xf32>,
        tpu.vector_store %arg17[%swap3A_1073, %swap3A_1074], %max3A_1035 {strides = array<i32>} : memref<65x128xf32, #tpu.memory_space<vmem>>, vector<16xf32>,
        %swap3A_1076 = arith.index_cast %select_n3A_1072 : i32 to index
        %swap3A_1077 = arith.constant 16 : index
        %swap3A_1078 = tpu.vector_load %arg17[%swap3A_1076, %swap3A_1077] {strides = array<i32>} : memref<65x128xf32, #tpu.memory_space<vmem>>, vector<16xf32>,
        tpu.vector_store %arg17[%swap3A_1076, %swap3A_1077], %max3A_1039 {strides = array<i32>} : memref<65x128xf32, #tpu.memory_space<vmem>>, vector<16xf32>,
        %swap3A_1079 = arith.index_cast %select_n3A_1072 : i32 to index
        %swap3A_1080 = arith.constant 32 : index
        %swap3A_1081 = tpu.vector_load %arg17[%swap3A_1079, %swap3A_1080] {strides = array<i32>} : memref<65x128xf32, #tpu.memory_space<vmem>>, vector<16xf32>,
        tpu.vector_store %arg17[%swap3A_1079, %swap3A_1080], %max3A_1043 {strides = array<i32>} : memref<65x128xf32, #tpu.memory_space<vmem>>, vector<16xf32>,
        %swap3A_1082 = arith.index_cast %select_n3A_1072 : i32 to index
        %swap3A_1083 = arith.constant 48 : index
        %swap3A_1084 = tpu.vector_load %arg17[%swap3A_1082, %swap3A_1083] {strides = array<i32>} : memref<65x128xf32, #tpu.memory_space<vmem>>, vector<16xf32>,
        tpu.vector_store %arg17[%swap3A_1082, %swap3A_1083], %max3A_1047 {strides = array<i32>} : memref<65x128xf32, #tpu.memory_space<vmem>>, vector<16xf32>,
        %swap3A_1085 = arith.index_cast %select_n3A_1072 : i32 to index
        %swap3A_1086 = arith.constant 64 : index
        %swap3A_1087 = tpu.vector_load %arg17[%swap3A_1085, %swap3A_1086] {strides = array<i32>} : memref<65x128xf32, #tpu.memory_space<vmem>>, vector<16xf32>,
        tpu.vector_store %arg17[%swap3A_1085, %swap3A_1086], %max3A_1051 {strides = array<i32>} : memref<65x128xf32, #tpu.memory_space<vmem>>, vector<16xf32>,
        %swap3A_1088 = arith.index_cast %select_n3A_1072 : i32 to index
        %swap3A_1089 = arith.constant 80 : index
        %swap3A_1090 = tpu.vector_load %arg17[%swap3A_1088, %swap3A_1089] {strides = array<i32>} : memref<65x128xf32, #tpu.memory_space<vmem>>, vector<16xf32>,
        tpu.vector_store %arg17[%swap3A_1088, %swap3A_1089], %max3A_1055 {strides = array<i32>} : memref<65x128xf32, #tpu.memory_space<vmem>>, vector<16xf32>,
        %swap3A_1091 = arith.index_cast %select_n3A_1072 : i32 to index
        %swap3A_1092 = arith.constant 96 : index
        %swap3A_1093 = tpu.vector_load %arg17[%swap3A_1091, %swap3A_1092] {strides = array<i32>} : memref<65x128xf32, #tpu.memory_space<vmem>>, vector<16xf32>,
        tpu.vector_store %arg17[%swap3A_1091, %swap3A_1092], %max3A_1059 {strides = array<i32>} : memref<65x128xf32, #tpu.memory_space<vmem>>, vector<16xf32>,
        %swap3A_1094 = arith.index_cast %select_n3A_1072 : i32 to index
        %swap3A_1095 = arith.constant 112 : index
        %swap3A_1096 = tpu.vector_load %arg17[%swap3A_1094, %swap3A_1095] {strides = array<i32>} : memref<65x128xf32, #tpu.memory_space<vmem>>, vector<16xf32>,
        tpu.vector_store %arg17[%swap3A_1094, %swap3A_1095], %max3A_1063 {strides = array<i32>} : memref<65x128xf32, #tpu.memory_space<vmem>>, vector<16xf32>,
        %lt3A_1097 = arith.constant 16 : i32
        %lt3A_1098 = arith.cmpi slt, %squeeze3A_1065, %lt3A_1097 : i32
        %broadcast_in_dim3A_1099 = vector.broadcast %lt3A_1098 : i1 to vector<16xi1>
        %select_n3A_1100 = arith.select %broadcast_in_dim3A_1099, %broadcast_in_dim3A_146, %max3A_1035 : vector<16xi1>, vector<16xf32>
        %select_n3A_1101 = arith.select %broadcast_in_dim3A_1099, %broadcast_in_dim3A_146, %max3A_1039 : vector<16xi1>, vector<16xf32>
        %select_n3A_1102 = arith.select %broadcast_in_dim3A_1099, %broadcast_in_dim3A_146, %max3A_1043 : vector<16xi1>, vector<16xf32>
        %select_n3A_1103 = arith.select %broadcast_in_dim3A_1099, %broadcast_in_dim3A_146, %max3A_1047 : vector<16xi1>, vector<16xf32>
        %select_n3A_1104 = arith.select %broadcast_in_dim3A_1099, %broadcast_in_dim3A_146, %max3A_1051 : vector<16xi1>, vector<16xf32>
        %select_n3A_1105 = arith.select %broadcast_in_dim3A_1099, %broadcast_in_dim3A_146, %max3A_1055 : vector<16xi1>, vector<16xf32>
        %select_n3A_1106 = arith.select %broadcast_in_dim3A_1099, %broadcast_in_dim3A_146, %max3A_1059 : vector<16xi1>, vector<16xf32>
        %select_n3A_1107 = arith.select %broadcast_in_dim3A_1099, %broadcast_in_dim3A_146, %max3A_1063 : vector<16xi1>, vector<16xf32>
        %slice3A_1108 = vector.extract_strided_slice %get3A_173 {offsets = [12], sizes = [1], strides = [1]} : vector<16xi32> to vector<1xi32>
        %squeeze3A_1109 = vector.extract %slice3A_1108[0] : i32 from vector<1xi32>
        %get3A_1110 = arith.index_cast %squeeze3A_1109 : i32 to index
        %get3A_1111 = arith.constant 0 : index
        %get3A_1112 = tpu.vector_load %arg12[%get3A_1110, %get3A_1111] {strides = array<i32>} : memref<513x128xf32, #tpu.memory_space<vmem>>, vector<16xf32>,
        %max3A_1113 = arith.maximumf %select_n3A_1100, %get3A_1112 : vector<16xf32>
        %get3A_1114 = arith.index_cast %squeeze3A_1109 : i32 to index
        %get3A_1115 = arith.constant 16 : index
        %get3A_1116 = tpu.vector_load %arg12[%get3A_1114, %get3A_1115] {strides = array<i32>} : memref<513x128xf32, #tpu.memory_space<vmem>>, vector<16xf32>,
        %max3A_1117 = arith.maximumf %select_n3A_1101, %get3A_1116 : vector<16xf32>
        %get3A_1118 = arith.index_cast %squeeze3A_1109 : i32 to index
        %get3A_1119 = arith.constant 32 : index
        %get3A_1120 = tpu.vector_load %arg12[%get3A_1118, %get3A_1119] {strides = array<i32>} : memref<513x128xf32, #tpu.memory_space<vmem>>, vector<16xf32>,
        %max3A_1121 = arith.maximumf %select_n3A_1102, %get3A_1120 : vector<16xf32>
        %get3A_1122 = arith.index_cast %squeeze3A_1109 : i32 to index
        %get3A_1123 = arith.constant 48 : index
        %get3A_1124 = tpu.vector_load %arg12[%get3A_1122, %get3A_1123] {strides = array<i32>} : memref<513x128xf32, #tpu.memory_space<vmem>>, vector<16xf32>,
        %max3A_1125 = arith.maximumf %select_n3A_1103, %get3A_1124 : vector<16xf32>
        %get3A_1126 = arith.index_cast %squeeze3A_1109 : i32 to index
        %get3A_1127 = arith.constant 64 : index
        %get3A_1128 = tpu.vector_load %arg12[%get3A_1126, %get3A_1127] {strides = array<i32>} : memref<513x128xf32, #tpu.memory_space<vmem>>, vector<16xf32>,
        %max3A_1129 = arith.maximumf %select_n3A_1104, %get3A_1128 : vector<16xf32>
        %get3A_1130 = arith.index_cast %squeeze3A_1109 : i32 to index
        %get3A_1131 = arith.constant 80 : index
        %get3A_1132 = tpu.vector_load %arg12[%get3A_1130, %get3A_1131] {strides = array<i32>} : memref<513x128xf32, #tpu.memory_space<vmem>>, vector<16xf32>,
        %max3A_1133 = arith.maximumf %select_n3A_1105, %get3A_1132 : vector<16xf32>
        %get3A_1134 = arith.index_cast %squeeze3A_1109 : i32 to index
        %get3A_1135 = arith.constant 96 : index
        %get3A_1136 = tpu.vector_load %arg12[%get3A_1134, %get3A_1135] {strides = array<i32>} : memref<513x128xf32, #tpu.memory_space<vmem>>, vector<16xf32>,
        %max3A_1137 = arith.maximumf %select_n3A_1106, %get3A_1136 : vector<16xf32>
        %get3A_1138 = arith.index_cast %squeeze3A_1109 : i32 to index
        %get3A_1139 = arith.constant 112 : index
        %get3A_1140 = tpu.vector_load %arg12[%get3A_1138, %get3A_1139] {strides = array<i32>} : memref<513x128xf32, #tpu.memory_space<vmem>>, vector<16xf32>,
        %max3A_1141 = arith.maximumf %select_n3A_1107, %get3A_1140 : vector<16xf32>
        %slice3A_1142 = vector.extract_strided_slice %get3A_177 {offsets = [12], sizes = [1], strides = [1]} : vector<16xi32> to vector<1xi32>
        %squeeze3A_1143 = vector.extract %slice3A_1142[0] : i32 from vector<1xi32>
        %lt3A_1144 = arith.constant 16 : i32
        %lt3A_1145 = arith.cmpi slt, %squeeze3A_1143, %lt3A_1144 : i32
        %mul3A_1146 = arith.constant 16 : i32
        %mul3A_1147 = arith.muli %and3A_137, %mul3A_1146 : i32
        %add3A_1148 = arith.addi %mul3A_1147, %squeeze3A_1143 : i32
        %jit3A_1149 = arith.constant 64 : i32
        %select_n3A_1150 = arith.select %lt3A_1145, %add3A_1148, %jit3A_1149 : i32
        %swap3A_1151 = arith.index_cast %select_n3A_1150 : i32 to index
        %swap3A_1152 = arith.constant 0 : index
        %swap3A_1153 = tpu.vector_load %arg17[%swap3A_1151, %swap3A_1152] {strides = array<i32>} : memref<65x128xf32, #tpu.memory_space<vmem>>, vector<16xf32>,
        tpu.vector_store %arg17[%swap3A_1151, %swap3A_1152], %max3A_1113 {strides = array<i32>} : memref<65x128xf32, #tpu.memory_space<vmem>>, vector<16xf32>,
        %swap3A_1154 = arith.index_cast %select_n3A_1150 : i32 to index
        %swap3A_1155 = arith.constant 16 : index
        %swap3A_1156 = tpu.vector_load %arg17[%swap3A_1154, %swap3A_1155] {strides = array<i32>} : memref<65x128xf32, #tpu.memory_space<vmem>>, vector<16xf32>,
        tpu.vector_store %arg17[%swap3A_1154, %swap3A_1155], %max3A_1117 {strides = array<i32>} : memref<65x128xf32, #tpu.memory_space<vmem>>, vector<16xf32>,
        %swap3A_1157 = arith.index_cast %select_n3A_1150 : i32 to index
        %swap3A_1158 = arith.constant 32 : index
        %swap3A_1159 = tpu.vector_load %arg17[%swap3A_1157, %swap3A_1158] {strides = array<i32>} : memref<65x128xf32, #tpu.memory_space<vmem>>, vector<16xf32>,
        tpu.vector_store %arg17[%swap3A_1157, %swap3A_1158], %max3A_1121 {strides = array<i32>} : memref<65x128xf32, #tpu.memory_space<vmem>>, vector<16xf32>,
        %swap3A_1160 = arith.index_cast %select_n3A_1150 : i32 to index
        %swap3A_1161 = arith.constant 48 : index
        %swap3A_1162 = tpu.vector_load %arg17[%swap3A_1160, %swap3A_1161] {strides = array<i32>} : memref<65x128xf32, #tpu.memory_space<vmem>>, vector<16xf32>,
        tpu.vector_store %arg17[%swap3A_1160, %swap3A_1161], %max3A_1125 {strides = array<i32>} : memref<65x128xf32, #tpu.memory_space<vmem>>, vector<16xf32>,
        %swap3A_1163 = arith.index_cast %select_n3A_1150 : i32 to index
        %swap3A_1164 = arith.constant 64 : index
        %swap3A_1165 = tpu.vector_load %arg17[%swap3A_1163, %swap3A_1164] {strides = array<i32>} : memref<65x128xf32, #tpu.memory_space<vmem>>, vector<16xf32>,
        tpu.vector_store %arg17[%swap3A_1163, %swap3A_1164], %max3A_1129 {strides = array<i32>} : memref<65x128xf32, #tpu.memory_space<vmem>>, vector<16xf32>,
        %swap3A_1166 = arith.index_cast %select_n3A_1150 : i32 to index
        %swap3A_1167 = arith.constant 80 : index
        %swap3A_1168 = tpu.vector_load %arg17[%swap3A_1166, %swap3A_1167] {strides = array<i32>} : memref<65x128xf32, #tpu.memory_space<vmem>>, vector<16xf32>,
        tpu.vector_store %arg17[%swap3A_1166, %swap3A_1167], %max3A_1133 {strides = array<i32>} : memref<65x128xf32, #tpu.memory_space<vmem>>, vector<16xf32>,
        %swap3A_1169 = arith.index_cast %select_n3A_1150 : i32 to index
        %swap3A_1170 = arith.constant 96 : index
        %swap3A_1171 = tpu.vector_load %arg17[%swap3A_1169, %swap3A_1170] {strides = array<i32>} : memref<65x128xf32, #tpu.memory_space<vmem>>, vector<16xf32>,
        tpu.vector_store %arg17[%swap3A_1169, %swap3A_1170], %max3A_1137 {strides = array<i32>} : memref<65x128xf32, #tpu.memory_space<vmem>>, vector<16xf32>,
        %swap3A_1172 = arith.index_cast %select_n3A_1150 : i32 to index
        %swap3A_1173 = arith.constant 112 : index
        %swap3A_1174 = tpu.vector_load %arg17[%swap3A_1172, %swap3A_1173] {strides = array<i32>} : memref<65x128xf32, #tpu.memory_space<vmem>>, vector<16xf32>,
        tpu.vector_store %arg17[%swap3A_1172, %swap3A_1173], %max3A_1141 {strides = array<i32>} : memref<65x128xf32, #tpu.memory_space<vmem>>, vector<16xf32>,
        %lt3A_1175 = arith.constant 16 : i32
        %lt3A_1176 = arith.cmpi slt, %squeeze3A_1143, %lt3A_1175 : i32
        %broadcast_in_dim3A_1177 = vector.broadcast %lt3A_1176 : i1 to vector<16xi1>
        %select_n3A_1178 = arith.select %broadcast_in_dim3A_1177, %broadcast_in_dim3A_146, %max3A_1113 : vector<16xi1>, vector<16xf32>
        %select_n3A_1179 = arith.select %broadcast_in_dim3A_1177, %broadcast_in_dim3A_146, %max3A_1117 : vector<16xi1>, vector<16xf32>
        %select_n3A_1180 = arith.select %broadcast_in_dim3A_1177, %broadcast_in_dim3A_146, %max3A_1121 : vector<16xi1>, vector<16xf32>
        %select_n3A_1181 = arith.select %broadcast_in_dim3A_1177, %broadcast_in_dim3A_146, %max3A_1125 : vector<16xi1>, vector<16xf32>
        %select_n3A_1182 = arith.select %broadcast_in_dim3A_1177, %broadcast_in_dim3A_146, %max3A_1129 : vector<16xi1>, vector<16xf32>
        %select_n3A_1183 = arith.select %broadcast_in_dim3A_1177, %broadcast_in_dim3A_146, %max3A_1133 : vector<16xi1>, vector<16xf32>
        %select_n3A_1184 = arith.select %broadcast_in_dim3A_1177, %broadcast_in_dim3A_146, %max3A_1137 : vector<16xi1>, vector<16xf32>
        %select_n3A_1185 = arith.select %broadcast_in_dim3A_1177, %broadcast_in_dim3A_146, %max3A_1141 : vector<16xi1>, vector<16xf32>
        %slice3A_1186 = vector.extract_strided_slice %get3A_173 {offsets = [13], sizes = [1], strides = [1]} : vector<16xi32> to vector<1xi32>
        %squeeze3A_1187 = vector.extract %slice3A_1186[0] : i32 from vector<1xi32>
        %get3A_1188 = arith.index_cast %squeeze3A_1187 : i32 to index
        %get3A_1189 = arith.constant 0 : index
        %get3A_1190 = tpu.vector_load %arg12[%get3A_1188, %get3A_1189] {strides = array<i32>} : memref<513x128xf32, #tpu.memory_space<vmem>>, vector<16xf32>,
        %max3A_1191 = arith.maximumf %select_n3A_1178, %get3A_1190 : vector<16xf32>
        %get3A_1192 = arith.index_cast %squeeze3A_1187 : i32 to index
        %get3A_1193 = arith.constant 16 : index
        %get3A_1194 = tpu.vector_load %arg12[%get3A_1192, %get3A_1193] {strides = array<i32>} : memref<513x128xf32, #tpu.memory_space<vmem>>, vector<16xf32>,
        %max3A_1195 = arith.maximumf %select_n3A_1179, %get3A_1194 : vector<16xf32>
        %get3A_1196 = arith.index_cast %squeeze3A_1187 : i32 to index
        %get3A_1197 = arith.constant 32 : index
        %get3A_1198 = tpu.vector_load %arg12[%get3A_1196, %get3A_1197] {strides = array<i32>} : memref<513x128xf32, #tpu.memory_space<vmem>>, vector<16xf32>,
        %max3A_1199 = arith.maximumf %select_n3A_1180, %get3A_1198 : vector<16xf32>
        %get3A_1200 = arith.index_cast %squeeze3A_1187 : i32 to index
        %get3A_1201 = arith.constant 48 : index
        %get3A_1202 = tpu.vector_load %arg12[%get3A_1200, %get3A_1201] {strides = array<i32>} : memref<513x128xf32, #tpu.memory_space<vmem>>, vector<16xf32>,
        %max3A_1203 = arith.maximumf %select_n3A_1181, %get3A_1202 : vector<16xf32>
        %get3A_1204 = arith.index_cast %squeeze3A_1187 : i32 to index
        %get3A_1205 = arith.constant 64 : index
        %get3A_1206 = tpu.vector_load %arg12[%get3A_1204, %get3A_1205] {strides = array<i32>} : memref<513x128xf32, #tpu.memory_space<vmem>>, vector<16xf32>,
        %max3A_1207 = arith.maximumf %select_n3A_1182, %get3A_1206 : vector<16xf32>
        %get3A_1208 = arith.index_cast %squeeze3A_1187 : i32 to index
        %get3A_1209 = arith.constant 80 : index
        %get3A_1210 = tpu.vector_load %arg12[%get3A_1208, %get3A_1209] {strides = array<i32>} : memref<513x128xf32, #tpu.memory_space<vmem>>, vector<16xf32>,
        %max3A_1211 = arith.maximumf %select_n3A_1183, %get3A_1210 : vector<16xf32>
        %get3A_1212 = arith.index_cast %squeeze3A_1187 : i32 to index
        %get3A_1213 = arith.constant 96 : index
        %get3A_1214 = tpu.vector_load %arg12[%get3A_1212, %get3A_1213] {strides = array<i32>} : memref<513x128xf32, #tpu.memory_space<vmem>>, vector<16xf32>,
        %max3A_1215 = arith.maximumf %select_n3A_1184, %get3A_1214 : vector<16xf32>
        %get3A_1216 = arith.index_cast %squeeze3A_1187 : i32 to index
        %get3A_1217 = arith.constant 112 : index
        %get3A_1218 = tpu.vector_load %arg12[%get3A_1216, %get3A_1217] {strides = array<i32>} : memref<513x128xf32, #tpu.memory_space<vmem>>, vector<16xf32>,
        %max3A_1219 = arith.maximumf %select_n3A_1185, %get3A_1218 : vector<16xf32>
        %slice3A_1220 = vector.extract_strided_slice %get3A_177 {offsets = [13], sizes = [1], strides = [1]} : vector<16xi32> to vector<1xi32>
        %squeeze3A_1221 = vector.extract %slice3A_1220[0] : i32 from vector<1xi32>
        %lt3A_1222 = arith.constant 16 : i32
        %lt3A_1223 = arith.cmpi slt, %squeeze3A_1221, %lt3A_1222 : i32
        %mul3A_1224 = arith.constant 16 : i32
        %mul3A_1225 = arith.muli %and3A_137, %mul3A_1224 : i32
        %add3A_1226 = arith.addi %mul3A_1225, %squeeze3A_1221 : i32
        %jit3A_1227 = arith.constant 64 : i32
        %select_n3A_1228 = arith.select %lt3A_1223, %add3A_1226, %jit3A_1227 : i32
        %swap3A_1229 = arith.index_cast %select_n3A_1228 : i32 to index
        %swap3A_1230 = arith.constant 0 : index
        %swap3A_1231 = tpu.vector_load %arg17[%swap3A_1229, %swap3A_1230] {strides = array<i32>} : memref<65x128xf32, #tpu.memory_space<vmem>>, vector<16xf32>,
        tpu.vector_store %arg17[%swap3A_1229, %swap3A_1230], %max3A_1191 {strides = array<i32>} : memref<65x128xf32, #tpu.memory_space<vmem>>, vector<16xf32>,
        %swap3A_1232 = arith.index_cast %select_n3A_1228 : i32 to index
        %swap3A_1233 = arith.constant 16 : index
        %swap3A_1234 = tpu.vector_load %arg17[%swap3A_1232, %swap3A_1233] {strides = array<i32>} : memref<65x128xf32, #tpu.memory_space<vmem>>, vector<16xf32>,
        tpu.vector_store %arg17[%swap3A_1232, %swap3A_1233], %max3A_1195 {strides = array<i32>} : memref<65x128xf32, #tpu.memory_space<vmem>>, vector<16xf32>,
        %swap3A_1235 = arith.index_cast %select_n3A_1228 : i32 to index
        %swap3A_1236 = arith.constant 32 : index
        %swap3A_1237 = tpu.vector_load %arg17[%swap3A_1235, %swap3A_1236] {strides = array<i32>} : memref<65x128xf32, #tpu.memory_space<vmem>>, vector<16xf32>,
        tpu.vector_store %arg17[%swap3A_1235, %swap3A_1236], %max3A_1199 {strides = array<i32>} : memref<65x128xf32, #tpu.memory_space<vmem>>, vector<16xf32>,
        %swap3A_1238 = arith.index_cast %select_n3A_1228 : i32 to index
        %swap3A_1239 = arith.constant 48 : index
        %swap3A_1240 = tpu.vector_load %arg17[%swap3A_1238, %swap3A_1239] {strides = array<i32>} : memref<65x128xf32, #tpu.memory_space<vmem>>, vector<16xf32>,
        tpu.vector_store %arg17[%swap3A_1238, %swap3A_1239], %max3A_1203 {strides = array<i32>} : memref<65x128xf32, #tpu.memory_space<vmem>>, vector<16xf32>,
        %swap3A_1241 = arith.index_cast %select_n3A_1228 : i32 to index
        %swap3A_1242 = arith.constant 64 : index
        %swap3A_1243 = tpu.vector_load %arg17[%swap3A_1241, %swap3A_1242] {strides = array<i32>} : memref<65x128xf32, #tpu.memory_space<vmem>>, vector<16xf32>,
        tpu.vector_store %arg17[%swap3A_1241, %swap3A_1242], %max3A_1207 {strides = array<i32>} : memref<65x128xf32, #tpu.memory_space<vmem>>, vector<16xf32>,
        %swap3A_1244 = arith.index_cast %select_n3A_1228 : i32 to index
        %swap3A_1245 = arith.constant 80 : index
        %swap3A_1246 = tpu.vector_load %arg17[%swap3A_1244, %swap3A_1245] {strides = array<i32>} : memref<65x128xf32, #tpu.memory_space<vmem>>, vector<16xf32>,
        tpu.vector_store %arg17[%swap3A_1244, %swap3A_1245], %max3A_1211 {strides = array<i32>} : memref<65x128xf32, #tpu.memory_space<vmem>>, vector<16xf32>,
        %swap3A_1247 = arith.index_cast %select_n3A_1228 : i32 to index
        %swap3A_1248 = arith.constant 96 : index
        %swap3A_1249 = tpu.vector_load %arg17[%swap3A_1247, %swap3A_1248] {strides = array<i32>} : memref<65x128xf32, #tpu.memory_space<vmem>>, vector<16xf32>,
        tpu.vector_store %arg17[%swap3A_1247, %swap3A_1248], %max3A_1215 {strides = array<i32>} : memref<65x128xf32, #tpu.memory_space<vmem>>, vector<16xf32>,
        %swap3A_1250 = arith.index_cast %select_n3A_1228 : i32 to index
        %swap3A_1251 = arith.constant 112 : index
        %swap3A_1252 = tpu.vector_load %arg17[%swap3A_1250, %swap3A_1251] {strides = array<i32>} : memref<65x128xf32, #tpu.memory_space<vmem>>, vector<16xf32>,
        tpu.vector_store %arg17[%swap3A_1250, %swap3A_1251], %max3A_1219 {strides = array<i32>} : memref<65x128xf32, #tpu.memory_space<vmem>>, vector<16xf32>,
        %lt3A_1253 = arith.constant 16 : i32
        %lt3A_1254 = arith.cmpi slt, %squeeze3A_1221, %lt3A_1253 : i32
        %broadcast_in_dim3A_1255 = vector.broadcast %lt3A_1254 : i1 to vector<16xi1>
        %select_n3A_1256 = arith.select %broadcast_in_dim3A_1255, %broadcast_in_dim3A_146, %max3A_1191 : vector<16xi1>, vector<16xf32>
        %select_n3A_1257 = arith.select %broadcast_in_dim3A_1255, %broadcast_in_dim3A_146, %max3A_1195 : vector<16xi1>, vector<16xf32>
        %select_n3A_1258 = arith.select %broadcast_in_dim3A_1255, %broadcast_in_dim3A_146, %max3A_1199 : vector<16xi1>, vector<16xf32>
        %select_n3A_1259 = arith.select %broadcast_in_dim3A_1255, %broadcast_in_dim3A_146, %max3A_1203 : vector<16xi1>, vector<16xf32>
        %select_n3A_1260 = arith.select %broadcast_in_dim3A_1255, %broadcast_in_dim3A_146, %max3A_1207 : vector<16xi1>, vector<16xf32>
        %select_n3A_1261 = arith.select %broadcast_in_dim3A_1255, %broadcast_in_dim3A_146, %max3A_1211 : vector<16xi1>, vector<16xf32>
        %select_n3A_1262 = arith.select %broadcast_in_dim3A_1255, %broadcast_in_dim3A_146, %max3A_1215 : vector<16xi1>, vector<16xf32>
        %select_n3A_1263 = arith.select %broadcast_in_dim3A_1255, %broadcast_in_dim3A_146, %max3A_1219 : vector<16xi1>, vector<16xf32>
        %slice3A_1264 = vector.extract_strided_slice %get3A_173 {offsets = [14], sizes = [1], strides = [1]} : vector<16xi32> to vector<1xi32>
        %squeeze3A_1265 = vector.extract %slice3A_1264[0] : i32 from vector<1xi32>
        %get3A_1266 = arith.index_cast %squeeze3A_1265 : i32 to index
        %get3A_1267 = arith.constant 0 : index
        %get3A_1268 = tpu.vector_load %arg12[%get3A_1266, %get3A_1267] {strides = array<i32>} : memref<513x128xf32, #tpu.memory_space<vmem>>, vector<16xf32>,
        %max3A_1269 = arith.maximumf %select_n3A_1256, %get3A_1268 : vector<16xf32>
        %get3A_1270 = arith.index_cast %squeeze3A_1265 : i32 to index
        %get3A_1271 = arith.constant 16 : index
        %get3A_1272 = tpu.vector_load %arg12[%get3A_1270, %get3A_1271] {strides = array<i32>} : memref<513x128xf32, #tpu.memory_space<vmem>>, vector<16xf32>,
        %max3A_1273 = arith.maximumf %select_n3A_1257, %get3A_1272 : vector<16xf32>
        %get3A_1274 = arith.index_cast %squeeze3A_1265 : i32 to index
        %get3A_1275 = arith.constant 32 : index
        %get3A_1276 = tpu.vector_load %arg12[%get3A_1274, %get3A_1275] {strides = array<i32>} : memref<513x128xf32, #tpu.memory_space<vmem>>, vector<16xf32>,
        %max3A_1277 = arith.maximumf %select_n3A_1258, %get3A_1276 : vector<16xf32>
        %get3A_1278 = arith.index_cast %squeeze3A_1265 : i32 to index
        %get3A_1279 = arith.constant 48 : index
        %get3A_1280 = tpu.vector_load %arg12[%get3A_1278, %get3A_1279] {strides = array<i32>} : memref<513x128xf32, #tpu.memory_space<vmem>>, vector<16xf32>,
        %max3A_1281 = arith.maximumf %select_n3A_1259, %get3A_1280 : vector<16xf32>
        %get3A_1282 = arith.index_cast %squeeze3A_1265 : i32 to index
        %get3A_1283 = arith.constant 64 : index
        %get3A_1284 = tpu.vector_load %arg12[%get3A_1282, %get3A_1283] {strides = array<i32>} : memref<513x128xf32, #tpu.memory_space<vmem>>, vector<16xf32>,
        %max3A_1285 = arith.maximumf %select_n3A_1260, %get3A_1284 : vector<16xf32>
        %get3A_1286 = arith.index_cast %squeeze3A_1265 : i32 to index
        %get3A_1287 = arith.constant 80 : index
        %get3A_1288 = tpu.vector_load %arg12[%get3A_1286, %get3A_1287] {strides = array<i32>} : memref<513x128xf32, #tpu.memory_space<vmem>>, vector<16xf32>,
        %max3A_1289 = arith.maximumf %select_n3A_1261, %get3A_1288 : vector<16xf32>
        %get3A_1290 = arith.index_cast %squeeze3A_1265 : i32 to index
        %get3A_1291 = arith.constant 96 : index
        %get3A_1292 = tpu.vector_load %arg12[%get3A_1290, %get3A_1291] {strides = array<i32>} : memref<513x128xf32, #tpu.memory_space<vmem>>, vector<16xf32>,
        %max3A_1293 = arith.maximumf %select_n3A_1262, %get3A_1292 : vector<16xf32>
        %get3A_1294 = arith.index_cast %squeeze3A_1265 : i32 to index
        %get3A_1295 = arith.constant 112 : index
        %get3A_1296 = tpu.vector_load %arg12[%get3A_1294, %get3A_1295] {strides = array<i32>} : memref<513x128xf32, #tpu.memory_space<vmem>>, vector<16xf32>,
        %max3A_1297 = arith.maximumf %select_n3A_1263, %get3A_1296 : vector<16xf32>
        %slice3A_1298 = vector.extract_strided_slice %get3A_177 {offsets = [14], sizes = [1], strides = [1]} : vector<16xi32> to vector<1xi32>
        %squeeze3A_1299 = vector.extract %slice3A_1298[0] : i32 from vector<1xi32>
        %lt3A_1300 = arith.constant 16 : i32
        %lt3A_1301 = arith.cmpi slt, %squeeze3A_1299, %lt3A_1300 : i32
        %mul3A_1302 = arith.constant 16 : i32
        %mul3A_1303 = arith.muli %and3A_137, %mul3A_1302 : i32
        %add3A_1304 = arith.addi %mul3A_1303, %squeeze3A_1299 : i32
        %jit3A_1305 = arith.constant 64 : i32
        %select_n3A_1306 = arith.select %lt3A_1301, %add3A_1304, %jit3A_1305 : i32
        %swap3A_1307 = arith.index_cast %select_n3A_1306 : i32 to index
        %swap3A_1308 = arith.constant 0 : index
        %swap3A_1309 = tpu.vector_load %arg17[%swap3A_1307, %swap3A_1308] {strides = array<i32>} : memref<65x128xf32, #tpu.memory_space<vmem>>, vector<16xf32>,
        tpu.vector_store %arg17[%swap3A_1307, %swap3A_1308], %max3A_1269 {strides = array<i32>} : memref<65x128xf32, #tpu.memory_space<vmem>>, vector<16xf32>,
        %swap3A_1310 = arith.index_cast %select_n3A_1306 : i32 to index
        %swap3A_1311 = arith.constant 16 : index
        %swap3A_1312 = tpu.vector_load %arg17[%swap3A_1310, %swap3A_1311] {strides = array<i32>} : memref<65x128xf32, #tpu.memory_space<vmem>>, vector<16xf32>,
        tpu.vector_store %arg17[%swap3A_1310, %swap3A_1311], %max3A_1273 {strides = array<i32>} : memref<65x128xf32, #tpu.memory_space<vmem>>, vector<16xf32>,
        %swap3A_1313 = arith.index_cast %select_n3A_1306 : i32 to index
        %swap3A_1314 = arith.constant 32 : index
        %swap3A_1315 = tpu.vector_load %arg17[%swap3A_1313, %swap3A_1314] {strides = array<i32>} : memref<65x128xf32, #tpu.memory_space<vmem>>, vector<16xf32>,
        tpu.vector_store %arg17[%swap3A_1313, %swap3A_1314], %max3A_1277 {strides = array<i32>} : memref<65x128xf32, #tpu.memory_space<vmem>>, vector<16xf32>,
        %swap3A_1316 = arith.index_cast %select_n3A_1306 : i32 to index
        %swap3A_1317 = arith.constant 48 : index
        %swap3A_1318 = tpu.vector_load %arg17[%swap3A_1316, %swap3A_1317] {strides = array<i32>} : memref<65x128xf32, #tpu.memory_space<vmem>>, vector<16xf32>,
        tpu.vector_store %arg17[%swap3A_1316, %swap3A_1317], %max3A_1281 {strides = array<i32>} : memref<65x128xf32, #tpu.memory_space<vmem>>, vector<16xf32>,
        %swap3A_1319 = arith.index_cast %select_n3A_1306 : i32 to index
        %swap3A_1320 = arith.constant 64 : index
        %swap3A_1321 = tpu.vector_load %arg17[%swap3A_1319, %swap3A_1320] {strides = array<i32>} : memref<65x128xf32, #tpu.memory_space<vmem>>, vector<16xf32>,
        tpu.vector_store %arg17[%swap3A_1319, %swap3A_1320], %max3A_1285 {strides = array<i32>} : memref<65x128xf32, #tpu.memory_space<vmem>>, vector<16xf32>,
        %swap3A_1322 = arith.index_cast %select_n3A_1306 : i32 to index
        %swap3A_1323 = arith.constant 80 : index
        %swap3A_1324 = tpu.vector_load %arg17[%swap3A_1322, %swap3A_1323] {strides = array<i32>} : memref<65x128xf32, #tpu.memory_space<vmem>>, vector<16xf32>,
        tpu.vector_store %arg17[%swap3A_1322, %swap3A_1323], %max3A_1289 {strides = array<i32>} : memref<65x128xf32, #tpu.memory_space<vmem>>, vector<16xf32>,
        %swap3A_1325 = arith.index_cast %select_n3A_1306 : i32 to index
        %swap3A_1326 = arith.constant 96 : index
        %swap3A_1327 = tpu.vector_load %arg17[%swap3A_1325, %swap3A_1326] {strides = array<i32>} : memref<65x128xf32, #tpu.memory_space<vmem>>, vector<16xf32>,
        tpu.vector_store %arg17[%swap3A_1325, %swap3A_1326], %max3A_1293 {strides = array<i32>} : memref<65x128xf32, #tpu.memory_space<vmem>>, vector<16xf32>,
        %swap3A_1328 = arith.index_cast %select_n3A_1306 : i32 to index
        %swap3A_1329 = arith.constant 112 : index
        %swap3A_1330 = tpu.vector_load %arg17[%swap3A_1328, %swap3A_1329] {strides = array<i32>} : memref<65x128xf32, #tpu.memory_space<vmem>>, vector<16xf32>,
        tpu.vector_store %arg17[%swap3A_1328, %swap3A_1329], %max3A_1297 {strides = array<i32>} : memref<65x128xf32, #tpu.memory_space<vmem>>, vector<16xf32>,
        %lt3A_1331 = arith.constant 16 : i32
        %lt3A_1332 = arith.cmpi slt, %squeeze3A_1299, %lt3A_1331 : i32
        %broadcast_in_dim3A_1333 = vector.broadcast %lt3A_1332 : i1 to vector<16xi1>
        %select_n3A_1334 = arith.select %broadcast_in_dim3A_1333, %broadcast_in_dim3A_146, %max3A_1269 : vector<16xi1>, vector<16xf32>
        %select_n3A_1335 = arith.select %broadcast_in_dim3A_1333, %broadcast_in_dim3A_146, %max3A_1273 : vector<16xi1>, vector<16xf32>
        %select_n3A_1336 = arith.select %broadcast_in_dim3A_1333, %broadcast_in_dim3A_146, %max3A_1277 : vector<16xi1>, vector<16xf32>
        %select_n3A_1337 = arith.select %broadcast_in_dim3A_1333, %broadcast_in_dim3A_146, %max3A_1281 : vector<16xi1>, vector<16xf32>
        %select_n3A_1338 = arith.select %broadcast_in_dim3A_1333, %broadcast_in_dim3A_146, %max3A_1285 : vector<16xi1>, vector<16xf32>
        %select_n3A_1339 = arith.select %broadcast_in_dim3A_1333, %broadcast_in_dim3A_146, %max3A_1289 : vector<16xi1>, vector<16xf32>
        %select_n3A_1340 = arith.select %broadcast_in_dim3A_1333, %broadcast_in_dim3A_146, %max3A_1293 : vector<16xi1>, vector<16xf32>
        %select_n3A_1341 = arith.select %broadcast_in_dim3A_1333, %broadcast_in_dim3A_146, %max3A_1297 : vector<16xi1>, vector<16xf32>
        %slice3A_1342 = vector.extract_strided_slice %get3A_173 {offsets = [15], sizes = [1], strides = [1]} : vector<16xi32> to vector<1xi32>
        %squeeze3A_1343 = vector.extract %slice3A_1342[0] : i32 from vector<1xi32>
        %get3A_1344 = arith.index_cast %squeeze3A_1343 : i32 to index
        %get3A_1345 = arith.constant 0 : index
        %get3A_1346 = tpu.vector_load %arg12[%get3A_1344, %get3A_1345] {strides = array<i32>} : memref<513x128xf32, #tpu.memory_space<vmem>>, vector<16xf32>,
        %max3A_1347 = arith.maximumf %select_n3A_1334, %get3A_1346 : vector<16xf32>
        %get3A_1348 = arith.index_cast %squeeze3A_1343 : i32 to index
        %get3A_1349 = arith.constant 16 : index
        %get3A_1350 = tpu.vector_load %arg12[%get3A_1348, %get3A_1349] {strides = array<i32>} : memref<513x128xf32, #tpu.memory_space<vmem>>, vector<16xf32>,
        %max3A_1351 = arith.maximumf %select_n3A_1335, %get3A_1350 : vector<16xf32>
        %get3A_1352 = arith.index_cast %squeeze3A_1343 : i32 to index
        %get3A_1353 = arith.constant 32 : index
        %get3A_1354 = tpu.vector_load %arg12[%get3A_1352, %get3A_1353] {strides = array<i32>} : memref<513x128xf32, #tpu.memory_space<vmem>>, vector<16xf32>,
        %max3A_1355 = arith.maximumf %select_n3A_1336, %get3A_1354 : vector<16xf32>
        %get3A_1356 = arith.index_cast %squeeze3A_1343 : i32 to index
        %get3A_1357 = arith.constant 48 : index
        %get3A_1358 = tpu.vector_load %arg12[%get3A_1356, %get3A_1357] {strides = array<i32>} : memref<513x128xf32, #tpu.memory_space<vmem>>, vector<16xf32>,
        %max3A_1359 = arith.maximumf %select_n3A_1337, %get3A_1358 : vector<16xf32>
        %get3A_1360 = arith.index_cast %squeeze3A_1343 : i32 to index
        %get3A_1361 = arith.constant 64 : index
        %get3A_1362 = tpu.vector_load %arg12[%get3A_1360, %get3A_1361] {strides = array<i32>} : memref<513x128xf32, #tpu.memory_space<vmem>>, vector<16xf32>,
        %max3A_1363 = arith.maximumf %select_n3A_1338, %get3A_1362 : vector<16xf32>
        %get3A_1364 = arith.index_cast %squeeze3A_1343 : i32 to index
        %get3A_1365 = arith.constant 80 : index
        %get3A_1366 = tpu.vector_load %arg12[%get3A_1364, %get3A_1365] {strides = array<i32>} : memref<513x128xf32, #tpu.memory_space<vmem>>, vector<16xf32>,
        %max3A_1367 = arith.maximumf %select_n3A_1339, %get3A_1366 : vector<16xf32>
        %get3A_1368 = arith.index_cast %squeeze3A_1343 : i32 to index
        %get3A_1369 = arith.constant 96 : index
        %get3A_1370 = tpu.vector_load %arg12[%get3A_1368, %get3A_1369] {strides = array<i32>} : memref<513x128xf32, #tpu.memory_space<vmem>>, vector<16xf32>,
        %max3A_1371 = arith.maximumf %select_n3A_1340, %get3A_1370 : vector<16xf32>
        %get3A_1372 = arith.index_cast %squeeze3A_1343 : i32 to index
        %get3A_1373 = arith.constant 112 : index
        %get3A_1374 = tpu.vector_load %arg12[%get3A_1372, %get3A_1373] {strides = array<i32>} : memref<513x128xf32, #tpu.memory_space<vmem>>, vector<16xf32>,
        %max3A_1375 = arith.maximumf %select_n3A_1341, %get3A_1374 : vector<16xf32>
        %slice3A_1376 = vector.extract_strided_slice %get3A_177 {offsets = [15], sizes = [1], strides = [1]} : vector<16xi32> to vector<1xi32>
        %squeeze3A_1377 = vector.extract %slice3A_1376[0] : i32 from vector<1xi32>
        %lt3A_1378 = arith.constant 16 : i32
        %lt3A_1379 = arith.cmpi slt, %squeeze3A_1377, %lt3A_1378 : i32
        %mul3A_1380 = arith.constant 16 : i32
        %mul3A_1381 = arith.muli %and3A_137, %mul3A_1380 : i32
        %add3A_1382 = arith.addi %mul3A_1381, %squeeze3A_1377 : i32
        %jit3A_1383 = arith.constant 64 : i32
        %select_n3A_1384 = arith.select %lt3A_1379, %add3A_1382, %jit3A_1383 : i32
        %swap3A_1385 = arith.index_cast %select_n3A_1384 : i32 to index
        %swap3A_1386 = arith.constant 0 : index
        %swap3A_1387 = tpu.vector_load %arg17[%swap3A_1385, %swap3A_1386] {strides = array<i32>} : memref<65x128xf32, #tpu.memory_space<vmem>>, vector<16xf32>,
        tpu.vector_store %arg17[%swap3A_1385, %swap3A_1386], %max3A_1347 {strides = array<i32>} : memref<65x128xf32, #tpu.memory_space<vmem>>, vector<16xf32>,
        %swap3A_1388 = arith.index_cast %select_n3A_1384 : i32 to index
        %swap3A_1389 = arith.constant 16 : index
        %swap3A_1390 = tpu.vector_load %arg17[%swap3A_1388, %swap3A_1389] {strides = array<i32>} : memref<65x128xf32, #tpu.memory_space<vmem>>, vector<16xf32>,
        tpu.vector_store %arg17[%swap3A_1388, %swap3A_1389], %max3A_1351 {strides = array<i32>} : memref<65x128xf32, #tpu.memory_space<vmem>>, vector<16xf32>,
        %swap3A_1391 = arith.index_cast %select_n3A_1384 : i32 to index
        %swap3A_1392 = arith.constant 32 : index
        %swap3A_1393 = tpu.vector_load %arg17[%swap3A_1391, %swap3A_1392] {strides = array<i32>} : memref<65x128xf32, #tpu.memory_space<vmem>>, vector<16xf32>,
        tpu.vector_store %arg17[%swap3A_1391, %swap3A_1392], %max3A_1355 {strides = array<i32>} : memref<65x128xf32, #tpu.memory_space<vmem>>, vector<16xf32>,
        %swap3A_1394 = arith.index_cast %select_n3A_1384 : i32 to index
        %swap3A_1395 = arith.constant 48 : index
        %swap3A_1396 = tpu.vector_load %arg17[%swap3A_1394, %swap3A_1395] {strides = array<i32>} : memref<65x128xf32, #tpu.memory_space<vmem>>, vector<16xf32>,
        tpu.vector_store %arg17[%swap3A_1394, %swap3A_1395], %max3A_1359 {strides = array<i32>} : memref<65x128xf32, #tpu.memory_space<vmem>>, vector<16xf32>,
        %swap3A_1397 = arith.index_cast %select_n3A_1384 : i32 to index
        %swap3A_1398 = arith.constant 64 : index
        %swap3A_1399 = tpu.vector_load %arg17[%swap3A_1397, %swap3A_1398] {strides = array<i32>} : memref<65x128xf32, #tpu.memory_space<vmem>>, vector<16xf32>,
        tpu.vector_store %arg17[%swap3A_1397, %swap3A_1398], %max3A_1363 {strides = array<i32>} : memref<65x128xf32, #tpu.memory_space<vmem>>, vector<16xf32>,
        %swap3A_1400 = arith.index_cast %select_n3A_1384 : i32 to index
        %swap3A_1401 = arith.constant 80 : index
        %swap3A_1402 = tpu.vector_load %arg17[%swap3A_1400, %swap3A_1401] {strides = array<i32>} : memref<65x128xf32, #tpu.memory_space<vmem>>, vector<16xf32>,
        tpu.vector_store %arg17[%swap3A_1400, %swap3A_1401], %max3A_1367 {strides = array<i32>} : memref<65x128xf32, #tpu.memory_space<vmem>>, vector<16xf32>,
        %swap3A_1403 = arith.index_cast %select_n3A_1384 : i32 to index
        %swap3A_1404 = arith.constant 96 : index
        %swap3A_1405 = tpu.vector_load %arg17[%swap3A_1403, %swap3A_1404] {strides = array<i32>} : memref<65x128xf32, #tpu.memory_space<vmem>>, vector<16xf32>,
        tpu.vector_store %arg17[%swap3A_1403, %swap3A_1404], %max3A_1371 {strides = array<i32>} : memref<65x128xf32, #tpu.memory_space<vmem>>, vector<16xf32>,
        %swap3A_1406 = arith.index_cast %select_n3A_1384 : i32 to index
        %swap3A_1407 = arith.constant 112 : index
        %swap3A_1408 = tpu.vector_load %arg17[%swap3A_1406, %swap3A_1407] {strides = array<i32>} : memref<65x128xf32, #tpu.memory_space<vmem>>, vector<16xf32>,
        tpu.vector_store %arg17[%swap3A_1406, %swap3A_1407], %max3A_1375 {strides = array<i32>} : memref<65x128xf32, #tpu.memory_space<vmem>>, vector<16xf32>,
        %lt3A_1409 = arith.constant 16 : i32
        %lt3A_1410 = arith.cmpi slt, %squeeze3A_1377, %lt3A_1409 : i32
        %broadcast_in_dim3A_1411 = vector.broadcast %lt3A_1410 : i1 to vector<16xi1>
        %select_n3A_1412 = arith.select %broadcast_in_dim3A_1411, %broadcast_in_dim3A_146, %max3A_1347 : vector<16xi1>, vector<16xf32>
        %select_n3A_1413 = arith.select %broadcast_in_dim3A_1411, %broadcast_in_dim3A_146, %max3A_1351 : vector<16xi1>, vector<16xf32>
        %select_n3A_1414 = arith.select %broadcast_in_dim3A_1411, %broadcast_in_dim3A_146, %max3A_1355 : vector<16xi1>, vector<16xf32>
        %select_n3A_1415 = arith.select %broadcast_in_dim3A_1411, %broadcast_in_dim3A_146, %max3A_1359 : vector<16xi1>, vector<16xf32>
        %select_n3A_1416 = arith.select %broadcast_in_dim3A_1411, %broadcast_in_dim3A_146, %max3A_1363 : vector<16xi1>, vector<16xf32>
        %select_n3A_1417 = arith.select %broadcast_in_dim3A_1411, %broadcast_in_dim3A_146, %max3A_1367 : vector<16xi1>, vector<16xf32>
        %select_n3A_1418 = arith.select %broadcast_in_dim3A_1411, %broadcast_in_dim3A_146, %max3A_1371 : vector<16xi1>, vector<16xf32>
        %select_n3A_1419 = arith.select %broadcast_in_dim3A_1411, %broadcast_in_dim3A_146, %max3A_1375 : vector<16xi1>, vector<16xf32>
        scf.yield %select_n3A_1412, %select_n3A_1413, %select_n3A_1414, %select_n3A_1415, %select_n3A_1416, %select_n3A_1417, %select_n3A_1418, %select_n3A_1419 : vector<16xf32>, vector<16xf32>, vector<16xf32>, vector<16xf32>, vector<16xf32>, vector<16xf32>, vector<16xf32>, vector<16xf32>
      }
      %while3A_156 = arith.constant 1 : i32
      %while3A_157:8 = scf.for %while3A_161 = %while3A_153 to %while3A_149 step %while3A_156 iter_args(%while3A_162 = %while3A_155#0, %while3A_163 = %while3A_155#1, %while3A_164 = %while3A_155#2, %while3A_165 = %while3A_155#3, %while3A_166 = %while3A_155#4, %while3A_167 = %while3A_155#5, %while3A_168 = %while3A_155#6, %while3A_169 = %while3A_155#7) -> (vector<16xf32>, vector<16xf32>, vector<16xf32>, vector<16xf32>, vector<16xf32>, vector<16xf32>, vector<16xf32>, vector<16xf32>)  : i32 {
        %mul3A_170 = arith.constant 16 : i32
        %mul3A_171 = arith.muli %while3A_161, %mul3A_170 : i32
        %get3A_172 = arith.index_cast %mul3A_171 : i32 to index
        %get3A_173 = tpu.vector_load %arg14[%get3A_172] {strides = array<i32>} : memref<1072xi32, #tpu.memory_space<vmem>>, vector<16xi32>,
        %mul3A_174 = arith.constant 16 : i32
        %mul3A_175 = arith.muli %while3A_161, %mul3A_174 : i32
        %get3A_176 = arith.index_cast %mul3A_175 : i32 to index
        %get3A_177 = tpu.vector_load %arg16[%get3A_176] {strides = array<i32>} : memref<544xi32, #tpu.memory_space<vmem>>, vector<16xi32>,
        %slice3A = vector.extract_strided_slice %get3A_173 {offsets = [0], sizes = [1], strides = [1]} : vector<16xi32> to vector<1xi32>
        %squeeze3A = vector.extract %slice3A[0] : i32 from vector<1xi32>
        %get3A_178 = arith.index_cast %squeeze3A : i32 to index
        %get3A_179 = arith.constant 0 : index
        %get3A_180 = tpu.vector_load %arg12[%get3A_178, %get3A_179] {strides = array<i32>} : memref<513x128xf32, #tpu.memory_space<vmem>>, vector<16xf32>,
        %max3A = arith.maximumf %while3A_162, %get3A_180 : vector<16xf32>
        %get3A_181 = arith.index_cast %squeeze3A : i32 to index
        %get3A_182 = arith.constant 16 : index
        %get3A_183 = tpu.vector_load %arg12[%get3A_181, %get3A_182] {strides = array<i32>} : memref<513x128xf32, #tpu.memory_space<vmem>>, vector<16xf32>,
        %max3A_184 = arith.maximumf %while3A_163, %get3A_183 : vector<16xf32>
        %get3A_185 = arith.index_cast %squeeze3A : i32 to index
        %get3A_186 = arith.constant 32 : index
        %get3A_187 = tpu.vector_load %arg12[%get3A_185, %get3A_186] {strides = array<i32>} : memref<513x128xf32, #tpu.memory_space<vmem>>, vector<16xf32>,
        %max3A_188 = arith.maximumf %while3A_164, %get3A_187 : vector<16xf32>
        %get3A_189 = arith.index_cast %squeeze3A : i32 to index
        %get3A_190 = arith.constant 48 : index
        %get3A_191 = tpu.vector_load %arg12[%get3A_189, %get3A_190] {strides = array<i32>} : memref<513x128xf32, #tpu.memory_space<vmem>>, vector<16xf32>,
        %max3A_192 = arith.maximumf %while3A_165, %get3A_191 : vector<16xf32>
        %get3A_193 = arith.index_cast %squeeze3A : i32 to index
        %get3A_194 = arith.constant 64 : index
        %get3A_195 = tpu.vector_load %arg12[%get3A_193, %get3A_194] {strides = array<i32>} : memref<513x128xf32, #tpu.memory_space<vmem>>, vector<16xf32>,
        %max3A_196 = arith.maximumf %while3A_166, %get3A_195 : vector<16xf32>
        %get3A_197 = arith.index_cast %squeeze3A : i32 to index
        %get3A_198 = arith.constant 80 : index
        %get3A_199 = tpu.vector_load %arg12[%get3A_197, %get3A_198] {strides = array<i32>} : memref<513x128xf32, #tpu.memory_space<vmem>>, vector<16xf32>,
        %max3A_200 = arith.maximumf %while3A_167, %get3A_199 : vector<16xf32>
        %get3A_201 = arith.index_cast %squeeze3A : i32 to index
        %get3A_202 = arith.constant 96 : index
        %get3A_203 = tpu.vector_load %arg12[%get3A_201, %get3A_202] {strides = array<i32>} : memref<513x128xf32, #tpu.memory_space<vmem>>, vector<16xf32>,
        %max3A_204 = arith.maximumf %while3A_168, %get3A_203 : vector<16xf32>
        %get3A_205 = arith.index_cast %squeeze3A : i32 to index
        %get3A_206 = arith.constant 112 : index
        %get3A_207 = tpu.vector_load %arg12[%get3A_205, %get3A_206] {strides = array<i32>} : memref<513x128xf32, #tpu.memory_space<vmem>>, vector<16xf32>,
        %max3A_208 = arith.maximumf %while3A_169, %get3A_207 : vector<16xf32>
        %slice3A_209 = vector.extract_strided_slice %get3A_177 {offsets = [0], sizes = [1], strides = [1]} : vector<16xi32> to vector<1xi32>
        %squeeze3A_210 = vector.extract %slice3A_209[0] : i32 from vector<1xi32>
        %lt3A = arith.constant 16 : i32
        %lt3A_211 = arith.cmpi slt, %squeeze3A_210, %lt3A : i32
        %mul3A_212 = arith.constant 16 : i32
        %mul3A_213 = arith.muli %and3A_137, %mul3A_212 : i32
        %add3A_214 = arith.addi %mul3A_213, %squeeze3A_210 : i32
        %jit3A = arith.constant 64 : i32
        %select_n3A = arith.select %lt3A_211, %add3A_214, %jit3A : i32
        %swap3A_215 = arith.index_cast %select_n3A : i32 to index
        %swap3A_216 = arith.constant 0 : index
        %swap3A_217 = tpu.vector_load %arg17[%swap3A_215, %swap3A_216] {strides = array<i32>} : memref<65x128xf32, #tpu.memory_space<vmem>>, vector<16xf32>,
        tpu.vector_store %arg17[%swap3A_215, %swap3A_216], %max3A {strides = array<i32>} : memref<65x128xf32, #tpu.memory_space<vmem>>, vector<16xf32>,
        %swap3A_218 = arith.index_cast %select_n3A : i32 to index
        %swap3A_219 = arith.constant 16 : index
        %swap3A_220 = tpu.vector_load %arg17[%swap3A_218, %swap3A_219] {strides = array<i32>} : memref<65x128xf32, #tpu.memory_space<vmem>>, vector<16xf32>,
        tpu.vector_store %arg17[%swap3A_218, %swap3A_219], %max3A_184 {strides = array<i32>} : memref<65x128xf32, #tpu.memory_space<vmem>>, vector<16xf32>,
        %swap3A_221 = arith.index_cast %select_n3A : i32 to index
        %swap3A_222 = arith.constant 32 : index
        %swap3A_223 = tpu.vector_load %arg17[%swap3A_221, %swap3A_222] {strides = array<i32>} : memref<65x128xf32, #tpu.memory_space<vmem>>, vector<16xf32>,
        tpu.vector_store %arg17[%swap3A_221, %swap3A_222], %max3A_188 {strides = array<i32>} : memref<65x128xf32, #tpu.memory_space<vmem>>, vector<16xf32>,
        %swap3A_224 = arith.index_cast %select_n3A : i32 to index
        %swap3A_225 = arith.constant 48 : index
        %swap3A_226 = tpu.vector_load %arg17[%swap3A_224, %swap3A_225] {strides = array<i32>} : memref<65x128xf32, #tpu.memory_space<vmem>>, vector<16xf32>,
        tpu.vector_store %arg17[%swap3A_224, %swap3A_225], %max3A_192 {strides = array<i32>} : memref<65x128xf32, #tpu.memory_space<vmem>>, vector<16xf32>,
        %swap3A_227 = arith.index_cast %select_n3A : i32 to index
        %swap3A_228 = arith.constant 64 : index
        %swap3A_229 = tpu.vector_load %arg17[%swap3A_227, %swap3A_228] {strides = array<i32>} : memref<65x128xf32, #tpu.memory_space<vmem>>, vector<16xf32>,
        tpu.vector_store %arg17[%swap3A_227, %swap3A_228], %max3A_196 {strides = array<i32>} : memref<65x128xf32, #tpu.memory_space<vmem>>, vector<16xf32>,
        %swap3A_230 = arith.index_cast %select_n3A : i32 to index
        %swap3A_231 = arith.constant 80 : index
        %swap3A_232 = tpu.vector_load %arg17[%swap3A_230, %swap3A_231] {strides = array<i32>} : memref<65x128xf32, #tpu.memory_space<vmem>>, vector<16xf32>,
        tpu.vector_store %arg17[%swap3A_230, %swap3A_231], %max3A_200 {strides = array<i32>} : memref<65x128xf32, #tpu.memory_space<vmem>>, vector<16xf32>,
        %swap3A_233 = arith.index_cast %select_n3A : i32 to index
        %swap3A_234 = arith.constant 96 : index
        %swap3A_235 = tpu.vector_load %arg17[%swap3A_233, %swap3A_234] {strides = array<i32>} : memref<65x128xf32, #tpu.memory_space<vmem>>, vector<16xf32>,
        tpu.vector_store %arg17[%swap3A_233, %swap3A_234], %max3A_204 {strides = array<i32>} : memref<65x128xf32, #tpu.memory_space<vmem>>, vector<16xf32>,
        %swap3A_236 = arith.index_cast %select_n3A : i32 to index
        %swap3A_237 = arith.constant 112 : index
        %swap3A_238 = tpu.vector_load %arg17[%swap3A_236, %swap3A_237] {strides = array<i32>} : memref<65x128xf32, #tpu.memory_space<vmem>>, vector<16xf32>,
        tpu.vector_store %arg17[%swap3A_236, %swap3A_237], %max3A_208 {strides = array<i32>} : memref<65x128xf32, #tpu.memory_space<vmem>>, vector<16xf32>,
        %lt3A_239 = arith.constant 16 : i32
        %lt3A_240 = arith.cmpi slt, %squeeze3A_210, %lt3A_239 : i32
        %broadcast_in_dim3A_241 = vector.broadcast %lt3A_240 : i1 to vector<16xi1>
        %select_n3A_242 = arith.select %broadcast_in_dim3A_241, %broadcast_in_dim3A_146, %max3A : vector<16xi1>, vector<16xf32>
        %select_n3A_243 = arith.select %broadcast_in_dim3A_241, %broadcast_in_dim3A_146, %max3A_184 : vector<16xi1>, vector<16xf32>
        %select_n3A_244 = arith.select %broadcast_in_dim3A_241, %broadcast_in_dim3A_146, %max3A_188 : vector<16xi1>, vector<16xf32>
        %select_n3A_245 = arith.select %broadcast_in_dim3A_241, %broadcast_in_dim3A_146, %max3A_192 : vector<16xi1>, vector<16xf32>
        %select_n3A_246 = arith.select %broadcast_in_dim3A_241, %broadcast_in_dim3A_146, %max3A_196 : vector<16xi1>, vector<16xf32>
        %select_n3A_247 = arith.select %broadcast_in_dim3A_241, %broadcast_in_dim3A_146, %max3A_200 : vector<16xi1>, vector<16xf32>
        %select_n3A_248 = arith.select %broadcast_in_dim3A_241, %broadcast_in_dim3A_146, %max3A_204 : vector<16xi1>, vector<16xf32>
        %select_n3A_249 = arith.select %broadcast_in_dim3A_241, %broadcast_in_dim3A_146, %max3A_208 : vector<16xi1>, vector<16xf32>
        %slice3A_250 = vector.extract_strided_slice %get3A_173 {offsets = [1], sizes = [1], strides = [1]} : vector<16xi32> to vector<1xi32>
        %squeeze3A_251 = vector.extract %slice3A_250[0] : i32 from vector<1xi32>
        %get3A_252 = arith.index_cast %squeeze3A_251 : i32 to index
        %get3A_253 = arith.constant 0 : index
        %get3A_254 = tpu.vector_load %arg12[%get3A_252, %get3A_253] {strides = array<i32>} : memref<513x128xf32, #tpu.memory_space<vmem>>, vector<16xf32>,
        %max3A_255 = arith.maximumf %select_n3A_242, %get3A_254 : vector<16xf32>
        %get3A_256 = arith.index_cast %squeeze3A_251 : i32 to index
        %get3A_257 = arith.constant 16 : index
        %get3A_258 = tpu.vector_load %arg12[%get3A_256, %get3A_257] {strides = array<i32>} : memref<513x128xf32, #tpu.memory_space<vmem>>, vector<16xf32>,
        %max3A_259 = arith.maximumf %select_n3A_243, %get3A_258 : vector<16xf32>
        %get3A_260 = arith.index_cast %squeeze3A_251 : i32 to index
        %get3A_261 = arith.constant 32 : index
        %get3A_262 = tpu.vector_load %arg12[%get3A_260, %get3A_261] {strides = array<i32>} : memref<513x128xf32, #tpu.memory_space<vmem>>, vector<16xf32>,
        %max3A_263 = arith.maximumf %select_n3A_244, %get3A_262 : vector<16xf32>
        %get3A_264 = arith.index_cast %squeeze3A_251 : i32 to index
        %get3A_265 = arith.constant 48 : index
        %get3A_266 = tpu.vector_load %arg12[%get3A_264, %get3A_265] {strides = array<i32>} : memref<513x128xf32, #tpu.memory_space<vmem>>, vector<16xf32>,
        %max3A_267 = arith.maximumf %select_n3A_245, %get3A_266 : vector<16xf32>
        %get3A_268 = arith.index_cast %squeeze3A_251 : i32 to index
        %get3A_269 = arith.constant 64 : index
        %get3A_270 = tpu.vector_load %arg12[%get3A_268, %get3A_269] {strides = array<i32>} : memref<513x128xf32, #tpu.memory_space<vmem>>, vector<16xf32>,
        %max3A_271 = arith.maximumf %select_n3A_246, %get3A_270 : vector<16xf32>
        %get3A_272 = arith.index_cast %squeeze3A_251 : i32 to index
        %get3A_273 = arith.constant 80 : index
        %get3A_274 = tpu.vector_load %arg12[%get3A_272, %get3A_273] {strides = array<i32>} : memref<513x128xf32, #tpu.memory_space<vmem>>, vector<16xf32>,
        %max3A_275 = arith.maximumf %select_n3A_247, %get3A_274 : vector<16xf32>
        %get3A_276 = arith.index_cast %squeeze3A_251 : i32 to index
        %get3A_277 = arith.constant 96 : index
        %get3A_278 = tpu.vector_load %arg12[%get3A_276, %get3A_277] {strides = array<i32>} : memref<513x128xf32, #tpu.memory_space<vmem>>, vector<16xf32>,
        %max3A_279 = arith.maximumf %select_n3A_248, %get3A_278 : vector<16xf32>
        %get3A_280 = arith.index_cast %squeeze3A_251 : i32 to index
        %get3A_281 = arith.constant 112 : index
        %get3A_282 = tpu.vector_load %arg12[%get3A_280, %get3A_281] {strides = array<i32>} : memref<513x128xf32, #tpu.memory_space<vmem>>, vector<16xf32>,
        %max3A_283 = arith.maximumf %select_n3A_249, %get3A_282 : vector<16xf32>
        %slice3A_284 = vector.extract_strided_slice %get3A_177 {offsets = [1], sizes = [1], strides = [1]} : vector<16xi32> to vector<1xi32>
        %squeeze3A_285 = vector.extract %slice3A_284[0] : i32 from vector<1xi32>
        %lt3A_286 = arith.constant 16 : i32
        %lt3A_287 = arith.cmpi slt, %squeeze3A_285, %lt3A_286 : i32
        %mul3A_288 = arith.constant 16 : i32
        %mul3A_289 = arith.muli %and3A_137, %mul3A_288 : i32
        %add3A_290 = arith.addi %mul3A_289, %squeeze3A_285 : i32
        %jit3A_291 = arith.constant 64 : i32
        %select_n3A_292 = arith.select %lt3A_287, %add3A_290, %jit3A_291 : i32
        %swap3A_293 = arith.index_cast %select_n3A_292 : i32 to index
        %swap3A_294 = arith.constant 0 : index
        %swap3A_295 = tpu.vector_load %arg17[%swap3A_293, %swap3A_294] {strides = array<i32>} : memref<65x128xf32, #tpu.memory_space<vmem>>, vector<16xf32>,
        tpu.vector_store %arg17[%swap3A_293, %swap3A_294], %max3A_255 {strides = array<i32>} : memref<65x128xf32, #tpu.memory_space<vmem>>, vector<16xf32>,
        %swap3A_296 = arith.index_cast %select_n3A_292 : i32 to index
        %swap3A_297 = arith.constant 16 : index
        %swap3A_298 = tpu.vector_load %arg17[%swap3A_296, %swap3A_297] {strides = array<i32>} : memref<65x128xf32, #tpu.memory_space<vmem>>, vector<16xf32>,
        tpu.vector_store %arg17[%swap3A_296, %swap3A_297], %max3A_259 {strides = array<i32>} : memref<65x128xf32, #tpu.memory_space<vmem>>, vector<16xf32>,
        %swap3A_299 = arith.index_cast %select_n3A_292 : i32 to index
        %swap3A_300 = arith.constant 32 : index
        %swap3A_301 = tpu.vector_load %arg17[%swap3A_299, %swap3A_300] {strides = array<i32>} : memref<65x128xf32, #tpu.memory_space<vmem>>, vector<16xf32>,
        tpu.vector_store %arg17[%swap3A_299, %swap3A_300], %max3A_263 {strides = array<i32>} : memref<65x128xf32, #tpu.memory_space<vmem>>, vector<16xf32>,
        %swap3A_302 = arith.index_cast %select_n3A_292 : i32 to index
        %swap3A_303 = arith.constant 48 : index
        %swap3A_304 = tpu.vector_load %arg17[%swap3A_302, %swap3A_303] {strides = array<i32>} : memref<65x128xf32, #tpu.memory_space<vmem>>, vector<16xf32>,
        tpu.vector_store %arg17[%swap3A_302, %swap3A_303], %max3A_267 {strides = array<i32>} : memref<65x128xf32, #tpu.memory_space<vmem>>, vector<16xf32>,
        %swap3A_305 = arith.index_cast %select_n3A_292 : i32 to index
        %swap3A_306 = arith.constant 64 : index
        %swap3A_307 = tpu.vector_load %arg17[%swap3A_305, %swap3A_306] {strides = array<i32>} : memref<65x128xf32, #tpu.memory_space<vmem>>, vector<16xf32>,
        tpu.vector_store %arg17[%swap3A_305, %swap3A_306], %max3A_271 {strides = array<i32>} : memref<65x128xf32, #tpu.memory_space<vmem>>, vector<16xf32>,
        %swap3A_308 = arith.index_cast %select_n3A_292 : i32 to index
        %swap3A_309 = arith.constant 80 : index
        %swap3A_310 = tpu.vector_load %arg17[%swap3A_308, %swap3A_309] {strides = array<i32>} : memref<65x128xf32, #tpu.memory_space<vmem>>, vector<16xf32>,
        tpu.vector_store %arg17[%swap3A_308, %swap3A_309], %max3A_275 {strides = array<i32>} : memref<65x128xf32, #tpu.memory_space<vmem>>, vector<16xf32>,
        %swap3A_311 = arith.index_cast %select_n3A_292 : i32 to index
        %swap3A_312 = arith.constant 96 : index
        %swap3A_313 = tpu.vector_load %arg17[%swap3A_311, %swap3A_312] {strides = array<i32>} : memref<65x128xf32, #tpu.memory_space<vmem>>, vector<16xf32>,
        tpu.vector_store %arg17[%swap3A_311, %swap3A_312], %max3A_279 {strides = array<i32>} : memref<65x128xf32, #tpu.memory_space<vmem>>, vector<16xf32>,
        %swap3A_314 = arith.index_cast %select_n3A_292 : i32 to index
        %swap3A_315 = arith.constant 112 : index
        %swap3A_316 = tpu.vector_load %arg17[%swap3A_314, %swap3A_315] {strides = array<i32>} : memref<65x128xf32, #tpu.memory_space<vmem>>, vector<16xf32>,
        tpu.vector_store %arg17[%swap3A_314, %swap3A_315], %max3A_283 {strides = array<i32>} : memref<65x128xf32, #tpu.memory_space<vmem>>, vector<16xf32>,
        %lt3A_317 = arith.constant 16 : i32
        %lt3A_318 = arith.cmpi slt, %squeeze3A_285, %lt3A_317 : i32
        %broadcast_in_dim3A_319 = vector.broadcast %lt3A_318 : i1 to vector<16xi1>
        %select_n3A_320 = arith.select %broadcast_in_dim3A_319, %broadcast_in_dim3A_146, %max3A_255 : vector<16xi1>, vector<16xf32>
        %select_n3A_321 = arith.select %broadcast_in_dim3A_319, %broadcast_in_dim3A_146, %max3A_259 : vector<16xi1>, vector<16xf32>
        %select_n3A_322 = arith.select %broadcast_in_dim3A_319, %broadcast_in_dim3A_146, %max3A_263 : vector<16xi1>, vector<16xf32>
        %select_n3A_323 = arith.select %broadcast_in_dim3A_319, %broadcast_in_dim3A_146, %max3A_267 : vector<16xi1>, vector<16xf32>
        %select_n3A_324 = arith.select %broadcast_in_dim3A_319, %broadcast_in_dim3A_146, %max3A_271 : vector<16xi1>, vector<16xf32>
        %select_n3A_325 = arith.select %broadcast_in_dim3A_319, %broadcast_in_dim3A_146, %max3A_275 : vector<16xi1>, vector<16xf32>
        %select_n3A_326 = arith.select %broadcast_in_dim3A_319, %broadcast_in_dim3A_146, %max3A_279 : vector<16xi1>, vector<16xf32>
        %select_n3A_327 = arith.select %broadcast_in_dim3A_319, %broadcast_in_dim3A_146, %max3A_283 : vector<16xi1>, vector<16xf32>
        %slice3A_328 = vector.extract_strided_slice %get3A_173 {offsets = [2], sizes = [1], strides = [1]} : vector<16xi32> to vector<1xi32>
        %squeeze3A_329 = vector.extract %slice3A_328[0] : i32 from vector<1xi32>
        %get3A_330 = arith.index_cast %squeeze3A_329 : i32 to index
        %get3A_331 = arith.constant 0 : index
        %get3A_332 = tpu.vector_load %arg12[%get3A_330, %get3A_331] {strides = array<i32>} : memref<513x128xf32, #tpu.memory_space<vmem>>, vector<16xf32>,
        %max3A_333 = arith.maximumf %select_n3A_320, %get3A_332 : vector<16xf32>
        %get3A_334 = arith.index_cast %squeeze3A_329 : i32 to index
        %get3A_335 = arith.constant 16 : index
        %get3A_336 = tpu.vector_load %arg12[%get3A_334, %get3A_335] {strides = array<i32>} : memref<513x128xf32, #tpu.memory_space<vmem>>, vector<16xf32>,
        %max3A_337 = arith.maximumf %select_n3A_321, %get3A_336 : vector<16xf32>
        %get3A_338 = arith.index_cast %squeeze3A_329 : i32 to index
        %get3A_339 = arith.constant 32 : index
        %get3A_340 = tpu.vector_load %arg12[%get3A_338, %get3A_339] {strides = array<i32>} : memref<513x128xf32, #tpu.memory_space<vmem>>, vector<16xf32>,
        %max3A_341 = arith.maximumf %select_n3A_322, %get3A_340 : vector<16xf32>
        %get3A_342 = arith.index_cast %squeeze3A_329 : i32 to index
        %get3A_343 = arith.constant 48 : index
        %get3A_344 = tpu.vector_load %arg12[%get3A_342, %get3A_343] {strides = array<i32>} : memref<513x128xf32, #tpu.memory_space<vmem>>, vector<16xf32>,
        %max3A_345 = arith.maximumf %select_n3A_323, %get3A_344 : vector<16xf32>
        %get3A_346 = arith.index_cast %squeeze3A_329 : i32 to index
        %get3A_347 = arith.constant 64 : index
        %get3A_348 = tpu.vector_load %arg12[%get3A_346, %get3A_347] {strides = array<i32>} : memref<513x128xf32, #tpu.memory_space<vmem>>, vector<16xf32>,
        %max3A_349 = arith.maximumf %select_n3A_324, %get3A_348 : vector<16xf32>
        %get3A_350 = arith.index_cast %squeeze3A_329 : i32 to index
        %get3A_351 = arith.constant 80 : index
        %get3A_352 = tpu.vector_load %arg12[%get3A_350, %get3A_351] {strides = array<i32>} : memref<513x128xf32, #tpu.memory_space<vmem>>, vector<16xf32>,
        %max3A_353 = arith.maximumf %select_n3A_325, %get3A_352 : vector<16xf32>
        %get3A_354 = arith.index_cast %squeeze3A_329 : i32 to index
        %get3A_355 = arith.constant 96 : index
        %get3A_356 = tpu.vector_load %arg12[%get3A_354, %get3A_355] {strides = array<i32>} : memref<513x128xf32, #tpu.memory_space<vmem>>, vector<16xf32>,
        %max3A_357 = arith.maximumf %select_n3A_326, %get3A_356 : vector<16xf32>
        %get3A_358 = arith.index_cast %squeeze3A_329 : i32 to index
        %get3A_359 = arith.constant 112 : index
        %get3A_360 = tpu.vector_load %arg12[%get3A_358, %get3A_359] {strides = array<i32>} : memref<513x128xf32, #tpu.memory_space<vmem>>, vector<16xf32>,
        %max3A_361 = arith.maximumf %select_n3A_327, %get3A_360 : vector<16xf32>
        %slice3A_362 = vector.extract_strided_slice %get3A_177 {offsets = [2], sizes = [1], strides = [1]} : vector<16xi32> to vector<1xi32>
        %squeeze3A_363 = vector.extract %slice3A_362[0] : i32 from vector<1xi32>
        %lt3A_364 = arith.constant 16 : i32
        %lt3A_365 = arith.cmpi slt, %squeeze3A_363, %lt3A_364 : i32
        %mul3A_366 = arith.constant 16 : i32
        %mul3A_367 = arith.muli %and3A_137, %mul3A_366 : i32
        %add3A_368 = arith.addi %mul3A_367, %squeeze3A_363 : i32
        %jit3A_369 = arith.constant 64 : i32
        %select_n3A_370 = arith.select %lt3A_365, %add3A_368, %jit3A_369 : i32
        %swap3A_371 = arith.index_cast %select_n3A_370 : i32 to index
        %swap3A_372 = arith.constant 0 : index
        %swap3A_373 = tpu.vector_load %arg17[%swap3A_371, %swap3A_372] {strides = array<i32>} : memref<65x128xf32, #tpu.memory_space<vmem>>, vector<16xf32>,
        tpu.vector_store %arg17[%swap3A_371, %swap3A_372], %max3A_333 {strides = array<i32>} : memref<65x128xf32, #tpu.memory_space<vmem>>, vector<16xf32>,
        %swap3A_374 = arith.index_cast %select_n3A_370 : i32 to index
        %swap3A_375 = arith.constant 16 : index
        %swap3A_376 = tpu.vector_load %arg17[%swap3A_374, %swap3A_375] {strides = array<i32>} : memref<65x128xf32, #tpu.memory_space<vmem>>, vector<16xf32>,
        tpu.vector_store %arg17[%swap3A_374, %swap3A_375], %max3A_337 {strides = array<i32>} : memref<65x128xf32, #tpu.memory_space<vmem>>, vector<16xf32>,
        %swap3A_377 = arith.index_cast %select_n3A_370 : i32 to index
        %swap3A_378 = arith.constant 32 : index
        %swap3A_379 = tpu.vector_load %arg17[%swap3A_377, %swap3A_378] {strides = array<i32>} : memref<65x128xf32, #tpu.memory_space<vmem>>, vector<16xf32>,
        tpu.vector_store %arg17[%swap3A_377, %swap3A_378], %max3A_341 {strides = array<i32>} : memref<65x128xf32, #tpu.memory_space<vmem>>, vector<16xf32>,
        %swap3A_380 = arith.index_cast %select_n3A_370 : i32 to index
        %swap3A_381 = arith.constant 48 : index
        %swap3A_382 = tpu.vector_load %arg17[%swap3A_380, %swap3A_381] {strides = array<i32>} : memref<65x128xf32, #tpu.memory_space<vmem>>, vector<16xf32>,
        tpu.vector_store %arg17[%swap3A_380, %swap3A_381], %max3A_345 {strides = array<i32>} : memref<65x128xf32, #tpu.memory_space<vmem>>, vector<16xf32>,
        %swap3A_383 = arith.index_cast %select_n3A_370 : i32 to index
        %swap3A_384 = arith.constant 64 : index
        %swap3A_385 = tpu.vector_load %arg17[%swap3A_383, %swap3A_384] {strides = array<i32>} : memref<65x128xf32, #tpu.memory_space<vmem>>, vector<16xf32>,
        tpu.vector_store %arg17[%swap3A_383, %swap3A_384], %max3A_349 {strides = array<i32>} : memref<65x128xf32, #tpu.memory_space<vmem>>, vector<16xf32>,
        %swap3A_386 = arith.index_cast %select_n3A_370 : i32 to index
        %swap3A_387 = arith.constant 80 : index
        %swap3A_388 = tpu.vector_load %arg17[%swap3A_386, %swap3A_387] {strides = array<i32>} : memref<65x128xf32, #tpu.memory_space<vmem>>, vector<16xf32>,
        tpu.vector_store %arg17[%swap3A_386, %swap3A_387], %max3A_353 {strides = array<i32>} : memref<65x128xf32, #tpu.memory_space<vmem>>, vector<16xf32>,
        %swap3A_389 = arith.index_cast %select_n3A_370 : i32 to index
        %swap3A_390 = arith.constant 96 : index
        %swap3A_391 = tpu.vector_load %arg17[%swap3A_389, %swap3A_390] {strides = array<i32>} : memref<65x128xf32, #tpu.memory_space<vmem>>, vector<16xf32>,
        tpu.vector_store %arg17[%swap3A_389, %swap3A_390], %max3A_357 {strides = array<i32>} : memref<65x128xf32, #tpu.memory_space<vmem>>, vector<16xf32>,
        %swap3A_392 = arith.index_cast %select_n3A_370 : i32 to index
        %swap3A_393 = arith.constant 112 : index
        %swap3A_394 = tpu.vector_load %arg17[%swap3A_392, %swap3A_393] {strides = array<i32>} : memref<65x128xf32, #tpu.memory_space<vmem>>, vector<16xf32>,
        tpu.vector_store %arg17[%swap3A_392, %swap3A_393], %max3A_361 {strides = array<i32>} : memref<65x128xf32, #tpu.memory_space<vmem>>, vector<16xf32>,
        %lt3A_395 = arith.constant 16 : i32
        %lt3A_396 = arith.cmpi slt, %squeeze3A_363, %lt3A_395 : i32
        %broadcast_in_dim3A_397 = vector.broadcast %lt3A_396 : i1 to vector<16xi1>
        %select_n3A_398 = arith.select %broadcast_in_dim3A_397, %broadcast_in_dim3A_146, %max3A_333 : vector<16xi1>, vector<16xf32>
        %select_n3A_399 = arith.select %broadcast_in_dim3A_397, %broadcast_in_dim3A_146, %max3A_337 : vector<16xi1>, vector<16xf32>
        %select_n3A_400 = arith.select %broadcast_in_dim3A_397, %broadcast_in_dim3A_146, %max3A_341 : vector<16xi1>, vector<16xf32>
        %select_n3A_401 = arith.select %broadcast_in_dim3A_397, %broadcast_in_dim3A_146, %max3A_345 : vector<16xi1>, vector<16xf32>
        %select_n3A_402 = arith.select %broadcast_in_dim3A_397, %broadcast_in_dim3A_146, %max3A_349 : vector<16xi1>, vector<16xf32>
        %select_n3A_403 = arith.select %broadcast_in_dim3A_397, %broadcast_in_dim3A_146, %max3A_353 : vector<16xi1>, vector<16xf32>
        %select_n3A_404 = arith.select %broadcast_in_dim3A_397, %broadcast_in_dim3A_146, %max3A_357 : vector<16xi1>, vector<16xf32>
        %select_n3A_405 = arith.select %broadcast_in_dim3A_397, %broadcast_in_dim3A_146, %max3A_361 : vector<16xi1>, vector<16xf32>
        %slice3A_406 = vector.extract_strided_slice %get3A_173 {offsets = [3], sizes = [1], strides = [1]} : vector<16xi32> to vector<1xi32>
        %squeeze3A_407 = vector.extract %slice3A_406[0] : i32 from vector<1xi32>
        %get3A_408 = arith.index_cast %squeeze3A_407 : i32 to index
        %get3A_409 = arith.constant 0 : index
        %get3A_410 = tpu.vector_load %arg12[%get3A_408, %get3A_409] {strides = array<i32>} : memref<513x128xf32, #tpu.memory_space<vmem>>, vector<16xf32>,
        %max3A_411 = arith.maximumf %select_n3A_398, %get3A_410 : vector<16xf32>
        %get3A_412 = arith.index_cast %squeeze3A_407 : i32 to index
        %get3A_413 = arith.constant 16 : index
        %get3A_414 = tpu.vector_load %arg12[%get3A_412, %get3A_413] {strides = array<i32>} : memref<513x128xf32, #tpu.memory_space<vmem>>, vector<16xf32>,
        %max3A_415 = arith.maximumf %select_n3A_399, %get3A_414 : vector<16xf32>
        %get3A_416 = arith.index_cast %squeeze3A_407 : i32 to index
        %get3A_417 = arith.constant 32 : index
        %get3A_418 = tpu.vector_load %arg12[%get3A_416, %get3A_417] {strides = array<i32>} : memref<513x128xf32, #tpu.memory_space<vmem>>, vector<16xf32>,
        %max3A_419 = arith.maximumf %select_n3A_400, %get3A_418 : vector<16xf32>
        %get3A_420 = arith.index_cast %squeeze3A_407 : i32 to index
        %get3A_421 = arith.constant 48 : index
        %get3A_422 = tpu.vector_load %arg12[%get3A_420, %get3A_421] {strides = array<i32>} : memref<513x128xf32, #tpu.memory_space<vmem>>, vector<16xf32>,
        %max3A_423 = arith.maximumf %select_n3A_401, %get3A_422 : vector<16xf32>
        %get3A_424 = arith.index_cast %squeeze3A_407 : i32 to index
        %get3A_425 = arith.constant 64 : index
        %get3A_426 = tpu.vector_load %arg12[%get3A_424, %get3A_425] {strides = array<i32>} : memref<513x128xf32, #tpu.memory_space<vmem>>, vector<16xf32>,
        %max3A_427 = arith.maximumf %select_n3A_402, %get3A_426 : vector<16xf32>
        %get3A_428 = arith.index_cast %squeeze3A_407 : i32 to index
        %get3A_429 = arith.constant 80 : index
        %get3A_430 = tpu.vector_load %arg12[%get3A_428, %get3A_429] {strides = array<i32>} : memref<513x128xf32, #tpu.memory_space<vmem>>, vector<16xf32>,
        %max3A_431 = arith.maximumf %select_n3A_403, %get3A_430 : vector<16xf32>
        %get3A_432 = arith.index_cast %squeeze3A_407 : i32 to index
        %get3A_433 = arith.constant 96 : index
        %get3A_434 = tpu.vector_load %arg12[%get3A_432, %get3A_433] {strides = array<i32>} : memref<513x128xf32, #tpu.memory_space<vmem>>, vector<16xf32>,
        %max3A_435 = arith.maximumf %select_n3A_404, %get3A_434 : vector<16xf32>
        %get3A_436 = arith.index_cast %squeeze3A_407 : i32 to index
        %get3A_437 = arith.constant 112 : index
        %get3A_438 = tpu.vector_load %arg12[%get3A_436, %get3A_437] {strides = array<i32>} : memref<513x128xf32, #tpu.memory_space<vmem>>, vector<16xf32>,
        %max3A_439 = arith.maximumf %select_n3A_405, %get3A_438 : vector<16xf32>
        %slice3A_440 = vector.extract_strided_slice %get3A_177 {offsets = [3], sizes = [1], strides = [1]} : vector<16xi32> to vector<1xi32>
        %squeeze3A_441 = vector.extract %slice3A_440[0] : i32 from vector<1xi32>
        %lt3A_442 = arith.constant 16 : i32
        %lt3A_443 = arith.cmpi slt, %squeeze3A_441, %lt3A_442 : i32
        %mul3A_444 = arith.constant 16 : i32
        %mul3A_445 = arith.muli %and3A_137, %mul3A_444 : i32
        %add3A_446 = arith.addi %mul3A_445, %squeeze3A_441 : i32
        %jit3A_447 = arith.constant 64 : i32
        %select_n3A_448 = arith.select %lt3A_443, %add3A_446, %jit3A_447 : i32
        %swap3A_449 = arith.index_cast %select_n3A_448 : i32 to index
        %swap3A_450 = arith.constant 0 : index
        %swap3A_451 = tpu.vector_load %arg17[%swap3A_449, %swap3A_450] {strides = array<i32>} : memref<65x128xf32, #tpu.memory_space<vmem>>, vector<16xf32>,
        tpu.vector_store %arg17[%swap3A_449, %swap3A_450], %max3A_411 {strides = array<i32>} : memref<65x128xf32, #tpu.memory_space<vmem>>, vector<16xf32>,
        %swap3A_452 = arith.index_cast %select_n3A_448 : i32 to index
        %swap3A_453 = arith.constant 16 : index
        %swap3A_454 = tpu.vector_load %arg17[%swap3A_452, %swap3A_453] {strides = array<i32>} : memref<65x128xf32, #tpu.memory_space<vmem>>, vector<16xf32>,
        tpu.vector_store %arg17[%swap3A_452, %swap3A_453], %max3A_415 {strides = array<i32>} : memref<65x128xf32, #tpu.memory_space<vmem>>, vector<16xf32>,
        %swap3A_455 = arith.index_cast %select_n3A_448 : i32 to index
        %swap3A_456 = arith.constant 32 : index
        %swap3A_457 = tpu.vector_load %arg17[%swap3A_455, %swap3A_456] {strides = array<i32>} : memref<65x128xf32, #tpu.memory_space<vmem>>, vector<16xf32>,
        tpu.vector_store %arg17[%swap3A_455, %swap3A_456], %max3A_419 {strides = array<i32>} : memref<65x128xf32, #tpu.memory_space<vmem>>, vector<16xf32>,
        %swap3A_458 = arith.index_cast %select_n3A_448 : i32 to index
        %swap3A_459 = arith.constant 48 : index
        %swap3A_460 = tpu.vector_load %arg17[%swap3A_458, %swap3A_459] {strides = array<i32>} : memref<65x128xf32, #tpu.memory_space<vmem>>, vector<16xf32>,
        tpu.vector_store %arg17[%swap3A_458, %swap3A_459], %max3A_423 {strides = array<i32>} : memref<65x128xf32, #tpu.memory_space<vmem>>, vector<16xf32>,
        %swap3A_461 = arith.index_cast %select_n3A_448 : i32 to index
        %swap3A_462 = arith.constant 64 : index
        %swap3A_463 = tpu.vector_load %arg17[%swap3A_461, %swap3A_462] {strides = array<i32>} : memref<65x128xf32, #tpu.memory_space<vmem>>, vector<16xf32>,
        tpu.vector_store %arg17[%swap3A_461, %swap3A_462], %max3A_427 {strides = array<i32>} : memref<65x128xf32, #tpu.memory_space<vmem>>, vector<16xf32>,
        %swap3A_464 = arith.index_cast %select_n3A_448 : i32 to index
        %swap3A_465 = arith.constant 80 : index
        %swap3A_466 = tpu.vector_load %arg17[%swap3A_464, %swap3A_465] {strides = array<i32>} : memref<65x128xf32, #tpu.memory_space<vmem>>, vector<16xf32>,
        tpu.vector_store %arg17[%swap3A_464, %swap3A_465], %max3A_431 {strides = array<i32>} : memref<65x128xf32, #tpu.memory_space<vmem>>, vector<16xf32>,
        %swap3A_467 = arith.index_cast %select_n3A_448 : i32 to index
        %swap3A_468 = arith.constant 96 : index
        %swap3A_469 = tpu.vector_load %arg17[%swap3A_467, %swap3A_468] {strides = array<i32>} : memref<65x128xf32, #tpu.memory_space<vmem>>, vector<16xf32>,
        tpu.vector_store %arg17[%swap3A_467, %swap3A_468], %max3A_435 {strides = array<i32>} : memref<65x128xf32, #tpu.memory_space<vmem>>, vector<16xf32>,
        %swap3A_470 = arith.index_cast %select_n3A_448 : i32 to index
        %swap3A_471 = arith.constant 112 : index
        %swap3A_472 = tpu.vector_load %arg17[%swap3A_470, %swap3A_471] {strides = array<i32>} : memref<65x128xf32, #tpu.memory_space<vmem>>, vector<16xf32>,
        tpu.vector_store %arg17[%swap3A_470, %swap3A_471], %max3A_439 {strides = array<i32>} : memref<65x128xf32, #tpu.memory_space<vmem>>, vector<16xf32>,
        %lt3A_473 = arith.constant 16 : i32
        %lt3A_474 = arith.cmpi slt, %squeeze3A_441, %lt3A_473 : i32
        %broadcast_in_dim3A_475 = vector.broadcast %lt3A_474 : i1 to vector<16xi1>
        %select_n3A_476 = arith.select %broadcast_in_dim3A_475, %broadcast_in_dim3A_146, %max3A_411 : vector<16xi1>, vector<16xf32>
        %select_n3A_477 = arith.select %broadcast_in_dim3A_475, %broadcast_in_dim3A_146, %max3A_415 : vector<16xi1>, vector<16xf32>
        %select_n3A_478 = arith.select %broadcast_in_dim3A_475, %broadcast_in_dim3A_146, %max3A_419 : vector<16xi1>, vector<16xf32>
        %select_n3A_479 = arith.select %broadcast_in_dim3A_475, %broadcast_in_dim3A_146, %max3A_423 : vector<16xi1>, vector<16xf32>
        %select_n3A_480 = arith.select %broadcast_in_dim3A_475, %broadcast_in_dim3A_146, %max3A_427 : vector<16xi1>, vector<16xf32>
        %select_n3A_481 = arith.select %broadcast_in_dim3A_475, %broadcast_in_dim3A_146, %max3A_431 : vector<16xi1>, vector<16xf32>
        %select_n3A_482 = arith.select %broadcast_in_dim3A_475, %broadcast_in_dim3A_146, %max3A_435 : vector<16xi1>, vector<16xf32>
        %select_n3A_483 = arith.select %broadcast_in_dim3A_475, %broadcast_in_dim3A_146, %max3A_439 : vector<16xi1>, vector<16xf32>
        %slice3A_484 = vector.extract_strided_slice %get3A_173 {offsets = [4], sizes = [1], strides = [1]} : vector<16xi32> to vector<1xi32>
        %squeeze3A_485 = vector.extract %slice3A_484[0] : i32 from vector<1xi32>
        %get3A_486 = arith.index_cast %squeeze3A_485 : i32 to index
        %get3A_487 = arith.constant 0 : index
        %get3A_488 = tpu.vector_load %arg12[%get3A_486, %get3A_487] {strides = array<i32>} : memref<513x128xf32, #tpu.memory_space<vmem>>, vector<16xf32>,
        %max3A_489 = arith.maximumf %select_n3A_476, %get3A_488 : vector<16xf32>
        %get3A_490 = arith.index_cast %squeeze3A_485 : i32 to index
        %get3A_491 = arith.constant 16 : index
        %get3A_492 = tpu.vector_load %arg12[%get3A_490, %get3A_491] {strides = array<i32>} : memref<513x128xf32, #tpu.memory_space<vmem>>, vector<16xf32>,
        %max3A_493 = arith.maximumf %select_n3A_477, %get3A_492 : vector<16xf32>
        %get3A_494 = arith.index_cast %squeeze3A_485 : i32 to index
        %get3A_495 = arith.constant 32 : index
        %get3A_496 = tpu.vector_load %arg12[%get3A_494, %get3A_495] {strides = array<i32>} : memref<513x128xf32, #tpu.memory_space<vmem>>, vector<16xf32>,
        %max3A_497 = arith.maximumf %select_n3A_478, %get3A_496 : vector<16xf32>
        %get3A_498 = arith.index_cast %squeeze3A_485 : i32 to index
        %get3A_499 = arith.constant 48 : index
        %get3A_500 = tpu.vector_load %arg12[%get3A_498, %get3A_499] {strides = array<i32>} : memref<513x128xf32, #tpu.memory_space<vmem>>, vector<16xf32>,
        %max3A_501 = arith.maximumf %select_n3A_479, %get3A_500 : vector<16xf32>
        %get3A_502 = arith.index_cast %squeeze3A_485 : i32 to index
        %get3A_503 = arith.constant 64 : index
        %get3A_504 = tpu.vector_load %arg12[%get3A_502, %get3A_503] {strides = array<i32>} : memref<513x128xf32, #tpu.memory_space<vmem>>, vector<16xf32>,
        %max3A_505 = arith.maximumf %select_n3A_480, %get3A_504 : vector<16xf32>
        %get3A_506 = arith.index_cast %squeeze3A_485 : i32 to index
        %get3A_507 = arith.constant 80 : index
        %get3A_508 = tpu.vector_load %arg12[%get3A_506, %get3A_507] {strides = array<i32>} : memref<513x128xf32, #tpu.memory_space<vmem>>, vector<16xf32>,
        %max3A_509 = arith.maximumf %select_n3A_481, %get3A_508 : vector<16xf32>
        %get3A_510 = arith.index_cast %squeeze3A_485 : i32 to index
        %get3A_511 = arith.constant 96 : index
        %get3A_512 = tpu.vector_load %arg12[%get3A_510, %get3A_511] {strides = array<i32>} : memref<513x128xf32, #tpu.memory_space<vmem>>, vector<16xf32>,
        %max3A_513 = arith.maximumf %select_n3A_482, %get3A_512 : vector<16xf32>
        %get3A_514 = arith.index_cast %squeeze3A_485 : i32 to index
        %get3A_515 = arith.constant 112 : index
        %get3A_516 = tpu.vector_load %arg12[%get3A_514, %get3A_515] {strides = array<i32>} : memref<513x128xf32, #tpu.memory_space<vmem>>, vector<16xf32>,
        %max3A_517 = arith.maximumf %select_n3A_483, %get3A_516 : vector<16xf32>
        %slice3A_518 = vector.extract_strided_slice %get3A_177 {offsets = [4], sizes = [1], strides = [1]} : vector<16xi32> to vector<1xi32>
        %squeeze3A_519 = vector.extract %slice3A_518[0] : i32 from vector<1xi32>
        %lt3A_520 = arith.constant 16 : i32
        %lt3A_521 = arith.cmpi slt, %squeeze3A_519, %lt3A_520 : i32
        %mul3A_522 = arith.constant 16 : i32
        %mul3A_523 = arith.muli %and3A_137, %mul3A_522 : i32
        %add3A_524 = arith.addi %mul3A_523, %squeeze3A_519 : i32
        %jit3A_525 = arith.constant 64 : i32
        %select_n3A_526 = arith.select %lt3A_521, %add3A_524, %jit3A_525 : i32
        %swap3A_527 = arith.index_cast %select_n3A_526 : i32 to index
        %swap3A_528 = arith.constant 0 : index
        %swap3A_529 = tpu.vector_load %arg17[%swap3A_527, %swap3A_528] {strides = array<i32>} : memref<65x128xf32, #tpu.memory_space<vmem>>, vector<16xf32>,
        tpu.vector_store %arg17[%swap3A_527, %swap3A_528], %max3A_489 {strides = array<i32>} : memref<65x128xf32, #tpu.memory_space<vmem>>, vector<16xf32>,
        %swap3A_530 = arith.index_cast %select_n3A_526 : i32 to index
        %swap3A_531 = arith.constant 16 : index
        %swap3A_532 = tpu.vector_load %arg17[%swap3A_530, %swap3A_531] {strides = array<i32>} : memref<65x128xf32, #tpu.memory_space<vmem>>, vector<16xf32>,
        tpu.vector_store %arg17[%swap3A_530, %swap3A_531], %max3A_493 {strides = array<i32>} : memref<65x128xf32, #tpu.memory_space<vmem>>, vector<16xf32>,
        %swap3A_533 = arith.index_cast %select_n3A_526 : i32 to index
        %swap3A_534 = arith.constant 32 : index
        %swap3A_535 = tpu.vector_load %arg17[%swap3A_533, %swap3A_534] {strides = array<i32>} : memref<65x128xf32, #tpu.memory_space<vmem>>, vector<16xf32>,
        tpu.vector_store %arg17[%swap3A_533, %swap3A_534], %max3A_497 {strides = array<i32>} : memref<65x128xf32, #tpu.memory_space<vmem>>, vector<16xf32>,
        %swap3A_536 = arith.index_cast %select_n3A_526 : i32 to index
        %swap3A_537 = arith.constant 48 : index
        %swap3A_538 = tpu.vector_load %arg17[%swap3A_536, %swap3A_537] {strides = array<i32>} : memref<65x128xf32, #tpu.memory_space<vmem>>, vector<16xf32>,
        tpu.vector_store %arg17[%swap3A_536, %swap3A_537], %max3A_501 {strides = array<i32>} : memref<65x128xf32, #tpu.memory_space<vmem>>, vector<16xf32>,
        %swap3A_539 = arith.index_cast %select_n3A_526 : i32 to index
        %swap3A_540 = arith.constant 64 : index
        %swap3A_541 = tpu.vector_load %arg17[%swap3A_539, %swap3A_540] {strides = array<i32>} : memref<65x128xf32, #tpu.memory_space<vmem>>, vector<16xf32>,
        tpu.vector_store %arg17[%swap3A_539, %swap3A_540], %max3A_505 {strides = array<i32>} : memref<65x128xf32, #tpu.memory_space<vmem>>, vector<16xf32>,
        %swap3A_542 = arith.index_cast %select_n3A_526 : i32 to index
        %swap3A_543 = arith.constant 80 : index
        %swap3A_544 = tpu.vector_load %arg17[%swap3A_542, %swap3A_543] {strides = array<i32>} : memref<65x128xf32, #tpu.memory_space<vmem>>, vector<16xf32>,
        tpu.vector_store %arg17[%swap3A_542, %swap3A_543], %max3A_509 {strides = array<i32>} : memref<65x128xf32, #tpu.memory_space<vmem>>, vector<16xf32>,
        %swap3A_545 = arith.index_cast %select_n3A_526 : i32 to index
        %swap3A_546 = arith.constant 96 : index
        %swap3A_547 = tpu.vector_load %arg17[%swap3A_545, %swap3A_546] {strides = array<i32>} : memref<65x128xf32, #tpu.memory_space<vmem>>, vector<16xf32>,
        tpu.vector_store %arg17[%swap3A_545, %swap3A_546], %max3A_513 {strides = array<i32>} : memref<65x128xf32, #tpu.memory_space<vmem>>, vector<16xf32>,
        %swap3A_548 = arith.index_cast %select_n3A_526 : i32 to index
        %swap3A_549 = arith.constant 112 : index
        %swap3A_550 = tpu.vector_load %arg17[%swap3A_548, %swap3A_549] {strides = array<i32>} : memref<65x128xf32, #tpu.memory_space<vmem>>, vector<16xf32>,
        tpu.vector_store %arg17[%swap3A_548, %swap3A_549], %max3A_517 {strides = array<i32>} : memref<65x128xf32, #tpu.memory_space<vmem>>, vector<16xf32>,
        %lt3A_551 = arith.constant 16 : i32
        %lt3A_552 = arith.cmpi slt, %squeeze3A_519, %lt3A_551 : i32
        %broadcast_in_dim3A_553 = vector.broadcast %lt3A_552 : i1 to vector<16xi1>
        %select_n3A_554 = arith.select %broadcast_in_dim3A_553, %broadcast_in_dim3A_146, %max3A_489 : vector<16xi1>, vector<16xf32>
        %select_n3A_555 = arith.select %broadcast_in_dim3A_553, %broadcast_in_dim3A_146, %max3A_493 : vector<16xi1>, vector<16xf32>
        %select_n3A_556 = arith.select %broadcast_in_dim3A_553, %broadcast_in_dim3A_146, %max3A_497 : vector<16xi1>, vector<16xf32>
        %select_n3A_557 = arith.select %broadcast_in_dim3A_553, %broadcast_in_dim3A_146, %max3A_501 : vector<16xi1>, vector<16xf32>
        %select_n3A_558 = arith.select %broadcast_in_dim3A_553, %broadcast_in_dim3A_146, %max3A_505 : vector<16xi1>, vector<16xf32>
        %select_n3A_559 = arith.select %broadcast_in_dim3A_553, %broadcast_in_dim3A_146, %max3A_509 : vector<16xi1>, vector<16xf32>
        %select_n3A_560 = arith.select %broadcast_in_dim3A_553, %broadcast_in_dim3A_146, %max3A_513 : vector<16xi1>, vector<16xf32>
        %select_n3A_561 = arith.select %broadcast_in_dim3A_553, %broadcast_in_dim3A_146, %max3A_517 : vector<16xi1>, vector<16xf32>
        %slice3A_562 = vector.extract_strided_slice %get3A_173 {offsets = [5], sizes = [1], strides = [1]} : vector<16xi32> to vector<1xi32>
        %squeeze3A_563 = vector.extract %slice3A_562[0] : i32 from vector<1xi32>
        %get3A_564 = arith.index_cast %squeeze3A_563 : i32 to index
        %get3A_565 = arith.constant 0 : index
        %get3A_566 = tpu.vector_load %arg12[%get3A_564, %get3A_565] {strides = array<i32>} : memref<513x128xf32, #tpu.memory_space<vmem>>, vector<16xf32>,
        %max3A_567 = arith.maximumf %select_n3A_554, %get3A_566 : vector<16xf32>
        %get3A_568 = arith.index_cast %squeeze3A_563 : i32 to index
        %get3A_569 = arith.constant 16 : index
        %get3A_570 = tpu.vector_load %arg12[%get3A_568, %get3A_569] {strides = array<i32>} : memref<513x128xf32, #tpu.memory_space<vmem>>, vector<16xf32>,
        %max3A_571 = arith.maximumf %select_n3A_555, %get3A_570 : vector<16xf32>
        %get3A_572 = arith.index_cast %squeeze3A_563 : i32 to index
        %get3A_573 = arith.constant 32 : index
        %get3A_574 = tpu.vector_load %arg12[%get3A_572, %get3A_573] {strides = array<i32>} : memref<513x128xf32, #tpu.memory_space<vmem>>, vector<16xf32>,
        %max3A_575 = arith.maximumf %select_n3A_556, %get3A_574 : vector<16xf32>
        %get3A_576 = arith.index_cast %squeeze3A_563 : i32 to index
        %get3A_577 = arith.constant 48 : index
        %get3A_578 = tpu.vector_load %arg12[%get3A_576, %get3A_577] {strides = array<i32>} : memref<513x128xf32, #tpu.memory_space<vmem>>, vector<16xf32>,
        %max3A_579 = arith.maximumf %select_n3A_557, %get3A_578 : vector<16xf32>
        %get3A_580 = arith.index_cast %squeeze3A_563 : i32 to index
        %get3A_581 = arith.constant 64 : index
        %get3A_582 = tpu.vector_load %arg12[%get3A_580, %get3A_581] {strides = array<i32>} : memref<513x128xf32, #tpu.memory_space<vmem>>, vector<16xf32>,
        %max3A_583 = arith.maximumf %select_n3A_558, %get3A_582 : vector<16xf32>
        %get3A_584 = arith.index_cast %squeeze3A_563 : i32 to index
        %get3A_585 = arith.constant 80 : index
        %get3A_586 = tpu.vector_load %arg12[%get3A_584, %get3A_585] {strides = array<i32>} : memref<513x128xf32, #tpu.memory_space<vmem>>, vector<16xf32>,
        %max3A_587 = arith.maximumf %select_n3A_559, %get3A_586 : vector<16xf32>
        %get3A_588 = arith.index_cast %squeeze3A_563 : i32 to index
        %get3A_589 = arith.constant 96 : index
        %get3A_590 = tpu.vector_load %arg12[%get3A_588, %get3A_589] {strides = array<i32>} : memref<513x128xf32, #tpu.memory_space<vmem>>, vector<16xf32>,
        %max3A_591 = arith.maximumf %select_n3A_560, %get3A_590 : vector<16xf32>
        %get3A_592 = arith.index_cast %squeeze3A_563 : i32 to index
        %get3A_593 = arith.constant 112 : index
        %get3A_594 = tpu.vector_load %arg12[%get3A_592, %get3A_593] {strides = array<i32>} : memref<513x128xf32, #tpu.memory_space<vmem>>, vector<16xf32>,
        %max3A_595 = arith.maximumf %select_n3A_561, %get3A_594 : vector<16xf32>
        %slice3A_596 = vector.extract_strided_slice %get3A_177 {offsets = [5], sizes = [1], strides = [1]} : vector<16xi32> to vector<1xi32>
        %squeeze3A_597 = vector.extract %slice3A_596[0] : i32 from vector<1xi32>
        %lt3A_598 = arith.constant 16 : i32
        %lt3A_599 = arith.cmpi slt, %squeeze3A_597, %lt3A_598 : i32
        %mul3A_600 = arith.constant 16 : i32
        %mul3A_601 = arith.muli %and3A_137, %mul3A_600 : i32
        %add3A_602 = arith.addi %mul3A_601, %squeeze3A_597 : i32
        %jit3A_603 = arith.constant 64 : i32
        %select_n3A_604 = arith.select %lt3A_599, %add3A_602, %jit3A_603 : i32
        %swap3A_605 = arith.index_cast %select_n3A_604 : i32 to index
        %swap3A_606 = arith.constant 0 : index
        %swap3A_607 = tpu.vector_load %arg17[%swap3A_605, %swap3A_606] {strides = array<i32>} : memref<65x128xf32, #tpu.memory_space<vmem>>, vector<16xf32>,
        tpu.vector_store %arg17[%swap3A_605, %swap3A_606], %max3A_567 {strides = array<i32>} : memref<65x128xf32, #tpu.memory_space<vmem>>, vector<16xf32>,
        %swap3A_608 = arith.index_cast %select_n3A_604 : i32 to index
        %swap3A_609 = arith.constant 16 : index
        %swap3A_610 = tpu.vector_load %arg17[%swap3A_608, %swap3A_609] {strides = array<i32>} : memref<65x128xf32, #tpu.memory_space<vmem>>, vector<16xf32>,
        tpu.vector_store %arg17[%swap3A_608, %swap3A_609], %max3A_571 {strides = array<i32>} : memref<65x128xf32, #tpu.memory_space<vmem>>, vector<16xf32>,
        %swap3A_611 = arith.index_cast %select_n3A_604 : i32 to index
        %swap3A_612 = arith.constant 32 : index
        %swap3A_613 = tpu.vector_load %arg17[%swap3A_611, %swap3A_612] {strides = array<i32>} : memref<65x128xf32, #tpu.memory_space<vmem>>, vector<16xf32>,
        tpu.vector_store %arg17[%swap3A_611, %swap3A_612], %max3A_575 {strides = array<i32>} : memref<65x128xf32, #tpu.memory_space<vmem>>, vector<16xf32>,
        %swap3A_614 = arith.index_cast %select_n3A_604 : i32 to index
        %swap3A_615 = arith.constant 48 : index
        %swap3A_616 = tpu.vector_load %arg17[%swap3A_614, %swap3A_615] {strides = array<i32>} : memref<65x128xf32, #tpu.memory_space<vmem>>, vector<16xf32>,
        tpu.vector_store %arg17[%swap3A_614, %swap3A_615], %max3A_579 {strides = array<i32>} : memref<65x128xf32, #tpu.memory_space<vmem>>, vector<16xf32>,
        %swap3A_617 = arith.index_cast %select_n3A_604 : i32 to index
        %swap3A_618 = arith.constant 64 : index
        %swap3A_619 = tpu.vector_load %arg17[%swap3A_617, %swap3A_618] {strides = array<i32>} : memref<65x128xf32, #tpu.memory_space<vmem>>, vector<16xf32>,
        tpu.vector_store %arg17[%swap3A_617, %swap3A_618], %max3A_583 {strides = array<i32>} : memref<65x128xf32, #tpu.memory_space<vmem>>, vector<16xf32>,
        %swap3A_620 = arith.index_cast %select_n3A_604 : i32 to index
        %swap3A_621 = arith.constant 80 : index
        %swap3A_622 = tpu.vector_load %arg17[%swap3A_620, %swap3A_621] {strides = array<i32>} : memref<65x128xf32, #tpu.memory_space<vmem>>, vector<16xf32>,
        tpu.vector_store %arg17[%swap3A_620, %swap3A_621], %max3A_587 {strides = array<i32>} : memref<65x128xf32, #tpu.memory_space<vmem>>, vector<16xf32>,
        %swap3A_623 = arith.index_cast %select_n3A_604 : i32 to index
        %swap3A_624 = arith.constant 96 : index
        %swap3A_625 = tpu.vector_load %arg17[%swap3A_623, %swap3A_624] {strides = array<i32>} : memref<65x128xf32, #tpu.memory_space<vmem>>, vector<16xf32>,
        tpu.vector_store %arg17[%swap3A_623, %swap3A_624], %max3A_591 {strides = array<i32>} : memref<65x128xf32, #tpu.memory_space<vmem>>, vector<16xf32>,
        %swap3A_626 = arith.index_cast %select_n3A_604 : i32 to index
        %swap3A_627 = arith.constant 112 : index
        %swap3A_628 = tpu.vector_load %arg17[%swap3A_626, %swap3A_627] {strides = array<i32>} : memref<65x128xf32, #tpu.memory_space<vmem>>, vector<16xf32>,
        tpu.vector_store %arg17[%swap3A_626, %swap3A_627], %max3A_595 {strides = array<i32>} : memref<65x128xf32, #tpu.memory_space<vmem>>, vector<16xf32>,
        %lt3A_629 = arith.constant 16 : i32
        %lt3A_630 = arith.cmpi slt, %squeeze3A_597, %lt3A_629 : i32
        %broadcast_in_dim3A_631 = vector.broadcast %lt3A_630 : i1 to vector<16xi1>
        %select_n3A_632 = arith.select %broadcast_in_dim3A_631, %broadcast_in_dim3A_146, %max3A_567 : vector<16xi1>, vector<16xf32>
        %select_n3A_633 = arith.select %broadcast_in_dim3A_631, %broadcast_in_dim3A_146, %max3A_571 : vector<16xi1>, vector<16xf32>
        %select_n3A_634 = arith.select %broadcast_in_dim3A_631, %broadcast_in_dim3A_146, %max3A_575 : vector<16xi1>, vector<16xf32>
        %select_n3A_635 = arith.select %broadcast_in_dim3A_631, %broadcast_in_dim3A_146, %max3A_579 : vector<16xi1>, vector<16xf32>
        %select_n3A_636 = arith.select %broadcast_in_dim3A_631, %broadcast_in_dim3A_146, %max3A_583 : vector<16xi1>, vector<16xf32>
        %select_n3A_637 = arith.select %broadcast_in_dim3A_631, %broadcast_in_dim3A_146, %max3A_587 : vector<16xi1>, vector<16xf32>
        %select_n3A_638 = arith.select %broadcast_in_dim3A_631, %broadcast_in_dim3A_146, %max3A_591 : vector<16xi1>, vector<16xf32>
        %select_n3A_639 = arith.select %broadcast_in_dim3A_631, %broadcast_in_dim3A_146, %max3A_595 : vector<16xi1>, vector<16xf32>
        %slice3A_640 = vector.extract_strided_slice %get3A_173 {offsets = [6], sizes = [1], strides = [1]} : vector<16xi32> to vector<1xi32>
        %squeeze3A_641 = vector.extract %slice3A_640[0] : i32 from vector<1xi32>
        %get3A_642 = arith.index_cast %squeeze3A_641 : i32 to index
        %get3A_643 = arith.constant 0 : index
        %get3A_644 = tpu.vector_load %arg12[%get3A_642, %get3A_643] {strides = array<i32>} : memref<513x128xf32, #tpu.memory_space<vmem>>, vector<16xf32>,
        %max3A_645 = arith.maximumf %select_n3A_632, %get3A_644 : vector<16xf32>
        %get3A_646 = arith.index_cast %squeeze3A_641 : i32 to index
        %get3A_647 = arith.constant 16 : index
        %get3A_648 = tpu.vector_load %arg12[%get3A_646, %get3A_647] {strides = array<i32>} : memref<513x128xf32, #tpu.memory_space<vmem>>, vector<16xf32>,
        %max3A_649 = arith.maximumf %select_n3A_633, %get3A_648 : vector<16xf32>
        %get3A_650 = arith.index_cast %squeeze3A_641 : i32 to index
        %get3A_651 = arith.constant 32 : index
        %get3A_652 = tpu.vector_load %arg12[%get3A_650, %get3A_651] {strides = array<i32>} : memref<513x128xf32, #tpu.memory_space<vmem>>, vector<16xf32>,
        %max3A_653 = arith.maximumf %select_n3A_634, %get3A_652 : vector<16xf32>
        %get3A_654 = arith.index_cast %squeeze3A_641 : i32 to index
        %get3A_655 = arith.constant 48 : index
        %get3A_656 = tpu.vector_load %arg12[%get3A_654, %get3A_655] {strides = array<i32>} : memref<513x128xf32, #tpu.memory_space<vmem>>, vector<16xf32>,
        %max3A_657 = arith.maximumf %select_n3A_635, %get3A_656 : vector<16xf32>
        %get3A_658 = arith.index_cast %squeeze3A_641 : i32 to index
        %get3A_659 = arith.constant 64 : index
        %get3A_660 = tpu.vector_load %arg12[%get3A_658, %get3A_659] {strides = array<i32>} : memref<513x128xf32, #tpu.memory_space<vmem>>, vector<16xf32>,
        %max3A_661 = arith.maximumf %select_n3A_636, %get3A_660 : vector<16xf32>
        %get3A_662 = arith.index_cast %squeeze3A_641 : i32 to index
        %get3A_663 = arith.constant 80 : index
        %get3A_664 = tpu.vector_load %arg12[%get3A_662, %get3A_663] {strides = array<i32>} : memref<513x128xf32, #tpu.memory_space<vmem>>, vector<16xf32>,
        %max3A_665 = arith.maximumf %select_n3A_637, %get3A_664 : vector<16xf32>
        %get3A_666 = arith.index_cast %squeeze3A_641 : i32 to index
        %get3A_667 = arith.constant 96 : index
        %get3A_668 = tpu.vector_load %arg12[%get3A_666, %get3A_667] {strides = array<i32>} : memref<513x128xf32, #tpu.memory_space<vmem>>, vector<16xf32>,
        %max3A_669 = arith.maximumf %select_n3A_638, %get3A_668 : vector<16xf32>
        %get3A_670 = arith.index_cast %squeeze3A_641 : i32 to index
        %get3A_671 = arith.constant 112 : index
        %get3A_672 = tpu.vector_load %arg12[%get3A_670, %get3A_671] {strides = array<i32>} : memref<513x128xf32, #tpu.memory_space<vmem>>, vector<16xf32>,
        %max3A_673 = arith.maximumf %select_n3A_639, %get3A_672 : vector<16xf32>
        %slice3A_674 = vector.extract_strided_slice %get3A_177 {offsets = [6], sizes = [1], strides = [1]} : vector<16xi32> to vector<1xi32>
        %squeeze3A_675 = vector.extract %slice3A_674[0] : i32 from vector<1xi32>
        %lt3A_676 = arith.constant 16 : i32
        %lt3A_677 = arith.cmpi slt, %squeeze3A_675, %lt3A_676 : i32
        %mul3A_678 = arith.constant 16 : i32
        %mul3A_679 = arith.muli %and3A_137, %mul3A_678 : i32
        %add3A_680 = arith.addi %mul3A_679, %squeeze3A_675 : i32
        %jit3A_681 = arith.constant 64 : i32
        %select_n3A_682 = arith.select %lt3A_677, %add3A_680, %jit3A_681 : i32
        %swap3A_683 = arith.index_cast %select_n3A_682 : i32 to index
        %swap3A_684 = arith.constant 0 : index
        %swap3A_685 = tpu.vector_load %arg17[%swap3A_683, %swap3A_684] {strides = array<i32>} : memref<65x128xf32, #tpu.memory_space<vmem>>, vector<16xf32>,
        tpu.vector_store %arg17[%swap3A_683, %swap3A_684], %max3A_645 {strides = array<i32>} : memref<65x128xf32, #tpu.memory_space<vmem>>, vector<16xf32>,
        %swap3A_686 = arith.index_cast %select_n3A_682 : i32 to index
        %swap3A_687 = arith.constant 16 : index
        %swap3A_688 = tpu.vector_load %arg17[%swap3A_686, %swap3A_687] {strides = array<i32>} : memref<65x128xf32, #tpu.memory_space<vmem>>, vector<16xf32>,
        tpu.vector_store %arg17[%swap3A_686, %swap3A_687], %max3A_649 {strides = array<i32>} : memref<65x128xf32, #tpu.memory_space<vmem>>, vector<16xf32>,
        %swap3A_689 = arith.index_cast %select_n3A_682 : i32 to index
        %swap3A_690 = arith.constant 32 : index
        %swap3A_691 = tpu.vector_load %arg17[%swap3A_689, %swap3A_690] {strides = array<i32>} : memref<65x128xf32, #tpu.memory_space<vmem>>, vector<16xf32>,
        tpu.vector_store %arg17[%swap3A_689, %swap3A_690], %max3A_653 {strides = array<i32>} : memref<65x128xf32, #tpu.memory_space<vmem>>, vector<16xf32>,
        %swap3A_692 = arith.index_cast %select_n3A_682 : i32 to index
        %swap3A_693 = arith.constant 48 : index
        %swap3A_694 = tpu.vector_load %arg17[%swap3A_692, %swap3A_693] {strides = array<i32>} : memref<65x128xf32, #tpu.memory_space<vmem>>, vector<16xf32>,
        tpu.vector_store %arg17[%swap3A_692, %swap3A_693], %max3A_657 {strides = array<i32>} : memref<65x128xf32, #tpu.memory_space<vmem>>, vector<16xf32>,
        %swap3A_695 = arith.index_cast %select_n3A_682 : i32 to index
        %swap3A_696 = arith.constant 64 : index
        %swap3A_697 = tpu.vector_load %arg17[%swap3A_695, %swap3A_696] {strides = array<i32>} : memref<65x128xf32, #tpu.memory_space<vmem>>, vector<16xf32>,
        tpu.vector_store %arg17[%swap3A_695, %swap3A_696], %max3A_661 {strides = array<i32>} : memref<65x128xf32, #tpu.memory_space<vmem>>, vector<16xf32>,
        %swap3A_698 = arith.index_cast %select_n3A_682 : i32 to index
        %swap3A_699 = arith.constant 80 : index
        %swap3A_700 = tpu.vector_load %arg17[%swap3A_698, %swap3A_699] {strides = array<i32>} : memref<65x128xf32, #tpu.memory_space<vmem>>, vector<16xf32>,
        tpu.vector_store %arg17[%swap3A_698, %swap3A_699], %max3A_665 {strides = array<i32>} : memref<65x128xf32, #tpu.memory_space<vmem>>, vector<16xf32>,
        %swap3A_701 = arith.index_cast %select_n3A_682 : i32 to index
        %swap3A_702 = arith.constant 96 : index
        %swap3A_703 = tpu.vector_load %arg17[%swap3A_701, %swap3A_702] {strides = array<i32>} : memref<65x128xf32, #tpu.memory_space<vmem>>, vector<16xf32>,
        tpu.vector_store %arg17[%swap3A_701, %swap3A_702], %max3A_669 {strides = array<i32>} : memref<65x128xf32, #tpu.memory_space<vmem>>, vector<16xf32>,
        %swap3A_704 = arith.index_cast %select_n3A_682 : i32 to index
        %swap3A_705 = arith.constant 112 : index
        %swap3A_706 = tpu.vector_load %arg17[%swap3A_704, %swap3A_705] {strides = array<i32>} : memref<65x128xf32, #tpu.memory_space<vmem>>, vector<16xf32>,
        tpu.vector_store %arg17[%swap3A_704, %swap3A_705], %max3A_673 {strides = array<i32>} : memref<65x128xf32, #tpu.memory_space<vmem>>, vector<16xf32>,
        %lt3A_707 = arith.constant 16 : i32
        %lt3A_708 = arith.cmpi slt, %squeeze3A_675, %lt3A_707 : i32
        %broadcast_in_dim3A_709 = vector.broadcast %lt3A_708 : i1 to vector<16xi1>
        %select_n3A_710 = arith.select %broadcast_in_dim3A_709, %broadcast_in_dim3A_146, %max3A_645 : vector<16xi1>, vector<16xf32>
        %select_n3A_711 = arith.select %broadcast_in_dim3A_709, %broadcast_in_dim3A_146, %max3A_649 : vector<16xi1>, vector<16xf32>
        %select_n3A_712 = arith.select %broadcast_in_dim3A_709, %broadcast_in_dim3A_146, %max3A_653 : vector<16xi1>, vector<16xf32>
        %select_n3A_713 = arith.select %broadcast_in_dim3A_709, %broadcast_in_dim3A_146, %max3A_657 : vector<16xi1>, vector<16xf32>
        %select_n3A_714 = arith.select %broadcast_in_dim3A_709, %broadcast_in_dim3A_146, %max3A_661 : vector<16xi1>, vector<16xf32>
        %select_n3A_715 = arith.select %broadcast_in_dim3A_709, %broadcast_in_dim3A_146, %max3A_665 : vector<16xi1>, vector<16xf32>
        %select_n3A_716 = arith.select %broadcast_in_dim3A_709, %broadcast_in_dim3A_146, %max3A_669 : vector<16xi1>, vector<16xf32>
        %select_n3A_717 = arith.select %broadcast_in_dim3A_709, %broadcast_in_dim3A_146, %max3A_673 : vector<16xi1>, vector<16xf32>
        %slice3A_718 = vector.extract_strided_slice %get3A_173 {offsets = [7], sizes = [1], strides = [1]} : vector<16xi32> to vector<1xi32>
        %squeeze3A_719 = vector.extract %slice3A_718[0] : i32 from vector<1xi32>
        %get3A_720 = arith.index_cast %squeeze3A_719 : i32 to index
        %get3A_721 = arith.constant 0 : index
        %get3A_722 = tpu.vector_load %arg12[%get3A_720, %get3A_721] {strides = array<i32>} : memref<513x128xf32, #tpu.memory_space<vmem>>, vector<16xf32>,
        %max3A_723 = arith.maximumf %select_n3A_710, %get3A_722 : vector<16xf32>
        %get3A_724 = arith.index_cast %squeeze3A_719 : i32 to index
        %get3A_725 = arith.constant 16 : index
        %get3A_726 = tpu.vector_load %arg12[%get3A_724, %get3A_725] {strides = array<i32>} : memref<513x128xf32, #tpu.memory_space<vmem>>, vector<16xf32>,
        %max3A_727 = arith.maximumf %select_n3A_711, %get3A_726 : vector<16xf32>
        %get3A_728 = arith.index_cast %squeeze3A_719 : i32 to index
        %get3A_729 = arith.constant 32 : index
        %get3A_730 = tpu.vector_load %arg12[%get3A_728, %get3A_729] {strides = array<i32>} : memref<513x128xf32, #tpu.memory_space<vmem>>, vector<16xf32>,
        %max3A_731 = arith.maximumf %select_n3A_712, %get3A_730 : vector<16xf32>
        %get3A_732 = arith.index_cast %squeeze3A_719 : i32 to index
        %get3A_733 = arith.constant 48 : index
        %get3A_734 = tpu.vector_load %arg12[%get3A_732, %get3A_733] {strides = array<i32>} : memref<513x128xf32, #tpu.memory_space<vmem>>, vector<16xf32>,
        %max3A_735 = arith.maximumf %select_n3A_713, %get3A_734 : vector<16xf32>
        %get3A_736 = arith.index_cast %squeeze3A_719 : i32 to index
        %get3A_737 = arith.constant 64 : index
        %get3A_738 = tpu.vector_load %arg12[%get3A_736, %get3A_737] {strides = array<i32>} : memref<513x128xf32, #tpu.memory_space<vmem>>, vector<16xf32>,
        %max3A_739 = arith.maximumf %select_n3A_714, %get3A_738 : vector<16xf32>
        %get3A_740 = arith.index_cast %squeeze3A_719 : i32 to index
        %get3A_741 = arith.constant 80 : index
        %get3A_742 = tpu.vector_load %arg12[%get3A_740, %get3A_741] {strides = array<i32>} : memref<513x128xf32, #tpu.memory_space<vmem>>, vector<16xf32>,
        %max3A_743 = arith.maximumf %select_n3A_715, %get3A_742 : vector<16xf32>
        %get3A_744 = arith.index_cast %squeeze3A_719 : i32 to index
        %get3A_745 = arith.constant 96 : index
        %get3A_746 = tpu.vector_load %arg12[%get3A_744, %get3A_745] {strides = array<i32>} : memref<513x128xf32, #tpu.memory_space<vmem>>, vector<16xf32>,
        %max3A_747 = arith.maximumf %select_n3A_716, %get3A_746 : vector<16xf32>
        %get3A_748 = arith.index_cast %squeeze3A_719 : i32 to index
        %get3A_749 = arith.constant 112 : index
        %get3A_750 = tpu.vector_load %arg12[%get3A_748, %get3A_749] {strides = array<i32>} : memref<513x128xf32, #tpu.memory_space<vmem>>, vector<16xf32>,
        %max3A_751 = arith.maximumf %select_n3A_717, %get3A_750 : vector<16xf32>
        %slice3A_752 = vector.extract_strided_slice %get3A_177 {offsets = [7], sizes = [1], strides = [1]} : vector<16xi32> to vector<1xi32>
        %squeeze3A_753 = vector.extract %slice3A_752[0] : i32 from vector<1xi32>
        %lt3A_754 = arith.constant 16 : i32
        %lt3A_755 = arith.cmpi slt, %squeeze3A_753, %lt3A_754 : i32
        %mul3A_756 = arith.constant 16 : i32
        %mul3A_757 = arith.muli %and3A_137, %mul3A_756 : i32
        %add3A_758 = arith.addi %mul3A_757, %squeeze3A_753 : i32
        %jit3A_759 = arith.constant 64 : i32
        %select_n3A_760 = arith.select %lt3A_755, %add3A_758, %jit3A_759 : i32
        %swap3A_761 = arith.index_cast %select_n3A_760 : i32 to index
        %swap3A_762 = arith.constant 0 : index
        %swap3A_763 = tpu.vector_load %arg17[%swap3A_761, %swap3A_762] {strides = array<i32>} : memref<65x128xf32, #tpu.memory_space<vmem>>, vector<16xf32>,
        tpu.vector_store %arg17[%swap3A_761, %swap3A_762], %max3A_723 {strides = array<i32>} : memref<65x128xf32, #tpu.memory_space<vmem>>, vector<16xf32>,
        %swap3A_764 = arith.index_cast %select_n3A_760 : i32 to index
        %swap3A_765 = arith.constant 16 : index
        %swap3A_766 = tpu.vector_load %arg17[%swap3A_764, %swap3A_765] {strides = array<i32>} : memref<65x128xf32, #tpu.memory_space<vmem>>, vector<16xf32>,
        tpu.vector_store %arg17[%swap3A_764, %swap3A_765], %max3A_727 {strides = array<i32>} : memref<65x128xf32, #tpu.memory_space<vmem>>, vector<16xf32>,
        %swap3A_767 = arith.index_cast %select_n3A_760 : i32 to index
        %swap3A_768 = arith.constant 32 : index
        %swap3A_769 = tpu.vector_load %arg17[%swap3A_767, %swap3A_768] {strides = array<i32>} : memref<65x128xf32, #tpu.memory_space<vmem>>, vector<16xf32>,
        tpu.vector_store %arg17[%swap3A_767, %swap3A_768], %max3A_731 {strides = array<i32>} : memref<65x128xf32, #tpu.memory_space<vmem>>, vector<16xf32>,
        %swap3A_770 = arith.index_cast %select_n3A_760 : i32 to index
        %swap3A_771 = arith.constant 48 : index
        %swap3A_772 = tpu.vector_load %arg17[%swap3A_770, %swap3A_771] {strides = array<i32>} : memref<65x128xf32, #tpu.memory_space<vmem>>, vector<16xf32>,
        tpu.vector_store %arg17[%swap3A_770, %swap3A_771], %max3A_735 {strides = array<i32>} : memref<65x128xf32, #tpu.memory_space<vmem>>, vector<16xf32>,
        %swap3A_773 = arith.index_cast %select_n3A_760 : i32 to index
        %swap3A_774 = arith.constant 64 : index
        %swap3A_775 = tpu.vector_load %arg17[%swap3A_773, %swap3A_774] {strides = array<i32>} : memref<65x128xf32, #tpu.memory_space<vmem>>, vector<16xf32>,
        tpu.vector_store %arg17[%swap3A_773, %swap3A_774], %max3A_739 {strides = array<i32>} : memref<65x128xf32, #tpu.memory_space<vmem>>, vector<16xf32>,
        %swap3A_776 = arith.index_cast %select_n3A_760 : i32 to index
        %swap3A_777 = arith.constant 80 : index
        %swap3A_778 = tpu.vector_load %arg17[%swap3A_776, %swap3A_777] {strides = array<i32>} : memref<65x128xf32, #tpu.memory_space<vmem>>, vector<16xf32>,
        tpu.vector_store %arg17[%swap3A_776, %swap3A_777], %max3A_743 {strides = array<i32>} : memref<65x128xf32, #tpu.memory_space<vmem>>, vector<16xf32>,
        %swap3A_779 = arith.index_cast %select_n3A_760 : i32 to index
        %swap3A_780 = arith.constant 96 : index
        %swap3A_781 = tpu.vector_load %arg17[%swap3A_779, %swap3A_780] {strides = array<i32>} : memref<65x128xf32, #tpu.memory_space<vmem>>, vector<16xf32>,
        tpu.vector_store %arg17[%swap3A_779, %swap3A_780], %max3A_747 {strides = array<i32>} : memref<65x128xf32, #tpu.memory_space<vmem>>, vector<16xf32>,
        %swap3A_782 = arith.index_cast %select_n3A_760 : i32 to index
        %swap3A_783 = arith.constant 112 : index
        %swap3A_784 = tpu.vector_load %arg17[%swap3A_782, %swap3A_783] {strides = array<i32>} : memref<65x128xf32, #tpu.memory_space<vmem>>, vector<16xf32>,
        tpu.vector_store %arg17[%swap3A_782, %swap3A_783], %max3A_751 {strides = array<i32>} : memref<65x128xf32, #tpu.memory_space<vmem>>, vector<16xf32>,
        %lt3A_785 = arith.constant 16 : i32
        %lt3A_786 = arith.cmpi slt, %squeeze3A_753, %lt3A_785 : i32
        %broadcast_in_dim3A_787 = vector.broadcast %lt3A_786 : i1 to vector<16xi1>
        %select_n3A_788 = arith.select %broadcast_in_dim3A_787, %broadcast_in_dim3A_146, %max3A_723 : vector<16xi1>, vector<16xf32>
        %select_n3A_789 = arith.select %broadcast_in_dim3A_787, %broadcast_in_dim3A_146, %max3A_727 : vector<16xi1>, vector<16xf32>
        %select_n3A_790 = arith.select %broadcast_in_dim3A_787, %broadcast_in_dim3A_146, %max3A_731 : vector<16xi1>, vector<16xf32>
        %select_n3A_791 = arith.select %broadcast_in_dim3A_787, %broadcast_in_dim3A_146, %max3A_735 : vector<16xi1>, vector<16xf32>
        %select_n3A_792 = arith.select %broadcast_in_dim3A_787, %broadcast_in_dim3A_146, %max3A_739 : vector<16xi1>, vector<16xf32>
        %select_n3A_793 = arith.select %broadcast_in_dim3A_787, %broadcast_in_dim3A_146, %max3A_743 : vector<16xi1>, vector<16xf32>
        %select_n3A_794 = arith.select %broadcast_in_dim3A_787, %broadcast_in_dim3A_146, %max3A_747 : vector<16xi1>, vector<16xf32>
        %select_n3A_795 = arith.select %broadcast_in_dim3A_787, %broadcast_in_dim3A_146, %max3A_751 : vector<16xi1>, vector<16xf32>
        %slice3A_796 = vector.extract_strided_slice %get3A_173 {offsets = [8], sizes = [1], strides = [1]} : vector<16xi32> to vector<1xi32>
        %squeeze3A_797 = vector.extract %slice3A_796[0] : i32 from vector<1xi32>
        %get3A_798 = arith.index_cast %squeeze3A_797 : i32 to index
        %get3A_799 = arith.constant 0 : index
        %get3A_800 = tpu.vector_load %arg12[%get3A_798, %get3A_799] {strides = array<i32>} : memref<513x128xf32, #tpu.memory_space<vmem>>, vector<16xf32>,
        %max3A_801 = arith.maximumf %select_n3A_788, %get3A_800 : vector<16xf32>
        %get3A_802 = arith.index_cast %squeeze3A_797 : i32 to index
        %get3A_803 = arith.constant 16 : index
        %get3A_804 = tpu.vector_load %arg12[%get3A_802, %get3A_803] {strides = array<i32>} : memref<513x128xf32, #tpu.memory_space<vmem>>, vector<16xf32>,
        %max3A_805 = arith.maximumf %select_n3A_789, %get3A_804 : vector<16xf32>
        %get3A_806 = arith.index_cast %squeeze3A_797 : i32 to index
        %get3A_807 = arith.constant 32 : index
        %get3A_808 = tpu.vector_load %arg12[%get3A_806, %get3A_807] {strides = array<i32>} : memref<513x128xf32, #tpu.memory_space<vmem>>, vector<16xf32>,
        %max3A_809 = arith.maximumf %select_n3A_790, %get3A_808 : vector<16xf32>
        %get3A_810 = arith.index_cast %squeeze3A_797 : i32 to index
        %get3A_811 = arith.constant 48 : index
        %get3A_812 = tpu.vector_load %arg12[%get3A_810, %get3A_811] {strides = array<i32>} : memref<513x128xf32, #tpu.memory_space<vmem>>, vector<16xf32>,
        %max3A_813 = arith.maximumf %select_n3A_791, %get3A_812 : vector<16xf32>
        %get3A_814 = arith.index_cast %squeeze3A_797 : i32 to index
        %get3A_815 = arith.constant 64 : index
        %get3A_816 = tpu.vector_load %arg12[%get3A_814, %get3A_815] {strides = array<i32>} : memref<513x128xf32, #tpu.memory_space<vmem>>, vector<16xf32>,
        %max3A_817 = arith.maximumf %select_n3A_792, %get3A_816 : vector<16xf32>
        %get3A_818 = arith.index_cast %squeeze3A_797 : i32 to index
        %get3A_819 = arith.constant 80 : index
        %get3A_820 = tpu.vector_load %arg12[%get3A_818, %get3A_819] {strides = array<i32>} : memref<513x128xf32, #tpu.memory_space<vmem>>, vector<16xf32>,
        %max3A_821 = arith.maximumf %select_n3A_793, %get3A_820 : vector<16xf32>
        %get3A_822 = arith.index_cast %squeeze3A_797 : i32 to index
        %get3A_823 = arith.constant 96 : index
        %get3A_824 = tpu.vector_load %arg12[%get3A_822, %get3A_823] {strides = array<i32>} : memref<513x128xf32, #tpu.memory_space<vmem>>, vector<16xf32>,
        %max3A_825 = arith.maximumf %select_n3A_794, %get3A_824 : vector<16xf32>
        %get3A_826 = arith.index_cast %squeeze3A_797 : i32 to index
        %get3A_827 = arith.constant 112 : index
        %get3A_828 = tpu.vector_load %arg12[%get3A_826, %get3A_827] {strides = array<i32>} : memref<513x128xf32, #tpu.memory_space<vmem>>, vector<16xf32>,
        %max3A_829 = arith.maximumf %select_n3A_795, %get3A_828 : vector<16xf32>
        %slice3A_830 = vector.extract_strided_slice %get3A_177 {offsets = [8], sizes = [1], strides = [1]} : vector<16xi32> to vector<1xi32>
        %squeeze3A_831 = vector.extract %slice3A_830[0] : i32 from vector<1xi32>
        %lt3A_832 = arith.constant 16 : i32
        %lt3A_833 = arith.cmpi slt, %squeeze3A_831, %lt3A_832 : i32
        %mul3A_834 = arith.constant 16 : i32
        %mul3A_835 = arith.muli %and3A_137, %mul3A_834 : i32
        %add3A_836 = arith.addi %mul3A_835, %squeeze3A_831 : i32
        %jit3A_837 = arith.constant 64 : i32
        %select_n3A_838 = arith.select %lt3A_833, %add3A_836, %jit3A_837 : i32
        %swap3A_839 = arith.index_cast %select_n3A_838 : i32 to index
        %swap3A_840 = arith.constant 0 : index
        %swap3A_841 = tpu.vector_load %arg17[%swap3A_839, %swap3A_840] {strides = array<i32>} : memref<65x128xf32, #tpu.memory_space<vmem>>, vector<16xf32>,
        tpu.vector_store %arg17[%swap3A_839, %swap3A_840], %max3A_801 {strides = array<i32>} : memref<65x128xf32, #tpu.memory_space<vmem>>, vector<16xf32>,
        %swap3A_842 = arith.index_cast %select_n3A_838 : i32 to index
        %swap3A_843 = arith.constant 16 : index
        %swap3A_844 = tpu.vector_load %arg17[%swap3A_842, %swap3A_843] {strides = array<i32>} : memref<65x128xf32, #tpu.memory_space<vmem>>, vector<16xf32>,
        tpu.vector_store %arg17[%swap3A_842, %swap3A_843], %max3A_805 {strides = array<i32>} : memref<65x128xf32, #tpu.memory_space<vmem>>, vector<16xf32>,
        %swap3A_845 = arith.index_cast %select_n3A_838 : i32 to index
        %swap3A_846 = arith.constant 32 : index
        %swap3A_847 = tpu.vector_load %arg17[%swap3A_845, %swap3A_846] {strides = array<i32>} : memref<65x128xf32, #tpu.memory_space<vmem>>, vector<16xf32>,
        tpu.vector_store %arg17[%swap3A_845, %swap3A_846], %max3A_809 {strides = array<i32>} : memref<65x128xf32, #tpu.memory_space<vmem>>, vector<16xf32>,
        %swap3A_848 = arith.index_cast %select_n3A_838 : i32 to index
        %swap3A_849 = arith.constant 48 : index
        %swap3A_850 = tpu.vector_load %arg17[%swap3A_848, %swap3A_849] {strides = array<i32>} : memref<65x128xf32, #tpu.memory_space<vmem>>, vector<16xf32>,
        tpu.vector_store %arg17[%swap3A_848, %swap3A_849], %max3A_813 {strides = array<i32>} : memref<65x128xf32, #tpu.memory_space<vmem>>, vector<16xf32>,
        %swap3A_851 = arith.index_cast %select_n3A_838 : i32 to index
        %swap3A_852 = arith.constant 64 : index
        %swap3A_853 = tpu.vector_load %arg17[%swap3A_851, %swap3A_852] {strides = array<i32>} : memref<65x128xf32, #tpu.memory_space<vmem>>, vector<16xf32>,
        tpu.vector_store %arg17[%swap3A_851, %swap3A_852], %max3A_817 {strides = array<i32>} : memref<65x128xf32, #tpu.memory_space<vmem>>, vector<16xf32>,
        %swap3A_854 = arith.index_cast %select_n3A_838 : i32 to index
        %swap3A_855 = arith.constant 80 : index
        %swap3A_856 = tpu.vector_load %arg17[%swap3A_854, %swap3A_855] {strides = array<i32>} : memref<65x128xf32, #tpu.memory_space<vmem>>, vector<16xf32>,
        tpu.vector_store %arg17[%swap3A_854, %swap3A_855], %max3A_821 {strides = array<i32>} : memref<65x128xf32, #tpu.memory_space<vmem>>, vector<16xf32>,
        %swap3A_857 = arith.index_cast %select_n3A_838 : i32 to index
        %swap3A_858 = arith.constant 96 : index
        %swap3A_859 = tpu.vector_load %arg17[%swap3A_857, %swap3A_858] {strides = array<i32>} : memref<65x128xf32, #tpu.memory_space<vmem>>, vector<16xf32>,
        tpu.vector_store %arg17[%swap3A_857, %swap3A_858], %max3A_825 {strides = array<i32>} : memref<65x128xf32, #tpu.memory_space<vmem>>, vector<16xf32>,
        %swap3A_860 = arith.index_cast %select_n3A_838 : i32 to index
        %swap3A_861 = arith.constant 112 : index
        %swap3A_862 = tpu.vector_load %arg17[%swap3A_860, %swap3A_861] {strides = array<i32>} : memref<65x128xf32, #tpu.memory_space<vmem>>, vector<16xf32>,
        tpu.vector_store %arg17[%swap3A_860, %swap3A_861], %max3A_829 {strides = array<i32>} : memref<65x128xf32, #tpu.memory_space<vmem>>, vector<16xf32>,
        %lt3A_863 = arith.constant 16 : i32
        %lt3A_864 = arith.cmpi slt, %squeeze3A_831, %lt3A_863 : i32
        %broadcast_in_dim3A_865 = vector.broadcast %lt3A_864 : i1 to vector<16xi1>
        %select_n3A_866 = arith.select %broadcast_in_dim3A_865, %broadcast_in_dim3A_146, %max3A_801 : vector<16xi1>, vector<16xf32>
        %select_n3A_867 = arith.select %broadcast_in_dim3A_865, %broadcast_in_dim3A_146, %max3A_805 : vector<16xi1>, vector<16xf32>
        %select_n3A_868 = arith.select %broadcast_in_dim3A_865, %broadcast_in_dim3A_146, %max3A_809 : vector<16xi1>, vector<16xf32>
        %select_n3A_869 = arith.select %broadcast_in_dim3A_865, %broadcast_in_dim3A_146, %max3A_813 : vector<16xi1>, vector<16xf32>
        %select_n3A_870 = arith.select %broadcast_in_dim3A_865, %broadcast_in_dim3A_146, %max3A_817 : vector<16xi1>, vector<16xf32>
        %select_n3A_871 = arith.select %broadcast_in_dim3A_865, %broadcast_in_dim3A_146, %max3A_821 : vector<16xi1>, vector<16xf32>
        %select_n3A_872 = arith.select %broadcast_in_dim3A_865, %broadcast_in_dim3A_146, %max3A_825 : vector<16xi1>, vector<16xf32>
        %select_n3A_873 = arith.select %broadcast_in_dim3A_865, %broadcast_in_dim3A_146, %max3A_829 : vector<16xi1>, vector<16xf32>
        %slice3A_874 = vector.extract_strided_slice %get3A_173 {offsets = [9], sizes = [1], strides = [1]} : vector<16xi32> to vector<1xi32>
        %squeeze3A_875 = vector.extract %slice3A_874[0] : i32 from vector<1xi32>
        %get3A_876 = arith.index_cast %squeeze3A_875 : i32 to index
        %get3A_877 = arith.constant 0 : index
        %get3A_878 = tpu.vector_load %arg12[%get3A_876, %get3A_877] {strides = array<i32>} : memref<513x128xf32, #tpu.memory_space<vmem>>, vector<16xf32>,
        %max3A_879 = arith.maximumf %select_n3A_866, %get3A_878 : vector<16xf32>
        %get3A_880 = arith.index_cast %squeeze3A_875 : i32 to index
        %get3A_881 = arith.constant 16 : index
        %get3A_882 = tpu.vector_load %arg12[%get3A_880, %get3A_881] {strides = array<i32>} : memref<513x128xf32, #tpu.memory_space<vmem>>, vector<16xf32>,
        %max3A_883 = arith.maximumf %select_n3A_867, %get3A_882 : vector<16xf32>
        %get3A_884 = arith.index_cast %squeeze3A_875 : i32 to index
        %get3A_885 = arith.constant 32 : index
        %get3A_886 = tpu.vector_load %arg12[%get3A_884, %get3A_885] {strides = array<i32>} : memref<513x128xf32, #tpu.memory_space<vmem>>, vector<16xf32>,
        %max3A_887 = arith.maximumf %select_n3A_868, %get3A_886 : vector<16xf32>
        %get3A_888 = arith.index_cast %squeeze3A_875 : i32 to index
        %get3A_889 = arith.constant 48 : index
        %get3A_890 = tpu.vector_load %arg12[%get3A_888, %get3A_889] {strides = array<i32>} : memref<513x128xf32, #tpu.memory_space<vmem>>, vector<16xf32>,
        %max3A_891 = arith.maximumf %select_n3A_869, %get3A_890 : vector<16xf32>
        %get3A_892 = arith.index_cast %squeeze3A_875 : i32 to index
        %get3A_893 = arith.constant 64 : index
        %get3A_894 = tpu.vector_load %arg12[%get3A_892, %get3A_893] {strides = array<i32>} : memref<513x128xf32, #tpu.memory_space<vmem>>, vector<16xf32>,
        %max3A_895 = arith.maximumf %select_n3A_870, %get3A_894 : vector<16xf32>
        %get3A_896 = arith.index_cast %squeeze3A_875 : i32 to index
        %get3A_897 = arith.constant 80 : index
        %get3A_898 = tpu.vector_load %arg12[%get3A_896, %get3A_897] {strides = array<i32>} : memref<513x128xf32, #tpu.memory_space<vmem>>, vector<16xf32>,
        %max3A_899 = arith.maximumf %select_n3A_871, %get3A_898 : vector<16xf32>
        %get3A_900 = arith.index_cast %squeeze3A_875 : i32 to index
        %get3A_901 = arith.constant 96 : index
        %get3A_902 = tpu.vector_load %arg12[%get3A_900, %get3A_901] {strides = array<i32>} : memref<513x128xf32, #tpu.memory_space<vmem>>, vector<16xf32>,
        %max3A_903 = arith.maximumf %select_n3A_872, %get3A_902 : vector<16xf32>
        %get3A_904 = arith.index_cast %squeeze3A_875 : i32 to index
        %get3A_905 = arith.constant 112 : index
        %get3A_906 = tpu.vector_load %arg12[%get3A_904, %get3A_905] {strides = array<i32>} : memref<513x128xf32, #tpu.memory_space<vmem>>, vector<16xf32>,
        %max3A_907 = arith.maximumf %select_n3A_873, %get3A_906 : vector<16xf32>
        %slice3A_908 = vector.extract_strided_slice %get3A_177 {offsets = [9], sizes = [1], strides = [1]} : vector<16xi32> to vector<1xi32>
        %squeeze3A_909 = vector.extract %slice3A_908[0] : i32 from vector<1xi32>
        %lt3A_910 = arith.constant 16 : i32
        %lt3A_911 = arith.cmpi slt, %squeeze3A_909, %lt3A_910 : i32
        %mul3A_912 = arith.constant 16 : i32
        %mul3A_913 = arith.muli %and3A_137, %mul3A_912 : i32
        %add3A_914 = arith.addi %mul3A_913, %squeeze3A_909 : i32
        %jit3A_915 = arith.constant 64 : i32
        %select_n3A_916 = arith.select %lt3A_911, %add3A_914, %jit3A_915 : i32
        %swap3A_917 = arith.index_cast %select_n3A_916 : i32 to index
        %swap3A_918 = arith.constant 0 : index
        %swap3A_919 = tpu.vector_load %arg17[%swap3A_917, %swap3A_918] {strides = array<i32>} : memref<65x128xf32, #tpu.memory_space<vmem>>, vector<16xf32>,
        tpu.vector_store %arg17[%swap3A_917, %swap3A_918], %max3A_879 {strides = array<i32>} : memref<65x128xf32, #tpu.memory_space<vmem>>, vector<16xf32>,
        %swap3A_920 = arith.index_cast %select_n3A_916 : i32 to index
        %swap3A_921 = arith.constant 16 : index
        %swap3A_922 = tpu.vector_load %arg17[%swap3A_920, %swap3A_921] {strides = array<i32>} : memref<65x128xf32, #tpu.memory_space<vmem>>, vector<16xf32>,
        tpu.vector_store %arg17[%swap3A_920, %swap3A_921], %max3A_883 {strides = array<i32>} : memref<65x128xf32, #tpu.memory_space<vmem>>, vector<16xf32>,
        %swap3A_923 = arith.index_cast %select_n3A_916 : i32 to index
        %swap3A_924 = arith.constant 32 : index
        %swap3A_925 = tpu.vector_load %arg17[%swap3A_923, %swap3A_924] {strides = array<i32>} : memref<65x128xf32, #tpu.memory_space<vmem>>, vector<16xf32>,
        tpu.vector_store %arg17[%swap3A_923, %swap3A_924], %max3A_887 {strides = array<i32>} : memref<65x128xf32, #tpu.memory_space<vmem>>, vector<16xf32>,
        %swap3A_926 = arith.index_cast %select_n3A_916 : i32 to index
        %swap3A_927 = arith.constant 48 : index
        %swap3A_928 = tpu.vector_load %arg17[%swap3A_926, %swap3A_927] {strides = array<i32>} : memref<65x128xf32, #tpu.memory_space<vmem>>, vector<16xf32>,
        tpu.vector_store %arg17[%swap3A_926, %swap3A_927], %max3A_891 {strides = array<i32>} : memref<65x128xf32, #tpu.memory_space<vmem>>, vector<16xf32>,
        %swap3A_929 = arith.index_cast %select_n3A_916 : i32 to index
        %swap3A_930 = arith.constant 64 : index
        %swap3A_931 = tpu.vector_load %arg17[%swap3A_929, %swap3A_930] {strides = array<i32>} : memref<65x128xf32, #tpu.memory_space<vmem>>, vector<16xf32>,
        tpu.vector_store %arg17[%swap3A_929, %swap3A_930], %max3A_895 {strides = array<i32>} : memref<65x128xf32, #tpu.memory_space<vmem>>, vector<16xf32>,
        %swap3A_932 = arith.index_cast %select_n3A_916 : i32 to index
        %swap3A_933 = arith.constant 80 : index
        %swap3A_934 = tpu.vector_load %arg17[%swap3A_932, %swap3A_933] {strides = array<i32>} : memref<65x128xf32, #tpu.memory_space<vmem>>, vector<16xf32>,
        tpu.vector_store %arg17[%swap3A_932, %swap3A_933], %max3A_899 {strides = array<i32>} : memref<65x128xf32, #tpu.memory_space<vmem>>, vector<16xf32>,
        %swap3A_935 = arith.index_cast %select_n3A_916 : i32 to index
        %swap3A_936 = arith.constant 96 : index
        %swap3A_937 = tpu.vector_load %arg17[%swap3A_935, %swap3A_936] {strides = array<i32>} : memref<65x128xf32, #tpu.memory_space<vmem>>, vector<16xf32>,
        tpu.vector_store %arg17[%swap3A_935, %swap3A_936], %max3A_903 {strides = array<i32>} : memref<65x128xf32, #tpu.memory_space<vmem>>, vector<16xf32>,
        %swap3A_938 = arith.index_cast %select_n3A_916 : i32 to index
        %swap3A_939 = arith.constant 112 : index
        %swap3A_940 = tpu.vector_load %arg17[%swap3A_938, %swap3A_939] {strides = array<i32>} : memref<65x128xf32, #tpu.memory_space<vmem>>, vector<16xf32>,
        tpu.vector_store %arg17[%swap3A_938, %swap3A_939], %max3A_907 {strides = array<i32>} : memref<65x128xf32, #tpu.memory_space<vmem>>, vector<16xf32>,
        %lt3A_941 = arith.constant 16 : i32
        %lt3A_942 = arith.cmpi slt, %squeeze3A_909, %lt3A_941 : i32
        %broadcast_in_dim3A_943 = vector.broadcast %lt3A_942 : i1 to vector<16xi1>
        %select_n3A_944 = arith.select %broadcast_in_dim3A_943, %broadcast_in_dim3A_146, %max3A_879 : vector<16xi1>, vector<16xf32>
        %select_n3A_945 = arith.select %broadcast_in_dim3A_943, %broadcast_in_dim3A_146, %max3A_883 : vector<16xi1>, vector<16xf32>
        %select_n3A_946 = arith.select %broadcast_in_dim3A_943, %broadcast_in_dim3A_146, %max3A_887 : vector<16xi1>, vector<16xf32>
        %select_n3A_947 = arith.select %broadcast_in_dim3A_943, %broadcast_in_dim3A_146, %max3A_891 : vector<16xi1>, vector<16xf32>
        %select_n3A_948 = arith.select %broadcast_in_dim3A_943, %broadcast_in_dim3A_146, %max3A_895 : vector<16xi1>, vector<16xf32>
        %select_n3A_949 = arith.select %broadcast_in_dim3A_943, %broadcast_in_dim3A_146, %max3A_899 : vector<16xi1>, vector<16xf32>
        %select_n3A_950 = arith.select %broadcast_in_dim3A_943, %broadcast_in_dim3A_146, %max3A_903 : vector<16xi1>, vector<16xf32>
        %select_n3A_951 = arith.select %broadcast_in_dim3A_943, %broadcast_in_dim3A_146, %max3A_907 : vector<16xi1>, vector<16xf32>
        %slice3A_952 = vector.extract_strided_slice %get3A_173 {offsets = [10], sizes = [1], strides = [1]} : vector<16xi32> to vector<1xi32>
        %squeeze3A_953 = vector.extract %slice3A_952[0] : i32 from vector<1xi32>
        %get3A_954 = arith.index_cast %squeeze3A_953 : i32 to index
        %get3A_955 = arith.constant 0 : index
        %get3A_956 = tpu.vector_load %arg12[%get3A_954, %get3A_955] {strides = array<i32>} : memref<513x128xf32, #tpu.memory_space<vmem>>, vector<16xf32>,
        %max3A_957 = arith.maximumf %select_n3A_944, %get3A_956 : vector<16xf32>
        %get3A_958 = arith.index_cast %squeeze3A_953 : i32 to index
        %get3A_959 = arith.constant 16 : index
        %get3A_960 = tpu.vector_load %arg12[%get3A_958, %get3A_959] {strides = array<i32>} : memref<513x128xf32, #tpu.memory_space<vmem>>, vector<16xf32>,
        %max3A_961 = arith.maximumf %select_n3A_945, %get3A_960 : vector<16xf32>
        %get3A_962 = arith.index_cast %squeeze3A_953 : i32 to index
        %get3A_963 = arith.constant 32 : index
        %get3A_964 = tpu.vector_load %arg12[%get3A_962, %get3A_963] {strides = array<i32>} : memref<513x128xf32, #tpu.memory_space<vmem>>, vector<16xf32>,
        %max3A_965 = arith.maximumf %select_n3A_946, %get3A_964 : vector<16xf32>
        %get3A_966 = arith.index_cast %squeeze3A_953 : i32 to index
        %get3A_967 = arith.constant 48 : index
        %get3A_968 = tpu.vector_load %arg12[%get3A_966, %get3A_967] {strides = array<i32>} : memref<513x128xf32, #tpu.memory_space<vmem>>, vector<16xf32>,
        %max3A_969 = arith.maximumf %select_n3A_947, %get3A_968 : vector<16xf32>
        %get3A_970 = arith.index_cast %squeeze3A_953 : i32 to index
        %get3A_971 = arith.constant 64 : index
        %get3A_972 = tpu.vector_load %arg12[%get3A_970, %get3A_971] {strides = array<i32>} : memref<513x128xf32, #tpu.memory_space<vmem>>, vector<16xf32>,
        %max3A_973 = arith.maximumf %select_n3A_948, %get3A_972 : vector<16xf32>
        %get3A_974 = arith.index_cast %squeeze3A_953 : i32 to index
        %get3A_975 = arith.constant 80 : index
        %get3A_976 = tpu.vector_load %arg12[%get3A_974, %get3A_975] {strides = array<i32>} : memref<513x128xf32, #tpu.memory_space<vmem>>, vector<16xf32>,
        %max3A_977 = arith.maximumf %select_n3A_949, %get3A_976 : vector<16xf32>
        %get3A_978 = arith.index_cast %squeeze3A_953 : i32 to index
        %get3A_979 = arith.constant 96 : index
        %get3A_980 = tpu.vector_load %arg12[%get3A_978, %get3A_979] {strides = array<i32>} : memref<513x128xf32, #tpu.memory_space<vmem>>, vector<16xf32>,
        %max3A_981 = arith.maximumf %select_n3A_950, %get3A_980 : vector<16xf32>
        %get3A_982 = arith.index_cast %squeeze3A_953 : i32 to index
        %get3A_983 = arith.constant 112 : index
        %get3A_984 = tpu.vector_load %arg12[%get3A_982, %get3A_983] {strides = array<i32>} : memref<513x128xf32, #tpu.memory_space<vmem>>, vector<16xf32>,
        %max3A_985 = arith.maximumf %select_n3A_951, %get3A_984 : vector<16xf32>
        %slice3A_986 = vector.extract_strided_slice %get3A_177 {offsets = [10], sizes = [1], strides = [1]} : vector<16xi32> to vector<1xi32>
        %squeeze3A_987 = vector.extract %slice3A_986[0] : i32 from vector<1xi32>
        %lt3A_988 = arith.constant 16 : i32
        %lt3A_989 = arith.cmpi slt, %squeeze3A_987, %lt3A_988 : i32
        %mul3A_990 = arith.constant 16 : i32
        %mul3A_991 = arith.muli %and3A_137, %mul3A_990 : i32
        %add3A_992 = arith.addi %mul3A_991, %squeeze3A_987 : i32
        %jit3A_993 = arith.constant 64 : i32
        %select_n3A_994 = arith.select %lt3A_989, %add3A_992, %jit3A_993 : i32
        %swap3A_995 = arith.index_cast %select_n3A_994 : i32 to index
        %swap3A_996 = arith.constant 0 : index
        %swap3A_997 = tpu.vector_load %arg17[%swap3A_995, %swap3A_996] {strides = array<i32>} : memref<65x128xf32, #tpu.memory_space<vmem>>, vector<16xf32>,
        tpu.vector_store %arg17[%swap3A_995, %swap3A_996], %max3A_957 {strides = array<i32>} : memref<65x128xf32, #tpu.memory_space<vmem>>, vector<16xf32>,
        %swap3A_998 = arith.index_cast %select_n3A_994 : i32 to index
        %swap3A_999 = arith.constant 16 : index
        %swap3A_1000 = tpu.vector_load %arg17[%swap3A_998, %swap3A_999] {strides = array<i32>} : memref<65x128xf32, #tpu.memory_space<vmem>>, vector<16xf32>,
        tpu.vector_store %arg17[%swap3A_998, %swap3A_999], %max3A_961 {strides = array<i32>} : memref<65x128xf32, #tpu.memory_space<vmem>>, vector<16xf32>,
        %swap3A_1001 = arith.index_cast %select_n3A_994 : i32 to index
        %swap3A_1002 = arith.constant 32 : index
        %swap3A_1003 = tpu.vector_load %arg17[%swap3A_1001, %swap3A_1002] {strides = array<i32>} : memref<65x128xf32, #tpu.memory_space<vmem>>, vector<16xf32>,
        tpu.vector_store %arg17[%swap3A_1001, %swap3A_1002], %max3A_965 {strides = array<i32>} : memref<65x128xf32, #tpu.memory_space<vmem>>, vector<16xf32>,
        %swap3A_1004 = arith.index_cast %select_n3A_994 : i32 to index
        %swap3A_1005 = arith.constant 48 : index
        %swap3A_1006 = tpu.vector_load %arg17[%swap3A_1004, %swap3A_1005] {strides = array<i32>} : memref<65x128xf32, #tpu.memory_space<vmem>>, vector<16xf32>,
        tpu.vector_store %arg17[%swap3A_1004, %swap3A_1005], %max3A_969 {strides = array<i32>} : memref<65x128xf32, #tpu.memory_space<vmem>>, vector<16xf32>,
        %swap3A_1007 = arith.index_cast %select_n3A_994 : i32 to index
        %swap3A_1008 = arith.constant 64 : index
        %swap3A_1009 = tpu.vector_load %arg17[%swap3A_1007, %swap3A_1008] {strides = array<i32>} : memref<65x128xf32, #tpu.memory_space<vmem>>, vector<16xf32>,
        tpu.vector_store %arg17[%swap3A_1007, %swap3A_1008], %max3A_973 {strides = array<i32>} : memref<65x128xf32, #tpu.memory_space<vmem>>, vector<16xf32>,
        %swap3A_1010 = arith.index_cast %select_n3A_994 : i32 to index
        %swap3A_1011 = arith.constant 80 : index
        %swap3A_1012 = tpu.vector_load %arg17[%swap3A_1010, %swap3A_1011] {strides = array<i32>} : memref<65x128xf32, #tpu.memory_space<vmem>>, vector<16xf32>,
        tpu.vector_store %arg17[%swap3A_1010, %swap3A_1011], %max3A_977 {strides = array<i32>} : memref<65x128xf32, #tpu.memory_space<vmem>>, vector<16xf32>,
        %swap3A_1013 = arith.index_cast %select_n3A_994 : i32 to index
        %swap3A_1014 = arith.constant 96 : index
        %swap3A_1015 = tpu.vector_load %arg17[%swap3A_1013, %swap3A_1014] {strides = array<i32>} : memref<65x128xf32, #tpu.memory_space<vmem>>, vector<16xf32>,
        tpu.vector_store %arg17[%swap3A_1013, %swap3A_1014], %max3A_981 {strides = array<i32>} : memref<65x128xf32, #tpu.memory_space<vmem>>, vector<16xf32>,
        %swap3A_1016 = arith.index_cast %select_n3A_994 : i32 to index
        %swap3A_1017 = arith.constant 112 : index
        %swap3A_1018 = tpu.vector_load %arg17[%swap3A_1016, %swap3A_1017] {strides = array<i32>} : memref<65x128xf32, #tpu.memory_space<vmem>>, vector<16xf32>,
        tpu.vector_store %arg17[%swap3A_1016, %swap3A_1017], %max3A_985 {strides = array<i32>} : memref<65x128xf32, #tpu.memory_space<vmem>>, vector<16xf32>,
        %lt3A_1019 = arith.constant 16 : i32
        %lt3A_1020 = arith.cmpi slt, %squeeze3A_987, %lt3A_1019 : i32
        %broadcast_in_dim3A_1021 = vector.broadcast %lt3A_1020 : i1 to vector<16xi1>
        %select_n3A_1022 = arith.select %broadcast_in_dim3A_1021, %broadcast_in_dim3A_146, %max3A_957 : vector<16xi1>, vector<16xf32>
        %select_n3A_1023 = arith.select %broadcast_in_dim3A_1021, %broadcast_in_dim3A_146, %max3A_961 : vector<16xi1>, vector<16xf32>
        %select_n3A_1024 = arith.select %broadcast_in_dim3A_1021, %broadcast_in_dim3A_146, %max3A_965 : vector<16xi1>, vector<16xf32>
        %select_n3A_1025 = arith.select %broadcast_in_dim3A_1021, %broadcast_in_dim3A_146, %max3A_969 : vector<16xi1>, vector<16xf32>
        %select_n3A_1026 = arith.select %broadcast_in_dim3A_1021, %broadcast_in_dim3A_146, %max3A_973 : vector<16xi1>, vector<16xf32>
        %select_n3A_1027 = arith.select %broadcast_in_dim3A_1021, %broadcast_in_dim3A_146, %max3A_977 : vector<16xi1>, vector<16xf32>
        %select_n3A_1028 = arith.select %broadcast_in_dim3A_1021, %broadcast_in_dim3A_146, %max3A_981 : vector<16xi1>, vector<16xf32>
        %select_n3A_1029 = arith.select %broadcast_in_dim3A_1021, %broadcast_in_dim3A_146, %max3A_985 : vector<16xi1>, vector<16xf32>
        %slice3A_1030 = vector.extract_strided_slice %get3A_173 {offsets = [11], sizes = [1], strides = [1]} : vector<16xi32> to vector<1xi32>
        %squeeze3A_1031 = vector.extract %slice3A_1030[0] : i32 from vector<1xi32>
        %get3A_1032 = arith.index_cast %squeeze3A_1031 : i32 to index
        %get3A_1033 = arith.constant 0 : index
        %get3A_1034 = tpu.vector_load %arg12[%get3A_1032, %get3A_1033] {strides = array<i32>} : memref<513x128xf32, #tpu.memory_space<vmem>>, vector<16xf32>,
        %max3A_1035 = arith.maximumf %select_n3A_1022, %get3A_1034 : vector<16xf32>
        %get3A_1036 = arith.index_cast %squeeze3A_1031 : i32 to index
        %get3A_1037 = arith.constant 16 : index
        %get3A_1038 = tpu.vector_load %arg12[%get3A_1036, %get3A_1037] {strides = array<i32>} : memref<513x128xf32, #tpu.memory_space<vmem>>, vector<16xf32>,
        %max3A_1039 = arith.maximumf %select_n3A_1023, %get3A_1038 : vector<16xf32>
        %get3A_1040 = arith.index_cast %squeeze3A_1031 : i32 to index
        %get3A_1041 = arith.constant 32 : index
        %get3A_1042 = tpu.vector_load %arg12[%get3A_1040, %get3A_1041] {strides = array<i32>} : memref<513x128xf32, #tpu.memory_space<vmem>>, vector<16xf32>,
        %max3A_1043 = arith.maximumf %select_n3A_1024, %get3A_1042 : vector<16xf32>
        %get3A_1044 = arith.index_cast %squeeze3A_1031 : i32 to index
        %get3A_1045 = arith.constant 48 : index
        %get3A_1046 = tpu.vector_load %arg12[%get3A_1044, %get3A_1045] {strides = array<i32>} : memref<513x128xf32, #tpu.memory_space<vmem>>, vector<16xf32>,
        %max3A_1047 = arith.maximumf %select_n3A_1025, %get3A_1046 : vector<16xf32>
        %get3A_1048 = arith.index_cast %squeeze3A_1031 : i32 to index
        %get3A_1049 = arith.constant 64 : index
        %get3A_1050 = tpu.vector_load %arg12[%get3A_1048, %get3A_1049] {strides = array<i32>} : memref<513x128xf32, #tpu.memory_space<vmem>>, vector<16xf32>,
        %max3A_1051 = arith.maximumf %select_n3A_1026, %get3A_1050 : vector<16xf32>
        %get3A_1052 = arith.index_cast %squeeze3A_1031 : i32 to index
        %get3A_1053 = arith.constant 80 : index
        %get3A_1054 = tpu.vector_load %arg12[%get3A_1052, %get3A_1053] {strides = array<i32>} : memref<513x128xf32, #tpu.memory_space<vmem>>, vector<16xf32>,
        %max3A_1055 = arith.maximumf %select_n3A_1027, %get3A_1054 : vector<16xf32>
        %get3A_1056 = arith.index_cast %squeeze3A_1031 : i32 to index
        %get3A_1057 = arith.constant 96 : index
        %get3A_1058 = tpu.vector_load %arg12[%get3A_1056, %get3A_1057] {strides = array<i32>} : memref<513x128xf32, #tpu.memory_space<vmem>>, vector<16xf32>,
        %max3A_1059 = arith.maximumf %select_n3A_1028, %get3A_1058 : vector<16xf32>
        %get3A_1060 = arith.index_cast %squeeze3A_1031 : i32 to index
        %get3A_1061 = arith.constant 112 : index
        %get3A_1062 = tpu.vector_load %arg12[%get3A_1060, %get3A_1061] {strides = array<i32>} : memref<513x128xf32, #tpu.memory_space<vmem>>, vector<16xf32>,
        %max3A_1063 = arith.maximumf %select_n3A_1029, %get3A_1062 : vector<16xf32>
        %slice3A_1064 = vector.extract_strided_slice %get3A_177 {offsets = [11], sizes = [1], strides = [1]} : vector<16xi32> to vector<1xi32>
        %squeeze3A_1065 = vector.extract %slice3A_1064[0] : i32 from vector<1xi32>
        %lt3A_1066 = arith.constant 16 : i32
        %lt3A_1067 = arith.cmpi slt, %squeeze3A_1065, %lt3A_1066 : i32
        %mul3A_1068 = arith.constant 16 : i32
        %mul3A_1069 = arith.muli %and3A_137, %mul3A_1068 : i32
        %add3A_1070 = arith.addi %mul3A_1069, %squeeze3A_1065 : i32
        %jit3A_1071 = arith.constant 64 : i32
        %select_n3A_1072 = arith.select %lt3A_1067, %add3A_1070, %jit3A_1071 : i32
        %swap3A_1073 = arith.index_cast %select_n3A_1072 : i32 to index
        %swap3A_1074 = arith.constant 0 : index
        %swap3A_1075 = tpu.vector_load %arg17[%swap3A_1073, %swap3A_1074] {strides = array<i32>} : memref<65x128xf32, #tpu.memory_space<vmem>>, vector<16xf32>,
        tpu.vector_store %arg17[%swap3A_1073, %swap3A_1074], %max3A_1035 {strides = array<i32>} : memref<65x128xf32, #tpu.memory_space<vmem>>, vector<16xf32>,
        %swap3A_1076 = arith.index_cast %select_n3A_1072 : i32 to index
        %swap3A_1077 = arith.constant 16 : index
        %swap3A_1078 = tpu.vector_load %arg17[%swap3A_1076, %swap3A_1077] {strides = array<i32>} : memref<65x128xf32, #tpu.memory_space<vmem>>, vector<16xf32>,
        tpu.vector_store %arg17[%swap3A_1076, %swap3A_1077], %max3A_1039 {strides = array<i32>} : memref<65x128xf32, #tpu.memory_space<vmem>>, vector<16xf32>,
        %swap3A_1079 = arith.index_cast %select_n3A_1072 : i32 to index
        %swap3A_1080 = arith.constant 32 : index
        %swap3A_1081 = tpu.vector_load %arg17[%swap3A_1079, %swap3A_1080] {strides = array<i32>} : memref<65x128xf32, #tpu.memory_space<vmem>>, vector<16xf32>,
        tpu.vector_store %arg17[%swap3A_1079, %swap3A_1080], %max3A_1043 {strides = array<i32>} : memref<65x128xf32, #tpu.memory_space<vmem>>, vector<16xf32>,
        %swap3A_1082 = arith.index_cast %select_n3A_1072 : i32 to index
        %swap3A_1083 = arith.constant 48 : index
        %swap3A_1084 = tpu.vector_load %arg17[%swap3A_1082, %swap3A_1083] {strides = array<i32>} : memref<65x128xf32, #tpu.memory_space<vmem>>, vector<16xf32>,
        tpu.vector_store %arg17[%swap3A_1082, %swap3A_1083], %max3A_1047 {strides = array<i32>} : memref<65x128xf32, #tpu.memory_space<vmem>>, vector<16xf32>,
        %swap3A_1085 = arith.index_cast %select_n3A_1072 : i32 to index
        %swap3A_1086 = arith.constant 64 : index
        %swap3A_1087 = tpu.vector_load %arg17[%swap3A_1085, %swap3A_1086] {strides = array<i32>} : memref<65x128xf32, #tpu.memory_space<vmem>>, vector<16xf32>,
        tpu.vector_store %arg17[%swap3A_1085, %swap3A_1086], %max3A_1051 {strides = array<i32>} : memref<65x128xf32, #tpu.memory_space<vmem>>, vector<16xf32>,
        %swap3A_1088 = arith.index_cast %select_n3A_1072 : i32 to index
        %swap3A_1089 = arith.constant 80 : index
        %swap3A_1090 = tpu.vector_load %arg17[%swap3A_1088, %swap3A_1089] {strides = array<i32>} : memref<65x128xf32, #tpu.memory_space<vmem>>, vector<16xf32>,
        tpu.vector_store %arg17[%swap3A_1088, %swap3A_1089], %max3A_1055 {strides = array<i32>} : memref<65x128xf32, #tpu.memory_space<vmem>>, vector<16xf32>,
        %swap3A_1091 = arith.index_cast %select_n3A_1072 : i32 to index
        %swap3A_1092 = arith.constant 96 : index
        %swap3A_1093 = tpu.vector_load %arg17[%swap3A_1091, %swap3A_1092] {strides = array<i32>} : memref<65x128xf32, #tpu.memory_space<vmem>>, vector<16xf32>,
        tpu.vector_store %arg17[%swap3A_1091, %swap3A_1092], %max3A_1059 {strides = array<i32>} : memref<65x128xf32, #tpu.memory_space<vmem>>, vector<16xf32>,
        %swap3A_1094 = arith.index_cast %select_n3A_1072 : i32 to index
        %swap3A_1095 = arith.constant 112 : index
        %swap3A_1096 = tpu.vector_load %arg17[%swap3A_1094, %swap3A_1095] {strides = array<i32>} : memref<65x128xf32, #tpu.memory_space<vmem>>, vector<16xf32>,
        tpu.vector_store %arg17[%swap3A_1094, %swap3A_1095], %max3A_1063 {strides = array<i32>} : memref<65x128xf32, #tpu.memory_space<vmem>>, vector<16xf32>,
        %lt3A_1097 = arith.constant 16 : i32
        %lt3A_1098 = arith.cmpi slt, %squeeze3A_1065, %lt3A_1097 : i32
        %broadcast_in_dim3A_1099 = vector.broadcast %lt3A_1098 : i1 to vector<16xi1>
        %select_n3A_1100 = arith.select %broadcast_in_dim3A_1099, %broadcast_in_dim3A_146, %max3A_1035 : vector<16xi1>, vector<16xf32>
        %select_n3A_1101 = arith.select %broadcast_in_dim3A_1099, %broadcast_in_dim3A_146, %max3A_1039 : vector<16xi1>, vector<16xf32>
        %select_n3A_1102 = arith.select %broadcast_in_dim3A_1099, %broadcast_in_dim3A_146, %max3A_1043 : vector<16xi1>, vector<16xf32>
        %select_n3A_1103 = arith.select %broadcast_in_dim3A_1099, %broadcast_in_dim3A_146, %max3A_1047 : vector<16xi1>, vector<16xf32>
        %select_n3A_1104 = arith.select %broadcast_in_dim3A_1099, %broadcast_in_dim3A_146, %max3A_1051 : vector<16xi1>, vector<16xf32>
        %select_n3A_1105 = arith.select %broadcast_in_dim3A_1099, %broadcast_in_dim3A_146, %max3A_1055 : vector<16xi1>, vector<16xf32>
        %select_n3A_1106 = arith.select %broadcast_in_dim3A_1099, %broadcast_in_dim3A_146, %max3A_1059 : vector<16xi1>, vector<16xf32>
        %select_n3A_1107 = arith.select %broadcast_in_dim3A_1099, %broadcast_in_dim3A_146, %max3A_1063 : vector<16xi1>, vector<16xf32>
        %slice3A_1108 = vector.extract_strided_slice %get3A_173 {offsets = [12], sizes = [1], strides = [1]} : vector<16xi32> to vector<1xi32>
        %squeeze3A_1109 = vector.extract %slice3A_1108[0] : i32 from vector<1xi32>
        %get3A_1110 = arith.index_cast %squeeze3A_1109 : i32 to index
        %get3A_1111 = arith.constant 0 : index
        %get3A_1112 = tpu.vector_load %arg12[%get3A_1110, %get3A_1111] {strides = array<i32>} : memref<513x128xf32, #tpu.memory_space<vmem>>, vector<16xf32>,
        %max3A_1113 = arith.maximumf %select_n3A_1100, %get3A_1112 : vector<16xf32>
        %get3A_1114 = arith.index_cast %squeeze3A_1109 : i32 to index
        %get3A_1115 = arith.constant 16 : index
        %get3A_1116 = tpu.vector_load %arg12[%get3A_1114, %get3A_1115] {strides = array<i32>} : memref<513x128xf32, #tpu.memory_space<vmem>>, vector<16xf32>,
        %max3A_1117 = arith.maximumf %select_n3A_1101, %get3A_1116 : vector<16xf32>
        %get3A_1118 = arith.index_cast %squeeze3A_1109 : i32 to index
        %get3A_1119 = arith.constant 32 : index
        %get3A_1120 = tpu.vector_load %arg12[%get3A_1118, %get3A_1119] {strides = array<i32>} : memref<513x128xf32, #tpu.memory_space<vmem>>, vector<16xf32>,
        %max3A_1121 = arith.maximumf %select_n3A_1102, %get3A_1120 : vector<16xf32>
        %get3A_1122 = arith.index_cast %squeeze3A_1109 : i32 to index
        %get3A_1123 = arith.constant 48 : index
        %get3A_1124 = tpu.vector_load %arg12[%get3A_1122, %get3A_1123] {strides = array<i32>} : memref<513x128xf32, #tpu.memory_space<vmem>>, vector<16xf32>,
        %max3A_1125 = arith.maximumf %select_n3A_1103, %get3A_1124 : vector<16xf32>
        %get3A_1126 = arith.index_cast %squeeze3A_1109 : i32 to index
        %get3A_1127 = arith.constant 64 : index
        %get3A_1128 = tpu.vector_load %arg12[%get3A_1126, %get3A_1127] {strides = array<i32>} : memref<513x128xf32, #tpu.memory_space<vmem>>, vector<16xf32>,
        %max3A_1129 = arith.maximumf %select_n3A_1104, %get3A_1128 : vector<16xf32>
        %get3A_1130 = arith.index_cast %squeeze3A_1109 : i32 to index
        %get3A_1131 = arith.constant 80 : index
        %get3A_1132 = tpu.vector_load %arg12[%get3A_1130, %get3A_1131] {strides = array<i32>} : memref<513x128xf32, #tpu.memory_space<vmem>>, vector<16xf32>,
        %max3A_1133 = arith.maximumf %select_n3A_1105, %get3A_1132 : vector<16xf32>
        %get3A_1134 = arith.index_cast %squeeze3A_1109 : i32 to index
        %get3A_1135 = arith.constant 96 : index
        %get3A_1136 = tpu.vector_load %arg12[%get3A_1134, %get3A_1135] {strides = array<i32>} : memref<513x128xf32, #tpu.memory_space<vmem>>, vector<16xf32>,
        %max3A_1137 = arith.maximumf %select_n3A_1106, %get3A_1136 : vector<16xf32>
        %get3A_1138 = arith.index_cast %squeeze3A_1109 : i32 to index
        %get3A_1139 = arith.constant 112 : index
        %get3A_1140 = tpu.vector_load %arg12[%get3A_1138, %get3A_1139] {strides = array<i32>} : memref<513x128xf32, #tpu.memory_space<vmem>>, vector<16xf32>,
        %max3A_1141 = arith.maximumf %select_n3A_1107, %get3A_1140 : vector<16xf32>
        %slice3A_1142 = vector.extract_strided_slice %get3A_177 {offsets = [12], sizes = [1], strides = [1]} : vector<16xi32> to vector<1xi32>
        %squeeze3A_1143 = vector.extract %slice3A_1142[0] : i32 from vector<1xi32>
        %lt3A_1144 = arith.constant 16 : i32
        %lt3A_1145 = arith.cmpi slt, %squeeze3A_1143, %lt3A_1144 : i32
        %mul3A_1146 = arith.constant 16 : i32
        %mul3A_1147 = arith.muli %and3A_137, %mul3A_1146 : i32
        %add3A_1148 = arith.addi %mul3A_1147, %squeeze3A_1143 : i32
        %jit3A_1149 = arith.constant 64 : i32
        %select_n3A_1150 = arith.select %lt3A_1145, %add3A_1148, %jit3A_1149 : i32
        %swap3A_1151 = arith.index_cast %select_n3A_1150 : i32 to index
        %swap3A_1152 = arith.constant 0 : index
        %swap3A_1153 = tpu.vector_load %arg17[%swap3A_1151, %swap3A_1152] {strides = array<i32>} : memref<65x128xf32, #tpu.memory_space<vmem>>, vector<16xf32>,
        tpu.vector_store %arg17[%swap3A_1151, %swap3A_1152], %max3A_1113 {strides = array<i32>} : memref<65x128xf32, #tpu.memory_space<vmem>>, vector<16xf32>,
        %swap3A_1154 = arith.index_cast %select_n3A_1150 : i32 to index
        %swap3A_1155 = arith.constant 16 : index
        %swap3A_1156 = tpu.vector_load %arg17[%swap3A_1154, %swap3A_1155] {strides = array<i32>} : memref<65x128xf32, #tpu.memory_space<vmem>>, vector<16xf32>,
        tpu.vector_store %arg17[%swap3A_1154, %swap3A_1155], %max3A_1117 {strides = array<i32>} : memref<65x128xf32, #tpu.memory_space<vmem>>, vector<16xf32>,
        %swap3A_1157 = arith.index_cast %select_n3A_1150 : i32 to index
        %swap3A_1158 = arith.constant 32 : index
        %swap3A_1159 = tpu.vector_load %arg17[%swap3A_1157, %swap3A_1158] {strides = array<i32>} : memref<65x128xf32, #tpu.memory_space<vmem>>, vector<16xf32>,
        tpu.vector_store %arg17[%swap3A_1157, %swap3A_1158], %max3A_1121 {strides = array<i32>} : memref<65x128xf32, #tpu.memory_space<vmem>>, vector<16xf32>,
        %swap3A_1160 = arith.index_cast %select_n3A_1150 : i32 to index
        %swap3A_1161 = arith.constant 48 : index
        %swap3A_1162 = tpu.vector_load %arg17[%swap3A_1160, %swap3A_1161] {strides = array<i32>} : memref<65x128xf32, #tpu.memory_space<vmem>>, vector<16xf32>,
        tpu.vector_store %arg17[%swap3A_1160, %swap3A_1161], %max3A_1125 {strides = array<i32>} : memref<65x128xf32, #tpu.memory_space<vmem>>, vector<16xf32>,
        %swap3A_1163 = arith.index_cast %select_n3A_1150 : i32 to index
        %swap3A_1164 = arith.constant 64 : index
        %swap3A_1165 = tpu.vector_load %arg17[%swap3A_1163, %swap3A_1164] {strides = array<i32>} : memref<65x128xf32, #tpu.memory_space<vmem>>, vector<16xf32>,
        tpu.vector_store %arg17[%swap3A_1163, %swap3A_1164], %max3A_1129 {strides = array<i32>} : memref<65x128xf32, #tpu.memory_space<vmem>>, vector<16xf32>,
        %swap3A_1166 = arith.index_cast %select_n3A_1150 : i32 to index
        %swap3A_1167 = arith.constant 80 : index
        %swap3A_1168 = tpu.vector_load %arg17[%swap3A_1166, %swap3A_1167] {strides = array<i32>} : memref<65x128xf32, #tpu.memory_space<vmem>>, vector<16xf32>,
        tpu.vector_store %arg17[%swap3A_1166, %swap3A_1167], %max3A_1133 {strides = array<i32>} : memref<65x128xf32, #tpu.memory_space<vmem>>, vector<16xf32>,
        %swap3A_1169 = arith.index_cast %select_n3A_1150 : i32 to index
        %swap3A_1170 = arith.constant 96 : index
        %swap3A_1171 = tpu.vector_load %arg17[%swap3A_1169, %swap3A_1170] {strides = array<i32>} : memref<65x128xf32, #tpu.memory_space<vmem>>, vector<16xf32>,
        tpu.vector_store %arg17[%swap3A_1169, %swap3A_1170], %max3A_1137 {strides = array<i32>} : memref<65x128xf32, #tpu.memory_space<vmem>>, vector<16xf32>,
        %swap3A_1172 = arith.index_cast %select_n3A_1150 : i32 to index
        %swap3A_1173 = arith.constant 112 : index
        %swap3A_1174 = tpu.vector_load %arg17[%swap3A_1172, %swap3A_1173] {strides = array<i32>} : memref<65x128xf32, #tpu.memory_space<vmem>>, vector<16xf32>,
        tpu.vector_store %arg17[%swap3A_1172, %swap3A_1173], %max3A_1141 {strides = array<i32>} : memref<65x128xf32, #tpu.memory_space<vmem>>, vector<16xf32>,
        %lt3A_1175 = arith.constant 16 : i32
        %lt3A_1176 = arith.cmpi slt, %squeeze3A_1143, %lt3A_1175 : i32
        %broadcast_in_dim3A_1177 = vector.broadcast %lt3A_1176 : i1 to vector<16xi1>
        %select_n3A_1178 = arith.select %broadcast_in_dim3A_1177, %broadcast_in_dim3A_146, %max3A_1113 : vector<16xi1>, vector<16xf32>
        %select_n3A_1179 = arith.select %broadcast_in_dim3A_1177, %broadcast_in_dim3A_146, %max3A_1117 : vector<16xi1>, vector<16xf32>
        %select_n3A_1180 = arith.select %broadcast_in_dim3A_1177, %broadcast_in_dim3A_146, %max3A_1121 : vector<16xi1>, vector<16xf32>
        %select_n3A_1181 = arith.select %broadcast_in_dim3A_1177, %broadcast_in_dim3A_146, %max3A_1125 : vector<16xi1>, vector<16xf32>
        %select_n3A_1182 = arith.select %broadcast_in_dim3A_1177, %broadcast_in_dim3A_146, %max3A_1129 : vector<16xi1>, vector<16xf32>
        %select_n3A_1183 = arith.select %broadcast_in_dim3A_1177, %broadcast_in_dim3A_146, %max3A_1133 : vector<16xi1>, vector<16xf32>
        %select_n3A_1184 = arith.select %broadcast_in_dim3A_1177, %broadcast_in_dim3A_146, %max3A_1137 : vector<16xi1>, vector<16xf32>
        %select_n3A_1185 = arith.select %broadcast_in_dim3A_1177, %broadcast_in_dim3A_146, %max3A_1141 : vector<16xi1>, vector<16xf32>
        %slice3A_1186 = vector.extract_strided_slice %get3A_173 {offsets = [13], sizes = [1], strides = [1]} : vector<16xi32> to vector<1xi32>
        %squeeze3A_1187 = vector.extract %slice3A_1186[0] : i32 from vector<1xi32>
        %get3A_1188 = arith.index_cast %squeeze3A_1187 : i32 to index
        %get3A_1189 = arith.constant 0 : index
        %get3A_1190 = tpu.vector_load %arg12[%get3A_1188, %get3A_1189] {strides = array<i32>} : memref<513x128xf32, #tpu.memory_space<vmem>>, vector<16xf32>,
        %max3A_1191 = arith.maximumf %select_n3A_1178, %get3A_1190 : vector<16xf32>
        %get3A_1192 = arith.index_cast %squeeze3A_1187 : i32 to index
        %get3A_1193 = arith.constant 16 : index
        %get3A_1194 = tpu.vector_load %arg12[%get3A_1192, %get3A_1193] {strides = array<i32>} : memref<513x128xf32, #tpu.memory_space<vmem>>, vector<16xf32>,
        %max3A_1195 = arith.maximumf %select_n3A_1179, %get3A_1194 : vector<16xf32>
        %get3A_1196 = arith.index_cast %squeeze3A_1187 : i32 to index
        %get3A_1197 = arith.constant 32 : index
        %get3A_1198 = tpu.vector_load %arg12[%get3A_1196, %get3A_1197] {strides = array<i32>} : memref<513x128xf32, #tpu.memory_space<vmem>>, vector<16xf32>,
        %max3A_1199 = arith.maximumf %select_n3A_1180, %get3A_1198 : vector<16xf32>
        %get3A_1200 = arith.index_cast %squeeze3A_1187 : i32 to index
        %get3A_1201 = arith.constant 48 : index
        %get3A_1202 = tpu.vector_load %arg12[%get3A_1200, %get3A_1201] {strides = array<i32>} : memref<513x128xf32, #tpu.memory_space<vmem>>, vector<16xf32>,
        %max3A_1203 = arith.maximumf %select_n3A_1181, %get3A_1202 : vector<16xf32>
        %get3A_1204 = arith.index_cast %squeeze3A_1187 : i32 to index
        %get3A_1205 = arith.constant 64 : index
        %get3A_1206 = tpu.vector_load %arg12[%get3A_1204, %get3A_1205] {strides = array<i32>} : memref<513x128xf32, #tpu.memory_space<vmem>>, vector<16xf32>,
        %max3A_1207 = arith.maximumf %select_n3A_1182, %get3A_1206 : vector<16xf32>
        %get3A_1208 = arith.index_cast %squeeze3A_1187 : i32 to index
        %get3A_1209 = arith.constant 80 : index
        %get3A_1210 = tpu.vector_load %arg12[%get3A_1208, %get3A_1209] {strides = array<i32>} : memref<513x128xf32, #tpu.memory_space<vmem>>, vector<16xf32>,
        %max3A_1211 = arith.maximumf %select_n3A_1183, %get3A_1210 : vector<16xf32>
        %get3A_1212 = arith.index_cast %squeeze3A_1187 : i32 to index
        %get3A_1213 = arith.constant 96 : index
        %get3A_1214 = tpu.vector_load %arg12[%get3A_1212, %get3A_1213] {strides = array<i32>} : memref<513x128xf32, #tpu.memory_space<vmem>>, vector<16xf32>,
        %max3A_1215 = arith.maximumf %select_n3A_1184, %get3A_1214 : vector<16xf32>
        %get3A_1216 = arith.index_cast %squeeze3A_1187 : i32 to index
        %get3A_1217 = arith.constant 112 : index
        %get3A_1218 = tpu.vector_load %arg12[%get3A_1216, %get3A_1217] {strides = array<i32>} : memref<513x128xf32, #tpu.memory_space<vmem>>, vector<16xf32>,
        %max3A_1219 = arith.maximumf %select_n3A_1185, %get3A_1218 : vector<16xf32>
        %slice3A_1220 = vector.extract_strided_slice %get3A_177 {offsets = [13], sizes = [1], strides = [1]} : vector<16xi32> to vector<1xi32>
        %squeeze3A_1221 = vector.extract %slice3A_1220[0] : i32 from vector<1xi32>
        %lt3A_1222 = arith.constant 16 : i32
        %lt3A_1223 = arith.cmpi slt, %squeeze3A_1221, %lt3A_1222 : i32
        %mul3A_1224 = arith.constant 16 : i32
        %mul3A_1225 = arith.muli %and3A_137, %mul3A_1224 : i32
        %add3A_1226 = arith.addi %mul3A_1225, %squeeze3A_1221 : i32
        %jit3A_1227 = arith.constant 64 : i32
        %select_n3A_1228 = arith.select %lt3A_1223, %add3A_1226, %jit3A_1227 : i32
        %swap3A_1229 = arith.index_cast %select_n3A_1228 : i32 to index
        %swap3A_1230 = arith.constant 0 : index
        %swap3A_1231 = tpu.vector_load %arg17[%swap3A_1229, %swap3A_1230] {strides = array<i32>} : memref<65x128xf32, #tpu.memory_space<vmem>>, vector<16xf32>,
        tpu.vector_store %arg17[%swap3A_1229, %swap3A_1230], %max3A_1191 {strides = array<i32>} : memref<65x128xf32, #tpu.memory_space<vmem>>, vector<16xf32>,
        %swap3A_1232 = arith.index_cast %select_n3A_1228 : i32 to index
        %swap3A_1233 = arith.constant 16 : index
        %swap3A_1234 = tpu.vector_load %arg17[%swap3A_1232, %swap3A_1233] {strides = array<i32>} : memref<65x128xf32, #tpu.memory_space<vmem>>, vector<16xf32>,
        tpu.vector_store %arg17[%swap3A_1232, %swap3A_1233], %max3A_1195 {strides = array<i32>} : memref<65x128xf32, #tpu.memory_space<vmem>>, vector<16xf32>,
        %swap3A_1235 = arith.index_cast %select_n3A_1228 : i32 to index
        %swap3A_1236 = arith.constant 32 : index
        %swap3A_1237 = tpu.vector_load %arg17[%swap3A_1235, %swap3A_1236] {strides = array<i32>} : memref<65x128xf32, #tpu.memory_space<vmem>>, vector<16xf32>,
        tpu.vector_store %arg17[%swap3A_1235, %swap3A_1236], %max3A_1199 {strides = array<i32>} : memref<65x128xf32, #tpu.memory_space<vmem>>, vector<16xf32>,
        %swap3A_1238 = arith.index_cast %select_n3A_1228 : i32 to index
        %swap3A_1239 = arith.constant 48 : index
        %swap3A_1240 = tpu.vector_load %arg17[%swap3A_1238, %swap3A_1239] {strides = array<i32>} : memref<65x128xf32, #tpu.memory_space<vmem>>, vector<16xf32>,
        tpu.vector_store %arg17[%swap3A_1238, %swap3A_1239], %max3A_1203 {strides = array<i32>} : memref<65x128xf32, #tpu.memory_space<vmem>>, vector<16xf32>,
        %swap3A_1241 = arith.index_cast %select_n3A_1228 : i32 to index
        %swap3A_1242 = arith.constant 64 : index
        %swap3A_1243 = tpu.vector_load %arg17[%swap3A_1241, %swap3A_1242] {strides = array<i32>} : memref<65x128xf32, #tpu.memory_space<vmem>>, vector<16xf32>,
        tpu.vector_store %arg17[%swap3A_1241, %swap3A_1242], %max3A_1207 {strides = array<i32>} : memref<65x128xf32, #tpu.memory_space<vmem>>, vector<16xf32>,
        %swap3A_1244 = arith.index_cast %select_n3A_1228 : i32 to index
        %swap3A_1245 = arith.constant 80 : index
        %swap3A_1246 = tpu.vector_load %arg17[%swap3A_1244, %swap3A_1245] {strides = array<i32>} : memref<65x128xf32, #tpu.memory_space<vmem>>, vector<16xf32>,
        tpu.vector_store %arg17[%swap3A_1244, %swap3A_1245], %max3A_1211 {strides = array<i32>} : memref<65x128xf32, #tpu.memory_space<vmem>>, vector<16xf32>,
        %swap3A_1247 = arith.index_cast %select_n3A_1228 : i32 to index
        %swap3A_1248 = arith.constant 96 : index
        %swap3A_1249 = tpu.vector_load %arg17[%swap3A_1247, %swap3A_1248] {strides = array<i32>} : memref<65x128xf32, #tpu.memory_space<vmem>>, vector<16xf32>,
        tpu.vector_store %arg17[%swap3A_1247, %swap3A_1248], %max3A_1215 {strides = array<i32>} : memref<65x128xf32, #tpu.memory_space<vmem>>, vector<16xf32>,
        %swap3A_1250 = arith.index_cast %select_n3A_1228 : i32 to index
        %swap3A_1251 = arith.constant 112 : index
        %swap3A_1252 = tpu.vector_load %arg17[%swap3A_1250, %swap3A_1251] {strides = array<i32>} : memref<65x128xf32, #tpu.memory_space<vmem>>, vector<16xf32>,
        tpu.vector_store %arg17[%swap3A_1250, %swap3A_1251], %max3A_1219 {strides = array<i32>} : memref<65x128xf32, #tpu.memory_space<vmem>>, vector<16xf32>,
        %lt3A_1253 = arith.constant 16 : i32
        %lt3A_1254 = arith.cmpi slt, %squeeze3A_1221, %lt3A_1253 : i32
        %broadcast_in_dim3A_1255 = vector.broadcast %lt3A_1254 : i1 to vector<16xi1>
        %select_n3A_1256 = arith.select %broadcast_in_dim3A_1255, %broadcast_in_dim3A_146, %max3A_1191 : vector<16xi1>, vector<16xf32>
        %select_n3A_1257 = arith.select %broadcast_in_dim3A_1255, %broadcast_in_dim3A_146, %max3A_1195 : vector<16xi1>, vector<16xf32>
        %select_n3A_1258 = arith.select %broadcast_in_dim3A_1255, %broadcast_in_dim3A_146, %max3A_1199 : vector<16xi1>, vector<16xf32>
        %select_n3A_1259 = arith.select %broadcast_in_dim3A_1255, %broadcast_in_dim3A_146, %max3A_1203 : vector<16xi1>, vector<16xf32>
        %select_n3A_1260 = arith.select %broadcast_in_dim3A_1255, %broadcast_in_dim3A_146, %max3A_1207 : vector<16xi1>, vector<16xf32>
        %select_n3A_1261 = arith.select %broadcast_in_dim3A_1255, %broadcast_in_dim3A_146, %max3A_1211 : vector<16xi1>, vector<16xf32>
        %select_n3A_1262 = arith.select %broadcast_in_dim3A_1255, %broadcast_in_dim3A_146, %max3A_1215 : vector<16xi1>, vector<16xf32>
        %select_n3A_1263 = arith.select %broadcast_in_dim3A_1255, %broadcast_in_dim3A_146, %max3A_1219 : vector<16xi1>, vector<16xf32>
        %slice3A_1264 = vector.extract_strided_slice %get3A_173 {offsets = [14], sizes = [1], strides = [1]} : vector<16xi32> to vector<1xi32>
        %squeeze3A_1265 = vector.extract %slice3A_1264[0] : i32 from vector<1xi32>
        %get3A_1266 = arith.index_cast %squeeze3A_1265 : i32 to index
        %get3A_1267 = arith.constant 0 : index
        %get3A_1268 = tpu.vector_load %arg12[%get3A_1266, %get3A_1267] {strides = array<i32>} : memref<513x128xf32, #tpu.memory_space<vmem>>, vector<16xf32>,
        %max3A_1269 = arith.maximumf %select_n3A_1256, %get3A_1268 : vector<16xf32>
        %get3A_1270 = arith.index_cast %squeeze3A_1265 : i32 to index
        %get3A_1271 = arith.constant 16 : index
        %get3A_1272 = tpu.vector_load %arg12[%get3A_1270, %get3A_1271] {strides = array<i32>} : memref<513x128xf32, #tpu.memory_space<vmem>>, vector<16xf32>,
        %max3A_1273 = arith.maximumf %select_n3A_1257, %get3A_1272 : vector<16xf32>
        %get3A_1274 = arith.index_cast %squeeze3A_1265 : i32 to index
        %get3A_1275 = arith.constant 32 : index
        %get3A_1276 = tpu.vector_load %arg12[%get3A_1274, %get3A_1275] {strides = array<i32>} : memref<513x128xf32, #tpu.memory_space<vmem>>, vector<16xf32>,
        %max3A_1277 = arith.maximumf %select_n3A_1258, %get3A_1276 : vector<16xf32>
        %get3A_1278 = arith.index_cast %squeeze3A_1265 : i32 to index
        %get3A_1279 = arith.constant 48 : index
        %get3A_1280 = tpu.vector_load %arg12[%get3A_1278, %get3A_1279] {strides = array<i32>} : memref<513x128xf32, #tpu.memory_space<vmem>>, vector<16xf32>,
        %max3A_1281 = arith.maximumf %select_n3A_1259, %get3A_1280 : vector<16xf32>
        %get3A_1282 = arith.index_cast %squeeze3A_1265 : i32 to index
        %get3A_1283 = arith.constant 64 : index
        %get3A_1284 = tpu.vector_load %arg12[%get3A_1282, %get3A_1283] {strides = array<i32>} : memref<513x128xf32, #tpu.memory_space<vmem>>, vector<16xf32>,
        %max3A_1285 = arith.maximumf %select_n3A_1260, %get3A_1284 : vector<16xf32>
        %get3A_1286 = arith.index_cast %squeeze3A_1265 : i32 to index
        %get3A_1287 = arith.constant 80 : index
        %get3A_1288 = tpu.vector_load %arg12[%get3A_1286, %get3A_1287] {strides = array<i32>} : memref<513x128xf32, #tpu.memory_space<vmem>>, vector<16xf32>,
        %max3A_1289 = arith.maximumf %select_n3A_1261, %get3A_1288 : vector<16xf32>
        %get3A_1290 = arith.index_cast %squeeze3A_1265 : i32 to index
        %get3A_1291 = arith.constant 96 : index
        %get3A_1292 = tpu.vector_load %arg12[%get3A_1290, %get3A_1291] {strides = array<i32>} : memref<513x128xf32, #tpu.memory_space<vmem>>, vector<16xf32>,
        %max3A_1293 = arith.maximumf %select_n3A_1262, %get3A_1292 : vector<16xf32>
        %get3A_1294 = arith.index_cast %squeeze3A_1265 : i32 to index
        %get3A_1295 = arith.constant 112 : index
        %get3A_1296 = tpu.vector_load %arg12[%get3A_1294, %get3A_1295] {strides = array<i32>} : memref<513x128xf32, #tpu.memory_space<vmem>>, vector<16xf32>,
        %max3A_1297 = arith.maximumf %select_n3A_1263, %get3A_1296 : vector<16xf32>
        %slice3A_1298 = vector.extract_strided_slice %get3A_177 {offsets = [14], sizes = [1], strides = [1]} : vector<16xi32> to vector<1xi32>
        %squeeze3A_1299 = vector.extract %slice3A_1298[0] : i32 from vector<1xi32>
        %lt3A_1300 = arith.constant 16 : i32
        %lt3A_1301 = arith.cmpi slt, %squeeze3A_1299, %lt3A_1300 : i32
        %mul3A_1302 = arith.constant 16 : i32
        %mul3A_1303 = arith.muli %and3A_137, %mul3A_1302 : i32
        %add3A_1304 = arith.addi %mul3A_1303, %squeeze3A_1299 : i32
        %jit3A_1305 = arith.constant 64 : i32
        %select_n3A_1306 = arith.select %lt3A_1301, %add3A_1304, %jit3A_1305 : i32
        %swap3A_1307 = arith.index_cast %select_n3A_1306 : i32 to index
        %swap3A_1308 = arith.constant 0 : index
        %swap3A_1309 = tpu.vector_load %arg17[%swap3A_1307, %swap3A_1308] {strides = array<i32>} : memref<65x128xf32, #tpu.memory_space<vmem>>, vector<16xf32>,
        tpu.vector_store %arg17[%swap3A_1307, %swap3A_1308], %max3A_1269 {strides = array<i32>} : memref<65x128xf32, #tpu.memory_space<vmem>>, vector<16xf32>,
        %swap3A_1310 = arith.index_cast %select_n3A_1306 : i32 to index
        %swap3A_1311 = arith.constant 16 : index
        %swap3A_1312 = tpu.vector_load %arg17[%swap3A_1310, %swap3A_1311] {strides = array<i32>} : memref<65x128xf32, #tpu.memory_space<vmem>>, vector<16xf32>,
        tpu.vector_store %arg17[%swap3A_1310, %swap3A_1311], %max3A_1273 {strides = array<i32>} : memref<65x128xf32, #tpu.memory_space<vmem>>, vector<16xf32>,
        %swap3A_1313 = arith.index_cast %select_n3A_1306 : i32 to index
        %swap3A_1314 = arith.constant 32 : index
        %swap3A_1315 = tpu.vector_load %arg17[%swap3A_1313, %swap3A_1314] {strides = array<i32>} : memref<65x128xf32, #tpu.memory_space<vmem>>, vector<16xf32>,
        tpu.vector_store %arg17[%swap3A_1313, %swap3A_1314], %max3A_1277 {strides = array<i32>} : memref<65x128xf32, #tpu.memory_space<vmem>>, vector<16xf32>,
        %swap3A_1316 = arith.index_cast %select_n3A_1306 : i32 to index
        %swap3A_1317 = arith.constant 48 : index
        %swap3A_1318 = tpu.vector_load %arg17[%swap3A_1316, %swap3A_1317] {strides = array<i32>} : memref<65x128xf32, #tpu.memory_space<vmem>>, vector<16xf32>,
        tpu.vector_store %arg17[%swap3A_1316, %swap3A_1317], %max3A_1281 {strides = array<i32>} : memref<65x128xf32, #tpu.memory_space<vmem>>, vector<16xf32>,
        %swap3A_1319 = arith.index_cast %select_n3A_1306 : i32 to index
        %swap3A_1320 = arith.constant 64 : index
        %swap3A_1321 = tpu.vector_load %arg17[%swap3A_1319, %swap3A_1320] {strides = array<i32>} : memref<65x128xf32, #tpu.memory_space<vmem>>, vector<16xf32>,
        tpu.vector_store %arg17[%swap3A_1319, %swap3A_1320], %max3A_1285 {strides = array<i32>} : memref<65x128xf32, #tpu.memory_space<vmem>>, vector<16xf32>,
        %swap3A_1322 = arith.index_cast %select_n3A_1306 : i32 to index
        %swap3A_1323 = arith.constant 80 : index
        %swap3A_1324 = tpu.vector_load %arg17[%swap3A_1322, %swap3A_1323] {strides = array<i32>} : memref<65x128xf32, #tpu.memory_space<vmem>>, vector<16xf32>,
        tpu.vector_store %arg17[%swap3A_1322, %swap3A_1323], %max3A_1289 {strides = array<i32>} : memref<65x128xf32, #tpu.memory_space<vmem>>, vector<16xf32>,
        %swap3A_1325 = arith.index_cast %select_n3A_1306 : i32 to index
        %swap3A_1326 = arith.constant 96 : index
        %swap3A_1327 = tpu.vector_load %arg17[%swap3A_1325, %swap3A_1326] {strides = array<i32>} : memref<65x128xf32, #tpu.memory_space<vmem>>, vector<16xf32>,
        tpu.vector_store %arg17[%swap3A_1325, %swap3A_1326], %max3A_1293 {strides = array<i32>} : memref<65x128xf32, #tpu.memory_space<vmem>>, vector<16xf32>,
        %swap3A_1328 = arith.index_cast %select_n3A_1306 : i32 to index
        %swap3A_1329 = arith.constant 112 : index
        %swap3A_1330 = tpu.vector_load %arg17[%swap3A_1328, %swap3A_1329] {strides = array<i32>} : memref<65x128xf32, #tpu.memory_space<vmem>>, vector<16xf32>,
        tpu.vector_store %arg17[%swap3A_1328, %swap3A_1329], %max3A_1297 {strides = array<i32>} : memref<65x128xf32, #tpu.memory_space<vmem>>, vector<16xf32>,
        %lt3A_1331 = arith.constant 16 : i32
        %lt3A_1332 = arith.cmpi slt, %squeeze3A_1299, %lt3A_1331 : i32
        %broadcast_in_dim3A_1333 = vector.broadcast %lt3A_1332 : i1 to vector<16xi1>
        %select_n3A_1334 = arith.select %broadcast_in_dim3A_1333, %broadcast_in_dim3A_146, %max3A_1269 : vector<16xi1>, vector<16xf32>
        %select_n3A_1335 = arith.select %broadcast_in_dim3A_1333, %broadcast_in_dim3A_146, %max3A_1273 : vector<16xi1>, vector<16xf32>
        %select_n3A_1336 = arith.select %broadcast_in_dim3A_1333, %broadcast_in_dim3A_146, %max3A_1277 : vector<16xi1>, vector<16xf32>
        %select_n3A_1337 = arith.select %broadcast_in_dim3A_1333, %broadcast_in_dim3A_146, %max3A_1281 : vector<16xi1>, vector<16xf32>
        %select_n3A_1338 = arith.select %broadcast_in_dim3A_1333, %broadcast_in_dim3A_146, %max3A_1285 : vector<16xi1>, vector<16xf32>
        %select_n3A_1339 = arith.select %broadcast_in_dim3A_1333, %broadcast_in_dim3A_146, %max3A_1289 : vector<16xi1>, vector<16xf32>
        %select_n3A_1340 = arith.select %broadcast_in_dim3A_1333, %broadcast_in_dim3A_146, %max3A_1293 : vector<16xi1>, vector<16xf32>
        %select_n3A_1341 = arith.select %broadcast_in_dim3A_1333, %broadcast_in_dim3A_146, %max3A_1297 : vector<16xi1>, vector<16xf32>
        %slice3A_1342 = vector.extract_strided_slice %get3A_173 {offsets = [15], sizes = [1], strides = [1]} : vector<16xi32> to vector<1xi32>
        %squeeze3A_1343 = vector.extract %slice3A_1342[0] : i32 from vector<1xi32>
        %get3A_1344 = arith.index_cast %squeeze3A_1343 : i32 to index
        %get3A_1345 = arith.constant 0 : index
        %get3A_1346 = tpu.vector_load %arg12[%get3A_1344, %get3A_1345] {strides = array<i32>} : memref<513x128xf32, #tpu.memory_space<vmem>>, vector<16xf32>,
        %max3A_1347 = arith.maximumf %select_n3A_1334, %get3A_1346 : vector<16xf32>
        %get3A_1348 = arith.index_cast %squeeze3A_1343 : i32 to index
        %get3A_1349 = arith.constant 16 : index
        %get3A_1350 = tpu.vector_load %arg12[%get3A_1348, %get3A_1349] {strides = array<i32>} : memref<513x128xf32, #tpu.memory_space<vmem>>, vector<16xf32>,
        %max3A_1351 = arith.maximumf %select_n3A_1335, %get3A_1350 : vector<16xf32>
        %get3A_1352 = arith.index_cast %squeeze3A_1343 : i32 to index
        %get3A_1353 = arith.constant 32 : index
        %get3A_1354 = tpu.vector_load %arg12[%get3A_1352, %get3A_1353] {strides = array<i32>} : memref<513x128xf32, #tpu.memory_space<vmem>>, vector<16xf32>,
        %max3A_1355 = arith.maximumf %select_n3A_1336, %get3A_1354 : vector<16xf32>
        %get3A_1356 = arith.index_cast %squeeze3A_1343 : i32 to index
        %get3A_1357 = arith.constant 48 : index
        %get3A_1358 = tpu.vector_load %arg12[%get3A_1356, %get3A_1357] {strides = array<i32>} : memref<513x128xf32, #tpu.memory_space<vmem>>, vector<16xf32>,
        %max3A_1359 = arith.maximumf %select_n3A_1337, %get3A_1358 : vector<16xf32>
        %get3A_1360 = arith.index_cast %squeeze3A_1343 : i32 to index
        %get3A_1361 = arith.constant 64 : index
        %get3A_1362 = tpu.vector_load %arg12[%get3A_1360, %get3A_1361] {strides = array<i32>} : memref<513x128xf32, #tpu.memory_space<vmem>>, vector<16xf32>,
        %max3A_1363 = arith.maximumf %select_n3A_1338, %get3A_1362 : vector<16xf32>
        %get3A_1364 = arith.index_cast %squeeze3A_1343 : i32 to index
        %get3A_1365 = arith.constant 80 : index
        %get3A_1366 = tpu.vector_load %arg12[%get3A_1364, %get3A_1365] {strides = array<i32>} : memref<513x128xf32, #tpu.memory_space<vmem>>, vector<16xf32>,
        %max3A_1367 = arith.maximumf %select_n3A_1339, %get3A_1366 : vector<16xf32>
        %get3A_1368 = arith.index_cast %squeeze3A_1343 : i32 to index
        %get3A_1369 = arith.constant 96 : index
        %get3A_1370 = tpu.vector_load %arg12[%get3A_1368, %get3A_1369] {strides = array<i32>} : memref<513x128xf32, #tpu.memory_space<vmem>>, vector<16xf32>,
        %max3A_1371 = arith.maximumf %select_n3A_1340, %get3A_1370 : vector<16xf32>
        %get3A_1372 = arith.index_cast %squeeze3A_1343 : i32 to index
        %get3A_1373 = arith.constant 112 : index
        %get3A_1374 = tpu.vector_load %arg12[%get3A_1372, %get3A_1373] {strides = array<i32>} : memref<513x128xf32, #tpu.memory_space<vmem>>, vector<16xf32>,
        %max3A_1375 = arith.maximumf %select_n3A_1341, %get3A_1374 : vector<16xf32>
        %slice3A_1376 = vector.extract_strided_slice %get3A_177 {offsets = [15], sizes = [1], strides = [1]} : vector<16xi32> to vector<1xi32>
        %squeeze3A_1377 = vector.extract %slice3A_1376[0] : i32 from vector<1xi32>
        %lt3A_1378 = arith.constant 16 : i32
        %lt3A_1379 = arith.cmpi slt, %squeeze3A_1377, %lt3A_1378 : i32
        %mul3A_1380 = arith.constant 16 : i32
        %mul3A_1381 = arith.muli %and3A_137, %mul3A_1380 : i32
        %add3A_1382 = arith.addi %mul3A_1381, %squeeze3A_1377 : i32
        %jit3A_1383 = arith.constant 64 : i32
        %select_n3A_1384 = arith.select %lt3A_1379, %add3A_1382, %jit3A_1383 : i32
        %swap3A_1385 = arith.index_cast %select_n3A_1384 : i32 to index
        %swap3A_1386 = arith.constant 0 : index
        %swap3A_1387 = tpu.vector_load %arg17[%swap3A_1385, %swap3A_1386] {strides = array<i32>} : memref<65x128xf32, #tpu.memory_space<vmem>>, vector<16xf32>,
        tpu.vector_store %arg17[%swap3A_1385, %swap3A_1386], %max3A_1347 {strides = array<i32>} : memref<65x128xf32, #tpu.memory_space<vmem>>, vector<16xf32>,
        %swap3A_1388 = arith.index_cast %select_n3A_1384 : i32 to index
        %swap3A_1389 = arith.constant 16 : index
        %swap3A_1390 = tpu.vector_load %arg17[%swap3A_1388, %swap3A_1389] {strides = array<i32>} : memref<65x128xf32, #tpu.memory_space<vmem>>, vector<16xf32>,
        tpu.vector_store %arg17[%swap3A_1388, %swap3A_1389], %max3A_1351 {strides = array<i32>} : memref<65x128xf32, #tpu.memory_space<vmem>>, vector<16xf32>,
        %swap3A_1391 = arith.index_cast %select_n3A_1384 : i32 to index
        %swap3A_1392 = arith.constant 32 : index
        %swap3A_1393 = tpu.vector_load %arg17[%swap3A_1391, %swap3A_1392] {strides = array<i32>} : memref<65x128xf32, #tpu.memory_space<vmem>>, vector<16xf32>,
        tpu.vector_store %arg17[%swap3A_1391, %swap3A_1392], %max3A_1355 {strides = array<i32>} : memref<65x128xf32, #tpu.memory_space<vmem>>, vector<16xf32>,
        %swap3A_1394 = arith.index_cast %select_n3A_1384 : i32 to index
        %swap3A_1395 = arith.constant 48 : index
        %swap3A_1396 = tpu.vector_load %arg17[%swap3A_1394, %swap3A_1395] {strides = array<i32>} : memref<65x128xf32, #tpu.memory_space<vmem>>, vector<16xf32>,
        tpu.vector_store %arg17[%swap3A_1394, %swap3A_1395], %max3A_1359 {strides = array<i32>} : memref<65x128xf32, #tpu.memory_space<vmem>>, vector<16xf32>,
        %swap3A_1397 = arith.index_cast %select_n3A_1384 : i32 to index
        %swap3A_1398 = arith.constant 64 : index
        %swap3A_1399 = tpu.vector_load %arg17[%swap3A_1397, %swap3A_1398] {strides = array<i32>} : memref<65x128xf32, #tpu.memory_space<vmem>>, vector<16xf32>,
        tpu.vector_store %arg17[%swap3A_1397, %swap3A_1398], %max3A_1363 {strides = array<i32>} : memref<65x128xf32, #tpu.memory_space<vmem>>, vector<16xf32>,
        %swap3A_1400 = arith.index_cast %select_n3A_1384 : i32 to index
        %swap3A_1401 = arith.constant 80 : index
        %swap3A_1402 = tpu.vector_load %arg17[%swap3A_1400, %swap3A_1401] {strides = array<i32>} : memref<65x128xf32, #tpu.memory_space<vmem>>, vector<16xf32>,
        tpu.vector_store %arg17[%swap3A_1400, %swap3A_1401], %max3A_1367 {strides = array<i32>} : memref<65x128xf32, #tpu.memory_space<vmem>>, vector<16xf32>,
        %swap3A_1403 = arith.index_cast %select_n3A_1384 : i32 to index
        %swap3A_1404 = arith.constant 96 : index
        %swap3A_1405 = tpu.vector_load %arg17[%swap3A_1403, %swap3A_1404] {strides = array<i32>} : memref<65x128xf32, #tpu.memory_space<vmem>>, vector<16xf32>,
        tpu.vector_store %arg17[%swap3A_1403, %swap3A_1404], %max3A_1371 {strides = array<i32>} : memref<65x128xf32, #tpu.memory_space<vmem>>, vector<16xf32>,
        %swap3A_1406 = arith.index_cast %select_n3A_1384 : i32 to index
        %swap3A_1407 = arith.constant 112 : index
        %swap3A_1408 = tpu.vector_load %arg17[%swap3A_1406, %swap3A_1407] {strides = array<i32>} : memref<65x128xf32, #tpu.memory_space<vmem>>, vector<16xf32>,
        tpu.vector_store %arg17[%swap3A_1406, %swap3A_1407], %max3A_1375 {strides = array<i32>} : memref<65x128xf32, #tpu.memory_space<vmem>>, vector<16xf32>,
        %lt3A_1409 = arith.constant 16 : i32
        %lt3A_1410 = arith.cmpi slt, %squeeze3A_1377, %lt3A_1409 : i32
        %broadcast_in_dim3A_1411 = vector.broadcast %lt3A_1410 : i1 to vector<16xi1>
        %select_n3A_1412 = arith.select %broadcast_in_dim3A_1411, %broadcast_in_dim3A_146, %max3A_1347 : vector<16xi1>, vector<16xf32>
        %select_n3A_1413 = arith.select %broadcast_in_dim3A_1411, %broadcast_in_dim3A_146, %max3A_1351 : vector<16xi1>, vector<16xf32>
        %select_n3A_1414 = arith.select %broadcast_in_dim3A_1411, %broadcast_in_dim3A_146, %max3A_1355 : vector<16xi1>, vector<16xf32>
        %select_n3A_1415 = arith.select %broadcast_in_dim3A_1411, %broadcast_in_dim3A_146, %max3A_1359 : vector<16xi1>, vector<16xf32>
        %select_n3A_1416 = arith.select %broadcast_in_dim3A_1411, %broadcast_in_dim3A_146, %max3A_1363 : vector<16xi1>, vector<16xf32>
        %select_n3A_1417 = arith.select %broadcast_in_dim3A_1411, %broadcast_in_dim3A_146, %max3A_1367 : vector<16xi1>, vector<16xf32>
        %select_n3A_1418 = arith.select %broadcast_in_dim3A_1411, %broadcast_in_dim3A_146, %max3A_1371 : vector<16xi1>, vector<16xf32>
        %select_n3A_1419 = arith.select %broadcast_in_dim3A_1411, %broadcast_in_dim3A_146, %max3A_1375 : vector<16xi1>, vector<16xf32>
        scf.yield %select_n3A_1412, %select_n3A_1413, %select_n3A_1414, %select_n3A_1415, %select_n3A_1416, %select_n3A_1417, %select_n3A_1418, %select_n3A_1419 : vector<16xf32>, vector<16xf32>, vector<16xf32>, vector<16xf32>, vector<16xf32>, vector<16xf32>, vector<16xf32>, vector<16xf32>
      }
      %eq3A = arith.constant 3 : i32
      %eq3A_158 = arith.cmpi eq, %and3A_137, %eq3A : i32
      %convert_element_type3A = arith.extui %eq3A_158 : i1 to i32
      %cond3A = arith.constant 0 : i32
      %cond3A_159 = arith.cmpi ne, %convert_element_type3A, %cond3A : i32
      scf.if %cond3A_159 {
        %sub3A_161 = arith.constant 3 : i32
        %sub3A_162 = arith.subi %add3A_57, %sub3A_161 : i32
        %mul3A_163 = arith.constant 16 : i32
        %mul3A_164 = arith.muli %sub3A_162, %mul3A_163 : i32
        "tpu.region"() ({
          %run_scoped3A = tpu.sem_alloc : memref<!tpu.dma_semaphore, #tpu.memory_space<semaphore_mem>>
          %dma_start3A = arith.constant 0 : i32
          %dma_start3A_165 = arith.constant 0 : i32
          %dma_start3A_166 = tpu.memref_slice %arg17[%dma_start3A, %dma_start3A_165] : memref<65x128xf32, #tpu.memory_space<vmem>> -> memref<64x128xf32, #tpu.memory_space<vmem>>
          %dma_start3A_167 = arith.constant 0 : i32
          %dma_start3A_168 = tpu.memref_slice %arg7[%mul3A_164, %dma_start3A_167] : memref<8192x128xf32, #tpu.memory_space<hbm>> -> memref<64x128xf32, #tpu.memory_space<hbm>>
          %dma_start3A_169 = arith.constant 0 : i32
          %dma_start3A_170 = tpu.memref_slice %arg7[%mul3A_164, %dma_start3A_169] : memref<8192x128xf32, #tpu.memory_space<hbm>> -> memref<64x128xf32, #tpu.memory_space<hbm>>
          %dma_start3A_171 = arith.constant 0 : i32
          %dma_start3A_172 = arith.constant 0 : i32
          %dma_start3A_173 = tpu.memref_slice %arg17[%dma_start3A_171, %dma_start3A_172] : memref<65x128xf32, #tpu.memory_space<vmem>> -> memref<64x128xf32, #tpu.memory_space<vmem>>
          tpu.enqueue_dma source(%dma_start3A_173 : memref<64x128xf32, #tpu.memory_space<vmem>>) target(%dma_start3A_170 : memref<64x128xf32, #tpu.memory_space<hbm>>) target_semaphore(%run_scoped3A : memref<!tpu.dma_semaphore, #tpu.memory_space<semaphore_mem>>)
          %dma_wait3A = arith.constant 0 : i32
          %dma_wait3A_174 = arith.constant 0 : i32
          %dma_wait3A_175 = tpu.memref_slice %arg17[%dma_wait3A, %dma_wait3A_174] : memref<65x128xf32, #tpu.memory_space<vmem>> -> memref<64x128xf32, #tpu.memory_space<vmem>>
          %dma_wait3A_176 = arith.constant 0 : i32
          %dma_wait3A_177 = tpu.memref_slice %arg7[%mul3A_164, %dma_wait3A_176] : memref<8192x128xf32, #tpu.memory_space<hbm>> -> memref<64x128xf32, #tpu.memory_space<hbm>>
          %dma_wait3A_178 = arith.constant 0 : i32
          %dma_wait3A_179 = tpu.memref_slice %arg7[%mul3A_164, %dma_wait3A_178] : memref<8192x128xf32, #tpu.memory_space<hbm>> -> memref<64x128xf32, #tpu.memory_space<hbm>>
          %dma_wait3A_180 = arith.constant 0 : i32
          %dma_wait3A_181 = arith.constant 0 : i32
          %dma_wait3A_182 = tpu.memref_slice %arg17[%dma_wait3A_180, %dma_wait3A_181] : memref<65x128xf32, #tpu.memory_space<vmem>> -> memref<64x128xf32, #tpu.memory_space<vmem>>
          tpu.wait_dma2 semaphore(%run_scoped3A : memref<!tpu.dma_semaphore, #tpu.memory_space<semaphore_mem>>) src(%dma_wait3A_182 : memref<64x128xf32, #tpu.memory_space<vmem>>) dst(%dma_wait3A_179 : memref<64x128xf32, #tpu.memory_space<hbm>>)
          tpu.yield
        }) : () -> ()
      } else {
      }
      %scan3A_160 = arith.constant 0 : i32
      scf.yield %scan3A_160 : i32
    }
    %scan3A_52 = arith.constant 16 : i32
    return
  }
}

module attributes {stable_mosaic.version = 14 : i64} {
  func.func @_mm_body(%arg0: memref<512x2048xf32, #tpu.memory_space<vmem>>, %arg1: memref<2048x128xf32, #tpu.memory_space<vmem>>, %arg2: memref<1x128xf32, #tpu.memory_space<vmem>>, %arg3: memref<512x128xf32, #tpu.memory_space<vmem>>) attributes {dimension_semantics = [], scalar_prefetch = 0 : i64, scratch_operands = 0 : i64, tpu.core_type = #tpu.core_type<tc>} {
    %get3A = arith.constant 0 : index
    %get3A_0 = arith.constant 0 : index
    %get3A_1 = vector.load %arg0[%get3A, %get3A_0] : memref<512x2048xf32, #tpu.memory_space<vmem>>, vector<512x2048xf32>
    %get3A_2 = arith.constant 0 : index
    %get3A_3 = arith.constant 0 : index
    %get3A_4 = vector.load %arg1[%get3A_2, %get3A_3] : memref<2048x128xf32, #tpu.memory_space<vmem>>, vector<2048x128xf32>
    %dot_general3A = arith.constant dense<0.000000e+00> : vector<512x128xf32>
    %dot_general3A_5 = tpu.matmul %get3A_1, %get3A_4, %dot_general3A {dimension_numbers = #tpu.dot_dimension_numbers<[1], [0], [0], [1], [0, 0, 1, 1], [], []>, transpose_lhs_hint = false} : vector<512x2048xf32>, vector<2048x128xf32>, vector<512x128xf32> -> vector<512x128xf32>
    %get3A_6 = arith.constant 0 : index
    %get3A_7 = arith.constant 0 : index
    %get3A_8 = vector.load %arg2[%get3A_6, %get3A_7] : memref<1x128xf32, #tpu.memory_space<vmem>>, vector<1x128xf32>
    %add3A = vector.broadcast %get3A_8 : vector<1x128xf32> to vector<512x128xf32>
    %add3A_9 = arith.addf %dot_general3A_5, %add3A : vector<512x128xf32>
    %max3A = arith.constant 0.000000e+00 : f32
    %max3A_10 = vector.broadcast %max3A : f32 to vector<512x128xf32>
    %max3A_11 = arith.maximumf %add3A_9, %max3A_10 : vector<512x128xf32>
    %swap3A = arith.constant 0 : index
    %swap3A_12 = arith.constant 0 : index
    %swap3A_13 = vector.load %arg3[%swap3A, %swap3A_12] : memref<512x128xf32, #tpu.memory_space<vmem>>, vector<512x128xf32>
    tpu.vector_store %arg3[%swap3A, %swap3A_12], %max3A_11 {strides = array<i32>} : memref<512x128xf32, #tpu.memory_space<vmem>>, vector<512x128xf32>,
    return
  }
}

</mosaic_0001>

<sc_bundles>
// kernel: kernel.4.cloned.1.call-start
scs
__scs_entry_jumppad:
0x0: {  	(pc) =	sbr.rel $0x88, $3  }
0x1: {  	(tag) =	ssettag $0x0;
	lr =	simm.s32 $0x1  }
0x2: {  	[smem:$0x3F9D] =	sst lr;
	_ =	strace $0xD0000000  }
0x3: {  	_ = 	snop  }
0x4: {  	_ = 	snop  }
0x5: {  	_ = 	snop  }
0x6: {  	_ = 	snop  }
0x7: {  	_ = 	snop  }
__scs_overlays_trampoline_lowered:
0x8: {  	[smem:$0x3FAC] =	sst s0  }
0x9: {  	[smem:$0x3FAD] =	sst s1  }
0xa: {  	[smem:$0x3FAE] =	sst s2  }
0xb: {  	[smem:$0x3FAF] =	sst s3  }
0xc: {  	[smem:$0x3FB0] =	sst s4  }
0xd: {  	[smem:$0x3FB1] =	sst s5  }
0xe: {  	[smem:$0x3FB2] =	sst s6  }
0xf: {  	[smem:$0x3FB3] =	sst s7  }
0x10: {  	[smem:$0x3FB4] =	sst s8  }
0x11: {  	[smem:$0x3FB5] =	sst s9;
	s0 =	simm.s32 @!p0 $0x0  }
0x12: {  	s1 =	sld [smem:$0x3F9B];
	s0 =	simm.s32 @p0 $0x1  }
0x13: {  	[smem:$0x3FB6] =	sst s0;
	s0 =	simm.s32 @!p1 $0x0  }
0x14: {  	s2 =	sld [smem:$0x3F9A];
	s0 =	simm.s32 @p1 $0x1  }
0x15: {  	[smem:$0x3FB7] =	sst s0;
	s0 =	simm.s32 @!p2 $0x0  }
0x16: {  	s3 =	sld [smem:$0x3FDB];
	s0 =	simm.s32 @p2 $0x1  }
0x17: {  	s4 =	simm.s32 $0x1BF5;
	[smem:$0x3FB9] =	sst s0  }
0x18: {  	s0 =	sld [smem:$0x3F9C];
	_ =	swait.ge [sflag:s4], $0x0  }
0x19: {  	s7 =	sld [smem:$0x3F9D]  }
0x1a: {  	s8 =	sadd.s32 $0xFFFFE003, lr  }
0x1b: {  	s9 =	sadd.s32 $0xFFFFFEF7, lr;
	s5 =	simm.s32 $0xFFFFFFFF;
	p2 =	slt.u32 s8, $0xFFFFF086  }
0x1c: {  	p1 =	slt.u32 s9, $0xF7A;
	s5 =	simm.s32 @!p2 $0x0  }
0x1d: {  	s5 =	simm.s32 @p1 $0x1;
	p0 =	seq.s32 s7, s2  }
0x1e: {  	s7 =	smul.u32 @!p0 $0xF7A, s2;
	p2 =	seq.s32 @!p0 s5, $0x0  }
0x1f: {  	s9 =	smul.u32 $0xF7A, s1;
	s8 =	simm.s32 @!p0 $0x1BF5;
	p2 =	por !p2, p0  }
0x20: {  	[sflag:s8] =	ssyncset.s32 @!p0 $0xFFFFF086;
	s6 =	sadd.s32 @!p0 s3, s7;
	s7 =	simm.s32 @!p0 $0x108  }
0x21: {  	s3 =	sadd.s32 s3, s9;
	s6 =	sadd.s32 @!p0 $0x88, s6;
	s7 =	simm.s32 @p2 $0x1082  }
0x22: {  	[simem:s7], [sflag:s8] =	dma.local @!p0 [hbm:s6], $0xF7A  }
0x23: {  	s9 =	sor.u32 $0xD0000000, s2;
	s6 =	simm.s32 $0x108;
	_ =	swait.ge @!p0 [sflag:s8], $0x0  }
0x24: {  	s3 =	sadd.s32 $0x88, s3;
	s6 =	simm.s32 @!p1 $0x1082;
	[sflag:s4] =	ssyncset.s32 $0xFFFFF086  }
0x25: {  	[simem:s6], [sflag:s4] =	dma.local [hbm:s3], $0xF7A  }
0x26: {  	[smem:$0x3F9D] =	sst s1;
	(tag) =	ssettag s2;
	_ =	strace s9  }
0x27: {  	s1 =	sld [smem:$0x3FAD]  }
0x28: {  	s2 =	sld [smem:$0x3FAE]  }
0x29: {  	s4 =	sld [smem:$0x3FB0]  }
0x2a: {  	p0 =	seq.s32 s5, $0x0;
	s5 =	sld [smem:$0x3FB1]  }
0x2b: {  	s6 =	sld [smem:$0x3FB2]  }
0x2c: {  	s7 =	sld [smem:$0x3FB3]  }
0x2d: {  	s3 =	simm.s32 $0x108;
	s8 =	sld [smem:$0x3FB4]  }
0x2e: {  	s3 =	simm.s32 @!p0 $0x1082;
	s9 =	sld [smem:$0x3FB5]  }
0x2f: {  	lr =	sadd.s32 s0, s3;
	s0 =	sld [smem:$0x3FAC]  }
0x30: {  	s3 =	sld [smem:$0x3FAF]  }
0x31: {  	[smem:$0x3FB8] =	sst s10  }
0x32: {  	s10 =	sld [smem:$0x3FB6];
	_ =	sdelay $0x3  }
0x33: {  	p0 =	seq.s32 s10, $0x1;
	s10 =	sld [smem:$0x3FB8];
	_ =	sdelay $0x3  }
0x34: {  	[smem:$0x3FB8] =	sst s10  }
0x35: {  	s10 =	sld [smem:$0x3FB7];
	_ =	sdelay $0x3  }
0x36: {  	p1 =	seq.s32 s10, $0x1;
	s10 =	sld [smem:$0x3FB8];
	_ =	sdelay $0x3  }
0x37: {  	[smem:$0x3FB8] =	sst s10  }
0x38: {  	s10 =	sld [smem:$0x3FB9]  }
0x39: {  	_ = 	snop;
	(pc) =	sbr.ind lr, $3  }
0x3a: {  	_ = 	snop  }
0x3b: {  	_ = 	snop  }
0x3c: {  	p2 =	seq.s32 s10, $0x1;
	s10 =	sld [smem:$0x3FB8]  }
0x3d: {  	_ =	shalt  }
0x3e: {  	_ =	shalt  }
0x3f: {  	_ =	shalt  }
0x40: {  	_ =	shalt  }
0x41: {  	_ =	shalt  }
0x42: {  	_ =	shalt  }
0x43: {  	_ =	shalt  }
0x44: {  	_ =	shalt  }
0x45: {  	_ =	shalt  }
0x46: {  	_ =	shalt  }
0x47: {  	_ =	shalt  }
0x48: {  	_ =	shalt  }
0x49: {  	_ =	shalt  }
0x4a: {  	_ =	shalt  }
0x4b: {  	_ =	shalt  }
0x4c: {  	_ =	shalt  }
0x4d: {  	_ =	shalt  }
0x4e: {  	_ =	shalt  }
0x4f: {  	_ =	shalt  }
0x50: {  	_ =	shalt  }
0x51: {  	_ =	shalt  }
0x52: {  	_ =	shalt  }
0x53: {  	_ =	shalt  }
0x54: {  	_ =	shalt  }
0x55: {  	_ =	shalt  }
0x56: {  	_ =	shalt  }
0x57: {  	_ =	shalt  }
0x58: {  	_ =	shalt  }
0x59: {  	_ =	shalt  }
0x5a: {  	_ =	shalt  }
0x5b: {  	_ =	shalt  }
0x5c: {  	_ =	shalt  }
0x5d: {  	_ =	shalt  }
0x5e: {  	_ =	shalt  }
0x5f: {  	_ =	shalt  }
0x60: {  	_ =	shalt  }
0x61: {  	_ =	shalt  }
0x62: {  	_ =	shalt  }
0x63: {  	_ =	shalt  }
0x64: {  	_ =	shalt  }
0x65: {  	_ =	shalt  }
0x66: {  	_ =	shalt  }
0x67: {  	_ =	shalt  }
0x68: {  	_ =	shalt  }
0x69: {  	_ =	shalt  }
0x6a: {  	_ =	shalt  }
0x6b: {  	_ =	shalt  }
0x6c: {  	_ =	shalt  }
0x6d: {  	_ =	shalt  }
0x6e: {  	_ =	shalt  }
0x6f: {  	_ =	shalt  }
0x70: {  	_ =	shalt  }
0x71: {  	_ =	shalt  }
0x72: {  	_ =	shalt  }
0x73: {  	_ =	shalt  }
0x74: {  	_ =	shalt  }
0x75: {  	_ =	shalt  }
0x76: {  	_ =	shalt  }
0x77: {  	_ =	shalt  }
0x78: {  	_ =	shalt  }
0x79: {  	_ =	shalt  }
0x7a: {  	_ =	shalt  }
0x7b: {  	_ =	shalt  }
0x7c: {  	_ =	shalt  }
0x7d: {  	_ =	shalt  }
0x7e: {  	_ =	shalt  }
0x7f: {  	_ =	shalt  }
0x80: {  	_ =	shalt  }
0x81: {  	_ =	shalt  }
0x82: {  	_ =	shalt  }
0x83: {  	_ =	shalt  }
0x84: {  	_ =	shalt  }
0x85: {  	_ =	shalt  }
0x86: {  	_ =	shalt  }
0x87: {  	_ =	shalt  }
.Lfunc_end0:
.L_simem_size_0:
called_computation_lowered:
.L_overlay_start_0:
0x88: {  	s2 =	sld [smem:$0x3FD9]  }
0x89: {  	s3 =	sld [smem:$0x3FFE];
	_ =	sdelay $0x1  }
0x8a: {  	s1 =	srdreg.scid  }
0x8b: {  	s0 =	sand.u32 $0x1, s1  }
0x8c: {  	s17 =	sshll.u32 s0, $0xA;
	s2 =	sadd.s32 s3, s2  }
0x8d: {  	s2 =	sadd.s32 s2, s17  }
0x8e: {  	[smem:$0x3FC4] =	sst s2  }
0x8f: {  	_ = 	snop  }
0x90: {  	s2 =	sld [smem:$0x3FC8]  }
0x91: {  	s18 =	sld [smem:$0x3FD0];
	(tm) =	ssettm $0x1  }
0x92: {  	s4 =	sld [smem:$0x3FFB];
	_ =	sdelay $0x3  }
0x93: {  	_ =	strace s4  }
0x94: {  	s4 =	sld [smem:$0x3FFC];
	_ =	sdelay $0x3  }
0x95: {  	_ =	strace s4  }
0x96: {  	s4 =	sld [smem:$0x3FFD];
	_ =	sdelay $0x3  }
0x97: {  	_ =	strace s4  }
0x98: {  	_ =	strace $0x8FFFFFFF  }
0x99: {  	s19 =	sld [smem:$0x3FDB];
	_ =	sdelay $0x1  }
0x9a: {  	s5 =	simm.s32 $_scs_section_size  }
0x9b: {  	s6 =	simm.s32 $_size__tile_overlayer_lowered;
	s7 =	simm.s32 $_tile_overlayer_lowered  }
0x9c: {  	s22 =	simm.s32 $0x1BFF;
	s21 =	sshll.u32 s7, $0x1;
	s4 =	sadd.s32 s5, s19  }
0x9d: {  	s8 =	simm.s32 $0x0;
	s20 =	sshll.u32 s6, $0x1;
	s6 =	sadd.s32 s21, s4  }
0x9e: {  	[timem:s8], [sflag:s22] =	dma.local [hbm:s6], s20  }
0x9f: {  	_ =	swait.ge [sflag:s22], s20  }
0xa0: {  	s5 =	ssub.s32 $0x0, s20;
	[sflag:s22] =	ssyncset.done $0x0  }
0xa1: {  	[sflag:s22] =	ssyncadd.s32 s5;
	_ =	sdelay $0x1  }
0xa2: {  	s23 =	simm.s32 $0x1B8B  }
0xa3: {  	_ =	swait.ge [sflag:s23], $0x1  }
0xa4: {  	[sflag:s23] =	ssyncset.done $0x0  }
0xa5: {  	s25 =	simm.s32 $0x1B8E;
	s24 =	sld [smem:$0x3FFE];
	[sflag:s23] =	ssyncadd.s32 $0xFFFFFFFF  }
0xa6: {  	s26 =	simm.s32 $execute0_lowered;
	[smem:$0x3FD2] =	sst s25  }
0xa7: {  	s6 =	sshll.u32 s26, $0x1;
	_ =	strace $0x80000046;
	[dreg:$0x1] =	wrdreg $0xFFFFFFFF  }
0xa8: {  	s28 =	simm.s32 $_size_execute0_lowered;
	s4 =	sadd.s32 s4, s6;
	[dreg:$0x0] =	wrdreg $0x0  }
0xa9: {  	s6 =	sshll.u32 s28, $0x1;
	[dreg:$0x2] =	wrdreg s4  }
0xaa: {  	[dreg:$0x3] =	wrdreg s6  }
0xab: {  	[dreg:$0x4] =	wrdreg $0xC0  }
0xac: {  	_ =	task [dreg:s8], $0x5FFFF  }
0xad: {  	[dreg:$0x1] =	wrdreg $0xFFFFFFFF  }
0xae: {  	[dreg:$0x0] =	wrdreg $0x60  }
0xaf: {  	[dreg:$0x2] =	wrdreg s18  }
0xb0: {  	[dreg:$0x3] =	wrdreg s24  }
0xb1: {  	[dreg:$0x4] =	wrdreg s2  }
0xb2: {  	[dreg:$0x5] =	wrdreg $0x9  }
0xb3: {  	_ =	task.clear_ibuf [dreg:s8], $0x6FFFF;
	_ =	strace $0x90000046  }
0xb4: {  	s29 =	simm.s32 $0x9;
	_ =	strace $0x80000048  }
0xb5: {  	_ =	swait.ge [sflag:s29], $0x1  }
0xb6: {  	[sflag:s29] =	ssyncadd.s32 $0xFFFFFFFF  }
0xb7: {  	_ =	strace $0x90000048  }
0xb8: {  	_ =	sfence  }
0xb9: {  	s30 =	sld [smem:$0x0];
	_ =	sdelay $0x2  }
0xba: {  	s31 =	sshll.u32 s1, $0xD;
	s1 =	sshrl.u32 s1, $0x2  }
0xbb: {  	s3 =	sand.u32 $0x4000, s31;
	s1 =	sadd.s32 s1, s30  }
0xbc: {  	s0 =	sor.u32 s3, s0;
	s1 =	sshll.u32 s1, $0x11  }
0xbd: {  	s0 =	sor.u32 s1, s0  }
0xbe: {  	s0 =	sadd.s32 $0x8F2B, s0  }
0xbf: {  	[sflag:s0] =	ssyncadd.remote.s32 $0x1  }
0xc0: {  	_ =	sfence.sel $0xFFFF  }
0xc1: {  	[dreg:$0x0] =	wrdreg $0xFFFFFFFF;
	(pc) =	sbr.abs _section_cstart, $3  }
0xc2: {  	[dreg:$0x1] =	wrdreg $0xFFFFFFFF  }
0xc3: {  	_ =	task.clear_ibuf [dreg:s8], $0x2FFFF;
	_ =	strace $0x9FFFFFFF  }
0xc4: {  	(tm) =	ssettm $0x7FFFFFFF  }
0xc5: {  	_ =	shalt  }
tec
execute0_lowered:
.L_overlay_start_1:
0x0: {  	(tag) =	ssettag $0x1  }
0x1: {  	s1 =	rddreg [dreg:$0x0]  }
0x2: {  	s2 =	rddreg [dreg:$0x1]  }
0x3: {  	s3 =	rddreg [dreg:$0x2]  }
0x4: {  	s4 =	simm.s32 $0x0;
	s5 =	srdreg.scid;
	s12 =	simm.s32 $0x1000  }
0x5: {  	s13 =	simm.s32 $0x2000;
	s14 =	simm.s32 $0x2200;
	s15 =	simm.s32 $0x2400  }
0x6: {  	s16 =	simm.s32 $0x12800;
	s17 =	simm.s32 $0x12F00;
	s18 =	simm.s32 $0x12F80  }
0x7: {  	s19 =	simm.s32 $0x12A80;
	s20 =	simm.s32 $0x0;
	[smem:$0x7FF] =	sst s4  }
.Ltmp0:
0x8: {  	s9 =	sand.u32 $0x1, s5;
	s6 =	sadd.s32 $0x400, s2;
	(pc) =	sbr.rel .LBB2_1-.Ltmp0, $4  }
0x9: {  	s7 =	sadd.s32 $0x200, s2;
	s8 =	sadd.s32 $0x600, s2;
	s10 =	ssub.s32 $0x2, s9  }
0xa: {  	v0 =	vimm.f32 $-3.000000010e+38;
	v1 =	vlaneseq.u32;
	s5 =	stileid.u32;
	_ =	strace $0x80000047;
	s11 =	sshrl.u32 s10, $0x1  }
0xb: {  	v2 =	vimm.s32 $0x0;
	v3 =	vimm.s32 $0x2000;
	v4 =	vimm.s32 $0x220;
	s31 =	sshll.u32 s5, $0x5;
	s9 =	sshll.u32 s9, $0x4;
	s10 =	ssub.s32 s10, s11  }
0xc: {  	v5 =	vimm.s32 $0x10;
	v6 =	vimm.s32 $0x200;
	v7 =	vimm.f32 $0.0e+00;
	s9 =	sor.u32 s9, s31;
	s11 =	simm.s32 $0x1;
	s10 =	smax.u32 s10, $0x1  }
.LBB2_18:
0xd: {  	s20 =	sadd.s32 $0x1, s20  }
0xe: {  	p0 =	sne.s32 s20, s10  }
.Ltmp1:
0xf: {  	_ = 	snop;
	(pc) =	sbr.rel @!p0 .LBB2_19-.Ltmp1, $1  }
0x10: {  	_ =	sdelay $0x3  }
.LBB2_1:
0x11: {  	[tilespmem:s4], [sflag:$0x1] =	stream.linear.gather [hbm4b:s1+s4], $0x1000, $0x38;
	[tilespmem:$0x15600] =	vst v63  }
0x12: {  	_ =	swait.ge [sflag:s11], $0x1000  }
0x13: {  	[sflag:s11] =	ssyncset.done $0x0  }
0x14: {  	[sflag:s11] =	ssyncadd.s32 $0xFFFFF000  }
0x15: {  	[tilespmem:s12], [sflag:$0x1] =	stream.linear.gather [hbm4b:s6+s4], $0x1000, $0x38;
	[tilespmem:$0x15600] =	vst v63  }
0x16: {  	_ =	swait.ge [sflag:s11], $0x1000  }
0x17: {  	[sflag:s11] =	ssyncset.done $0x0  }
0x18: {  	[sflag:s11] =	ssyncadd.s32 $0xFFFFF000  }
0x19: {  	[tilespmem:s13], [sflag:$0x1] =	stream.linear.gather [hbm4b:s7+s4], $0x200, $0x38;
	[tilespmem:$0x15600] =	vst v63  }
0x1a: {  	_ =	swait.ge [sflag:s11], $0x200  }
0x1b: {  	[sflag:s11] =	ssyncset.done $0x0  }
0x1c: {  	[sflag:s11] =	ssyncadd.s32 $0xFFFFFE00  }
0x1d: {  	[tilespmem:s14], [sflag:$0x1] =	stream.linear.gather [hbm4b:s2+s4], $0x200, $0x38;
	[tilespmem:$0x15600] =	vst v63  }
0x1e: {  	_ =	swait.ge [sflag:s11], $0x200  }
0x1f: {  	[sflag:s11] =	ssyncset.done $0x0  }
0x20: {  	[sflag:s11] =	ssyncadd.s32 $0xFFFFFE00  }
0x21: {  	[tilespmem:s15], [sflag:$0x1] =	stream.linear.gather [hbm4b:s3+s4], $0x10000, $0x38;
	[tilespmem:$0x15600] =	vst v63  }
0x22: {  	_ =	swait.ge [sflag:s11], $0x10000  }
0x23: {  	[sflag:s11] =	ssyncset.done $0x0  }
0x24: {  	[sflag:s11] =	ssyncadd.s32 $0xFFFF0000  }
0x25: {  	[tilespmem:$0x12400] =	vst v0  }
0x26: {  	[tilespmem:$0x12410] =	vst v0  }
0x27: {  	[tilespmem:$0x12420] =	vst v0  }
.Ltmp2:
0x28: {  	[tilespmem:$0x12430] =	vst v0;
	(pc) =	sbr.rel .LBB2_2-.Ltmp2, $4  }
0x29: {  	[tilespmem:$0x12440] =	vst v0  }
0x2a: {  	[tilespmem:$0x12450] =	vst v0  }
0x2b: {  	[tilespmem:$0x12460] =	vst v0  }
0x2c: {  	s21 =	simm.s32 $0x0;
	s22 =	simm.s32 $0x0;
	[tilespmem:$0x12470] =	vst v0  }
.LBB2_17:
0x2d: {  	p0 =	sne.s32 s25, $0x3  }
0x2e: {  	s0 =	sshll.u32 @!p0 s23, $0xB  }
0x2f: {  	s0 =	sadd.s32 @!p0 $0xFFFFE800, s0  }
0x30: {  	s22 =	sadd.s32 $0x1, s22;
	s23 =	simm.s32 @!p0 $0x0;
	s0 =	sshrl.u32 @!p0 s0, $0x3  }
0x31: {  	s24 =	simm.s32 @!p0 $0x13200;
	p1 =	sne.s32 s22, $0x10;
	s0 =	sadd.s32 @!p0 s8, s0  }
0x32: {  	[hbm4b:s0+s23] =	stream.linear.scatter @!p0 [tilespmem:s24], [sflag:$0x1], $0x2000, $0x38;
	[tilespmem:$0x15600] =	vst v63  }
.Ltmp3:
0x33: {  	_ = 	snop;
	(pc) =	sbr.rel @!p1 .LBB2_18-.Ltmp3, $4  }
0x34: {  	s0 =	simm.s32 @!p0 $0x1  }
0x35: {  	_ =	swait.ge @!p0 [sflag:s0], $0x2000  }
0x36: {  	[sflag:s0] =	ssyncset.done @!p0 $0x0  }
0x37: {  	s21 =	sadd.s32 $0x1, s21;
	[sflag:s0] =	ssyncadd.s32 @!p0 $0xFFFFE000  }
.LBB2_2:
0x38: {  	s23 =	sadd.s32 s9, s22  }
0x39: {  	v8 =	vmov s23;
	_ =	sdelay $0x1  }
0x3a: {  	s30 =	simm.s32 $0x0  }
0x3b: {  	s24 =	simm.s32 $0x1000;
	v11 =	vld [tilespmem:s30+$0x0]  }
0x3c: {  	v12 =	vld [tilespmem:s24+$0x0]  }
0x3d: {  	v9 =	vld.idx.msk [tilespmem:v8+s13+$0x0], $0xffff  }
0x3e: {  	v10 =	vld.idx.msk [tilespmem:v8+s14+$0x0], $0xffff;
	_ =	sdelay $0x4  }
0x3f: {  	v13 =	vsub.f32 v11, v9;
	v12 =	vsub.f32 v12, v10;
	_ =	sdelay $0x1  }
0x40: {  	v11 =	vand.u32 $0x7FFFFFFF, v13;
	v14 =	vand.u32 $0x7FFFFFFF, v12  }
0x41: {  	vm0 =	vle.f32 v11, $1.000000000e+00;
	vm1 =	vle.f32 v14, $1.000000000e+00;
	v11 =	vor.u32 s30, v1  }
0x42: {  	vm0 =	vmand vm0, vm1;
	vm1 =	vne.s32 v11, v8  }
0x43: {  	vm0 =	vmand vm1, vm0  }
0x44: {  	v14 =	vadd.f32 $1.000000000e+00, v12;
	v12 =	vsel vm0, $0x1, v2  }
0x45: {  	s25 =	sand.u32 $0x3, s21;
	v13 =	vadd.f32 $1.000000000e+00, v13;
	(xrf0) =	vadd.scan.msk.s32 $0xffff, v12  }
0x46: {  	s29 =	simm.s32 $0x20;
	s25 =	sshll.u32 s25, $0xB  }
0x47: {  	s28 =	simm.s32 $0x0;
	s26 =	sadd.s32 $0x13240, s25;
	s25 =	simm.s32 $0x10;
	v12 =	vadd.f32 v13, v13;
	v13 =	vadd.f32 v14, v14  }
.LBB2_3:
0x48: {  	p0 =	sne.s32 s29, $0x1F0;
	v14 =	vmov s30  }
0x49: {  	v12 =	vmax.f32 v12, $0.0e+00;
	v13 =	vmax.f32 v13, $0.0e+00;
	v14 =	vadd.s32 $0xFFFFFFFF, v14  }
0x4a: {  	v12 =	vmin.f32 v12, $3.000000000e+00;
	v13 =	vmin.f32 v13, $3.000000000e+00;
	v14 =	vbroadcast v14, $0x0  }
0x4b: {  	v12 =	vtrunc.f32 v12;
	v13 =	vtrunc.f32 v13;
	v15, _, _ =	vpop (xrf0)  }
0x4c: {  	v12 =	vcvt.f32.s32 v12;
	v13 =	vcvt.f32.s32 v13;
	v14 =	vadd.s32 v15, v14  }
0x4d: {  	(v2sf) =	vpush v14, $0xF  }
0x4e: {  	v12 =	vshll.u32 v12, $0xB;
	v13 =	vshll.u32 v13, $0x9  }
0x4f: {  	v12 =	vadd.s32 v12, v13  }
0x50: {  	v11 =	vadd.s32 v11, v12  }
0x51: {  	s28 =	sadd.s32 $0x80, s28;
	[tilespmem:v14+s16+$0x0] =	vst.idx.msk vm0, v11  }
0x52: {  	s24 =	sadd.s32 $0x80, s24;
	v11 =	vld [tilespmem:s28+$0x0]  }
0x53: {  	v12 =	vld [tilespmem:s24+$0x0];
	_ =	sdelay $0x4  }
0x54: {  	v13 =	vsub.f32 v11, v9;
	v12 =	vsub.f32 v12, v10;
	_ =	sdelay $0x1  }
0x55: {  	v11 =	vand.u32 $0x7FFFFFFF, v13;
	v14 =	vand.u32 $0x7FFFFFFF, v12  }
0x56: {  	vm0 =	vle.f32 v11, $1.000000000e+00;
	v11 =	vor.u32 s25, v1;
	s25 =	smov.u32 s29;
	vm1 =	vle.f32 v14, $1.000000000e+00  }
0x57: {  	vm0 =	vmand vm0, vm1;
	vm1 =	vne.s32 v11, v8;
	s30 =	spop (v2sf)  }
.Ltmp4:
0x58: {  	vm0 =	vmand vm1, vm0;
	s30 =	sadd.s32 $0x1, s30;
	(pc) =	sbr.rel @p0 .LBB2_3-.Ltmp4, $3  }
0x59: {  	v14 =	vsel vm0, $0x1, v2  }
0x5a: {  	v13 =	vadd.f32 $1.000000000e+00, v13;
	v15 =	vadd.f32 $1.000000000e+00, v12;
	(xrf0) =	vadd.scan.msk.s32 $0xffff, v14;
	_ =	sdelay $0x1  }
0x5b: {  	s29 =	sadd.s32 $0x10, s29;
	v12 =	vadd.f32 v13, v13;
	v13 =	vadd.f32 v15, v15  }
0x5c: {  	v14 =	vmov s30  }
0x5d: {  	v12 =	vmax.f32 v12, $0.0e+00;
	v13 =	vmax.f32 v13, $0.0e+00;
	v14 =	vadd.s32 $0xFFFFFFFF, v14  }
0x5e: {  	v12 =	vmin.f32 v12, $3.000000000e+00;
	v13 =	vmin.f32 v13, $3.000000000e+00;
	v14 =	vbroadcast v14, $0x0  }
0x5f: {  	v12 =	vtrunc.f32 v12;
	v13 =	vtrunc.f32 v13;
	v15, _, _ =	vpop (xrf0)  }
0x60: {  	v12 =	vcvt.f32.s32 v12;
	v13 =	vcvt.f32.s32 v13;
	v14 =	vadd.s32 v15, v14;
	_ =	sdelay $0x1  }
0x61: {  	v12 =	vshll.u32 v12, $0xB;
	v13 =	vshll.u32 v13, $0x9  }
0x62: {  	v12 =	vadd.s32 v12, v13  }
0x63: {  	v11 =	vadd.s32 v11, v12  }
0x64: {  	s28 =	sadd.s32 $0x80, s28;
	(v2sf) =	vpush v14, $0xF;
	[tilespmem:v14+s16+$0x0] =	vst.idx.msk vm0, v11  }
0x65: {  	s24 =	sadd.s32 $0x80, s24;
	v11 =	vld [tilespmem:s28+$0x0]  }
0x66: {  	v62 =	vld [tilespmem:s24+$0x0];
	_ =	sdelay $0x4  }
0x67: {  	v9 =	vsub.f32 v11, v9;
	v10 =	vsub.f32 v62, v10;
	_ =	sdelay $0x1  }
0x68: {  	v11 =	vand.u32 $0x7FFFFFFF, v9;
	v12 =	vand.u32 $0x7FFFFFFF, v10  }
0x69: {  	vm14 =	vle.f32 v11, $1.000000000e+00;
	vm1 =	vle.f32 v12, $1.000000000e+00;
	v11 =	vor.u32 s25, v1  }
0x6a: {  	vm0 =	vmand vm14, vm1;
	vm15 =	vne.s32 v11, v8  }
0x6b: {  	vm0 =	vmand vm15, vm0  }
0x6c: {  	v8 =	vsel vm0, $0x1, v2  }
0x6d: {  	(xrf0) =	vadd.scan.msk.s32 $0xffff, v8  }
0x6e: {  	s29 =	spop (v2sf)  }
0x6f: {  	s24 =	sadd.s32 $0x1, s29  }
0x70: {  	v8 =	vmov s24  }
0x71: {  	v8 =	vadd.s32 $0xFFFFFFFF, v8  }
0x72: {  	v8 =	vbroadcast v8, $0x0  }
0x73: {  	v63, _, _ =	vpop (xrf0)  }
0x74: {  	v12 =	vadd.s32 v63, v8  }
0x75: {  	(v2sf) =	vpush v12, $0xF;
	_ =	sdelay $0x8  }
0x76: {  	v8 =	vadd.f32 $1.000000000e+00, v9;
	v9 =	vadd.f32 $1.000000000e+00, v10;
	_ =	sdelay $0x1  }
0x77: {  	v8 =	vadd.f32 v8, v8;
	v9 =	vadd.f32 v9, v9;
	_ =	sdelay $0x1  }
0x78: {  	v8 =	vmax.f32 v8, $0.0e+00;
	v9 =	vmax.f32 v9, $0.0e+00  }
0x79: {  	v8 =	vmin.f32 v8, $3.000000000e+00;
	v9 =	vmin.f32 v9, $3.000000000e+00  }
0x7a: {  	v8 =	vtrunc.f32 v8;
	v9 =	vtrunc.f32 v9;
	s30 =	spop (v2sf)  }
0x7b: {  	v10 =	vcvt.f32.s32 v8;
	v9 =	vcvt.f32.s32 v9;
	s31 =	sadd.s32 $0x1, s30  }
0x7c: {  	s24 =	sadd.s32 $0x10, s30;
	v8 =	vadd.s32 s31, v1  }
0x7d: {  	v10 =	vshll.u32 v10, $0xB;
	v9 =	vshll.u32 v9, $0x9;
	s24 =	sshra.s32 s24, $0x4  }
0x7e: {  	v9 =	vadd.s32 v10, v9;
	p0 =	slt.s32 s24, $0x1  }
.Ltmp5:
0x7f: {  	v9 =	vadd.s32 v11, v9;
	(pc) =	sbr.rel @p0 .LBB2_20-.Ltmp5, $4  }
0x80: {  	s25 =	simm.s32 $0x12800;
	[tilespmem:v12+s16+$0x0] =	vst.idx.msk vm0, v9  }
0x81: {  	[tilespmem:v8+s25+$0x0] =	vst.idx.msk $0xffff, v3  }
0x82: {  	[tilespmem:$0x12F00] =	vst v2  }
0x83: {  	[tilespmem:$0x12F10] =	vst v4  }
0x84: {  	p1 =	sne.s32 s24, $0x1  }
.Ltmp6:
0x85: {  	_ = 	snop;
	(pc) =	sbr.rel @!p1 .LBB2_7-.Ltmp6, $2  }
0x86: {  	_ =	sdelay $0x2  }
0x87: {  	v9 =	vld [tilespmem:s25+$0x0];
	s28 =	sadd.s32 $0xFFFFFFFF, s24  }
.LBB2_6:
0x88: {  	p1 =	sne.s32 s28, $0x1;
	_ =	sdelay $0x3  }
0x89: {  	v9 =	vshra.s32 v9, $0x9  }
0x8a: {  	(xrf1) =	vunique.msk.u32 $0xffff, v9;
	_ =	sdelay $0xc  }
0x8b: {  	v10 =	vld.idx.msk [tilespmem:v9+s17+$0x0], $0xffff  }
0x8c: {  	_, v11, vm0 =	vpop (xrf1);
	_ =	sdelay $0x2  }
.Ltmp7:
0x8d: {  	(pc) =	sbr.rel @p1 .LBB2_6-.Ltmp7, $4  }
0x8e: {  	_ = 	snop  }
0x8f: {  	v10 =	vadd.s32 v10, v11  }
0x90: {  	s25 =	sadd.s32 $0x10, s25;
	[tilespmem:v9+s17+$0x0] =	vst.idx.msk vm0, v10  }
0x91: {  	s28 =	sadd.s32 $0xFFFFFFFF, s28;
	v9 =	vld [tilespmem:s25+$0x0]  }
.LBB2_7:
0x92: {  	_ =	sdelay $0x3  }
0x93: {  	v9 =	vshra.s32 v9, $0x9  }
0x94: {  	(xrf1) =	vunique.msk.u32 $0xffff, v9;
	_ =	sdelay $0xd  }
0x95: {  	v10 =	vld.idx.msk [tilespmem:v9+s17+$0x0], $0xffff;
	_, v11, vm0 =	vpop (xrf1);
	_ =	sdelay $0x4  }
0x96: {  	v10 =	vadd.s32 v10, v11  }
0x97: {  	[tilespmem:v9+s17+$0x0] =	vst.idx.msk vm0, v10  }
0x98: {  	v9 =	vld [tilespmem:$0x12F00];
	_ =	sdelay $0x4  }
0x99: {  	(xrf0) =	vadd.scan.msk.s32 $0xffff, v9;
	_ =	sdelay $0x3  }
0x9a: {  	p1 =	seq.s32 s24, $0x1  }
.Ltmp8:
0x9b: {  	_ = 	snop;
	(pc) =	sbr.rel @p1 .LBB2_9-.Ltmp8, $4  }
0x9c: {  	v10, _, _ =	vpop (xrf0)  }
0x9d: {  	[tilespmem:$0x12F10] =	vst v4;
	v11 =	vsub.s32 v10, v9  }
0x9e: {  	s25 =	simm.s32 $0x12F80;
	[tilespmem:$0x12F00] =	vst v11  }
0x9f: {  	s28 =	sadd.s32 $0xFFFFFFFF, s24;
	[tilespmem:s25+$0x0] =	vst v5  }
.LBB2_8:
0xa0: {  	p1 =	seq.s32 s28, $0x1  }
.Ltmp9:
0xa1: {  	_ = 	snop;
	(pc) =	sbr.rel @!p1 .LBB2_8-.Ltmp9, $3  }
0xa2: {  	_ =	sdelay $0x1  }
0xa3: {  	s28 =	sadd.s32 $0xFFFFFFFF, s28;
	s25 =	sadd.s32 $0x10, s25  }
0xa4: {  	[tilespmem:s25+$0x0] =	vst v5  }
.LBB2_9:
0xa5: {  	vm0 =	vgt.s32 v9, $0x0  }
0xa6: {  	v9 =	vadd.s32 $0xFFFFFFFF, v10;
	_ =	sdelay $0x1  }
0xa7: {  	p1 =	sne.s32 s24, $0x1  }
.Ltmp10:
0xa8: {  	_ = 	snop;
	(pc) =	sbr.rel @!p1 .LBB2_11-.Ltmp10, $4  }
0xa9: {  	_ = 	snop  }
0xaa: {  	s25 =	simm.s32 $0x12800;
	[tilespmem:v9+s18+$0x0] =	vst.idx.msk vm0, v1  }
0xab: {  	v9 =	vld [tilespmem:s25+$0x0]  }
0xac: {  	s28 =	sadd.s32 $0xFFFFFFFF, s24  }
.LBB2_10:
0xad: {  	p1 =	sne.s32 s28, $0x1;
	_ =	sdelay $0x2  }
0xae: {  	v10 =	vshra.s32 v9, $0x9  }
0xaf: {  	(xrf1) =	vunique.msk.u32 $0xffff, v10;
	_ =	sdelay $0x8  }
0xb0: {  	v11 =	vld.idx.msk [tilespmem:v10+s17+$0x0], $0xffff;
	_ =	sdelay $0x4  }
0xb1: {  	_, v12, vm0 =	vpop (xrf1)  }
0xb2: {  	v11 =	vadd.s32 v11, v12  }
0xb3: {  	v12 =	vadd.s32 $0xFFFFFFFF, v11;
	_ =	sdelay $0x3  }
.Ltmp11:
0xb4: {  	v9 =	vand.u32 $0x1FF, v9;
	(pc) =	sbr.rel @p1 .LBB2_10-.Ltmp11, $4  }
0xb5: {  	[tilespmem:v12+s19+$0x0] =	vst.idx.msk $0xffff, v9  }
0xb6: {  	s25 =	sadd.s32 $0x10, s25;
	[tilespmem:v10+s17+$0x0] =	vst.idx.msk vm0, v11  }
0xb7: {  	v9 =	vld [tilespmem:s25+$0x0]  }
0xb8: {  	s28 =	sadd.s32 $0xFFFFFFFF, s28  }
.LBB2_11:
0xb9: {  	_ =	sdelay $0x2  }
0xba: {  	v10 =	vshra.s32 v9, $0x9  }
0xbb: {  	(xrf1) =	vunique.msk.u32 $0xffff, v10;
	_ =	sdelay $0x9  }
0xbc: {  	v11 =	vld.idx.msk [tilespmem:v10+s17+$0x0], $0xffff;
	_ =	sdelay $0x3  }
0xbd: {  	_, v12, vm0 =	vpop (xrf1)  }
0xbe: {  	v11 =	vadd.s32 v11, v12  }
0xbf: {  	v12 =	vadd.s32 $0xFFFFFFFF, v11;
	_ =	sdelay $0x1  }
.Ltmp12:
0xc0: {  	_ = 	snop;
	(pc) =	sbr.rel .LBB2_12-.Ltmp12, $4  }
0xc1: {  	_ = 	snop  }
0xc2: {  	v9 =	vand.u32 $0x1FF, v9  }
0xc3: {  	[tilespmem:v12+s19+$0x0] =	vst.idx.msk $0xffff, v9  }
0xc4: {  	[tilespmem:v10+s17+$0x0] =	vst.idx.msk vm0, v11  }
.LBB2_20:
0xc5: {  	v9 =	vld [tilespmem:$0x12F00];
	_ =	sdelay $0x4  }
0xc6: {  	(xrf0) =	vadd.scan.msk.s32 $0xffff, v9;
	_ =	sdelay $0x5  }
0xc7: {  	vm0 =	vgt.s32 v9, $0x0;
	v10, _, _ =	vpop (xrf0)  }
0xc8: {  	v11 =	vadd.s32 $0xFFFFFFFF, v10;
	_ =	sdelay $0x2  }
0xc9: {  	v9 =	vsub.s32 v10, v9  }
0xca: {  	[tilespmem:$0x12F00] =	vst v9  }
0xcb: {  	[tilespmem:v11+s18+$0x0] =	vst.idx.msk vm0, v1  }
.LBB2_12:
0xcc: {  	_ =	sdelay $0x3  }
0xcd: {  	[tilespmem:v8+s19+$0x0] =	vst.idx.msk $0xffff, v6;
	v8 =	vmov s26;
	_ =	sdelay $0x3  }
0xce: {  	s26 =	simm.s32 $0x0  }
0xcf: {  	[tilespmem:v8+s26+$0xFFFFFFC0 ss:$0x1] =	vst.idx.msk $0xffff, v7  }
0xd0: {  	[tilespmem:v8+s26+$0xFFFFFFD0 ss:$0x1] =	vst.idx.msk $0xffff, v7  }
0xd1: {  	[tilespmem:v8+s26+$0xFFFFFFE0 ss:$0x1] =	vst.idx.msk $0xffff, v7  }
0xd2: {  	[tilespmem:v8+s26+$0xFFFFFFF0 ss:$0x1] =	vst.idx.msk $0xffff, v7  }
0xd3: {  	[tilespmem:v8+s26+$0x0 ss:$0x1] =	vst.idx.msk $0xffff, v7  }
0xd4: {  	[tilespmem:v8+s26+$0x10 ss:$0x1] =	vst.idx.msk $0xffff, v7  }
0xd5: {  	s25 =	sand.u32 $0x3, s22;
	s28 =	simm.s32 $0x200;
	[tilespmem:v8+s26+$0x20 ss:$0x1] =	vst.idx.msk $0xffff, v7  }
.LBB2_13:
0xd6: {  	p1 =	seq.s32 s28, $0x1E00;
	[tilespmem:v8+s26+$0x30 ss:$0x1] =	vst.idx.msk $0xffff, v7;
	s26 =	sshra.s32 s28, $0x2;
	s28 =	sadd.s32 $0x200, s28  }
0xd7: {  	[tilespmem:v8+s26+$0xFFFFFFC0 ss:$0x1] =	vst.idx.msk $0xffff, v7  }
0xd8: {  	[tilespmem:v8+s26+$0xFFFFFFD0 ss:$0x1] =	vst.idx.msk $0xffff, v7  }
.Ltmp13:
0xd9: {  	[tilespmem:v8+s26+$0xFFFFFFE0 ss:$0x1] =	vst.idx.msk $0xffff, v7;
	(pc) =	sbr.rel @!p1 .LBB2_13-.Ltmp13, $4  }
0xda: {  	[tilespmem:v8+s26+$0xFFFFFFF0 ss:$0x1] =	vst.idx.msk $0xffff, v7  }
0xdb: {  	[tilespmem:v8+s26+$0x0 ss:$0x1] =	vst.idx.msk $0xffff, v7  }
0xdc: {  	[tilespmem:v8+s26+$0x10 ss:$0x1] =	vst.idx.msk $0xffff, v7  }
0xdd: {  	[tilespmem:v8+s26+$0x20 ss:$0x1] =	vst.idx.msk $0xffff, v7  }
.Ltmp14:
0xde: {  	_ = 	snop;
	(pc) =	sbr.rel @p0 .LBB2_17-.Ltmp14, $2  }
0xdf: {  	_ =	sdelay $0x2  }
0xe0: {  	[tilespmem:v8+s26+$0x30 ss:$0x1] =	vst.idx.msk $0xffff, v7  }
0xe1: {  	v10 =	vimm.f32 $-3.000000010e+38;
	v11 =	vimm.f32 $-3.000000010e+38  }
0xe2: {  	v12 =	vimm.f32 $-3.000000010e+38;
	v13 =	vimm.f32 $-3.000000010e+38;
	v14 =	vimm.f32 $-3.000000010e+38  }
0xe3: {  	s26 =	sshll.u32 s25, $0x4;
	s28 =	simm.s32 $0x12A80;
	s29 =	simm.s32 $0x12F80;
	v15 =	vimm.f32 $-3.000000010e+38;
	v16 =	vimm.f32 $-3.000000010e+38;
	v17 =	vimm.f32 $-3.000000010e+38  }
.LBB2_16:
0xe4: {  	v8 =	vld [tilespmem:s28+$0x0];
	_ =	sdelay $0x4  }
0xe5: {  	v8 =	vshll.u32 v8, $0x9  }
0xe6: {  	v9 =	vshra.s32 v8, $0x2;
	v8 =	vld [tilespmem:s29+$0x0]  }
0xe7: {  	(v2sf) =	vpush v9, $0x0;
	_ =	sdelay $0x3  }
0xe8: {  	(v2sf) =	vpush v8, $0x0;
	_ =	sdelay $0xa  }
0xe9: {  	s30 =	spop (v2sf);
	(v2sf) =	vpush v9, $0x1  }
0xea: {  	v18 =	vld [tilespmem:s30+$0x2400]  }
0xeb: {  	v19 =	vld [tilespmem:s30+$0x2410]  }
0xec: {  	v20 =	vld [tilespmem:s30+$0x2420]  }
0xed: {  	v21 =	vld [tilespmem:s30+$0x2430];
	s31 =	spop (v2sf);
	(v2sf) =	vpush v8, $0x1  }
0xee: {  	v22 =	vld [tilespmem:s30+$0x2440];
	s0 =	sadd.s32 s26, s31  }
0xef: {  	v23 =	vld [tilespmem:s30+$0x2450];
	p1 =	slt.s32 s31, $0x10;
	s0 =	sshll.u32 s0, $0x7  }
0xf0: {  	v24 =	vld [tilespmem:s30+$0x2460];
	v17 =	vmax.f32 v17, v18;
	s0 =	simm.s32 @!p1 $0x2000  }
0xf1: {  	v18 =	vld [tilespmem:s30+$0x2470];
	v16 =	vmax.f32 v16, v19;
	[tilespmem:s0+$0x13200] =	vst v17  }
0xf2: {  	v15 =	vmax.f32 v15, v20;
	[tilespmem:s0+$0x13210] =	vst v16  }
0xf3: {  	v14 =	vmax.f32 v14, v21;
	[tilespmem:s0+$0x13220] =	vst v15  }
0xf4: {  	v13 =	vmax.f32 v13, v22;
	[tilespmem:s0+$0x13230] =	vst v14  }
0xf5: {  	v12 =	vmax.f32 v12, v23;
	[tilespmem:s0+$0x13240] =	vst v13  }
0xf6: {  	v11 =	vmax.f32 v11, v24;
	[tilespmem:s0+$0x13250] =	vst v12  }
0xf7: {  	[tilespmem:s0+$0x13260] =	vst v11;
	v10 =	vmax.f32 v10, v18  }
0xf8: {  	[tilespmem:s0+$0x13270] =	vst v10;
	s0 =	spop (v2sf);
	(v2sf) =	vpush v9, $0x2  }
0xf9: {  	v18 =	vld [tilespmem:s0+$0x2400]  }
0xfa: {  	v19 =	vld [tilespmem:s0+$0x2410]  }
0xfb: {  	v28 =	vld [tilespmem:s0+$0x2420]  }
0xfc: {  	v29 =	vld [tilespmem:s0+$0x2430];
	s30 =	spop (v2sf);
	(v2sf) =	vpush v8, $0x2  }
0xfd: {  	v30 =	vld [tilespmem:s0+$0x2440];
	s31 =	sadd.s32 s26, s30  }
0xfe: {  	v17 =	vpsel p1, $0xFF61B1E6, v17;
	v31 =	vld [tilespmem:s0+$0x2450];
	p0 =	slt.s32 s30, $0x10;
	s30 =	sshll.u32 s31, $0x7  }
0xff: {  	v16 =	vpsel p1, $0xFF61B1E6, v16;
	v32 =	vld [tilespmem:s0+$0x2460];
	v17 =	vmax.f32 v17, v18;
	s30 =	simm.s32 @!p0 $0x2000  }
0x100: {  	v15 =	vpsel p1, $0xFF61B1E6, v15;
	v18 =	vld [tilespmem:s0+$0x2470];
	v16 =	vmax.f32 v16, v19;
	[tilespmem:s30+$0x13200] =	vst v17  }
0x101: {  	v14 =	vpsel p1, $0xFF61B1E6, v14;
	v15 =	vmax.f32 v15, v28;
	[tilespmem:s30+$0x13210] =	vst v16  }
0x102: {  	v13 =	vpsel p1, $0xFF61B1E6, v13;
	v14 =	vmax.f32 v14, v29;
	[tilespmem:s30+$0x13220] =	vst v15  }
0x103: {  	v12 =	vpsel p1, $0xFF61B1E6, v12;
	v13 =	vmax.f32 v13, v30;
	[tilespmem:s30+$0x13230] =	vst v14  }
0x104: {  	v11 =	vpsel p1, $0xFF61B1E6, v11;
	v12 =	vmax.f32 v12, v31;
	[tilespmem:s30+$0x13240] =	vst v13  }
0x105: {  	v10 =	vpsel p1, $0xFF61B1E6, v10;
	v11 =	vmax.f32 v11, v32;
	[tilespmem:s30+$0x13250] =	vst v12  }
0x106: {  	[tilespmem:s30+$0x13260] =	vst v11;
	v10 =	vmax.f32 v10, v18  }
0x107: {  	[tilespmem:s30+$0x13270] =	vst v10;
	s0 =	spop (v2sf);
	(v2sf) =	vpush v9, $0x3  }
0x108: {  	v18 =	vld [tilespmem:s0+$0x2400]  }
0x109: {  	v19 =	vld [tilespmem:s0+$0x2410]  }
0x10a: {  	v33 =	vld [tilespmem:s0+$0x2420]  }
0x10b: {  	v34 =	vld [tilespmem:s0+$0x2430];
	s30 =	spop (v2sf);
	(v2sf) =	vpush v8, $0x3  }
0x10c: {  	v35 =	vld [tilespmem:s0+$0x2440];
	s31 =	sadd.s32 s26, s30  }
0x10d: {  	v17 =	vpsel p0, $0xFF61B1E6, v17;
	v36 =	vld [tilespmem:s0+$0x2450];
	p1 =	slt.s32 s30, $0x10;
	s30 =	sshll.u32 s31, $0x7  }
0x10e: {  	v16 =	vpsel p0, $0xFF61B1E6, v16;
	v37 =	vld [tilespmem:s0+$0x2460];
	v17 =	vmax.f32 v17, v18;
	s30 =	simm.s32 @!p1 $0x2000  }
0x10f: {  	v15 =	vpsel p0, $0xFF61B1E6, v15;
	v18 =	vld [tilespmem:s0+$0x2470];
	v16 =	vmax.f32 v16, v19;
	[tilespmem:s30+$0x13200] =	vst v17  }
0x110: {  	v14 =	vpsel p0, $0xFF61B1E6, v14;
	v15 =	vmax.f32 v15, v33;
	[tilespmem:s30+$0x13210] =	vst v16  }
0x111: {  	v13 =	vpsel p0, $0xFF61B1E6, v13;
	v14 =	vmax.f32 v14, v34;
	[tilespmem:s30+$0x13220] =	vst v15  }
0x112: {  	v12 =	vpsel p0, $0xFF61B1E6, v12;
	v13 =	vmax.f32 v13, v35;
	[tilespmem:s30+$0x13230] =	vst v14  }
0x113: {  	v11 =	vpsel p0, $0xFF61B1E6, v11;
	v12 =	vmax.f32 v12, v36;
	[tilespmem:s30+$0x13240] =	vst v13  }
0x114: {  	v10 =	vpsel p0, $0xFF61B1E6, v10;
	v11 =	vmax.f32 v11, v37;
	[tilespmem:s30+$0x13250] =	vst v12  }
0x115: {  	[tilespmem:s30+$0x13260] =	vst v11;
	v10 =	vmax.f32 v10, v18  }
0x116: {  	[tilespmem:s30+$0x13270] =	vst v10;
	s0 =	spop (v2sf);
	(v2sf) =	vpush v9, $0x4  }
0x117: {  	v18 =	vld [tilespmem:s0+$0x2400]  }
0x118: {  	v19 =	vld [tilespmem:s0+$0x2410]  }
0x119: {  	v38 =	vld [tilespmem:s0+$0x2420]  }
0x11a: {  	v39 =	vld [tilespmem:s0+$0x2430];
	s30 =	spop (v2sf);
	(v2sf) =	vpush v8, $0x4  }
0x11b: {  	v40 =	vld [tilespmem:s0+$0x2440];
	s31 =	sadd.s32 s26, s30  }
0x11c: {  	v17 =	vpsel p1, $0xFF61B1E6, v17;
	v41 =	vld [tilespmem:s0+$0x2450];
	p0 =	slt.s32 s30, $0x10;
	s30 =	sshll.u32 s31, $0x7  }
0x11d: {  	v16 =	vpsel p1, $0xFF61B1E6, v16;
	v42 =	vld [tilespmem:s0+$0x2460];
	v17 =	vmax.f32 v17, v18;
	s30 =	simm.s32 @!p0 $0x2000  }
0x11e: {  	v15 =	vpsel p1, $0xFF61B1E6, v15;
	v18 =	vld [tilespmem:s0+$0x2470];
	v16 =	vmax.f32 v16, v19;
	[tilespmem:s30+$0x13200] =	vst v17  }
0x11f: {  	v14 =	vpsel p1, $0xFF61B1E6, v14;
	v15 =	vmax.f32 v15, v38;
	[tilespmem:s30+$0x13210] =	vst v16  }
0x120: {  	v13 =	vpsel p1, $0xFF61B1E6, v13;
	v14 =	vmax.f32 v14, v39;
	[tilespmem:s30+$0x13220] =	vst v15  }
0x121: {  	v12 =	vpsel p1, $0xFF61B1E6, v12;
	v13 =	vmax.f32 v13, v40;
	[tilespmem:s30+$0x13230] =	vst v14  }
0x122: {  	v11 =	vpsel p1, $0xFF61B1E6, v11;
	v12 =	vmax.f32 v12, v41;
	[tilespmem:s30+$0x13240] =	vst v13  }
0x123: {  	v10 =	vpsel p1, $0xFF61B1E6, v10;
	v11 =	vmax.f32 v11, v42;
	[tilespmem:s30+$0x13250] =	vst v12  }
0x124: {  	[tilespmem:s30+$0x13260] =	vst v11;
	v10 =	vmax.f32 v10, v18  }
0x125: {  	[tilespmem:s30+$0x13270] =	vst v10;
	s0 =	spop (v2sf);
	(v2sf) =	vpush v9, $0x5  }
0x126: {  	v18 =	vld [tilespmem:s0+$0x2400]  }
0x127: {  	v19 =	vld [tilespmem:s0+$0x2410]  }
0x128: {  	v43 =	vld [tilespmem:s0+$0x2420]  }
0x129: {  	v44 =	vld [tilespmem:s0+$0x2430];
	s30 =	spop (v2sf);
	(v2sf) =	vpush v8, $0x5  }
0x12a: {  	v45 =	vld [tilespmem:s0+$0x2440];
	s31 =	sadd.s32 s26, s30  }
0x12b: {  	v17 =	vpsel p0, $0xFF61B1E6, v17;
	v46 =	vld [tilespmem:s0+$0x2450];
	p1 =	slt.s32 s30, $0x10;
	s30 =	sshll.u32 s31, $0x7  }
0x12c: {  	v16 =	vpsel p0, $0xFF61B1E6, v16;
	v47 =	vld [tilespmem:s0+$0x2460];
	v17 =	vmax.f32 v17, v18;
	s30 =	simm.s32 @!p1 $0x2000  }
0x12d: {  	v15 =	vpsel p0, $0xFF61B1E6, v15;
	v18 =	vld [tilespmem:s0+$0x2470];
	v16 =	vmax.f32 v16, v19;
	[tilespmem:s30+$0x13200] =	vst v17  }
0x12e: {  	v14 =	vpsel p0, $0xFF61B1E6, v14;
	v15 =	vmax.f32 v15, v43;
	[tilespmem:s30+$0x13210] =	vst v16  }
0x12f: {  	v13 =	vpsel p0, $0xFF61B1E6, v13;
	v14 =	vmax.f32 v14, v44;
	[tilespmem:s30+$0x13220] =	vst v15  }
0x130: {  	v12 =	vpsel p0, $0xFF61B1E6, v12;
	v13 =	vmax.f32 v13, v45;
	[tilespmem:s30+$0x13230] =	vst v14  }
0x131: {  	v11 =	vpsel p0, $0xFF61B1E6, v11;
	v12 =	vmax.f32 v12, v46;
	[tilespmem:s30+$0x13240] =	vst v13  }
0x132: {  	v10 =	vpsel p0, $0xFF61B1E6, v10;
	v11 =	vmax.f32 v11, v47;
	[tilespmem:s30+$0x13250] =	vst v12  }
0x133: {  	[tilespmem:s30+$0x13260] =	vst v11;
	v10 =	vmax.f32 v10, v18  }
0x134: {  	[tilespmem:s30+$0x13270] =	vst v10;
	s0 =	spop (v2sf);
	(v2sf) =	vpush v9, $0x6  }
0x135: {  	v18 =	vld [tilespmem:s0+$0x2400]  }
0x136: {  	v19 =	vld [tilespmem:s0+$0x2410]  }
0x137: {  	v48 =	vld [tilespmem:s0+$0x2420]  }
0x138: {  	v49 =	vld [tilespmem:s0+$0x2430];
	s30 =	spop (v2sf);
	(v2sf) =	vpush v8, $0x6  }
0x139: {  	v50 =	vld [tilespmem:s0+$0x2440];
	s31 =	sadd.s32 s26, s30  }
0x13a: {  	v17 =	vpsel p1, $0xFF61B1E6, v17;
	v51 =	vld [tilespmem:s0+$0x2450];
	p0 =	slt.s32 s30, $0x10;
	s30 =	sshll.u32 s31, $0x7  }
0x13b: {  	v16 =	vpsel p1, $0xFF61B1E6, v16;
	v52 =	vld [tilespmem:s0+$0x2460];
	v17 =	vmax.f32 v17, v18;
	s30 =	simm.s32 @!p0 $0x2000  }
0x13c: {  	v15 =	vpsel p1, $0xFF61B1E6, v15;
	v18 =	vld [tilespmem:s0+$0x2470];
	v16 =	vmax.f32 v16, v19;
	[tilespmem:s30+$0x13200] =	vst v17  }
0x13d: {  	v14 =	vpsel p1, $0xFF61B1E6, v14;
	v15 =	vmax.f32 v15, v48;
	[tilespmem:s30+$0x13210] =	vst v16  }
0x13e: {  	v13 =	vpsel p1, $0xFF61B1E6, v13;
	v14 =	vmax.f32 v14, v49;
	[tilespmem:s30+$0x13220] =	vst v15  }
0x13f: {  	v12 =	vpsel p1, $0xFF61B1E6, v12;
	v13 =	vmax.f32 v13, v50;
	[tilespmem:s30+$0x13230] =	vst v14  }
0x140: {  	v11 =	vpsel p1, $0xFF61B1E6, v11;
	v12 =	vmax.f32 v12, v51;
	[tilespmem:s30+$0x13240] =	vst v13  }
0x141: {  	v10 =	vpsel p1, $0xFF61B1E6, v10;
	v11 =	vmax.f32 v11, v52;
	[tilespmem:s30+$0x13250] =	vst v12  }
0x142: {  	[tilespmem:s30+$0x13260] =	vst v11;
	v10 =	vmax.f32 v10, v18  }
0x143: {  	[tilespmem:s30+$0x13270] =	vst v10;
	s0 =	spop (v2sf);
	(v2sf) =	vpush v9, $0x7  }
0x144: {  	v18 =	vld [tilespmem:s0+$0x2400]  }
0x145: {  	v19 =	vld [tilespmem:s0+$0x2410]  }
0x146: {  	v53 =	vld [tilespmem:s0+$0x2420]  }
0x147: {  	v54 =	vld [tilespmem:s0+$0x2430];
	s30 =	spop (v2sf);
	(v2sf) =	vpush v8, $0x7  }
0x148: {  	v55 =	vld [tilespmem:s0+$0x2440];
	s31 =	sadd.s32 s26, s30  }
0x149: {  	v17 =	vpsel p0, $0xFF61B1E6, v17;
	v56 =	vld [tilespmem:s0+$0x2450];
	p1 =	slt.s32 s30, $0x10;
	s30 =	sshll.u32 s31, $0x7  }
0x14a: {  	v16 =	vpsel p0, $0xFF61B1E6, v16;
	v57 =	vld [tilespmem:s0+$0x2460];
	v17 =	vmax.f32 v17, v18;
	s30 =	simm.s32 @!p1 $0x2000  }
0x14b: {  	v15 =	vpsel p0, $0xFF61B1E6, v15;
	v18 =	vld [tilespmem:s0+$0x2470];
	v16 =	vmax.f32 v16, v19;
	[tilespmem:s30+$0x13200] =	vst v17  }
0x14c: {  	v14 =	vpsel p0, $0xFF61B1E6, v14;
	v15 =	vmax.f32 v15, v53;
	[tilespmem:s30+$0x13210] =	vst v16  }
0x14d: {  	v13 =	vpsel p0, $0xFF61B1E6, v13;
	v14 =	vmax.f32 v14, v54;
	[tilespmem:s30+$0x13220] =	vst v15  }
0x14e: {  	v12 =	vpsel p0, $0xFF61B1E6, v12;
	v13 =	vmax.f32 v13, v55;
	[tilespmem:s30+$0x13230] =	vst v14  }
0x14f: {  	v11 =	vpsel p0, $0xFF61B1E6, v11;
	v12 =	vmax.f32 v12, v56;
	[tilespmem:s30+$0x13240] =	vst v13  }
0x150: {  	v10 =	vpsel p0, $0xFF61B1E6, v10;
	v11 =	vmax.f32 v11, v57;
	[tilespmem:s30+$0x13250] =	vst v12  }
0x151: {  	[tilespmem:s30+$0x13260] =	vst v11;
	v10 =	vmax.f32 v10, v18  }
0x152: {  	[tilespmem:s30+$0x13270] =	vst v10;
	s0 =	spop (v2sf);
	(v2sf) =	vpush v9, $0x8  }
0x153: {  	v18 =	vld [tilespmem:s0+$0x2400]  }
0x154: {  	v19 =	vld [tilespmem:s0+$0x2410]  }
0x155: {  	v58 =	vld [tilespmem:s0+$0x2420]  }
0x156: {  	v59 =	vld [tilespmem:s0+$0x2430];
	s30 =	spop (v2sf);
	(v2sf) =	vpush v8, $0x8  }
0x157: {  	v60 =	vld [tilespmem:s0+$0x2440];
	s31 =	sadd.s32 s26, s30  }
0x158: {  	v17 =	vpsel p1, $0xFF61B1E6, v17;
	v61 =	vld [tilespmem:s0+$0x2450];
	p0 =	slt.s32 s30, $0x10;
	s30 =	sshll.u32 s31, $0x7  }
0x159: {  	v16 =	vpsel p1, $0xFF61B1E6, v16;
	v62 =	vld [tilespmem:s0+$0x2460];
	v17 =	vmax.f32 v17, v18;
	s30 =	simm.s32 @!p0 $0x2000  }
0x15a: {  	v15 =	vpsel p1, $0xFF61B1E6, v15;
	v18 =	vld [tilespmem:s0+$0x2470];
	v16 =	vmax.f32 v16, v19;
	[tilespmem:s30+$0x13200] =	vst v17  }
0x15b: {  	v14 =	vpsel p1, $0xFF61B1E6, v14;
	v15 =	vmax.f32 v15, v58;
	[tilespmem:s30+$0x13210] =	vst v16  }
0x15c: {  	v13 =	vpsel p1, $0xFF61B1E6, v13;
	v14 =	vmax.f32 v14, v59;
	[tilespmem:s30+$0x13220] =	vst v15  }
0x15d: {  	v12 =	vpsel p1, $0xFF61B1E6, v12;
	v13 =	vmax.f32 v13, v60;
	[tilespmem:s30+$0x13230] =	vst v14  }
0x15e: {  	v11 =	vpsel p1, $0xFF61B1E6, v11;
	v12 =	vmax.f32 v12, v61;
	[tilespmem:s30+$0x13240] =	vst v13  }
0x15f: {  	v10 =	vpsel p1, $0xFF61B1E6, v10;
	v11 =	vmax.f32 v11, v62;
	[tilespmem:s30+$0x13250] =	vst v12  }
0x160: {  	[tilespmem:s30+$0x13260] =	vst v11;
	v10 =	vmax.f32 v10, v18  }
0x161: {  	[tilespmem:s30+$0x13270] =	vst v10;
	s0 =	spop (v2sf);
	(v2sf) =	vpush v9, $0x9  }
0x162: {  	v18 =	vld [tilespmem:s0+$0x2400]  }
0x163: {  	v19 =	vld [tilespmem:s0+$0x2410]  }
0x164: {  	v63 =	vld [tilespmem:s0+$0x2420]  }
0x165: {  	v28 =	vld [tilespmem:s0+$0x2430];
	s30 =	spop (v2sf);
	(v2sf) =	vpush v8, $0x9  }
0x166: {  	v29 =	vld [tilespmem:s0+$0x2440];
	s31 =	sadd.s32 s26, s30  }
0x167: {  	v17 =	vpsel p0, $0xFF61B1E6, v17;
	v30 =	vld [tilespmem:s0+$0x2450];
	p1 =	slt.s32 s30, $0x10;
	s30 =	sshll.u32 s31, $0x7  }
0x168: {  	v16 =	vpsel p0, $0xFF61B1E6, v16;
	v31 =	vld [tilespmem:s0+$0x2460];
	v17 =	vmax.f32 v17, v18;
	s30 =	simm.s32 @!p1 $0x2000  }
0x169: {  	v15 =	vpsel p0, $0xFF61B1E6, v15;
	v18 =	vld [tilespmem:s0+$0x2470];
	v16 =	vmax.f32 v16, v19;
	[tilespmem:s30+$0x13200] =	vst v17  }
0x16a: {  	v14 =	vpsel p0, $0xFF61B1E6, v14;
	v15 =	vmax.f32 v15, v63;
	[tilespmem:s30+$0x13210] =	vst v16  }
0x16b: {  	v13 =	vpsel p0, $0xFF61B1E6, v13;
	v14 =	vmax.f32 v14, v28;
	[tilespmem:s30+$0x13220] =	vst v15  }
0x16c: {  	v12 =	vpsel p0, $0xFF61B1E6, v12;
	v13 =	vmax.f32 v13, v29;
	[tilespmem:s30+$0x13230] =	vst v14  }
0x16d: {  	v11 =	vpsel p0, $0xFF61B1E6, v11;
	v12 =	vmax.f32 v12, v30;
	[tilespmem:s30+$0x13240] =	vst v13  }
0x16e: {  	v10 =	vpsel p0, $0xFF61B1E6, v10;
	v11 =	vmax.f32 v11, v31;
	[tilespmem:s30+$0x13250] =	vst v12  }
0x16f: {  	[tilespmem:s30+$0x13260] =	vst v11;
	v10 =	vmax.f32 v10, v18  }
0x170: {  	[tilespmem:s30+$0x13270] =	vst v10;
	s0 =	spop (v2sf);
	(v2sf) =	vpush v9, $0xA  }
0x171: {  	v18 =	vld [tilespmem:s0+$0x2400]  }
0x172: {  	v19 =	vld [tilespmem:s0+$0x2410]  }
0x173: {  	v32 =	vld [tilespmem:s0+$0x2420]  }
0x174: {  	v33 =	vld [tilespmem:s0+$0x2430];
	s30 =	spop (v2sf);
	(v2sf) =	vpush v8, $0xA  }
0x175: {  	v34 =	vld [tilespmem:s0+$0x2440];
	s31 =	sadd.s32 s26, s30  }
0x176: {  	v17 =	vpsel p1, $0xFF61B1E6, v17;
	v35 =	vld [tilespmem:s0+$0x2450];
	p0 =	slt.s32 s30, $0x10;
	s30 =	sshll.u32 s31, $0x7  }
0x177: {  	v16 =	vpsel p1, $0xFF61B1E6, v16;
	v36 =	vld [tilespmem:s0+$0x2460];
	v17 =	vmax.f32 v17, v18;
	s30 =	simm.s32 @!p0 $0x2000  }
0x178: {  	v15 =	vpsel p1, $0xFF61B1E6, v15;
	v18 =	vld [tilespmem:s0+$0x2470];
	v16 =	vmax.f32 v16, v19;
	[tilespmem:s30+$0x13200] =	vst v17  }
0x179: {  	v14 =	vpsel p1, $0xFF61B1E6, v14;
	v15 =	vmax.f32 v15, v32;
	[tilespmem:s30+$0x13210] =	vst v16  }
0x17a: {  	v13 =	vpsel p1, $0xFF61B1E6, v13;
	v14 =	vmax.f32 v14, v33;
	[tilespmem:s30+$0x13220] =	vst v15  }
0x17b: {  	v12 =	vpsel p1, $0xFF61B1E6, v12;
	v13 =	vmax.f32 v13, v34;
	[tilespmem:s30+$0x13230] =	vst v14  }
0x17c: {  	v11 =	vpsel p1, $0xFF61B1E6, v11;
	v12 =	vmax.f32 v12, v35;
	[tilespmem:s30+$0x13240] =	vst v13  }
0x17d: {  	v10 =	vpsel p1, $0xFF61B1E6, v10;
	v11 =	vmax.f32 v11, v36;
	[tilespmem:s30+$0x13250] =	vst v12  }
0x17e: {  	[tilespmem:s30+$0x13260] =	vst v11;
	v10 =	vmax.f32 v10, v18  }
0x17f: {  	[tilespmem:s30+$0x13270] =	vst v10;
	s0 =	spop (v2sf);
	(v2sf) =	vpush v9, $0xB  }
0x180: {  	v18 =	vld [tilespmem:s0+$0x2400]  }
0x181: {  	v19 =	vld [tilespmem:s0+$0x2410]  }
0x182: {  	v37 =	vld [tilespmem:s0+$0x2420]  }
0x183: {  	v38 =	vld [tilespmem:s0+$0x2430];
	s30 =	spop (v2sf);
	(v2sf) =	vpush v8, $0xB  }
0x184: {  	v39 =	vld [tilespmem:s0+$0x2440];
	s31 =	sadd.s32 s26, s30  }
0x185: {  	v17 =	vpsel p0, $0xFF61B1E6, v17;
	v40 =	vld [tilespmem:s0+$0x2450];
	p1 =	slt.s32 s30, $0x10;
	s30 =	sshll.u32 s31, $0x7  }
0x186: {  	v16 =	vpsel p0, $0xFF61B1E6, v16;
	v41 =	vld [tilespmem:s0+$0x2460];
	v17 =	vmax.f32 v17, v18;
	s30 =	simm.s32 @!p1 $0x2000  }
0x187: {  	v15 =	vpsel p0, $0xFF61B1E6, v15;
	v18 =	vld [tilespmem:s0+$0x2470];
	v16 =	vmax.f32 v16, v19;
	[tilespmem:s30+$0x13200] =	vst v17  }
0x188: {  	v14 =	vpsel p0, $0xFF61B1E6, v14;
	v15 =	vmax.f32 v15, v37;
	[tilespmem:s30+$0x13210] =	vst v16  }
0x189: {  	v13 =	vpsel p0, $0xFF61B1E6, v13;
	v14 =	vmax.f32 v14, v38;
	[tilespmem:s30+$0x13220] =	vst v15  }
0x18a: {  	v12 =	vpsel p0, $0xFF61B1E6, v12;
	v13 =	vmax.f32 v13, v39;
	[tilespmem:s30+$0x13230] =	vst v14  }
0x18b: {  	v11 =	vpsel p0, $0xFF61B1E6, v11;
	v12 =	vmax.f32 v12, v40;
	[tilespmem:s30+$0x13240] =	vst v13  }
0x18c: {  	v10 =	vpsel p0, $0xFF61B1E6, v10;
	v11 =	vmax.f32 v11, v41;
	[tilespmem:s30+$0x13250] =	vst v12  }
0x18d: {  	[tilespmem:s30+$0x13260] =	vst v11;
	v10 =	vmax.f32 v10, v18  }
0x18e: {  	[tilespmem:s30+$0x13270] =	vst v10;
	s0 =	spop (v2sf);
	(v2sf) =	vpush v9, $0xC  }
0x18f: {  	v18 =	vld [tilespmem:s0+$0x2400]  }
0x190: {  	v19 =	vld [tilespmem:s0+$0x2410]  }
0x191: {  	v42 =	vld [tilespmem:s0+$0x2420]  }
0x192: {  	v43 =	vld [tilespmem:s0+$0x2430];
	s30 =	spop (v2sf);
	(v2sf) =	vpush v8, $0xC  }
0x193: {  	v44 =	vld [tilespmem:s0+$0x2440];
	s31 =	sadd.s32 s26, s30  }
0x194: {  	v17 =	vpsel p1, $0xFF61B1E6, v17;
	v45 =	vld [tilespmem:s0+$0x2450];
	p0 =	slt.s32 s30, $0x10;
	s30 =	sshll.u32 s31, $0x7  }
0x195: {  	v16 =	vpsel p1, $0xFF61B1E6, v16;
	v46 =	vld [tilespmem:s0+$0x2460];
	v17 =	vmax.f32 v17, v18;
	s30 =	simm.s32 @!p0 $0x2000  }
0x196: {  	v15 =	vpsel p1, $0xFF61B1E6, v15;
	v18 =	vld [tilespmem:s0+$0x2470];
	v16 =	vmax.f32 v16, v19;
	[tilespmem:s30+$0x13200] =	vst v17  }
0x197: {  	v14 =	vpsel p1, $0xFF61B1E6, v14;
	v15 =	vmax.f32 v15, v42;
	[tilespmem:s30+$0x13210] =	vst v16  }
0x198: {  	v13 =	vpsel p1, $0xFF61B1E6, v13;
	v14 =	vmax.f32 v14, v43;
	[tilespmem:s30+$0x13220] =	vst v15  }
0x199: {  	v12 =	vpsel p1, $0xFF61B1E6, v12;
	v13 =	vmax.f32 v13, v44;
	[tilespmem:s30+$0x13230] =	vst v14  }
0x19a: {  	v11 =	vpsel p1, $0xFF61B1E6, v11;
	v12 =	vmax.f32 v12, v45;
	[tilespmem:s30+$0x13240] =	vst v13  }
0x19b: {  	v10 =	vpsel p1, $0xFF61B1E6, v10;
	v11 =	vmax.f32 v11, v46;
	[tilespmem:s30+$0x13250] =	vst v12  }
0x19c: {  	[tilespmem:s30+$0x13260] =	vst v11;
	v10 =	vmax.f32 v10, v18  }
0x19d: {  	[tilespmem:s30+$0x13270] =	vst v10;
	s0 =	spop (v2sf);
	(v2sf) =	vpush v9, $0xD  }
0x19e: {  	v18 =	vld [tilespmem:s0+$0x2400]  }
0x19f: {  	v19 =	vld [tilespmem:s0+$0x2410]  }
0x1a0: {  	v47 =	vld [tilespmem:s0+$0x2420]  }
0x1a1: {  	v48 =	vld [tilespmem:s0+$0x2430];
	s30 =	spop (v2sf);
	(v2sf) =	vpush v8, $0xD  }
0x1a2: {  	v49 =	vld [tilespmem:s0+$0x2440];
	s31 =	sadd.s32 s26, s30  }
0x1a3: {  	v17 =	vpsel p0, $0xFF61B1E6, v17;
	v50 =	vld [tilespmem:s0+$0x2450];
	p1 =	slt.s32 s30, $0x10;
	s30 =	sshll.u32 s31, $0x7  }
0x1a4: {  	v16 =	vpsel p0, $0xFF61B1E6, v16;
	v51 =	vld [tilespmem:s0+$0x2460];
	v17 =	vmax.f32 v17, v18;
	s30 =	simm.s32 @!p1 $0x2000  }
0x1a5: {  	v15 =	vpsel p0, $0xFF61B1E6, v15;
	v18 =	vld [tilespmem:s0+$0x2470];
	v16 =	vmax.f32 v16, v19;
	[tilespmem:s30+$0x13200] =	vst v17  }
0x1a6: {  	v14 =	vpsel p0, $0xFF61B1E6, v14;
	v15 =	vmax.f32 v15, v47;
	[tilespmem:s30+$0x13210] =	vst v16  }
0x1a7: {  	v13 =	vpsel p0, $0xFF61B1E6, v13;
	v14 =	vmax.f32 v14, v48;
	[tilespmem:s30+$0x13220] =	vst v15  }
0x1a8: {  	v12 =	vpsel p0, $0xFF61B1E6, v12;
	v13 =	vmax.f32 v13, v49;
	[tilespmem:s30+$0x13230] =	vst v14  }
0x1a9: {  	v11 =	vpsel p0, $0xFF61B1E6, v11;
	v12 =	vmax.f32 v12, v50;
	[tilespmem:s30+$0x13240] =	vst v13  }
0x1aa: {  	v10 =	vpsel p0, $0xFF61B1E6, v10;
	v11 =	vmax.f32 v11, v51;
	[tilespmem:s30+$0x13250] =	vst v12  }
0x1ab: {  	[tilespmem:s30+$0x13260] =	vst v11;
	v10 =	vmax.f32 v10, v18  }
0x1ac: {  	[tilespmem:s30+$0x13270] =	vst v10;
	s0 =	spop (v2sf);
	(v2sf) =	vpush v9, $0xE  }
0x1ad: {  	v18 =	vld [tilespmem:s0+$0x2400]  }
0x1ae: {  	v19 =	vld [tilespmem:s0+$0x2410]  }
0x1af: {  	v52 =	vld [tilespmem:s0+$0x2420]  }
0x1b0: {  	v53 =	vld [tilespmem:s0+$0x2430];
	s30 =	spop (v2sf);
	(v2sf) =	vpush v8, $0xE  }
0x1b1: {  	v54 =	vld [tilespmem:s0+$0x2440];
	s31 =	sadd.s32 s26, s30  }
0x1b2: {  	v17 =	vpsel p1, $0xFF61B1E6, v17;
	v55 =	vld [tilespmem:s0+$0x2450];
	p0 =	slt.s32 s30, $0x10;
	s30 =	sshll.u32 s31, $0x7  }
0x1b3: {  	v16 =	vpsel p1, $0xFF61B1E6, v16;
	v56 =	vld [tilespmem:s0+$0x2460];
	v17 =	vmax.f32 v17, v18;
	s30 =	simm.s32 @!p0 $0x2000  }
0x1b4: {  	v15 =	vpsel p1, $0xFF61B1E6, v15;
	v18 =	vld [tilespmem:s0+$0x2470];
	v16 =	vmax.f32 v16, v19;
	[tilespmem:s30+$0x13200] =	vst v17  }
0x1b5: {  	v14 =	vpsel p1, $0xFF61B1E6, v14;
	v15 =	vmax.f32 v15, v52;
	[tilespmem:s30+$0x13210] =	vst v16  }
0x1b6: {  	v13 =	vpsel p1, $0xFF61B1E6, v13;
	v14 =	vmax.f32 v14, v53;
	[tilespmem:s30+$0x13220] =	vst v15  }
0x1b7: {  	v12 =	vpsel p1, $0xFF61B1E6, v12;
	v13 =	vmax.f32 v13, v54;
	[tilespmem:s30+$0x13230] =	vst v14  }
0x1b8: {  	v11 =	vpsel p1, $0xFF61B1E6, v11;
	v12 =	vmax.f32 v12, v55;
	[tilespmem:s30+$0x13240] =	vst v13  }
0x1b9: {  	v10 =	vpsel p1, $0xFF61B1E6, v10;
	v11 =	vmax.f32 v11, v56;
	[tilespmem:s30+$0x13250] =	vst v12  }
0x1ba: {  	[tilespmem:s30+$0x13260] =	vst v11;
	v10 =	vmax.f32 v10, v18  }
0x1bb: {  	[tilespmem:s30+$0x13270] =	vst v10;
	s0 =	spop (v2sf);
	(v2sf) =	vpush v9, $0xF  }
0x1bc: {  	v18 =	vld [tilespmem:s0+$0x2400]  }
0x1bd: {  	v9 =	vld [tilespmem:s0+$0x2410]  }
0x1be: {  	v19 =	vld [tilespmem:s0+$0x2420]  }
0x1bf: {  	v57 =	vld [tilespmem:s0+$0x2430];
	s30 =	spop (v2sf);
	(v2sf) =	vpush v8, $0xF  }
0x1c0: {  	v58 =	vld [tilespmem:s0+$0x2440];
	s31 =	sadd.s32 s26, s30  }
0x1c1: {  	v59 =	vld [tilespmem:s0+$0x2450];
	v8 =	vpsel p0, $0xFF61B1E6, v17;
	p1 =	slt.s32 s30, $0x10;
	s30 =	sshll.u32 s31, $0x7  }
0x1c2: {  	v16 =	vpsel p0, $0xFF61B1E6, v16;
	v17 =	vld [tilespmem:s0+$0x2460];
	v8 =	vmax.f32 v8, v18;
	s30 =	simm.s32 @!p1 $0x2000  }
0x1c3: {  	v15 =	vpsel p0, $0xFF61B1E6, v15;
	v18 =	vld [tilespmem:s0+$0x2470];
	v9 =	vmax.f32 v16, v9;
	[tilespmem:s30+$0x13200] =	vst v8  }
0x1c4: {  	v14 =	vpsel p0, $0xFF61B1E6, v14;
	v15 =	vmax.f32 v15, v19;
	[tilespmem:s30+$0x13210] =	vst v9  }
0x1c5: {  	v13 =	vpsel p0, $0xFF61B1E6, v13;
	v14 =	vmax.f32 v14, v57;
	[tilespmem:s30+$0x13220] =	vst v15  }
0x1c6: {  	v12 =	vpsel p0, $0xFF61B1E6, v12;
	v13 =	vmax.f32 v13, v58;
	[tilespmem:s30+$0x13230] =	vst v14  }
0x1c7: {  	v11 =	vpsel p0, $0xFF61B1E6, v11;
	v12 =	vmax.f32 v12, v59;
	[tilespmem:s30+$0x13240] =	vst v13  }
0x1c8: {  	v10 =	vpsel p0, $0xFF61B1E6, v10;
	[tilespmem:s30+$0x13250] =	vst v12;
	v11 =	vmax.f32 v11, v17  }
0x1c9: {  	[tilespmem:s30+$0x13260] =	vst v11;
	v10 =	vmax.f32 v10, v18  }
0x1ca: {  	[tilespmem:s30+$0x13270] =	vst v10;
	s0 =	spop (v2sf)  }
0x1cb: {  	v16 =	vld [tilespmem:s0+$0x2400]  }
0x1cc: {  	v17 =	vld [tilespmem:s0+$0x2410]  }
0x1cd: {  	v18 =	vld [tilespmem:s0+$0x2420]  }
0x1ce: {  	v19 =	vld [tilespmem:s0+$0x2430];
	s30 =	spop (v2sf)  }
0x1cf: {  	v60 =	vld [tilespmem:s0+$0x2440];
	s31 =	sadd.s32 s26, s30  }
0x1d0: {  	v8 =	vpsel p1, $0xFF61B1E6, v8;
	v61 =	vld [tilespmem:s0+$0x2450];
	p0 =	slt.s32 s30, $0x10;
	s30 =	sshll.u32 s31, $0x7  }
0x1d1: {  	v9 =	vpsel p1, $0xFF61B1E6, v9;
	v62 =	vld [tilespmem:s0+$0x2460];
	v8 =	vmax.f32 v8, v16;
	s30 =	simm.s32 @!p0 $0x2000  }
0x1d2: {  	v15 =	vpsel p1, $0xFF61B1E6, v15;
	v14 =	vpsel p1, $0xFF61B1E6, v14;
	v63 =	vld [tilespmem:s0+$0x2470];
	v9 =	vmax.f32 v9, v17;
	[tilespmem:s30+$0x13200] =	vst v8  }
0x1d3: {  	v13 =	vpsel p1, $0xFF61B1E6, v13;
	v12 =	vpsel p1, $0xFF61B1E6, v12;
	v15 =	vmax.f32 v15, v18;
	[tilespmem:s30+$0x13210] =	vst v9  }
0x1d4: {  	v11 =	vpsel p1, $0xFF61B1E6, v11;
	v10 =	vpsel p1, $0xFF61B1E6, v10;
	p1 =	sne.s32 s24, $0x1;
	v14 =	vmax.f32 v14, v19;
	[tilespmem:s30+$0x13220] =	vst v15  }
.Ltmp15:
0x1d5: {  	v13 =	vmax.f32 v13, v60;
	[tilespmem:s30+$0x13230] =	vst v14;
	(pc) =	sbr.rel @p1 .LBB2_16-.Ltmp15, $4  }
0x1d6: {  	v12 =	vmax.f32 v12, v61;
	v11 =	vmax.f32 v11, v62;
	[tilespmem:s30+$0x13240] =	vst v13  }
0x1d7: {  	v18 =	vmax.f32 v10, v63;
	v17 =	vpsel p0, $0xFF61B1E6, v8;
	v16 =	vpsel p0, $0xFF61B1E6, v9;
	[tilespmem:s30+$0x13250] =	vst v12  }
0x1d8: {  	v10 =	vpsel p0, $0xFF61B1E6, v18;
	[tilespmem:s30+$0x13260] =	vst v11;
	v15 =	vpsel p0, $0xFF61B1E6, v15;
	v14 =	vpsel p0, $0xFF61B1E6, v14  }
0x1d9: {  	s28 =	sadd.s32 $0x10, s28;
	s29 =	sadd.s32 $0x10, s29;
	s24 =	sadd.s32 $0xFFFFFFFF, s24;
	v13 =	vpsel p0, $0xFF61B1E6, v13;
	v12 =	vpsel p0, $0xFF61B1E6, v12;
	v11 =	vpsel p0, $0xFF61B1E6, v11;
	[tilespmem:s30+$0x13270] =	vst v18  }
.Ltmp16:
0x1da: {  	_ = 	snop;
	(pc) =	sbr.rel .LBB2_17-.Ltmp16, $1  }
0x1db: {  	_ =	sdelay $0x3  }
.LBB2_19:
0x1dc: {  	_ =	sfence.sel $0x180000  }
0x1dd: {  	[bflag:$0x0] =	sbarrier.arrive $0xFFFF  }
0x1de: {  	_ =	strace $0x90000047  }
0x1df: {  	[bflag:$0x2] =	sbarrier.arrive $0xFFFF  }
0x1e0: {  	p0 =	sne.s32 s5, $0x0;
	s0 =	rddreg [dreg:$0x3]  }
0x1e1: {  	s0 =	sadd.s32 @!p0 $0x100000, s0  }
0x1e2: {  	[sflag:s0] =	ssyncadd.tile.s32 @!p0 $0x1;
	_ =	shalt  }
.Lfunc_end2:
_tile_overlayer_lowered:
.L_overlay_start_2:
0x1e3: {  	(tag) =	ssettag $0x2  }
0x1e4: {  	s0 =	rddreg [dreg:$0x0];
	s2 =	stileid.u32  }
0x1e5: {  	s1 =	rddreg [dreg:$0x1];
	p0 =	sne.s32 s2, $0x0  }
0x1e6: {  	s3 =	rddreg [dreg:$0x2];
	[bflag:$0x3] =	sbarrier.arrive $0xFFFF;
	s2 =	simm.s32 @!p0 $0x1C01  }
0x1e7: {  	[timem:s3], [sflag:s2] =	dma.local @!p0 [hbm:s0], s1  }
0x1e8: {  	s0 =	simm.s32 @!p0 $0x1  }
0x1e9: {  	_ =	swait.ge @!p0 [sflag:s0], s1  }
0x1ea: {  	s1 =	ssub.s32 @!p0 $0x0, s1;
	[sflag:s0] =	ssyncset.done @!p0 $0x0  }
0x1eb: {  	[sflag:s0] =	ssyncadd.s32 @!p0 s1  }
0x1ec: {  	[bflag:$0x3] =	sbarrier.arrive $0xFFFF  }
0x1ed: {  	_ =	shalt  }

</sc_bundles>
